<compile_context>
chip_gen: v7x
topology: tpu7x:2x2x1
jax: 0.10.2.dev20260603
libtpu: 0.0.44.dev20260713+nightly
codegen_flags: <defaults>
</compile_context>

<pallas_src>
import functools

import jax
import jax.numpy as jnp
from jax import lax
from jax.experimental import pallas as pl
from jax.experimental.pallas import tpu as pltpu
from jax.experimental.pallas import tpu_sc as plsc

NN = 10000
NE = 320000
FIN = 128
F = 64
L = 16
NC, NS = 2, 16
NW = NC * NS
NPAD = 10240
RPT = NPAD // NS
EPW = NE // NW
CH = 80
NCH = EPW // CH
RPC = CH * L // 128

_f32 = jnp.float32
_mesh = plsc.VectorSubcoreMesh(core_axis_name="c", subcore_axis_name="s")
_sc_params = pltpu.CompilerParams(use_tc_tiling_on_sc=False)



def _seg_body(with_deg, src_hbm, dst_hbm, pre_hbm, z64_hbm, *rest):
    if with_deg:
        (z16_hbm, ones_hbm, agg_out, deg_out,
         idxs, idxd, r0b, r1b, r2b, ones_v, acc_sh, deg_sh,
         g0, g1, g2, s0, s1, s2, d0, d1, d2) = rest
        dsem = (d0, d1, d2)
    else:
        (agg_out, idxs, idxd, r0b, r1b, r2b, acc_sh,
         g0, g1, g2, s0, s1, s2) = rest
    rows = (r0b, r1b, r2b)
    gs = (g0, g1, g2)
    ss = (s0, s1, s2)
    c = lax.axis_index("c")
    s = lax.axis_index("s")
    wid = s * NC + c
    r0 = s * RPT
    pltpu.sync_copy(z64_hbm.at[pl.ds(r0, RPT)], acc_sh.at[pl.ds(r0, RPT)])
    if with_deg:
        pltpu.sync_copy(z16_hbm.at[pl.ds(r0, RPT)], deg_sh.at[pl.ds(r0, RPT)])
        pltpu.sync_copy(ones_hbm, ones_v)
    pltpu.sync_copy(src_hbm.at[wid], idxs)
    pltpu.sync_copy(dst_hbm.at[wid], idxd)
    plsc.subcore_barrier()

    def g_start(j, b):
        pltpu.async_copy(pre_hbm.at[idxs.at[j]], rows[b], gs[b])

    def g_wait(j, b):
        pltpu.make_async_copy(pre_hbm.at[idxs.at[j]], rows[b], gs[b]).wait()

    def d_wait(j, b):
        pltpu.make_async_copy(ones_v, deg_sh.at[idxd.at[j]], dsem[b]).wait()

    def s_start(j, b):
        pltpu.async_copy(rows[b], acc_sh.at[idxd.at[j]], ss[b], add=True)
        if with_deg:
            pltpu.async_copy(ones_v, deg_sh.at[idxd.at[j]], dsem[b],
                             add=True)

    def s_wait(j, b):
        pltpu.make_async_copy(rows[b], acc_sh.at[idxd.at[j]], ss[b]).wait()

    g_start(0, 0)
    g_start(1, 1)

    @pl.loop(0, NCH - 2, step=3)
    def _loop(j2):
        for b in range(3):
            j = j2 + b
            g_wait(j, b)
            if with_deg:
                @pl.when(j2 >= 3)
                def _():
                    d_wait(j - 3, b)
            s_start(j, b)
            nb = (b + 2) % 3
            if b == 0:
                @pl.when(j2 >= 1)
                def _():
                    s_wait(j - 1, nb)
            else:
                s_wait(j - 1, nb)
            g_start(j + 2, nb)

    for j in (NCH - 2, NCH - 1):
        b = j % 3
        g_wait(j, b)
        if with_deg:
            d_wait(j - 3, b)
        s_start(j, b)
    for j in (NCH - 3, NCH - 2, NCH - 1):
        s_wait(j, j % 3)
        if with_deg:
            d_wait(j, j % 3)
    plsc.subcore_barrier()
    pltpu.sync_copy(acc_sh.at[pl.ds(r0, RPT)], agg_out.at[c].at[pl.ds(r0, RPT)])
    if with_deg:
        pltpu.sync_copy(deg_sh.at[pl.ds(r0, RPT)], deg_out.at[c].at[pl.ds(r0, RPT)])


_seg_deg = pl.kernel(
    functools.partial(_seg_body, True),
    out_type=(jax.ShapeDtypeStruct((NC, NPAD, F), _f32),
              jax.ShapeDtypeStruct((NC, NPAD, L), _f32)),
    mesh=_mesh,
    compiler_params=_sc_params,
    scratch_types=[
        pltpu.VMEM((NCH, CH), jnp.int32),
        pltpu.VMEM((NCH, CH), jnp.int32),
        pltpu.VMEM((CH, F), _f32),
        pltpu.VMEM((CH, F), _f32),
        pltpu.VMEM((CH, F), _f32),
        pltpu.VMEM((CH, L), _f32),
        pltpu.VMEM_SHARED((NPAD, F), _f32),
        pltpu.VMEM_SHARED((NPAD, L), _f32),
        pltpu.SemaphoreType.DMA,
        pltpu.SemaphoreType.DMA,
        pltpu.SemaphoreType.DMA,
        pltpu.SemaphoreType.DMA,
        pltpu.SemaphoreType.DMA,
        pltpu.SemaphoreType.DMA,
        pltpu.SemaphoreType.DMA,
        pltpu.SemaphoreType.DMA,
        pltpu.SemaphoreType.DMA,
    ],
)

_seg = pl.kernel(
    functools.partial(_seg_body, False),
    out_type=jax.ShapeDtypeStruct((NC, NPAD, F), _f32),
    mesh=_mesh,
    compiler_params=_sc_params,
    scratch_types=[
        pltpu.VMEM((NCH, CH), jnp.int32),
        pltpu.VMEM((NCH, CH), jnp.int32),
        pltpu.VMEM((CH, F), _f32),
        pltpu.VMEM((CH, F), _f32),
        pltpu.VMEM((CH, F), _f32),
        pltpu.VMEM_SHARED((NPAD, F), _f32),
        pltpu.SemaphoreType.DMA,
        pltpu.SemaphoreType.DMA,
        pltpu.SemaphoreType.DMA,
        pltpu.SemaphoreType.DMA,
        pltpu.SemaphoreType.DMA,
        pltpu.SemaphoreType.DMA,
    ],
)



def _score_body(srcs_hbm, dsts_hbm, a_hbm, b_hbm, w2_hbm, out_hbm,
                idxs, idxd, ra0, ra1, rb0, rb1, p0, p1, w2_v,
                ga0, ga1, gb0, gb1, os0, os1):
    rows_a = (ra0, ra1)
    rows_b = (rb0, rb1)
    part = (p0, p1)
    gsa = (ga0, ga1)
    gsb = (gb0, gb1)
    osem = (os0, os1)
    c = lax.axis_index("c")
    s = lax.axis_index("s")
    wid = s * NC + c
    rbase = wid * (EPW * L // 128)
    pltpu.sync_copy(srcs_hbm.at[wid], idxs)
    pltpu.sync_copy(dsts_hbm.at[wid], idxd)
    pltpu.sync_copy(w2_hbm, w2_v)
    w2s = tuple(w2_v[pl.ds(k * L, L)] for k in range(F // L))

    def g_start(j, b):
        pltpu.async_copy(a_hbm.at[idxs.at[j]], rows_a[b], gsa[b])
        pltpu.async_copy(b_hbm.at[idxd.at[j]], rows_b[b], gsb[b])

    def g_wait(j, b):
        pltpu.make_async_copy(a_hbm.at[idxs.at[j]], rows_a[b], gsa[b]).wait()
        pltpu.make_async_copy(b_hbm.at[idxd.at[j]], rows_b[b], gsb[b]).wait()

    def compute(b):
        U = 16

        def edges(i, carry):
            accs = []
            for u in range(U):
                e = i * U + u
                acc = jnp.zeros((L,), _f32)
                for k in range(F // L):
                    g = jnp.maximum(
                        rows_a[b][e, pl.ds(k * L, L)]
                        + rows_b[b][e, pl.ds(k * L, L)], 0.0)
                    acc = acc + g * w2s[k]
                accs.append(acc)
            for u in range(U):
                part[b][i * (U // 8) + u // 8, pl.ds((u % 8) * L, L)] = accs[u]
            return carry

        lax.fori_loop(0, CH // U, edges, 0)

    def o_start(j, b):
        pltpu.async_copy(part[b], out_hbm.at[pl.ds(rbase + j * RPC, RPC)],
                         osem[b])

    def o_wait(j, b):
        pltpu.make_async_copy(part[b], out_hbm.at[pl.ds(rbase + j * RPC, RPC)],
                              osem[b]).wait()

    g_start(0, 0)
    g_start(1, 1)

    @pl.loop(0, NCH - 1, step=2)
    def _loop(j2):
        for b in range(2):
            j = j2 + b

            @pl.when(j2 >= 2)
            def _():
                o_wait(j - 2, b)

            g_wait(j, b)
            compute(b)
            o_start(j, b)
            if b == 0:
                g_start(j + 2, b)
            else:
                @pl.when(j2 + 3 < NCH)
                def _():
                    g_start(j + 2, b)

    j = NCH - 1
    o_wait(j - 2, 0)
    g_wait(j, 0)
    compute(0)
    o_start(j, 0)
    o_wait(j - 1, 1)
    o_wait(j, 0)


_score = pl.kernel(
    _score_body,
    out_type=jax.ShapeDtypeStruct((NE * L // 128, 128), _f32),
    mesh=_mesh,
    compiler_params=_sc_params,
    scratch_types=[
        pltpu.VMEM((NCH, CH), jnp.int32),
        pltpu.VMEM((NCH, CH), jnp.int32),
        pltpu.VMEM((CH, F), _f32),
        pltpu.VMEM((CH, F), _f32),
        pltpu.VMEM((CH, F), _f32),
        pltpu.VMEM((CH, F), _f32),
        pltpu.VMEM((RPC, 128), _f32),
        pltpu.VMEM((RPC, 128), _f32),
        pltpu.VMEM((F,), _f32),
        pltpu.SemaphoreType.DMA,
        pltpu.SemaphoreType.DMA,
        pltpu.SemaphoreType.DMA,
        pltpu.SemaphoreType.DMA,
        pltpu.SemaphoreType.DMA,
        pltpu.SemaphoreType.DMA,
    ],
)



def _k1_body(x_ref, wn_ref, ws_ref, bs_ref, pre_ref, self_ref):
    xv = x_ref[...]
    pre_ref[...] = jnp.dot(xv, wn_ref[...], preferred_element_type=_f32)
    self_ref[...] = (jnp.dot(xv, ws_ref[...], preferred_element_type=_f32)
                     + bs_ref[...])


_k1 = pl.pallas_call(
    _k1_body,
    out_shape=(jax.ShapeDtypeStruct((NN, F), _f32),
               jax.ShapeDtypeStruct((NN, F), _f32)),
)


def _mix_body(self_ref, agg_ref, deg_ref, wn_ref, ws_ref, bs_ref,
              pre_ref, self2_ref):
    deg = deg_ref[0, :NN, 0:1] + deg_ref[1, :NN, 0:1]
    agg = agg_ref[0, :NN, :] + agg_ref[1, :NN, :]
    h = jnp.maximum(self_ref[...] + agg / jnp.maximum(deg, 1.0), 0.0)
    pre_ref[...] = jnp.dot(h, wn_ref[...], preferred_element_type=_f32)
    self2_ref[...] = (jnp.dot(h, ws_ref[...], preferred_element_type=_f32)
                      + bs_ref[...])


_k2 = pl.pallas_call(
    _mix_body,
    out_shape=(jax.ShapeDtypeStruct((NN, F), _f32),
               jax.ShapeDtypeStruct((NN, F), _f32)),
)


def _k3_body(self_ref, agg_ref, deg_ref, wa_ref, wb_ref, bm_ref,
             h_ref, a_ref, b_ref):
    deg = deg_ref[0, :NN, 0:1] + deg_ref[1, :NN, 0:1]
    agg = agg_ref[0, :NN, :] + agg_ref[1, :NN, :]
    h = jnp.maximum(self_ref[...] + agg / jnp.maximum(deg, 1.0), 0.0)
    h_ref[...] = h
    a_ref[...] = (jnp.dot(h, wa_ref[...], preferred_element_type=_f32)
                  + bm_ref[...])
    b_ref[...] = jnp.dot(h, wb_ref[...], preferred_element_type=_f32)


_k3 = pl.pallas_call(
    _k3_body,
    out_shape=(jax.ShapeDtypeStruct((NN, F), _f32),
               jax.ShapeDtypeStruct((NN, F), _f32),
               jax.ShapeDtypeStruct((NN, F), _f32)),
)


def _fin_body(p_ref, b2_ref, out_ref):
    i = lax.broadcasted_iota(jnp.int32, (128, 8), 0) // L
    j = lax.broadcasted_iota(jnp.int32, (128, 8), 1)
    sel = (i == j).astype(_f32)
    z = jnp.dot(p_ref[...], sel, preferred_element_type=_f32) + b2_ref[...]
    out_ref[...] = jax.nn.sigmoid(z)


_FINR = NE * L // 128
_fin = pl.pallas_call(
    _fin_body,
    grid=(5,),
    in_specs=[pl.BlockSpec((_FINR // 5, 128), lambda i: (i, 0)),
              pl.BlockSpec((1, 1), lambda i: (0, 0))],
    out_specs=pl.BlockSpec((_FINR // 5, 8), lambda i: (i, 0)),
    out_shape=jax.ShapeDtypeStruct((_FINR, 8), _f32),
)



def kernel(x, W_self1, b_self1, W_neigh1, W_self2, b_self2, W_neigh2,
           W_mlp1, b_mlp1, W_mlp2, b_mlp2, edge_index, score_edge_index):
    src = edge_index[0].astype(jnp.int32).reshape(NW, NCH, CH)
    dst = edge_index[1].astype(jnp.int32).reshape(NW, NCH, CH)
    ssrc = score_edge_index[0].astype(jnp.int32).reshape(NW, NCH, CH)
    sdst = score_edge_index[1].astype(jnp.int32).reshape(NW, NCH, CH)
    z64 = jnp.zeros((NPAD, F), _f32)
    z16 = jnp.zeros((NPAD, L), _f32)
    ones = jnp.ones((CH, L), _f32)

    pre1, self1 = _k1(x, W_neigh1, W_self1, b_self1.reshape(1, F))
    agg1, deg = _seg_deg(src, dst, pre1, z64, z16, ones)
    pre2, self2 = _k2(self1, agg1, deg, W_neigh2, W_self2,
                      b_self2.reshape(1, F))
    agg2 = _seg(src, dst, pre2, z64)
    h, A, B = _k3(self2, agg2, deg, W_mlp1[:F], W_mlp1[F:],
                  b_mlp1.reshape(1, F))
    parts = _score(ssrc, sdst, A, B, W_mlp2.reshape(F))
    score = _fin(parts, b_mlp2.reshape(1, 1))
    return (score.reshape(NE, 1), h)

# --- scband reference (transcript-rebuilt; emitter-appended) ---
"""Pipeline reference for scband-gnn-mlp-model-80642305949836 (READ-ONLY COPY).

The authoritative reference and input builder live on the scoring server;
editing this copy changes nothing except your own understanding.
"""

import jax, jax.numpy as jnp
import numpy as np

N_NODES = 10000
N_EDGES = 320000
IN_FEATS = 128
HID1 = 64
HID2 = 64
MLP_HID = 64
MLP_OUT = 1


def setup_inputs(seed: int = 0) -> dict:
    key = jax.random.key(seed)
    ks = jax.random.split(key, 16)
    x = jax.random.normal(ks[0], (N_NODES, IN_FEATS), dtype=jnp.float32)
    edge_index = jax.random.randint(ks[1], (2, N_EDGES), 0, N_NODES, dtype=jnp.int64)
    score_edge_index = jax.random.randint(ks[2], (2, N_EDGES), 0, N_NODES, dtype=jnp.int64)
    def glorot(k, shape):
        fan_in, fan_out = shape[0], shape[1]
        lim = np.sqrt(6.0 / (fan_in + fan_out))
        return jax.random.uniform(k, shape, dtype=jnp.float32, minval=-lim, maxval=lim)
    # SAGEConv 1: fc_self (with bias), fc_neigh (no bias) -- DGL mean aggregator layout
    W_self1 = glorot(ks[3], (IN_FEATS, HID1))
    b_self1 = jnp.zeros((HID1,), dtype=jnp.float32)
    W_neigh1 = glorot(ks[4], (IN_FEATS, HID1))
    # SAGEConv 2
    W_self2 = glorot(ks[5], (HID1, HID2))
    b_self2 = jnp.zeros((HID2,), dtype=jnp.float32)
    W_neigh2 = glorot(ks[6], (HID1, HID2))
    # MLP1: Linear(hid2*2 -> mlp_hid), MLP2: Linear(mlp_hid -> mlp_out)
    W_mlp1 = glorot(ks[7], (2 * HID2, MLP_HID))
    b_mlp1 = jnp.zeros((MLP_HID,), dtype=jnp.float32)
    W_mlp2 = glorot(ks[8], (MLP_HID, MLP_OUT))
    b_mlp2 = jnp.zeros((MLP_OUT,), dtype=jnp.float32)
    return {
        "x": x,
        "W_self1": W_self1, "b_self1": b_self1, "W_neigh1": W_neigh1,
        "W_self2": W_self2, "b_self2": b_self2, "W_neigh2": W_neigh2,
        "W_mlp1": W_mlp1, "b_mlp1": b_mlp1, "W_mlp2": W_mlp2, "b_mlp2": b_mlp2,
        "edge_index": edge_index,
        "score_edge_index": score_edge_index,
    }


def _sage_mean(x_src, src, dst, W_self, b_self, W_neigh, n_nodes):
    # message passing: gather src feats, mean-aggregate by dst node (DGL copy_u + mean)
    msg = jnp.take(x_src, src, axis=0)
    agg = jax.ops.segment_sum(msg, dst, num_segments=n_nodes)
    deg = jax.ops.segment_sum(jnp.ones((src.shape[0],), dtype=jnp.float32), dst, num_segments=n_nodes)
    h_neigh = agg / jnp.clip(deg, 1.0, None)[:, None]
    return x_src @ W_self + b_self + h_neigh @ W_neigh


def reference(x, W_self1, b_self1, W_neigh1, W_self2, b_self2, W_neigh2,
              W_mlp1, b_mlp1, W_mlp2, b_mlp2, edge_index, score_edge_index):
    src, dst = edge_index[0], edge_index[1]
    h = jax.nn.relu(_sage_mean(x, src, dst, W_self1, b_self1, W_neigh1, N_NODES))
    # dropout(p=0.0) is identity
    h = jax.nn.relu(_sage_mean(h, src, dst, W_self2, b_self2, W_neigh2, N_NODES))
    # apply_edges on edge_graph: score each candidate edge via MLP on [h_u || h_v]
    s_src, s_dst = score_edge_index[0], score_edge_index[1]
    h_u = jnp.take(h, s_src, axis=0)
    h_v = jnp.take(h, s_dst, axis=0)
    h_concat = jnp.concatenate([h_u, h_v], axis=1)
    h2 = jax.nn.relu(h_concat @ W_mlp1 + b_mlp1)
    score = jax.nn.sigmoid(h2 @ W_mlp2 + b_mlp2)
    return (score, h)


if False:  # reference __main__ guard neutralized (emitter)
    inp = setup_inputs()
    score, h = reference(**inp)
    print(score.shape, h.shape)

if __name__ == "__main__":
    import jax
    _d = setup_inputs()
    print(jax.jit(kernel)(*tuple(_d.values())))

</pallas_src>

<mosaic_0001>
#map = affine_map<(d0, d1) -> (0, 0, 0)>
#map1 = affine_map<(d0, d1) -> (0, 0)>
module attributes {stable_mosaic.version = 14 : i64} {
  func.func @_seg_body(%arg0: i32, %arg1: i32, %arg2: memref<32x125x80xi32, #tpu.memory_space<hbm>>, %arg3: memref<32x125x80xi32, #tpu.memory_space<hbm>>, %arg4: memref<10000x64xf32, #tpu.memory_space<hbm>>, %arg5: memref<10240x64xf32, #tpu.memory_space<hbm>>, %arg6: memref<10240x16xf32, #tpu.memory_space<hbm>>, %arg7: memref<80x16xf32, #tpu.memory_space<hbm>>, %arg8: memref<2x10240x64xf32, #tpu.memory_space<hbm>>, %arg9: memref<2x10240x16xf32, #tpu.memory_space<hbm>>, %arg10: memref<125x80xi32, #tpu.memory_space<vmem>>, %arg11: memref<125x80xi32, #tpu.memory_space<vmem>>, %arg12: memref<80x64xf32, #tpu.memory_space<vmem>>, %arg13: memref<80x64xf32, #tpu.memory_space<vmem>>, %arg14: memref<80x64xf32, #tpu.memory_space<vmem>>, %arg15: memref<80x16xf32, #tpu.memory_space<vmem>>, %arg16: memref<10240x64xf32, #tpu.memory_space<vmem_shared>>, %arg17: memref<10240x16xf32, #tpu.memory_space<vmem_shared>>, %arg18: memref<!tpu.dma_semaphore, #tpu.memory_space<semaphore_mem>>, %arg19: memref<!tpu.dma_semaphore, #tpu.memory_space<semaphore_mem>>, %arg20: memref<!tpu.dma_semaphore, #tpu.memory_space<semaphore_mem>>, %arg21: memref<!tpu.dma_semaphore, #tpu.memory_space<semaphore_mem>>, %arg22: memref<!tpu.dma_semaphore, #tpu.memory_space<semaphore_mem>>, %arg23: memref<!tpu.dma_semaphore, #tpu.memory_space<semaphore_mem>>, %arg24: memref<!tpu.dma_semaphore, #tpu.memory_space<semaphore_mem>>, %arg25: memref<!tpu.dma_semaphore, #tpu.memory_space<semaphore_mem>>, %arg26: memref<!tpu.dma_semaphore, #tpu.memory_space<semaphore_mem>>) attributes {dimension_semantics = [#tpu.dimension_semantics<core_parallel>, #tpu.dimension_semantics<subcore_parallel>], iteration_bounds = array<i64: 2, 16>, scalar_prefetch = 0 : i64, scratch_operands = 17 : i64, tpu.core_type = #tpu.core_type<sc_vector_subcore>, window_params = [{transform_indices = #map}, {transform_indices = #map}, {transform_indices = #map1}, {transform_indices = #map1}, {transform_indices = #map1}, {transform_indices = #map1}, {transform_indices = #map}, {transform_indices = #map}]} {
    %mul3A = arith.constant 2 : i32
    %mul3A_0 = arith.muli %arg1, %mul3A : i32
    %add3A = arith.addi %mul3A_0, %arg0 : i32
    %mul3A_1 = arith.constant 640 : i32
    %mul3A_2 = arith.muli %arg1, %mul3A_1 : i32
    "tpu.region"() ({
      %run_scoped3A = tpu.sem_alloc : memref<!tpu.dma_semaphore, #tpu.memory_space<semaphore_mem>>
      %dma_start3A_118 = arith.constant 0 : i32
      %dma_start3A_119 = tpu.memref_slice %arg16[%mul3A_2, %dma_start3A_118] : memref<10240x64xf32, #tpu.memory_space<vmem_shared>> -> memref<640x64xf32, #tpu.memory_space<vmem_shared>>
      %dma_start3A_120 = arith.constant 0 : i32
      %dma_start3A_121 = tpu.memref_slice %arg5[%mul3A_2, %dma_start3A_120] : memref<10240x64xf32, #tpu.memory_space<hbm>> -> memref<640x64xf32, #tpu.memory_space<hbm>>
      tpu.enqueue_dma source(%dma_start3A_121 : memref<640x64xf32, #tpu.memory_space<hbm>>) target(%dma_start3A_119 : memref<640x64xf32, #tpu.memory_space<vmem_shared>>) target_semaphore(%run_scoped3A : memref<!tpu.dma_semaphore, #tpu.memory_space<semaphore_mem>>)
      %dma_wait3A_122 = arith.constant 0 : i32
      %dma_wait3A_123 = tpu.memref_slice %arg16[%mul3A_2, %dma_wait3A_122] : memref<10240x64xf32, #tpu.memory_space<vmem_shared>> -> memref<640x64xf32, #tpu.memory_space<vmem_shared>>
      %dma_wait3A_124 = arith.constant 0 : i32
      %dma_wait3A_125 = tpu.memref_slice %arg5[%mul3A_2, %dma_wait3A_124] : memref<10240x64xf32, #tpu.memory_space<hbm>> -> memref<640x64xf32, #tpu.memory_space<hbm>>
      tpu.wait_dma2 semaphore(%run_scoped3A : memref<!tpu.dma_semaphore, #tpu.memory_space<semaphore_mem>>) src(%dma_wait3A_125 : memref<640x64xf32, #tpu.memory_space<hbm>>) dst(%dma_wait3A_123 : memref<640x64xf32, #tpu.memory_space<vmem_shared>>)
      tpu.yield
    }) : () -> ()
    "tpu.region"() ({
      %run_scoped3A = tpu.sem_alloc : memref<!tpu.dma_semaphore, #tpu.memory_space<semaphore_mem>>
      %dma_start3A_118 = arith.constant 0 : i32
      %dma_start3A_119 = tpu.memref_slice %arg17[%mul3A_2, %dma_start3A_118] : memref<10240x16xf32, #tpu.memory_space<vmem_shared>> -> memref<640x16xf32, #tpu.memory_space<vmem_shared>>
      %dma_start3A_120 = arith.constant 0 : i32
      %dma_start3A_121 = tpu.memref_slice %arg6[%mul3A_2, %dma_start3A_120] : memref<10240x16xf32, #tpu.memory_space<hbm>> -> memref<640x16xf32, #tpu.memory_space<hbm>>
      tpu.enqueue_dma source(%dma_start3A_121 : memref<640x16xf32, #tpu.memory_space<hbm>>) target(%dma_start3A_119 : memref<640x16xf32, #tpu.memory_space<vmem_shared>>) target_semaphore(%run_scoped3A : memref<!tpu.dma_semaphore, #tpu.memory_space<semaphore_mem>>)
      %dma_wait3A_122 = arith.constant 0 : i32
      %dma_wait3A_123 = tpu.memref_slice %arg17[%mul3A_2, %dma_wait3A_122] : memref<10240x16xf32, #tpu.memory_space<vmem_shared>> -> memref<640x16xf32, #tpu.memory_space<vmem_shared>>
      %dma_wait3A_124 = arith.constant 0 : i32
      %dma_wait3A_125 = tpu.memref_slice %arg6[%mul3A_2, %dma_wait3A_124] : memref<10240x16xf32, #tpu.memory_space<hbm>> -> memref<640x16xf32, #tpu.memory_space<hbm>>
      tpu.wait_dma2 semaphore(%run_scoped3A : memref<!tpu.dma_semaphore, #tpu.memory_space<semaphore_mem>>) src(%dma_wait3A_125 : memref<640x16xf32, #tpu.memory_space<hbm>>) dst(%dma_wait3A_123 : memref<640x16xf32, #tpu.memory_space<vmem_shared>>)
      tpu.yield
    }) : () -> ()
    "tpu.region"() ({
      %run_scoped3A = tpu.sem_alloc : memref<!tpu.dma_semaphore, #tpu.memory_space<semaphore_mem>>
      tpu.enqueue_dma source(%arg7 : memref<80x16xf32, #tpu.memory_space<hbm>>) target(%arg15 : memref<80x16xf32, #tpu.memory_space<vmem>>) target_semaphore(%run_scoped3A : memref<!tpu.dma_semaphore, #tpu.memory_space<semaphore_mem>>)
      tpu.wait_dma2 semaphore(%run_scoped3A : memref<!tpu.dma_semaphore, #tpu.memory_space<semaphore_mem>>) src(%arg7 : memref<80x16xf32, #tpu.memory_space<hbm>>) dst(%arg15 : memref<80x16xf32, #tpu.memory_space<vmem>>)
      tpu.yield
    }) : () -> ()
    "tpu.region"() ({
      %run_scoped3A = tpu.sem_alloc : memref<!tpu.dma_semaphore, #tpu.memory_space<semaphore_mem>>
      %dma_start3A_118 = arith.constant 0 : i32
      %dma_start3A_119 = arith.constant 0 : i32
      %dma_start3A_120 = tpu.memref_slice %arg2[%add3A, %dma_start3A_118, %dma_start3A_119] : memref<32x125x80xi32, #tpu.memory_space<hbm>> -> memref<1x125x80xi32, #tpu.memory_space<hbm>>
      %dma_start3A_121 = tpu.memref_squeeze %dma_start3A_120 : memref<1x125x80xi32, #tpu.memory_space<hbm>> -> memref<125x80xi32, #tpu.memory_space<hbm>>
      %dma_start3A_122 = arith.constant 0 : i32
      %dma_start3A_123 = arith.constant 0 : i32
      %dma_start3A_124 = tpu.memref_slice %arg2[%add3A, %dma_start3A_122, %dma_start3A_123] : memref<32x125x80xi32, #tpu.memory_space<hbm>> -> memref<1x125x80xi32, #tpu.memory_space<hbm>>
      %dma_start3A_125 = tpu.memref_squeeze %dma_start3A_124 : memref<1x125x80xi32, #tpu.memory_space<hbm>> -> memref<125x80xi32, #tpu.memory_space<hbm>>
      tpu.enqueue_dma source(%dma_start3A_125 : memref<125x80xi32, #tpu.memory_space<hbm>>) target(%arg10 : memref<125x80xi32, #tpu.memory_space<vmem>>) target_semaphore(%run_scoped3A : memref<!tpu.dma_semaphore, #tpu.memory_space<semaphore_mem>>)
      %dma_wait3A_126 = arith.constant 0 : i32
      %dma_wait3A_127 = arith.constant 0 : i32
      %dma_wait3A_128 = tpu.memref_slice %arg2[%add3A, %dma_wait3A_126, %dma_wait3A_127] : memref<32x125x80xi32, #tpu.memory_space<hbm>> -> memref<1x125x80xi32, #tpu.memory_space<hbm>>
      %dma_wait3A_129 = tpu.memref_squeeze %dma_wait3A_128 : memref<1x125x80xi32, #tpu.memory_space<hbm>> -> memref<125x80xi32, #tpu.memory_space<hbm>>
      %dma_wait3A_130 = arith.constant 0 : i32
      %dma_wait3A_131 = arith.constant 0 : i32
      %dma_wait3A_132 = tpu.memref_slice %arg2[%add3A, %dma_wait3A_130, %dma_wait3A_131] : memref<32x125x80xi32, #tpu.memory_space<hbm>> -> memref<1x125x80xi32, #tpu.memory_space<hbm>>
      %dma_wait3A_133 = tpu.memref_squeeze %dma_wait3A_132 : memref<1x125x80xi32, #tpu.memory_space<hbm>> -> memref<125x80xi32, #tpu.memory_space<hbm>>
      tpu.wait_dma2 semaphore(%run_scoped3A : memref<!tpu.dma_semaphore, #tpu.memory_space<semaphore_mem>>) src(%dma_wait3A_133 : memref<125x80xi32, #tpu.memory_space<hbm>>) dst(%arg10 : memref<125x80xi32, #tpu.memory_space<vmem>>)
      tpu.yield
    }) : () -> ()
    "tpu.region"() ({
      %run_scoped3A = tpu.sem_alloc : memref<!tpu.dma_semaphore, #tpu.memory_space<semaphore_mem>>
      %dma_start3A_118 = arith.constant 0 : i32
      %dma_start3A_119 = arith.constant 0 : i32
      %dma_start3A_120 = tpu.memref_slice %arg3[%add3A, %dma_start3A_118, %dma_start3A_119] : memref<32x125x80xi32, #tpu.memory_space<hbm>> -> memref<1x125x80xi32, #tpu.memory_space<hbm>>
      %dma_start3A_121 = tpu.memref_squeeze %dma_start3A_120 : memref<1x125x80xi32, #tpu.memory_space<hbm>> -> memref<125x80xi32, #tpu.memory_space<hbm>>
      %dma_start3A_122 = arith.constant 0 : i32
      %dma_start3A_123 = arith.constant 0 : i32
      %dma_start3A_124 = tpu.memref_slice %arg3[%add3A, %dma_start3A_122, %dma_start3A_123] : memref<32x125x80xi32, #tpu.memory_space<hbm>> -> memref<1x125x80xi32, #tpu.memory_space<hbm>>
      %dma_start3A_125 = tpu.memref_squeeze %dma_start3A_124 : memref<1x125x80xi32, #tpu.memory_space<hbm>> -> memref<125x80xi32, #tpu.memory_space<hbm>>
      tpu.enqueue_dma source(%dma_start3A_125 : memref<125x80xi32, #tpu.memory_space<hbm>>) target(%arg11 : memref<125x80xi32, #tpu.memory_space<vmem>>) target_semaphore(%run_scoped3A : memref<!tpu.dma_semaphore, #tpu.memory_space<semaphore_mem>>)
      %dma_wait3A_126 = arith.constant 0 : i32
      %dma_wait3A_127 = arith.constant 0 : i32
      %dma_wait3A_128 = tpu.memref_slice %arg3[%add3A, %dma_wait3A_126, %dma_wait3A_127] : memref<32x125x80xi32, #tpu.memory_space<hbm>> -> memref<1x125x80xi32, #tpu.memory_space<hbm>>
      %dma_wait3A_129 = tpu.memref_squeeze %dma_wait3A_128 : memref<1x125x80xi32, #tpu.memory_space<hbm>> -> memref<125x80xi32, #tpu.memory_space<hbm>>
      %dma_wait3A_130 = arith.constant 0 : i32
      %dma_wait3A_131 = arith.constant 0 : i32
      %dma_wait3A_132 = tpu.memref_slice %arg3[%add3A, %dma_wait3A_130, %dma_wait3A_131] : memref<32x125x80xi32, #tpu.memory_space<hbm>> -> memref<1x125x80xi32, #tpu.memory_space<hbm>>
      %dma_wait3A_133 = tpu.memref_squeeze %dma_wait3A_132 : memref<1x125x80xi32, #tpu.memory_space<hbm>> -> memref<125x80xi32, #tpu.memory_space<hbm>>
      tpu.wait_dma2 semaphore(%run_scoped3A : memref<!tpu.dma_semaphore, #tpu.memory_space<semaphore_mem>>) src(%dma_wait3A_133 : memref<125x80xi32, #tpu.memory_space<hbm>>) dst(%arg11 : memref<125x80xi32, #tpu.memory_space<vmem>>)
      tpu.yield
    }) : () -> ()
    %barrier3A = arith.constant 0 : index
    tpu.barrier barrier_id(%barrier3A)
    %dma_start3A = arith.constant 0 : i32
    %dma_start3A_3 = arith.constant 0 : i32
    %dma_start3A_4 = tpu.memref_slice %arg10[%dma_start3A, %dma_start3A_3] : memref<125x80xi32, #tpu.memory_space<vmem>> -> memref<1x80xi32, #tpu.memory_space<vmem>>
    %dma_start3A_5 = tpu.memref_squeeze %dma_start3A_4 : memref<1x80xi32, #tpu.memory_space<vmem>> -> memref<80xi32, #tpu.memory_space<vmem>>
    %dma_start3A_6 = arith.constant 0 : i32
    %dma_start3A_7 = arith.constant 0 : i32
    %dma_start3A_8 = tpu.memref_slice %arg4[%dma_start3A_6, %dma_start3A_7] : memref<10000x64xf32, #tpu.memory_space<hbm>> -> memref<10000x64xf32, #tpu.memory_space<hbm>>
    tpu.enqueue_indirect_dma source(%dma_start3A_8 : memref<10000x64xf32, #tpu.memory_space<hbm>>) target(%arg12 : memref<80x64xf32, #tpu.memory_space<vmem>>) offsets(%dma_start3A_5 : memref<80xi32, #tpu.memory_space<vmem>>) semaphore(%arg18 : memref<!tpu.dma_semaphore, #tpu.memory_space<semaphore_mem>>)
    %dma_start3A_9 = arith.constant 1 : i32
    %dma_start3A_10 = arith.constant 0 : i32
    %dma_start3A_11 = tpu.memref_slice %arg10[%dma_start3A_9, %dma_start3A_10] : memref<125x80xi32, #tpu.memory_space<vmem>> -> memref<1x80xi32, #tpu.memory_space<vmem>>
    %dma_start3A_12 = tpu.memref_squeeze %dma_start3A_11 : memref<1x80xi32, #tpu.memory_space<vmem>> -> memref<80xi32, #tpu.memory_space<vmem>>
    %dma_start3A_13 = arith.constant 0 : i32
    %dma_start3A_14 = arith.constant 0 : i32
    %dma_start3A_15 = tpu.memref_slice %arg4[%dma_start3A_13, %dma_start3A_14] : memref<10000x64xf32, #tpu.memory_space<hbm>> -> memref<10000x64xf32, #tpu.memory_space<hbm>>
    tpu.enqueue_indirect_dma source(%dma_start3A_15 : memref<10000x64xf32, #tpu.memory_space<hbm>>) target(%arg13 : memref<80x64xf32, #tpu.memory_space<vmem>>) offsets(%dma_start3A_12 : memref<80xi32, #tpu.memory_space<vmem>>) semaphore(%arg19 : memref<!tpu.dma_semaphore, #tpu.memory_space<semaphore_mem>>)
    %scan3A = arith.constant 0 : i32
    %scan3A_16 = arith.constant 41 : i32
    %scan3A_17 = arith.addi %scan3A, %scan3A_16 : i32
    %scan3A_18 = arith.constant 1 : i32
    scf.for %scan3A_118 = %scan3A to %scan3A_17 step %scan3A_18  : i32 {
      %mul3A_119 = arith.constant 3 : i32
      %mul3A_120 = arith.muli %scan3A_118, %mul3A_119 : i32
      %add3A_121 = arith.constant 0 : i32
      %add3A_122 = arith.addi %add3A_121, %mul3A_120 : i32
      %add3A_123 = arith.constant 0 : i32
      %add3A_124 = arith.addi %add3A_122, %add3A_123 : i32
      %dma_wait3A_125 = arith.constant 0 : i32
      %dma_wait3A_126 = tpu.memref_slice %arg10[%add3A_124, %dma_wait3A_125] : memref<125x80xi32, #tpu.memory_space<vmem>> -> memref<1x80xi32, #tpu.memory_space<vmem>>
      %dma_wait3A_127 = tpu.memref_squeeze %dma_wait3A_126 : memref<1x80xi32, #tpu.memory_space<vmem>> -> memref<80xi32, #tpu.memory_space<vmem>>
      %dma_wait3A_128 = arith.constant 0 : i32
      %dma_wait3A_129 = arith.constant 0 : i32
      %dma_wait3A_130 = tpu.memref_slice %arg4[%dma_wait3A_128, %dma_wait3A_129] : memref<10000x64xf32, #tpu.memory_space<hbm>> -> memref<10000x64xf32, #tpu.memory_space<hbm>>
      tpu.wait_indirect_dma semaphore(%arg18 : memref<!tpu.dma_semaphore, #tpu.memory_space<semaphore_mem>>) src(%dma_wait3A_130 : memref<10000x64xf32, #tpu.memory_space<hbm>>) dst(%arg12 : memref<80x64xf32, #tpu.memory_space<vmem>>)
      %ge3A = arith.constant 3 : i32
      %ge3A_131 = arith.cmpi sge, %add3A_122, %ge3A : i32
      %convert_element_type3A = arith.extui %ge3A_131 : i1 to i32
      %cond3A = arith.constant 0 : i32
      %cond3A_132 = arith.cmpi ne, %convert_element_type3A, %cond3A : i32
      scf.if %cond3A_132 {
        %sub3A_239 = arith.constant 3 : i32
        %sub3A_240 = arith.subi %add3A_124, %sub3A_239 : i32
        %dma_wait3A_241 = arith.constant 0 : i32
        %dma_wait3A_242 = tpu.memref_slice %arg11[%sub3A_240, %dma_wait3A_241] : memref<125x80xi32, #tpu.memory_space<vmem>> -> memref<1x80xi32, #tpu.memory_space<vmem>>
        %dma_wait3A_243 = tpu.memref_squeeze %dma_wait3A_242 : memref<1x80xi32, #tpu.memory_space<vmem>> -> memref<80xi32, #tpu.memory_space<vmem>>
        %dma_wait3A_244 = arith.constant 0 : i32
        %dma_wait3A_245 = arith.constant 0 : i32
        %dma_wait3A_246 = tpu.memref_slice %arg17[%dma_wait3A_244, %dma_wait3A_245] : memref<10240x16xf32, #tpu.memory_space<vmem_shared>> -> memref<10240x16xf32, #tpu.memory_space<vmem_shared>>
        tpu.wait_indirect_dma semaphore(%arg24 : memref<!tpu.dma_semaphore, #tpu.memory_space<semaphore_mem>>) src(%arg15 : memref<80x16xf32, #tpu.memory_space<vmem>>) dst(%dma_wait3A_246 : memref<10240x16xf32, #tpu.memory_space<vmem_shared>>)
      } else {
      }
      %dma_start3A_133 = arith.constant 0 : i32
      %dma_start3A_134 = tpu.memref_slice %arg11[%add3A_124, %dma_start3A_133] : memref<125x80xi32, #tpu.memory_space<vmem>> -> memref<1x80xi32, #tpu.memory_space<vmem>>
      %dma_start3A_135 = tpu.memref_squeeze %dma_start3A_134 : memref<1x80xi32, #tpu.memory_space<vmem>> -> memref<80xi32, #tpu.memory_space<vmem>>
      %dma_start3A_136 = arith.constant 0 : i32
      %dma_start3A_137 = arith.constant 0 : i32
      %dma_start3A_138 = tpu.memref_slice %arg16[%dma_start3A_136, %dma_start3A_137] : memref<10240x64xf32, #tpu.memory_space<vmem_shared>> -> memref<10240x64xf32, #tpu.memory_space<vmem_shared>>
      tpu.enqueue_indirect_dma source(%arg12 : memref<80x64xf32, #tpu.memory_space<vmem>>) target(%dma_start3A_138 : memref<10240x64xf32, #tpu.memory_space<vmem_shared>>) offsets(%dma_start3A_135 : memref<80xi32, #tpu.memory_space<vmem>>) semaphore(%arg21 : memref<!tpu.dma_semaphore, #tpu.memory_space<semaphore_mem>>) {add = true}
      %dma_start3A_139 = arith.constant 0 : i32
      %dma_start3A_140 = tpu.memref_slice %arg11[%add3A_124, %dma_start3A_139] : memref<125x80xi32, #tpu.memory_space<vmem>> -> memref<1x80xi32, #tpu.memory_space<vmem>>
      %dma_start3A_141 = tpu.memref_squeeze %dma_start3A_140 : memref<1x80xi32, #tpu.memory_space<vmem>> -> memref<80xi32, #tpu.memory_space<vmem>>
      %dma_start3A_142 = arith.constant 0 : i32
      %dma_start3A_143 = arith.constant 0 : i32
      %dma_start3A_144 = tpu.memref_slice %arg17[%dma_start3A_142, %dma_start3A_143] : memref<10240x16xf32, #tpu.memory_space<vmem_shared>> -> memref<10240x16xf32, #tpu.memory_space<vmem_shared>>
      tpu.enqueue_indirect_dma source(%arg15 : memref<80x16xf32, #tpu.memory_space<vmem>>) target(%dma_start3A_144 : memref<10240x16xf32, #tpu.memory_space<vmem_shared>>) offsets(%dma_start3A_141 : memref<80xi32, #tpu.memory_space<vmem>>) semaphore(%arg24 : memref<!tpu.dma_semaphore, #tpu.memory_space<semaphore_mem>>) {add = true}
      %ge3A_145 = arith.constant 1 : i32
      %ge3A_146 = arith.cmpi sge, %add3A_122, %ge3A_145 : i32
      %convert_element_type3A_147 = arith.extui %ge3A_146 : i1 to i32
      %cond3A_148 = arith.constant 0 : i32
      %cond3A_149 = arith.cmpi ne, %convert_element_type3A_147, %cond3A_148 : i32
      scf.if %cond3A_149 {
        %sub3A_239 = arith.constant 1 : i32
        %sub3A_240 = arith.subi %add3A_124, %sub3A_239 : i32
        %dma_wait3A_241 = arith.constant 0 : i32
        %dma_wait3A_242 = tpu.memref_slice %arg11[%sub3A_240, %dma_wait3A_241] : memref<125x80xi32, #tpu.memory_space<vmem>> -> memref<1x80xi32, #tpu.memory_space<vmem>>
        %dma_wait3A_243 = tpu.memref_squeeze %dma_wait3A_242 : memref<1x80xi32, #tpu.memory_space<vmem>> -> memref<80xi32, #tpu.memory_space<vmem>>
        %dma_wait3A_244 = arith.constant 0 : i32
        %dma_wait3A_245 = arith.constant 0 : i32
        %dma_wait3A_246 = tpu.memref_slice %arg16[%dma_wait3A_244, %dma_wait3A_245] : memref<10240x64xf32, #tpu.memory_space<vmem_shared>> -> memref<10240x64xf32, #tpu.memory_space<vmem_shared>>
        tpu.wait_indirect_dma semaphore(%arg23 : memref<!tpu.dma_semaphore, #tpu.memory_space<semaphore_mem>>) src(%arg14 : memref<80x64xf32, #tpu.memory_space<vmem>>) dst(%dma_wait3A_246 : memref<10240x64xf32, #tpu.memory_space<vmem_shared>>)
      } else {
      }
      %add3A_150 = arith.constant 2 : i32
      %add3A_151 = arith.addi %add3A_124, %add3A_150 : i32
      %dma_start3A_152 = arith.constant 0 : i32
      %dma_start3A_153 = tpu.memref_slice %arg10[%add3A_151, %dma_start3A_152] : memref<125x80xi32, #tpu.memory_space<vmem>> -> memref<1x80xi32, #tpu.memory_space<vmem>>
      %dma_start3A_154 = tpu.memref_squeeze %dma_start3A_153 : memref<1x80xi32, #tpu.memory_space<vmem>> -> memref<80xi32, #tpu.memory_space<vmem>>
      %dma_start3A_155 = arith.constant 0 : i32
      %dma_start3A_156 = arith.constant 0 : i32
      %dma_start3A_157 = tpu.memref_slice %arg4[%dma_start3A_155, %dma_start3A_156] : memref<10000x64xf32, #tpu.memory_space<hbm>> -> memref<10000x64xf32, #tpu.memory_space<hbm>>
      tpu.enqueue_indirect_dma source(%dma_start3A_157 : memref<10000x64xf32, #tpu.memory_space<hbm>>) target(%arg14 : memref<80x64xf32, #tpu.memory_space<vmem>>) offsets(%dma_start3A_154 : memref<80xi32, #tpu.memory_space<vmem>>) semaphore(%arg20 : memref<!tpu.dma_semaphore, #tpu.memory_space<semaphore_mem>>)
      %add3A_158 = arith.constant 1 : i32
      %add3A_159 = arith.addi %add3A_122, %add3A_158 : i32
      %dma_wait3A_160 = arith.constant 0 : i32
      %dma_wait3A_161 = tpu.memref_slice %arg10[%add3A_159, %dma_wait3A_160] : memref<125x80xi32, #tpu.memory_space<vmem>> -> memref<1x80xi32, #tpu.memory_space<vmem>>
      %dma_wait3A_162 = tpu.memref_squeeze %dma_wait3A_161 : memref<1x80xi32, #tpu.memory_space<vmem>> -> memref<80xi32, #tpu.memory_space<vmem>>
      %dma_wait3A_163 = arith.constant 0 : i32
      %dma_wait3A_164 = arith.constant 0 : i32
      %dma_wait3A_165 = tpu.memref_slice %arg4[%dma_wait3A_163, %dma_wait3A_164] : memref<10000x64xf32, #tpu.memory_space<hbm>> -> memref<10000x64xf32, #tpu.memory_space<hbm>>
      tpu.wait_indirect_dma semaphore(%arg19 : memref<!tpu.dma_semaphore, #tpu.memory_space<semaphore_mem>>) src(%dma_wait3A_165 : memref<10000x64xf32, #tpu.memory_space<hbm>>) dst(%arg13 : memref<80x64xf32, #tpu.memory_space<vmem>>)
      %ge3A_166 = arith.constant 3 : i32
      %ge3A_167 = arith.cmpi sge, %add3A_122, %ge3A_166 : i32
      %convert_element_type3A_168 = arith.extui %ge3A_167 : i1 to i32
      %cond3A_169 = arith.constant 0 : i32
      %cond3A_170 = arith.cmpi ne, %convert_element_type3A_168, %cond3A_169 : i32
      scf.if %cond3A_170 {
        %sub3A_239 = arith.constant 3 : i32
        %sub3A_240 = arith.subi %add3A_159, %sub3A_239 : i32
        %dma_wait3A_241 = arith.constant 0 : i32
        %dma_wait3A_242 = tpu.memref_slice %arg11[%sub3A_240, %dma_wait3A_241] : memref<125x80xi32, #tpu.memory_space<vmem>> -> memref<1x80xi32, #tpu.memory_space<vmem>>
        %dma_wait3A_243 = tpu.memref_squeeze %dma_wait3A_242 : memref<1x80xi32, #tpu.memory_space<vmem>> -> memref<80xi32, #tpu.memory_space<vmem>>
        %dma_wait3A_244 = arith.constant 0 : i32
        %dma_wait3A_245 = arith.constant 0 : i32
        %dma_wait3A_246 = tpu.memref_slice %arg17[%dma_wait3A_244, %dma_wait3A_245] : memref<10240x16xf32, #tpu.memory_space<vmem_shared>> -> memref<10240x16xf32, #tpu.memory_space<vmem_shared>>
        tpu.wait_indirect_dma semaphore(%arg25 : memref<!tpu.dma_semaphore, #tpu.memory_space<semaphore_mem>>) src(%arg15 : memref<80x16xf32, #tpu.memory_space<vmem>>) dst(%dma_wait3A_246 : memref<10240x16xf32, #tpu.memory_space<vmem_shared>>)
      } else {
      }
      %dma_start3A_171 = arith.constant 0 : i32
      %dma_start3A_172 = tpu.memref_slice %arg11[%add3A_159, %dma_start3A_171] : memref<125x80xi32, #tpu.memory_space<vmem>> -> memref<1x80xi32, #tpu.memory_space<vmem>>
      %dma_start3A_173 = tpu.memref_squeeze %dma_start3A_172 : memref<1x80xi32, #tpu.memory_space<vmem>> -> memref<80xi32, #tpu.memory_space<vmem>>
      %dma_start3A_174 = arith.constant 0 : i32
      %dma_start3A_175 = arith.constant 0 : i32
      %dma_start3A_176 = tpu.memref_slice %arg16[%dma_start3A_174, %dma_start3A_175] : memref<10240x64xf32, #tpu.memory_space<vmem_shared>> -> memref<10240x64xf32, #tpu.memory_space<vmem_shared>>
      tpu.enqueue_indirect_dma source(%arg13 : memref<80x64xf32, #tpu.memory_space<vmem>>) target(%dma_start3A_176 : memref<10240x64xf32, #tpu.memory_space<vmem_shared>>) offsets(%dma_start3A_173 : memref<80xi32, #tpu.memory_space<vmem>>) semaphore(%arg22 : memref<!tpu.dma_semaphore, #tpu.memory_space<semaphore_mem>>) {add = true}
      %dma_start3A_177 = arith.constant 0 : i32
      %dma_start3A_178 = tpu.memref_slice %arg11[%add3A_159, %dma_start3A_177] : memref<125x80xi32, #tpu.memory_space<vmem>> -> memref<1x80xi32, #tpu.memory_space<vmem>>
      %dma_start3A_179 = tpu.memref_squeeze %dma_start3A_178 : memref<1x80xi32, #tpu.memory_space<vmem>> -> memref<80xi32, #tpu.memory_space<vmem>>
      %dma_start3A_180 = arith.constant 0 : i32
      %dma_start3A_181 = arith.constant 0 : i32
      %dma_start3A_182 = tpu.memref_slice %arg17[%dma_start3A_180, %dma_start3A_181] : memref<10240x16xf32, #tpu.memory_space<vmem_shared>> -> memref<10240x16xf32, #tpu.memory_space<vmem_shared>>
      tpu.enqueue_indirect_dma source(%arg15 : memref<80x16xf32, #tpu.memory_space<vmem>>) target(%dma_start3A_182 : memref<10240x16xf32, #tpu.memory_space<vmem_shared>>) offsets(%dma_start3A_179 : memref<80xi32, #tpu.memory_space<vmem>>) semaphore(%arg25 : memref<!tpu.dma_semaphore, #tpu.memory_space<semaphore_mem>>) {add = true}
      %sub3A = arith.constant 1 : i32
      %sub3A_183 = arith.subi %add3A_159, %sub3A : i32
      %dma_wait3A_184 = arith.constant 0 : i32
      %dma_wait3A_185 = tpu.memref_slice %arg11[%sub3A_183, %dma_wait3A_184] : memref<125x80xi32, #tpu.memory_space<vmem>> -> memref<1x80xi32, #tpu.memory_space<vmem>>
      %dma_wait3A_186 = tpu.memref_squeeze %dma_wait3A_185 : memref<1x80xi32, #tpu.memory_space<vmem>> -> memref<80xi32, #tpu.memory_space<vmem>>
      %dma_wait3A_187 = arith.constant 0 : i32
      %dma_wait3A_188 = arith.constant 0 : i32
      %dma_wait3A_189 = tpu.memref_slice %arg16[%dma_wait3A_187, %dma_wait3A_188] : memref<10240x64xf32, #tpu.memory_space<vmem_shared>> -> memref<10240x64xf32, #tpu.memory_space<vmem_shared>>
      tpu.wait_indirect_dma semaphore(%arg21 : memref<!tpu.dma_semaphore, #tpu.memory_space<semaphore_mem>>) src(%arg12 : memref<80x64xf32, #tpu.memory_space<vmem>>) dst(%dma_wait3A_189 : memref<10240x64xf32, #tpu.memory_space<vmem_shared>>)
      %add3A_190 = arith.constant 2 : i32
      %add3A_191 = arith.addi %add3A_159, %add3A_190 : i32
      %dma_start3A_192 = arith.constant 0 : i32
      %dma_start3A_193 = tpu.memref_slice %arg10[%add3A_191, %dma_start3A_192] : memref<125x80xi32, #tpu.memory_space<vmem>> -> memref<1x80xi32, #tpu.memory_space<vmem>>
      %dma_start3A_194 = tpu.memref_squeeze %dma_start3A_193 : memref<1x80xi32, #tpu.memory_space<vmem>> -> memref<80xi32, #tpu.memory_space<vmem>>
      %dma_start3A_195 = arith.constant 0 : i32
      %dma_start3A_196 = arith.constant 0 : i32
      %dma_start3A_197 = tpu.memref_slice %arg4[%dma_start3A_195, %dma_start3A_196] : memref<10000x64xf32, #tpu.memory_space<hbm>> -> memref<10000x64xf32, #tpu.memory_space<hbm>>
      tpu.enqueue_indirect_dma source(%dma_start3A_197 : memref<10000x64xf32, #tpu.memory_space<hbm>>) target(%arg12 : memref<80x64xf32, #tpu.memory_space<vmem>>) offsets(%dma_start3A_194 : memref<80xi32, #tpu.memory_space<vmem>>) semaphore(%arg18 : memref<!tpu.dma_semaphore, #tpu.memory_space<semaphore_mem>>)
      %add3A_198 = arith.constant 2 : i32
      %add3A_199 = arith.addi %add3A_122, %add3A_198 : i32
      %dma_wait3A_200 = arith.constant 0 : i32
      %dma_wait3A_201 = tpu.memref_slice %arg10[%add3A_199, %dma_wait3A_200] : memref<125x80xi32, #tpu.memory_space<vmem>> -> memref<1x80xi32, #tpu.memory_space<vmem>>
      %dma_wait3A_202 = tpu.memref_squeeze %dma_wait3A_201 : memref<1x80xi32, #tpu.memory_space<vmem>> -> memref<80xi32, #tpu.memory_space<vmem>>
      %dma_wait3A_203 = arith.constant 0 : i32
      %dma_wait3A_204 = arith.constant 0 : i32
      %dma_wait3A_205 = tpu.memref_slice %arg4[%dma_wait3A_203, %dma_wait3A_204] : memref<10000x64xf32, #tpu.memory_space<hbm>> -> memref<10000x64xf32, #tpu.memory_space<hbm>>
      tpu.wait_indirect_dma semaphore(%arg20 : memref<!tpu.dma_semaphore, #tpu.memory_space<semaphore_mem>>) src(%dma_wait3A_205 : memref<10000x64xf32, #tpu.memory_space<hbm>>) dst(%arg14 : memref<80x64xf32, #tpu.memory_space<vmem>>)
      %ge3A_206 = arith.constant 3 : i32
      %ge3A_207 = arith.cmpi sge, %add3A_122, %ge3A_206 : i32
      %convert_element_type3A_208 = arith.extui %ge3A_207 : i1 to i32
      %cond3A_209 = arith.constant 0 : i32
      %cond3A_210 = arith.cmpi ne, %convert_element_type3A_208, %cond3A_209 : i32
      scf.if %cond3A_210 {
        %sub3A_239 = arith.constant 3 : i32
        %sub3A_240 = arith.subi %add3A_199, %sub3A_239 : i32
        %dma_wait3A_241 = arith.constant 0 : i32
        %dma_wait3A_242 = tpu.memref_slice %arg11[%sub3A_240, %dma_wait3A_241] : memref<125x80xi32, #tpu.memory_space<vmem>> -> memref<1x80xi32, #tpu.memory_space<vmem>>
        %dma_wait3A_243 = tpu.memref_squeeze %dma_wait3A_242 : memref<1x80xi32, #tpu.memory_space<vmem>> -> memref<80xi32, #tpu.memory_space<vmem>>
        %dma_wait3A_244 = arith.constant 0 : i32
        %dma_wait3A_245 = arith.constant 0 : i32
        %dma_wait3A_246 = tpu.memref_slice %arg17[%dma_wait3A_244, %dma_wait3A_245] : memref<10240x16xf32, #tpu.memory_space<vmem_shared>> -> memref<10240x16xf32, #tpu.memory_space<vmem_shared>>
        tpu.wait_indirect_dma semaphore(%arg26 : memref<!tpu.dma_semaphore, #tpu.memory_space<semaphore_mem>>) src(%arg15 : memref<80x16xf32, #tpu.memory_space<vmem>>) dst(%dma_wait3A_246 : memref<10240x16xf32, #tpu.memory_space<vmem_shared>>)
      } else {
      }
      %dma_start3A_211 = arith.constant 0 : i32
      %dma_start3A_212 = tpu.memref_slice %arg11[%add3A_199, %dma_start3A_211] : memref<125x80xi32, #tpu.memory_space<vmem>> -> memref<1x80xi32, #tpu.memory_space<vmem>>
      %dma_start3A_213 = tpu.memref_squeeze %dma_start3A_212 : memref<1x80xi32, #tpu.memory_space<vmem>> -> memref<80xi32, #tpu.memory_space<vmem>>
      %dma_start3A_214 = arith.constant 0 : i32
      %dma_start3A_215 = arith.constant 0 : i32
      %dma_start3A_216 = tpu.memref_slice %arg16[%dma_start3A_214, %dma_start3A_215] : memref<10240x64xf32, #tpu.memory_space<vmem_shared>> -> memref<10240x64xf32, #tpu.memory_space<vmem_shared>>
      tpu.enqueue_indirect_dma source(%arg14 : memref<80x64xf32, #tpu.memory_space<vmem>>) target(%dma_start3A_216 : memref<10240x64xf32, #tpu.memory_space<vmem_shared>>) offsets(%dma_start3A_213 : memref<80xi32, #tpu.memory_space<vmem>>) semaphore(%arg23 : memref<!tpu.dma_semaphore, #tpu.memory_space<semaphore_mem>>) {add = true}
      %dma_start3A_217 = arith.constant 0 : i32
      %dma_start3A_218 = tpu.memref_slice %arg11[%add3A_199, %dma_start3A_217] : memref<125x80xi32, #tpu.memory_space<vmem>> -> memref<1x80xi32, #tpu.memory_space<vmem>>
      %dma_start3A_219 = tpu.memref_squeeze %dma_start3A_218 : memref<1x80xi32, #tpu.memory_space<vmem>> -> memref<80xi32, #tpu.memory_space<vmem>>
      %dma_start3A_220 = arith.constant 0 : i32
      %dma_start3A_221 = arith.constant 0 : i32
      %dma_start3A_222 = tpu.memref_slice %arg17[%dma_start3A_220, %dma_start3A_221] : memref<10240x16xf32, #tpu.memory_space<vmem_shared>> -> memref<10240x16xf32, #tpu.memory_space<vmem_shared>>
      tpu.enqueue_indirect_dma source(%arg15 : memref<80x16xf32, #tpu.memory_space<vmem>>) target(%dma_start3A_222 : memref<10240x16xf32, #tpu.memory_space<vmem_shared>>) offsets(%dma_start3A_219 : memref<80xi32, #tpu.memory_space<vmem>>) semaphore(%arg26 : memref<!tpu.dma_semaphore, #tpu.memory_space<semaphore_mem>>) {add = true}
      %sub3A_223 = arith.constant 1 : i32
      %sub3A_224 = arith.subi %add3A_199, %sub3A_223 : i32
      %dma_wait3A_225 = arith.constant 0 : i32
      %dma_wait3A_226 = tpu.memref_slice %arg11[%sub3A_224, %dma_wait3A_225] : memref<125x80xi32, #tpu.memory_space<vmem>> -> memref<1x80xi32, #tpu.memory_space<vmem>>
      %dma_wait3A_227 = tpu.memref_squeeze %dma_wait3A_226 : memref<1x80xi32, #tpu.memory_space<vmem>> -> memref<80xi32, #tpu.memory_space<vmem>>
      %dma_wait3A_228 = arith.constant 0 : i32
      %dma_wait3A_229 = arith.constant 0 : i32
      %dma_wait3A_230 = tpu.memref_slice %arg16[%dma_wait3A_228, %dma_wait3A_229] : memref<10240x64xf32, #tpu.memory_space<vmem_shared>> -> memref<10240x64xf32, #tpu.memory_space<vmem_shared>>
      tpu.wait_indirect_dma semaphore(%arg22 : memref<!tpu.dma_semaphore, #tpu.memory_space<semaphore_mem>>) src(%arg13 : memref<80x64xf32, #tpu.memory_space<vmem>>) dst(%dma_wait3A_230 : memref<10240x64xf32, #tpu.memory_space<vmem_shared>>)
      %add3A_231 = arith.constant 2 : i32
      %add3A_232 = arith.addi %add3A_199, %add3A_231 : i32
      %dma_start3A_233 = arith.constant 0 : i32
      %dma_start3A_234 = tpu.memref_slice %arg10[%add3A_232, %dma_start3A_233] : memref<125x80xi32, #tpu.memory_space<vmem>> -> memref<1x80xi32, #tpu.memory_space<vmem>>
      %dma_start3A_235 = tpu.memref_squeeze %dma_start3A_234 : memref<1x80xi32, #tpu.memory_space<vmem>> -> memref<80xi32, #tpu.memory_space<vmem>>
      %dma_start3A_236 = arith.constant 0 : i32
      %dma_start3A_237 = arith.constant 0 : i32
      %dma_start3A_238 = tpu.memref_slice %arg4[%dma_start3A_236, %dma_start3A_237] : memref<10000x64xf32, #tpu.memory_space<hbm>> -> memref<10000x64xf32, #tpu.memory_space<hbm>>
      tpu.enqueue_indirect_dma source(%dma_start3A_238 : memref<10000x64xf32, #tpu.memory_space<hbm>>) target(%arg13 : memref<80x64xf32, #tpu.memory_space<vmem>>) offsets(%dma_start3A_235 : memref<80xi32, #tpu.memory_space<vmem>>) semaphore(%arg19 : memref<!tpu.dma_semaphore, #tpu.memory_space<semaphore_mem>>)
    }
    %scan3A_19 = arith.constant 41 : i32
    %dma_wait3A = arith.constant 123 : i32
    %dma_wait3A_20 = arith.constant 0 : i32
    %dma_wait3A_21 = tpu.memref_slice %arg10[%dma_wait3A, %dma_wait3A_20] : memref<125x80xi32, #tpu.memory_space<vmem>> -> memref<1x80xi32, #tpu.memory_space<vmem>>
    %dma_wait3A_22 = tpu.memref_squeeze %dma_wait3A_21 : memref<1x80xi32, #tpu.memory_space<vmem>> -> memref<80xi32, #tpu.memory_space<vmem>>
    %dma_wait3A_23 = arith.constant 0 : i32
    %dma_wait3A_24 = arith.constant 0 : i32
    %dma_wait3A_25 = tpu.memref_slice %arg4[%dma_wait3A_23, %dma_wait3A_24] : memref<10000x64xf32, #tpu.memory_space<hbm>> -> memref<10000x64xf32, #tpu.memory_space<hbm>>
    tpu.wait_indirect_dma semaphore(%arg18 : memref<!tpu.dma_semaphore, #tpu.memory_space<semaphore_mem>>) src(%dma_wait3A_25 : memref<10000x64xf32, #tpu.memory_space<hbm>>) dst(%arg12 : memref<80x64xf32, #tpu.memory_space<vmem>>)
    %dma_wait3A_26 = arith.constant 120 : i32
    %dma_wait3A_27 = arith.constant 0 : i32
    %dma_wait3A_28 = tpu.memref_slice %arg11[%dma_wait3A_26, %dma_wait3A_27] : memref<125x80xi32, #tpu.memory_space<vmem>> -> memref<1x80xi32, #tpu.memory_space<vmem>>
    %dma_wait3A_29 = tpu.memref_squeeze %dma_wait3A_28 : memref<1x80xi32, #tpu.memory_space<vmem>> -> memref<80xi32, #tpu.memory_space<vmem>>
    %dma_wait3A_30 = arith.constant 0 : i32
    %dma_wait3A_31 = arith.constant 0 : i32
    %dma_wait3A_32 = tpu.memref_slice %arg17[%dma_wait3A_30, %dma_wait3A_31] : memref<10240x16xf32, #tpu.memory_space<vmem_shared>> -> memref<10240x16xf32, #tpu.memory_space<vmem_shared>>
    tpu.wait_indirect_dma semaphore(%arg24 : memref<!tpu.dma_semaphore, #tpu.memory_space<semaphore_mem>>) src(%arg15 : memref<80x16xf32, #tpu.memory_space<vmem>>) dst(%dma_wait3A_32 : memref<10240x16xf32, #tpu.memory_space<vmem_shared>>)
    %dma_start3A_33 = arith.constant 123 : i32
    %dma_start3A_34 = arith.constant 0 : i32
    %dma_start3A_35 = tpu.memref_slice %arg11[%dma_start3A_33, %dma_start3A_34] : memref<125x80xi32, #tpu.memory_space<vmem>> -> memref<1x80xi32, #tpu.memory_space<vmem>>
    %dma_start3A_36 = tpu.memref_squeeze %dma_start3A_35 : memref<1x80xi32, #tpu.memory_space<vmem>> -> memref<80xi32, #tpu.memory_space<vmem>>
    %dma_start3A_37 = arith.constant 0 : i32
    %dma_start3A_38 = arith.constant 0 : i32
    %dma_start3A_39 = tpu.memref_slice %arg16[%dma_start3A_37, %dma_start3A_38] : memref<10240x64xf32, #tpu.memory_space<vmem_shared>> -> memref<10240x64xf32, #tpu.memory_space<vmem_shared>>
    tpu.enqueue_indirect_dma source(%arg12 : memref<80x64xf32, #tpu.memory_space<vmem>>) target(%dma_start3A_39 : memref<10240x64xf32, #tpu.memory_space<vmem_shared>>) offsets(%dma_start3A_36 : memref<80xi32, #tpu.memory_space<vmem>>) semaphore(%arg21 : memref<!tpu.dma_semaphore, #tpu.memory_space<semaphore_mem>>) {add = true}
    %dma_start3A_40 = arith.constant 123 : i32
    %dma_start3A_41 = arith.constant 0 : i32
    %dma_start3A_42 = tpu.memref_slice %arg11[%dma_start3A_40, %dma_start3A_41] : memref<125x80xi32, #tpu.memory_space<vmem>> -> memref<1x80xi32, #tpu.memory_space<vmem>>
    %dma_start3A_43 = tpu.memref_squeeze %dma_start3A_42 : memref<1x80xi32, #tpu.memory_space<vmem>> -> memref<80xi32, #tpu.memory_space<vmem>>
    %dma_start3A_44 = arith.constant 0 : i32
    %dma_start3A_45 = arith.constant 0 : i32
    %dma_start3A_46 = tpu.memref_slice %arg17[%dma_start3A_44, %dma_start3A_45] : memref<10240x16xf32, #tpu.memory_space<vmem_shared>> -> memref<10240x16xf32, #tpu.memory_space<vmem_shared>>
    tpu.enqueue_indirect_dma source(%arg15 : memref<80x16xf32, #tpu.memory_space<vmem>>) target(%dma_start3A_46 : memref<10240x16xf32, #tpu.memory_space<vmem_shared>>) offsets(%dma_start3A_43 : memref<80xi32, #tpu.memory_space<vmem>>) semaphore(%arg24 : memref<!tpu.dma_semaphore, #tpu.memory_space<semaphore_mem>>) {add = true}
    %dma_wait3A_47 = arith.constant 124 : i32
    %dma_wait3A_48 = arith.constant 0 : i32
    %dma_wait3A_49 = tpu.memref_slice %arg10[%dma_wait3A_47, %dma_wait3A_48] : memref<125x80xi32, #tpu.memory_space<vmem>> -> memref<1x80xi32, #tpu.memory_space<vmem>>
    %dma_wait3A_50 = tpu.memref_squeeze %dma_wait3A_49 : memref<1x80xi32, #tpu.memory_space<vmem>> -> memref<80xi32, #tpu.memory_space<vmem>>
    %dma_wait3A_51 = arith.constant 0 : i32
    %dma_wait3A_52 = arith.constant 0 : i32
    %dma_wait3A_53 = tpu.memref_slice %arg4[%dma_wait3A_51, %dma_wait3A_52] : memref<10000x64xf32, #tpu.memory_space<hbm>> -> memref<10000x64xf32, #tpu.memory_space<hbm>>
    tpu.wait_indirect_dma semaphore(%arg19 : memref<!tpu.dma_semaphore, #tpu.memory_space<semaphore_mem>>) src(%dma_wait3A_53 : memref<10000x64xf32, #tpu.memory_space<hbm>>) dst(%arg13 : memref<80x64xf32, #tpu.memory_space<vmem>>)
    %dma_wait3A_54 = arith.constant 121 : i32
    %dma_wait3A_55 = arith.constant 0 : i32
    %dma_wait3A_56 = tpu.memref_slice %arg11[%dma_wait3A_54, %dma_wait3A_55] : memref<125x80xi32, #tpu.memory_space<vmem>> -> memref<1x80xi32, #tpu.memory_space<vmem>>
    %dma_wait3A_57 = tpu.memref_squeeze %dma_wait3A_56 : memref<1x80xi32, #tpu.memory_space<vmem>> -> memref<80xi32, #tpu.memory_space<vmem>>
    %dma_wait3A_58 = arith.constant 0 : i32
    %dma_wait3A_59 = arith.constant 0 : i32
    %dma_wait3A_60 = tpu.memref_slice %arg17[%dma_wait3A_58, %dma_wait3A_59] : memref<10240x16xf32, #tpu.memory_space<vmem_shared>> -> memref<10240x16xf32, #tpu.memory_space<vmem_shared>>
    tpu.wait_indirect_dma semaphore(%arg25 : memref<!tpu.dma_semaphore, #tpu.memory_space<semaphore_mem>>) src(%arg15 : memref<80x16xf32, #tpu.memory_space<vmem>>) dst(%dma_wait3A_60 : memref<10240x16xf32, #tpu.memory_space<vmem_shared>>)
    %dma_start3A_61 = arith.constant 124 : i32
    %dma_start3A_62 = arith.constant 0 : i32
    %dma_start3A_63 = tpu.memref_slice %arg11[%dma_start3A_61, %dma_start3A_62] : memref<125x80xi32, #tpu.memory_space<vmem>> -> memref<1x80xi32, #tpu.memory_space<vmem>>
    %dma_start3A_64 = tpu.memref_squeeze %dma_start3A_63 : memref<1x80xi32, #tpu.memory_space<vmem>> -> memref<80xi32, #tpu.memory_space<vmem>>
    %dma_start3A_65 = arith.constant 0 : i32
    %dma_start3A_66 = arith.constant 0 : i32
    %dma_start3A_67 = tpu.memref_slice %arg16[%dma_start3A_65, %dma_start3A_66] : memref<10240x64xf32, #tpu.memory_space<vmem_shared>> -> memref<10240x64xf32, #tpu.memory_space<vmem_shared>>
    tpu.enqueue_indirect_dma source(%arg13 : memref<80x64xf32, #tpu.memory_space<vmem>>) target(%dma_start3A_67 : memref<10240x64xf32, #tpu.memory_space<vmem_shared>>) offsets(%dma_start3A_64 : memref<80xi32, #tpu.memory_space<vmem>>) semaphore(%arg22 : memref<!tpu.dma_semaphore, #tpu.memory_space<semaphore_mem>>) {add = true}
    %dma_start3A_68 = arith.constant 124 : i32
    %dma_start3A_69 = arith.constant 0 : i32
    %dma_start3A_70 = tpu.memref_slice %arg11[%dma_start3A_68, %dma_start3A_69] : memref<125x80xi32, #tpu.memory_space<vmem>> -> memref<1x80xi32, #tpu.memory_space<vmem>>
    %dma_start3A_71 = tpu.memref_squeeze %dma_start3A_70 : memref<1x80xi32, #tpu.memory_space<vmem>> -> memref<80xi32, #tpu.memory_space<vmem>>
    %dma_start3A_72 = arith.constant 0 : i32
    %dma_start3A_73 = arith.constant 0 : i32
    %dma_start3A_74 = tpu.memref_slice %arg17[%dma_start3A_72, %dma_start3A_73] : memref<10240x16xf32, #tpu.memory_space<vmem_shared>> -> memref<10240x16xf32, #tpu.memory_space<vmem_shared>>
    tpu.enqueue_indirect_dma source(%arg15 : memref<80x16xf32, #tpu.memory_space<vmem>>) target(%dma_start3A_74 : memref<10240x16xf32, #tpu.memory_space<vmem_shared>>) offsets(%dma_start3A_71 : memref<80xi32, #tpu.memory_space<vmem>>) semaphore(%arg25 : memref<!tpu.dma_semaphore, #tpu.memory_space<semaphore_mem>>) {add = true}
    %dma_wait3A_75 = arith.constant 122 : i32
    %dma_wait3A_76 = arith.constant 0 : i32
    %dma_wait3A_77 = tpu.memref_slice %arg11[%dma_wait3A_75, %dma_wait3A_76] : memref<125x80xi32, #tpu.memory_space<vmem>> -> memref<1x80xi32, #tpu.memory_space<vmem>>
    %dma_wait3A_78 = tpu.memref_squeeze %dma_wait3A_77 : memref<1x80xi32, #tpu.memory_space<vmem>> -> memref<80xi32, #tpu.memory_space<vmem>>
    %dma_wait3A_79 = arith.constant 0 : i32
    %dma_wait3A_80 = arith.constant 0 : i32
    %dma_wait3A_81 = tpu.memref_slice %arg16[%dma_wait3A_79, %dma_wait3A_80] : memref<10240x64xf32, #tpu.memory_space<vmem_shared>> -> memref<10240x64xf32, #tpu.memory_space<vmem_shared>>
    tpu.wait_indirect_dma semaphore(%arg23 : memref<!tpu.dma_semaphore, #tpu.memory_space<semaphore_mem>>) src(%arg14 : memref<80x64xf32, #tpu.memory_space<vmem>>) dst(%dma_wait3A_81 : memref<10240x64xf32, #tpu.memory_space<vmem_shared>>)
    %dma_wait3A_82 = arith.constant 122 : i32
    %dma_wait3A_83 = arith.constant 0 : i32
    %dma_wait3A_84 = tpu.memref_slice %arg11[%dma_wait3A_82, %dma_wait3A_83] : memref<125x80xi32, #tpu.memory_space<vmem>> -> memref<1x80xi32, #tpu.memory_space<vmem>>
    %dma_wait3A_85 = tpu.memref_squeeze %dma_wait3A_84 : memref<1x80xi32, #tpu.memory_space<vmem>> -> memref<80xi32, #tpu.memory_space<vmem>>
    %dma_wait3A_86 = arith.constant 0 : i32
    %dma_wait3A_87 = arith.constant 0 : i32
    %dma_wait3A_88 = tpu.memref_slice %arg17[%dma_wait3A_86, %dma_wait3A_87] : memref<10240x16xf32, #tpu.memory_space<vmem_shared>> -> memref<10240x16xf32, #tpu.memory_space<vmem_shared>>
    tpu.wait_indirect_dma semaphore(%arg26 : memref<!tpu.dma_semaphore, #tpu.memory_space<semaphore_mem>>) src(%arg15 : memref<80x16xf32, #tpu.memory_space<vmem>>) dst(%dma_wait3A_88 : memref<10240x16xf32, #tpu.memory_space<vmem_shared>>)
    %dma_wait3A_89 = arith.constant 123 : i32
    %dma_wait3A_90 = arith.constant 0 : i32
    %dma_wait3A_91 = tpu.memref_slice %arg11[%dma_wait3A_89, %dma_wait3A_90] : memref<125x80xi32, #tpu.memory_space<vmem>> -> memref<1x80xi32, #tpu.memory_space<vmem>>
    %dma_wait3A_92 = tpu.memref_squeeze %dma_wait3A_91 : memref<1x80xi32, #tpu.memory_space<vmem>> -> memref<80xi32, #tpu.memory_space<vmem>>
    %dma_wait3A_93 = arith.constant 0 : i32
    %dma_wait3A_94 = arith.constant 0 : i32
    %dma_wait3A_95 = tpu.memref_slice %arg16[%dma_wait3A_93, %dma_wait3A_94] : memref<10240x64xf32, #tpu.memory_space<vmem_shared>> -> memref<10240x64xf32, #tpu.memory_space<vmem_shared>>
    tpu.wait_indirect_dma semaphore(%arg21 : memref<!tpu.dma_semaphore, #tpu.memory_space<semaphore_mem>>) src(%arg12 : memref<80x64xf32, #tpu.memory_space<vmem>>) dst(%dma_wait3A_95 : memref<10240x64xf32, #tpu.memory_space<vmem_shared>>)
    %dma_wait3A_96 = arith.constant 123 : i32
    %dma_wait3A_97 = arith.constant 0 : i32
    %dma_wait3A_98 = tpu.memref_slice %arg11[%dma_wait3A_96, %dma_wait3A_97] : memref<125x80xi32, #tpu.memory_space<vmem>> -> memref<1x80xi32, #tpu.memory_space<vmem>>
    %dma_wait3A_99 = tpu.memref_squeeze %dma_wait3A_98 : memref<1x80xi32, #tpu.memory_space<vmem>> -> memref<80xi32, #tpu.memory_space<vmem>>
    %dma_wait3A_100 = arith.constant 0 : i32
    %dma_wait3A_101 = arith.constant 0 : i32
    %dma_wait3A_102 = tpu.memref_slice %arg17[%dma_wait3A_100, %dma_wait3A_101] : memref<10240x16xf32, #tpu.memory_space<vmem_shared>> -> memref<10240x16xf32, #tpu.memory_space<vmem_shared>>
    tpu.wait_indirect_dma semaphore(%arg24 : memref<!tpu.dma_semaphore, #tpu.memory_space<semaphore_mem>>) src(%arg15 : memref<80x16xf32, #tpu.memory_space<vmem>>) dst(%dma_wait3A_102 : memref<10240x16xf32, #tpu.memory_space<vmem_shared>>)
    %dma_wait3A_103 = arith.constant 124 : i32
    %dma_wait3A_104 = arith.constant 0 : i32
    %dma_wait3A_105 = tpu.memref_slice %arg11[%dma_wait3A_103, %dma_wait3A_104] : memref<125x80xi32, #tpu.memory_space<vmem>> -> memref<1x80xi32, #tpu.memory_space<vmem>>
    %dma_wait3A_106 = tpu.memref_squeeze %dma_wait3A_105 : memref<1x80xi32, #tpu.memory_space<vmem>> -> memref<80xi32, #tpu.memory_space<vmem>>
    %dma_wait3A_107 = arith.constant 0 : i32
    %dma_wait3A_108 = arith.constant 0 : i32
    %dma_wait3A_109 = tpu.memref_slice %arg16[%dma_wait3A_107, %dma_wait3A_108] : memref<10240x64xf32, #tpu.memory_space<vmem_shared>> -> memref<10240x64xf32, #tpu.memory_space<vmem_shared>>
    tpu.wait_indirect_dma semaphore(%arg22 : memref<!tpu.dma_semaphore, #tpu.memory_space<semaphore_mem>>) src(%arg13 : memref<80x64xf32, #tpu.memory_space<vmem>>) dst(%dma_wait3A_109 : memref<10240x64xf32, #tpu.memory_space<vmem_shared>>)
    %dma_wait3A_110 = arith.constant 124 : i32
    %dma_wait3A_111 = arith.constant 0 : i32
    %dma_wait3A_112 = tpu.memref_slice %arg11[%dma_wait3A_110, %dma_wait3A_111] : memref<125x80xi32, #tpu.memory_space<vmem>> -> memref<1x80xi32, #tpu.memory_space<vmem>>
    %dma_wait3A_113 = tpu.memref_squeeze %dma_wait3A_112 : memref<1x80xi32, #tpu.memory_space<vmem>> -> memref<80xi32, #tpu.memory_space<vmem>>
    %dma_wait3A_114 = arith.constant 0 : i32
    %dma_wait3A_115 = arith.constant 0 : i32
    %dma_wait3A_116 = tpu.memref_slice %arg17[%dma_wait3A_114, %dma_wait3A_115] : memref<10240x16xf32, #tpu.memory_space<vmem_shared>> -> memref<10240x16xf32, #tpu.memory_space<vmem_shared>>
    tpu.wait_indirect_dma semaphore(%arg25 : memref<!tpu.dma_semaphore, #tpu.memory_space<semaphore_mem>>) src(%arg15 : memref<80x16xf32, #tpu.memory_space<vmem>>) dst(%dma_wait3A_116 : memref<10240x16xf32, #tpu.memory_space<vmem_shared>>)
    %barrier3A_117 = arith.constant 0 : index
    tpu.barrier barrier_id(%barrier3A_117)
    "tpu.region"() ({
      %run_scoped3A = tpu.sem_alloc : memref<!tpu.dma_semaphore, #tpu.memory_space<semaphore_mem>>
      %dma_start3A_118 = arith.constant 0 : i32
      %dma_start3A_119 = arith.constant 0 : i32
      %dma_start3A_120 = tpu.memref_slice %arg8[%arg0, %dma_start3A_118, %dma_start3A_119] : memref<2x10240x64xf32, #tpu.memory_space<hbm>> -> memref<1x10240x64xf32, #tpu.memory_space<hbm>>
      %dma_start3A_121 = tpu.memref_squeeze %dma_start3A_120 : memref<1x10240x64xf32, #tpu.memory_space<hbm>> -> memref<10240x64xf32, #tpu.memory_space<hbm>>
      %dma_start3A_122 = arith.constant 0 : i32
      %dma_start3A_123 = tpu.memref_slice %dma_start3A_121[%mul3A_2, %dma_start3A_122] : memref<10240x64xf32, #tpu.memory_space<hbm>> -> memref<640x64xf32, #tpu.memory_space<hbm>>
      %dma_start3A_124 = arith.constant 0 : i32
      %dma_start3A_125 = tpu.memref_slice %arg16[%mul3A_2, %dma_start3A_124] : memref<10240x64xf32, #tpu.memory_space<vmem_shared>> -> memref<640x64xf32, #tpu.memory_space<vmem_shared>>
      tpu.enqueue_dma source(%dma_start3A_125 : memref<640x64xf32, #tpu.memory_space<vmem_shared>>) target(%dma_start3A_123 : memref<640x64xf32, #tpu.memory_space<hbm>>) target_semaphore(%run_scoped3A : memref<!tpu.dma_semaphore, #tpu.memory_space<semaphore_mem>>)
      %dma_wait3A_126 = arith.constant 0 : i32
      %dma_wait3A_127 = arith.constant 0 : i32
      %dma_wait3A_128 = tpu.memref_slice %arg8[%arg0, %dma_wait3A_126, %dma_wait3A_127] : memref<2x10240x64xf32, #tpu.memory_space<hbm>> -> memref<1x10240x64xf32, #tpu.memory_space<hbm>>
      %dma_wait3A_129 = tpu.memref_squeeze %dma_wait3A_128 : memref<1x10240x64xf32, #tpu.memory_space<hbm>> -> memref<10240x64xf32, #tpu.memory_space<hbm>>
      %dma_wait3A_130 = arith.constant 0 : i32
      %dma_wait3A_131 = tpu.memref_slice %dma_wait3A_129[%mul3A_2, %dma_wait3A_130] : memref<10240x64xf32, #tpu.memory_space<hbm>> -> memref<640x64xf32, #tpu.memory_space<hbm>>
      %dma_wait3A_132 = arith.constant 0 : i32
      %dma_wait3A_133 = tpu.memref_slice %arg16[%mul3A_2, %dma_wait3A_132] : memref<10240x64xf32, #tpu.memory_space<vmem_shared>> -> memref<640x64xf32, #tpu.memory_space<vmem_shared>>
      tpu.wait_dma2 semaphore(%run_scoped3A : memref<!tpu.dma_semaphore, #tpu.memory_space<semaphore_mem>>) src(%dma_wait3A_133 : memref<640x64xf32, #tpu.memory_space<vmem_shared>>) dst(%dma_wait3A_131 : memref<640x64xf32, #tpu.memory_space<hbm>>)
      tpu.yield
    }) : () -> ()
    "tpu.region"() ({
      %run_scoped3A = tpu.sem_alloc : memref<!tpu.dma_semaphore, #tpu.memory_space<semaphore_mem>>
      %dma_start3A_118 = arith.constant 0 : i32
      %dma_start3A_119 = arith.constant 0 : i32
      %dma_start3A_120 = tpu.memref_slice %arg9[%arg0, %dma_start3A_118, %dma_start3A_119] : memref<2x10240x16xf32, #tpu.memory_space<hbm>> -> memref<1x10240x16xf32, #tpu.memory_space<hbm>>
      %dma_start3A_121 = tpu.memref_squeeze %dma_start3A_120 : memref<1x10240x16xf32, #tpu.memory_space<hbm>> -> memref<10240x16xf32, #tpu.memory_space<hbm>>
      %dma_start3A_122 = arith.constant 0 : i32
      %dma_start3A_123 = tpu.memref_slice %dma_start3A_121[%mul3A_2, %dma_start3A_122] : memref<10240x16xf32, #tpu.memory_space<hbm>> -> memref<640x16xf32, #tpu.memory_space<hbm>>
      %dma_start3A_124 = arith.constant 0 : i32
      %dma_start3A_125 = tpu.memref_slice %arg17[%mul3A_2, %dma_start3A_124] : memref<10240x16xf32, #tpu.memory_space<vmem_shared>> -> memref<640x16xf32, #tpu.memory_space<vmem_shared>>
      tpu.enqueue_dma source(%dma_start3A_125 : memref<640x16xf32, #tpu.memory_space<vmem_shared>>) target(%dma_start3A_123 : memref<640x16xf32, #tpu.memory_space<hbm>>) target_semaphore(%run_scoped3A : memref<!tpu.dma_semaphore, #tpu.memory_space<semaphore_mem>>)
      %dma_wait3A_126 = arith.constant 0 : i32
      %dma_wait3A_127 = arith.constant 0 : i32
      %dma_wait3A_128 = tpu.memref_slice %arg9[%arg0, %dma_wait3A_126, %dma_wait3A_127] : memref<2x10240x16xf32, #tpu.memory_space<hbm>> -> memref<1x10240x16xf32, #tpu.memory_space<hbm>>
      %dma_wait3A_129 = tpu.memref_squeeze %dma_wait3A_128 : memref<1x10240x16xf32, #tpu.memory_space<hbm>> -> memref<10240x16xf32, #tpu.memory_space<hbm>>
      %dma_wait3A_130 = arith.constant 0 : i32
      %dma_wait3A_131 = tpu.memref_slice %dma_wait3A_129[%mul3A_2, %dma_wait3A_130] : memref<10240x16xf32, #tpu.memory_space<hbm>> -> memref<640x16xf32, #tpu.memory_space<hbm>>
      %dma_wait3A_132 = arith.constant 0 : i32
      %dma_wait3A_133 = tpu.memref_slice %arg17[%mul3A_2, %dma_wait3A_132] : memref<10240x16xf32, #tpu.memory_space<vmem_shared>> -> memref<640x16xf32, #tpu.memory_space<vmem_shared>>
      tpu.wait_dma2 semaphore(%run_scoped3A : memref<!tpu.dma_semaphore, #tpu.memory_space<semaphore_mem>>) src(%dma_wait3A_133 : memref<640x16xf32, #tpu.memory_space<vmem_shared>>) dst(%dma_wait3A_131 : memref<640x16xf32, #tpu.memory_space<hbm>>)
      tpu.yield
    }) : () -> ()
    return
  }
}

#map = affine_map<(d0, d1) -> (0, 0, 0)>
#map1 = affine_map<(d0, d1) -> (0, 0)>
module attributes {stable_mosaic.version = 14 : i64} {
  func.func @_seg_body(%arg0: i32, %arg1: i32, %arg2: memref<32x125x80xi32, #tpu.memory_space<hbm>>, %arg3: memref<32x125x80xi32, #tpu.memory_space<hbm>>, %arg4: memref<10000x64xf32, #tpu.memory_space<hbm>>, %arg5: memref<10240x64xf32, #tpu.memory_space<hbm>>, %arg6: memref<2x10240x64xf32, #tpu.memory_space<hbm>>, %arg7: memref<125x80xi32, #tpu.memory_space<vmem>>, %arg8: memref<125x80xi32, #tpu.memory_space<vmem>>, %arg9: memref<80x64xf32, #tpu.memory_space<vmem>>, %arg10: memref<80x64xf32, #tpu.memory_space<vmem>>, %arg11: memref<80x64xf32, #tpu.memory_space<vmem>>, %arg12: memref<10240x64xf32, #tpu.memory_space<vmem_shared>>, %arg13: memref<!tpu.dma_semaphore, #tpu.memory_space<semaphore_mem>>, %arg14: memref<!tpu.dma_semaphore, #tpu.memory_space<semaphore_mem>>, %arg15: memref<!tpu.dma_semaphore, #tpu.memory_space<semaphore_mem>>, %arg16: memref<!tpu.dma_semaphore, #tpu.memory_space<semaphore_mem>>, %arg17: memref<!tpu.dma_semaphore, #tpu.memory_space<semaphore_mem>>, %arg18: memref<!tpu.dma_semaphore, #tpu.memory_space<semaphore_mem>>) attributes {dimension_semantics = [#tpu.dimension_semantics<core_parallel>, #tpu.dimension_semantics<subcore_parallel>], iteration_bounds = array<i64: 2, 16>, scalar_prefetch = 0 : i64, scratch_operands = 12 : i64, tpu.core_type = #tpu.core_type<sc_vector_subcore>, window_params = [{transform_indices = #map}, {transform_indices = #map}, {transform_indices = #map1}, {transform_indices = #map1}, {transform_indices = #map}]} {
    %mul3A = arith.constant 2 : i32
    %mul3A_0 = arith.muli %arg1, %mul3A : i32
    %add3A = arith.addi %mul3A_0, %arg0 : i32
    %mul3A_1 = arith.constant 640 : i32
    %mul3A_2 = arith.muli %arg1, %mul3A_1 : i32
    "tpu.region"() ({
      %run_scoped3A = tpu.sem_alloc : memref<!tpu.dma_semaphore, #tpu.memory_space<semaphore_mem>>
      %dma_start3A_69 = arith.constant 0 : i32
      %dma_start3A_70 = tpu.memref_slice %arg12[%mul3A_2, %dma_start3A_69] : memref<10240x64xf32, #tpu.memory_space<vmem_shared>> -> memref<640x64xf32, #tpu.memory_space<vmem_shared>>
      %dma_start3A_71 = arith.constant 0 : i32
      %dma_start3A_72 = tpu.memref_slice %arg5[%mul3A_2, %dma_start3A_71] : memref<10240x64xf32, #tpu.memory_space<hbm>> -> memref<640x64xf32, #tpu.memory_space<hbm>>
      tpu.enqueue_dma source(%dma_start3A_72 : memref<640x64xf32, #tpu.memory_space<hbm>>) target(%dma_start3A_70 : memref<640x64xf32, #tpu.memory_space<vmem_shared>>) target_semaphore(%run_scoped3A : memref<!tpu.dma_semaphore, #tpu.memory_space<semaphore_mem>>)
      %dma_wait3A_73 = arith.constant 0 : i32
      %dma_wait3A_74 = tpu.memref_slice %arg12[%mul3A_2, %dma_wait3A_73] : memref<10240x64xf32, #tpu.memory_space<vmem_shared>> -> memref<640x64xf32, #tpu.memory_space<vmem_shared>>
      %dma_wait3A_75 = arith.constant 0 : i32
      %dma_wait3A_76 = tpu.memref_slice %arg5[%mul3A_2, %dma_wait3A_75] : memref<10240x64xf32, #tpu.memory_space<hbm>> -> memref<640x64xf32, #tpu.memory_space<hbm>>
      tpu.wait_dma2 semaphore(%run_scoped3A : memref<!tpu.dma_semaphore, #tpu.memory_space<semaphore_mem>>) src(%dma_wait3A_76 : memref<640x64xf32, #tpu.memory_space<hbm>>) dst(%dma_wait3A_74 : memref<640x64xf32, #tpu.memory_space<vmem_shared>>)
      tpu.yield
    }) : () -> ()
    "tpu.region"() ({
      %run_scoped3A = tpu.sem_alloc : memref<!tpu.dma_semaphore, #tpu.memory_space<semaphore_mem>>
      %dma_start3A_69 = arith.constant 0 : i32
      %dma_start3A_70 = arith.constant 0 : i32
      %dma_start3A_71 = tpu.memref_slice %arg2[%add3A, %dma_start3A_69, %dma_start3A_70] : memref<32x125x80xi32, #tpu.memory_space<hbm>> -> memref<1x125x80xi32, #tpu.memory_space<hbm>>
      %dma_start3A_72 = tpu.memref_squeeze %dma_start3A_71 : memref<1x125x80xi32, #tpu.memory_space<hbm>> -> memref<125x80xi32, #tpu.memory_space<hbm>>
      %dma_start3A_73 = arith.constant 0 : i32
      %dma_start3A_74 = arith.constant 0 : i32
      %dma_start3A_75 = tpu.memref_slice %arg2[%add3A, %dma_start3A_73, %dma_start3A_74] : memref<32x125x80xi32, #tpu.memory_space<hbm>> -> memref<1x125x80xi32, #tpu.memory_space<hbm>>
      %dma_start3A_76 = tpu.memref_squeeze %dma_start3A_75 : memref<1x125x80xi32, #tpu.memory_space<hbm>> -> memref<125x80xi32, #tpu.memory_space<hbm>>
      tpu.enqueue_dma source(%dma_start3A_76 : memref<125x80xi32, #tpu.memory_space<hbm>>) target(%arg7 : memref<125x80xi32, #tpu.memory_space<vmem>>) target_semaphore(%run_scoped3A : memref<!tpu.dma_semaphore, #tpu.memory_space<semaphore_mem>>)
      %dma_wait3A_77 = arith.constant 0 : i32
      %dma_wait3A_78 = arith.constant 0 : i32
      %dma_wait3A_79 = tpu.memref_slice %arg2[%add3A, %dma_wait3A_77, %dma_wait3A_78] : memref<32x125x80xi32, #tpu.memory_space<hbm>> -> memref<1x125x80xi32, #tpu.memory_space<hbm>>
      %dma_wait3A_80 = tpu.memref_squeeze %dma_wait3A_79 : memref<1x125x80xi32, #tpu.memory_space<hbm>> -> memref<125x80xi32, #tpu.memory_space<hbm>>
      %dma_wait3A_81 = arith.constant 0 : i32
      %dma_wait3A_82 = arith.constant 0 : i32
      %dma_wait3A_83 = tpu.memref_slice %arg2[%add3A, %dma_wait3A_81, %dma_wait3A_82] : memref<32x125x80xi32, #tpu.memory_space<hbm>> -> memref<1x125x80xi32, #tpu.memory_space<hbm>>
      %dma_wait3A_84 = tpu.memref_squeeze %dma_wait3A_83 : memref<1x125x80xi32, #tpu.memory_space<hbm>> -> memref<125x80xi32, #tpu.memory_space<hbm>>
      tpu.wait_dma2 semaphore(%run_scoped3A : memref<!tpu.dma_semaphore, #tpu.memory_space<semaphore_mem>>) src(%dma_wait3A_84 : memref<125x80xi32, #tpu.memory_space<hbm>>) dst(%arg7 : memref<125x80xi32, #tpu.memory_space<vmem>>)
      tpu.yield
    }) : () -> ()
    "tpu.region"() ({
      %run_scoped3A = tpu.sem_alloc : memref<!tpu.dma_semaphore, #tpu.memory_space<semaphore_mem>>
      %dma_start3A_69 = arith.constant 0 : i32
      %dma_start3A_70 = arith.constant 0 : i32
      %dma_start3A_71 = tpu.memref_slice %arg3[%add3A, %dma_start3A_69, %dma_start3A_70] : memref<32x125x80xi32, #tpu.memory_space<hbm>> -> memref<1x125x80xi32, #tpu.memory_space<hbm>>
      %dma_start3A_72 = tpu.memref_squeeze %dma_start3A_71 : memref<1x125x80xi32, #tpu.memory_space<hbm>> -> memref<125x80xi32, #tpu.memory_space<hbm>>
      %dma_start3A_73 = arith.constant 0 : i32
      %dma_start3A_74 = arith.constant 0 : i32
      %dma_start3A_75 = tpu.memref_slice %arg3[%add3A, %dma_start3A_73, %dma_start3A_74] : memref<32x125x80xi32, #tpu.memory_space<hbm>> -> memref<1x125x80xi32, #tpu.memory_space<hbm>>
      %dma_start3A_76 = tpu.memref_squeeze %dma_start3A_75 : memref<1x125x80xi32, #tpu.memory_space<hbm>> -> memref<125x80xi32, #tpu.memory_space<hbm>>
      tpu.enqueue_dma source(%dma_start3A_76 : memref<125x80xi32, #tpu.memory_space<hbm>>) target(%arg8 : memref<125x80xi32, #tpu.memory_space<vmem>>) target_semaphore(%run_scoped3A : memref<!tpu.dma_semaphore, #tpu.memory_space<semaphore_mem>>)
      %dma_wait3A_77 = arith.constant 0 : i32
      %dma_wait3A_78 = arith.constant 0 : i32
      %dma_wait3A_79 = tpu.memref_slice %arg3[%add3A, %dma_wait3A_77, %dma_wait3A_78] : memref<32x125x80xi32, #tpu.memory_space<hbm>> -> memref<1x125x80xi32, #tpu.memory_space<hbm>>
      %dma_wait3A_80 = tpu.memref_squeeze %dma_wait3A_79 : memref<1x125x80xi32, #tpu.memory_space<hbm>> -> memref<125x80xi32, #tpu.memory_space<hbm>>
      %dma_wait3A_81 = arith.constant 0 : i32
      %dma_wait3A_82 = arith.constant 0 : i32
      %dma_wait3A_83 = tpu.memref_slice %arg3[%add3A, %dma_wait3A_81, %dma_wait3A_82] : memref<32x125x80xi32, #tpu.memory_space<hbm>> -> memref<1x125x80xi32, #tpu.memory_space<hbm>>
      %dma_wait3A_84 = tpu.memref_squeeze %dma_wait3A_83 : memref<1x125x80xi32, #tpu.memory_space<hbm>> -> memref<125x80xi32, #tpu.memory_space<hbm>>
      tpu.wait_dma2 semaphore(%run_scoped3A : memref<!tpu.dma_semaphore, #tpu.memory_space<semaphore_mem>>) src(%dma_wait3A_84 : memref<125x80xi32, #tpu.memory_space<hbm>>) dst(%arg8 : memref<125x80xi32, #tpu.memory_space<vmem>>)
      tpu.yield
    }) : () -> ()
    %barrier3A = arith.constant 0 : index
    tpu.barrier barrier_id(%barrier3A)
    %dma_start3A = arith.constant 0 : i32
    %dma_start3A_3 = arith.constant 0 : i32
    %dma_start3A_4 = tpu.memref_slice %arg7[%dma_start3A, %dma_start3A_3] : memref<125x80xi32, #tpu.memory_space<vmem>> -> memref<1x80xi32, #tpu.memory_space<vmem>>
    %dma_start3A_5 = tpu.memref_squeeze %dma_start3A_4 : memref<1x80xi32, #tpu.memory_space<vmem>> -> memref<80xi32, #tpu.memory_space<vmem>>
    %dma_start3A_6 = arith.constant 0 : i32
    %dma_start3A_7 = arith.constant 0 : i32
    %dma_start3A_8 = tpu.memref_slice %arg4[%dma_start3A_6, %dma_start3A_7] : memref<10000x64xf32, #tpu.memory_space<hbm>> -> memref<10000x64xf32, #tpu.memory_space<hbm>>
    tpu.enqueue_indirect_dma source(%dma_start3A_8 : memref<10000x64xf32, #tpu.memory_space<hbm>>) target(%arg9 : memref<80x64xf32, #tpu.memory_space<vmem>>) offsets(%dma_start3A_5 : memref<80xi32, #tpu.memory_space<vmem>>) semaphore(%arg13 : memref<!tpu.dma_semaphore, #tpu.memory_space<semaphore_mem>>)
    %dma_start3A_9 = arith.constant 1 : i32
    %dma_start3A_10 = arith.constant 0 : i32
    %dma_start3A_11 = tpu.memref_slice %arg7[%dma_start3A_9, %dma_start3A_10] : memref<125x80xi32, #tpu.memory_space<vmem>> -> memref<1x80xi32, #tpu.memory_space<vmem>>
    %dma_start3A_12 = tpu.memref_squeeze %dma_start3A_11 : memref<1x80xi32, #tpu.memory_space<vmem>> -> memref<80xi32, #tpu.memory_space<vmem>>
    %dma_start3A_13 = arith.constant 0 : i32
    %dma_start3A_14 = arith.constant 0 : i32
    %dma_start3A_15 = tpu.memref_slice %arg4[%dma_start3A_13, %dma_start3A_14] : memref<10000x64xf32, #tpu.memory_space<hbm>> -> memref<10000x64xf32, #tpu.memory_space<hbm>>
    tpu.enqueue_indirect_dma source(%dma_start3A_15 : memref<10000x64xf32, #tpu.memory_space<hbm>>) target(%arg10 : memref<80x64xf32, #tpu.memory_space<vmem>>) offsets(%dma_start3A_12 : memref<80xi32, #tpu.memory_space<vmem>>) semaphore(%arg14 : memref<!tpu.dma_semaphore, #tpu.memory_space<semaphore_mem>>)
    %scan3A = arith.constant 0 : i32
    %scan3A_16 = arith.constant 41 : i32
    %scan3A_17 = arith.addi %scan3A, %scan3A_16 : i32
    %scan3A_18 = arith.constant 1 : i32
    scf.for %scan3A_69 = %scan3A to %scan3A_17 step %scan3A_18  : i32 {
      %mul3A_70 = arith.constant 3 : i32
      %mul3A_71 = arith.muli %scan3A_69, %mul3A_70 : i32
      %add3A_72 = arith.constant 0 : i32
      %add3A_73 = arith.addi %add3A_72, %mul3A_71 : i32
      %add3A_74 = arith.constant 0 : i32
      %add3A_75 = arith.addi %add3A_73, %add3A_74 : i32
      %dma_wait3A_76 = arith.constant 0 : i32
      %dma_wait3A_77 = tpu.memref_slice %arg7[%add3A_75, %dma_wait3A_76] : memref<125x80xi32, #tpu.memory_space<vmem>> -> memref<1x80xi32, #tpu.memory_space<vmem>>
      %dma_wait3A_78 = tpu.memref_squeeze %dma_wait3A_77 : memref<1x80xi32, #tpu.memory_space<vmem>> -> memref<80xi32, #tpu.memory_space<vmem>>
      %dma_wait3A_79 = arith.constant 0 : i32
      %dma_wait3A_80 = arith.constant 0 : i32
      %dma_wait3A_81 = tpu.memref_slice %arg4[%dma_wait3A_79, %dma_wait3A_80] : memref<10000x64xf32, #tpu.memory_space<hbm>> -> memref<10000x64xf32, #tpu.memory_space<hbm>>
      tpu.wait_indirect_dma semaphore(%arg13 : memref<!tpu.dma_semaphore, #tpu.memory_space<semaphore_mem>>) src(%dma_wait3A_81 : memref<10000x64xf32, #tpu.memory_space<hbm>>) dst(%arg9 : memref<80x64xf32, #tpu.memory_space<vmem>>)
      %dma_start3A_82 = arith.constant 0 : i32
      %dma_start3A_83 = tpu.memref_slice %arg8[%add3A_75, %dma_start3A_82] : memref<125x80xi32, #tpu.memory_space<vmem>> -> memref<1x80xi32, #tpu.memory_space<vmem>>
      %dma_start3A_84 = tpu.memref_squeeze %dma_start3A_83 : memref<1x80xi32, #tpu.memory_space<vmem>> -> memref<80xi32, #tpu.memory_space<vmem>>
      %dma_start3A_85 = arith.constant 0 : i32
      %dma_start3A_86 = arith.constant 0 : i32
      %dma_start3A_87 = tpu.memref_slice %arg12[%dma_start3A_85, %dma_start3A_86] : memref<10240x64xf32, #tpu.memory_space<vmem_shared>> -> memref<10240x64xf32, #tpu.memory_space<vmem_shared>>
      tpu.enqueue_indirect_dma source(%arg9 : memref<80x64xf32, #tpu.memory_space<vmem>>) target(%dma_start3A_87 : memref<10240x64xf32, #tpu.memory_space<vmem_shared>>) offsets(%dma_start3A_84 : memref<80xi32, #tpu.memory_space<vmem>>) semaphore(%arg16 : memref<!tpu.dma_semaphore, #tpu.memory_space<semaphore_mem>>) {add = true}
      %ge3A = arith.constant 1 : i32
      %ge3A_88 = arith.cmpi sge, %add3A_73, %ge3A : i32
      %convert_element_type3A = arith.extui %ge3A_88 : i1 to i32
      %cond3A = arith.constant 0 : i32
      %cond3A_89 = arith.cmpi ne, %convert_element_type3A, %cond3A : i32
      scf.if %cond3A_89 {
        %sub3A_157 = arith.constant 1 : i32
        %sub3A_158 = arith.subi %add3A_75, %sub3A_157 : i32
        %dma_wait3A_159 = arith.constant 0 : i32
        %dma_wait3A_160 = tpu.memref_slice %arg8[%sub3A_158, %dma_wait3A_159] : memref<125x80xi32, #tpu.memory_space<vmem>> -> memref<1x80xi32, #tpu.memory_space<vmem>>
        %dma_wait3A_161 = tpu.memref_squeeze %dma_wait3A_160 : memref<1x80xi32, #tpu.memory_space<vmem>> -> memref<80xi32, #tpu.memory_space<vmem>>
        %dma_wait3A_162 = arith.constant 0 : i32
        %dma_wait3A_163 = arith.constant 0 : i32
        %dma_wait3A_164 = tpu.memref_slice %arg12[%dma_wait3A_162, %dma_wait3A_163] : memref<10240x64xf32, #tpu.memory_space<vmem_shared>> -> memref<10240x64xf32, #tpu.memory_space<vmem_shared>>
        tpu.wait_indirect_dma semaphore(%arg18 : memref<!tpu.dma_semaphore, #tpu.memory_space<semaphore_mem>>) src(%arg11 : memref<80x64xf32, #tpu.memory_space<vmem>>) dst(%dma_wait3A_164 : memref<10240x64xf32, #tpu.memory_space<vmem_shared>>)
      } else {
      }
      %add3A_90 = arith.constant 2 : i32
      %add3A_91 = arith.addi %add3A_75, %add3A_90 : i32
      %dma_start3A_92 = arith.constant 0 : i32
      %dma_start3A_93 = tpu.memref_slice %arg7[%add3A_91, %dma_start3A_92] : memref<125x80xi32, #tpu.memory_space<vmem>> -> memref<1x80xi32, #tpu.memory_space<vmem>>
      %dma_start3A_94 = tpu.memref_squeeze %dma_start3A_93 : memref<1x80xi32, #tpu.memory_space<vmem>> -> memref<80xi32, #tpu.memory_space<vmem>>
      %dma_start3A_95 = arith.constant 0 : i32
      %dma_start3A_96 = arith.constant 0 : i32
      %dma_start3A_97 = tpu.memref_slice %arg4[%dma_start3A_95, %dma_start3A_96] : memref<10000x64xf32, #tpu.memory_space<hbm>> -> memref<10000x64xf32, #tpu.memory_space<hbm>>
      tpu.enqueue_indirect_dma source(%dma_start3A_97 : memref<10000x64xf32, #tpu.memory_space<hbm>>) target(%arg11 : memref<80x64xf32, #tpu.memory_space<vmem>>) offsets(%dma_start3A_94 : memref<80xi32, #tpu.memory_space<vmem>>) semaphore(%arg15 : memref<!tpu.dma_semaphore, #tpu.memory_space<semaphore_mem>>)
      %add3A_98 = arith.constant 1 : i32
      %add3A_99 = arith.addi %add3A_73, %add3A_98 : i32
      %dma_wait3A_100 = arith.constant 0 : i32
      %dma_wait3A_101 = tpu.memref_slice %arg7[%add3A_99, %dma_wait3A_100] : memref<125x80xi32, #tpu.memory_space<vmem>> -> memref<1x80xi32, #tpu.memory_space<vmem>>
      %dma_wait3A_102 = tpu.memref_squeeze %dma_wait3A_101 : memref<1x80xi32, #tpu.memory_space<vmem>> -> memref<80xi32, #tpu.memory_space<vmem>>
      %dma_wait3A_103 = arith.constant 0 : i32
      %dma_wait3A_104 = arith.constant 0 : i32
      %dma_wait3A_105 = tpu.memref_slice %arg4[%dma_wait3A_103, %dma_wait3A_104] : memref<10000x64xf32, #tpu.memory_space<hbm>> -> memref<10000x64xf32, #tpu.memory_space<hbm>>
      tpu.wait_indirect_dma semaphore(%arg14 : memref<!tpu.dma_semaphore, #tpu.memory_space<semaphore_mem>>) src(%dma_wait3A_105 : memref<10000x64xf32, #tpu.memory_space<hbm>>) dst(%arg10 : memref<80x64xf32, #tpu.memory_space<vmem>>)
      %dma_start3A_106 = arith.constant 0 : i32
      %dma_start3A_107 = tpu.memref_slice %arg8[%add3A_99, %dma_start3A_106] : memref<125x80xi32, #tpu.memory_space<vmem>> -> memref<1x80xi32, #tpu.memory_space<vmem>>
      %dma_start3A_108 = tpu.memref_squeeze %dma_start3A_107 : memref<1x80xi32, #tpu.memory_space<vmem>> -> memref<80xi32, #tpu.memory_space<vmem>>
      %dma_start3A_109 = arith.constant 0 : i32
      %dma_start3A_110 = arith.constant 0 : i32
      %dma_start3A_111 = tpu.memref_slice %arg12[%dma_start3A_109, %dma_start3A_110] : memref<10240x64xf32, #tpu.memory_space<vmem_shared>> -> memref<10240x64xf32, #tpu.memory_space<vmem_shared>>
      tpu.enqueue_indirect_dma source(%arg10 : memref<80x64xf32, #tpu.memory_space<vmem>>) target(%dma_start3A_111 : memref<10240x64xf32, #tpu.memory_space<vmem_shared>>) offsets(%dma_start3A_108 : memref<80xi32, #tpu.memory_space<vmem>>) semaphore(%arg17 : memref<!tpu.dma_semaphore, #tpu.memory_space<semaphore_mem>>) {add = true}
      %sub3A = arith.constant 1 : i32
      %sub3A_112 = arith.subi %add3A_99, %sub3A : i32
      %dma_wait3A_113 = arith.constant 0 : i32
      %dma_wait3A_114 = tpu.memref_slice %arg8[%sub3A_112, %dma_wait3A_113] : memref<125x80xi32, #tpu.memory_space<vmem>> -> memref<1x80xi32, #tpu.memory_space<vmem>>
      %dma_wait3A_115 = tpu.memref_squeeze %dma_wait3A_114 : memref<1x80xi32, #tpu.memory_space<vmem>> -> memref<80xi32, #tpu.memory_space<vmem>>
      %dma_wait3A_116 = arith.constant 0 : i32
      %dma_wait3A_117 = arith.constant 0 : i32
      %dma_wait3A_118 = tpu.memref_slice %arg12[%dma_wait3A_116, %dma_wait3A_117] : memref<10240x64xf32, #tpu.memory_space<vmem_shared>> -> memref<10240x64xf32, #tpu.memory_space<vmem_shared>>
      tpu.wait_indirect_dma semaphore(%arg16 : memref<!tpu.dma_semaphore, #tpu.memory_space<semaphore_mem>>) src(%arg9 : memref<80x64xf32, #tpu.memory_space<vmem>>) dst(%dma_wait3A_118 : memref<10240x64xf32, #tpu.memory_space<vmem_shared>>)
      %add3A_119 = arith.constant 2 : i32
      %add3A_120 = arith.addi %add3A_99, %add3A_119 : i32
      %dma_start3A_121 = arith.constant 0 : i32
      %dma_start3A_122 = tpu.memref_slice %arg7[%add3A_120, %dma_start3A_121] : memref<125x80xi32, #tpu.memory_space<vmem>> -> memref<1x80xi32, #tpu.memory_space<vmem>>
      %dma_start3A_123 = tpu.memref_squeeze %dma_start3A_122 : memref<1x80xi32, #tpu.memory_space<vmem>> -> memref<80xi32, #tpu.memory_space<vmem>>
      %dma_start3A_124 = arith.constant 0 : i32
      %dma_start3A_125 = arith.constant 0 : i32
      %dma_start3A_126 = tpu.memref_slice %arg4[%dma_start3A_124, %dma_start3A_125] : memref<10000x64xf32, #tpu.memory_space<hbm>> -> memref<10000x64xf32, #tpu.memory_space<hbm>>
      tpu.enqueue_indirect_dma source(%dma_start3A_126 : memref<10000x64xf32, #tpu.memory_space<hbm>>) target(%arg9 : memref<80x64xf32, #tpu.memory_space<vmem>>) offsets(%dma_start3A_123 : memref<80xi32, #tpu.memory_space<vmem>>) semaphore(%arg13 : memref<!tpu.dma_semaphore, #tpu.memory_space<semaphore_mem>>)
      %add3A_127 = arith.constant 2 : i32
      %add3A_128 = arith.addi %add3A_73, %add3A_127 : i32
      %dma_wait3A_129 = arith.constant 0 : i32
      %dma_wait3A_130 = tpu.memref_slice %arg7[%add3A_128, %dma_wait3A_129] : memref<125x80xi32, #tpu.memory_space<vmem>> -> memref<1x80xi32, #tpu.memory_space<vmem>>
      %dma_wait3A_131 = tpu.memref_squeeze %dma_wait3A_130 : memref<1x80xi32, #tpu.memory_space<vmem>> -> memref<80xi32, #tpu.memory_space<vmem>>
      %dma_wait3A_132 = arith.constant 0 : i32
      %dma_wait3A_133 = arith.constant 0 : i32
      %dma_wait3A_134 = tpu.memref_slice %arg4[%dma_wait3A_132, %dma_wait3A_133] : memref<10000x64xf32, #tpu.memory_space<hbm>> -> memref<10000x64xf32, #tpu.memory_space<hbm>>
      tpu.wait_indirect_dma semaphore(%arg15 : memref<!tpu.dma_semaphore, #tpu.memory_space<semaphore_mem>>) src(%dma_wait3A_134 : memref<10000x64xf32, #tpu.memory_space<hbm>>) dst(%arg11 : memref<80x64xf32, #tpu.memory_space<vmem>>)
      %dma_start3A_135 = arith.constant 0 : i32
      %dma_start3A_136 = tpu.memref_slice %arg8[%add3A_128, %dma_start3A_135] : memref<125x80xi32, #tpu.memory_space<vmem>> -> memref<1x80xi32, #tpu.memory_space<vmem>>
      %dma_start3A_137 = tpu.memref_squeeze %dma_start3A_136 : memref<1x80xi32, #tpu.memory_space<vmem>> -> memref<80xi32, #tpu.memory_space<vmem>>
      %dma_start3A_138 = arith.constant 0 : i32
      %dma_start3A_139 = arith.constant 0 : i32
      %dma_start3A_140 = tpu.memref_slice %arg12[%dma_start3A_138, %dma_start3A_139] : memref<10240x64xf32, #tpu.memory_space<vmem_shared>> -> memref<10240x64xf32, #tpu.memory_space<vmem_shared>>
      tpu.enqueue_indirect_dma source(%arg11 : memref<80x64xf32, #tpu.memory_space<vmem>>) target(%dma_start3A_140 : memref<10240x64xf32, #tpu.memory_space<vmem_shared>>) offsets(%dma_start3A_137 : memref<80xi32, #tpu.memory_space<vmem>>) semaphore(%arg18 : memref<!tpu.dma_semaphore, #tpu.memory_space<semaphore_mem>>) {add = true}
      %sub3A_141 = arith.constant 1 : i32
      %sub3A_142 = arith.subi %add3A_128, %sub3A_141 : i32
      %dma_wait3A_143 = arith.constant 0 : i32
      %dma_wait3A_144 = tpu.memref_slice %arg8[%sub3A_142, %dma_wait3A_143] : memref<125x80xi32, #tpu.memory_space<vmem>> -> memref<1x80xi32, #tpu.memory_space<vmem>>
      %dma_wait3A_145 = tpu.memref_squeeze %dma_wait3A_144 : memref<1x80xi32, #tpu.memory_space<vmem>> -> memref<80xi32, #tpu.memory_space<vmem>>
      %dma_wait3A_146 = arith.constant 0 : i32
      %dma_wait3A_147 = arith.constant 0 : i32
      %dma_wait3A_148 = tpu.memref_slice %arg12[%dma_wait3A_146, %dma_wait3A_147] : memref<10240x64xf32, #tpu.memory_space<vmem_shared>> -> memref<10240x64xf32, #tpu.memory_space<vmem_shared>>
      tpu.wait_indirect_dma semaphore(%arg17 : memref<!tpu.dma_semaphore, #tpu.memory_space<semaphore_mem>>) src(%arg10 : memref<80x64xf32, #tpu.memory_space<vmem>>) dst(%dma_wait3A_148 : memref<10240x64xf32, #tpu.memory_space<vmem_shared>>)
      %add3A_149 = arith.constant 2 : i32
      %add3A_150 = arith.addi %add3A_128, %add3A_149 : i32
      %dma_start3A_151 = arith.constant 0 : i32
      %dma_start3A_152 = tpu.memref_slice %arg7[%add3A_150, %dma_start3A_151] : memref<125x80xi32, #tpu.memory_space<vmem>> -> memref<1x80xi32, #tpu.memory_space<vmem>>
      %dma_start3A_153 = tpu.memref_squeeze %dma_start3A_152 : memref<1x80xi32, #tpu.memory_space<vmem>> -> memref<80xi32, #tpu.memory_space<vmem>>
      %dma_start3A_154 = arith.constant 0 : i32
      %dma_start3A_155 = arith.constant 0 : i32
      %dma_start3A_156 = tpu.memref_slice %arg4[%dma_start3A_154, %dma_start3A_155] : memref<10000x64xf32, #tpu.memory_space<hbm>> -> memref<10000x64xf32, #tpu.memory_space<hbm>>
      tpu.enqueue_indirect_dma source(%dma_start3A_156 : memref<10000x64xf32, #tpu.memory_space<hbm>>) target(%arg10 : memref<80x64xf32, #tpu.memory_space<vmem>>) offsets(%dma_start3A_153 : memref<80xi32, #tpu.memory_space<vmem>>) semaphore(%arg14 : memref<!tpu.dma_semaphore, #tpu.memory_space<semaphore_mem>>)
    }
    %scan3A_19 = arith.constant 41 : i32
    %dma_wait3A = arith.constant 123 : i32
    %dma_wait3A_20 = arith.constant 0 : i32
    %dma_wait3A_21 = tpu.memref_slice %arg7[%dma_wait3A, %dma_wait3A_20] : memref<125x80xi32, #tpu.memory_space<vmem>> -> memref<1x80xi32, #tpu.memory_space<vmem>>
    %dma_wait3A_22 = tpu.memref_squeeze %dma_wait3A_21 : memref<1x80xi32, #tpu.memory_space<vmem>> -> memref<80xi32, #tpu.memory_space<vmem>>
    %dma_wait3A_23 = arith.constant 0 : i32
    %dma_wait3A_24 = arith.constant 0 : i32
    %dma_wait3A_25 = tpu.memref_slice %arg4[%dma_wait3A_23, %dma_wait3A_24] : memref<10000x64xf32, #tpu.memory_space<hbm>> -> memref<10000x64xf32, #tpu.memory_space<hbm>>
    tpu.wait_indirect_dma semaphore(%arg13 : memref<!tpu.dma_semaphore, #tpu.memory_space<semaphore_mem>>) src(%dma_wait3A_25 : memref<10000x64xf32, #tpu.memory_space<hbm>>) dst(%arg9 : memref<80x64xf32, #tpu.memory_space<vmem>>)
    %dma_start3A_26 = arith.constant 123 : i32
    %dma_start3A_27 = arith.constant 0 : i32
    %dma_start3A_28 = tpu.memref_slice %arg8[%dma_start3A_26, %dma_start3A_27] : memref<125x80xi32, #tpu.memory_space<vmem>> -> memref<1x80xi32, #tpu.memory_space<vmem>>
    %dma_start3A_29 = tpu.memref_squeeze %dma_start3A_28 : memref<1x80xi32, #tpu.memory_space<vmem>> -> memref<80xi32, #tpu.memory_space<vmem>>
    %dma_start3A_30 = arith.constant 0 : i32
    %dma_start3A_31 = arith.constant 0 : i32
    %dma_start3A_32 = tpu.memref_slice %arg12[%dma_start3A_30, %dma_start3A_31] : memref<10240x64xf32, #tpu.memory_space<vmem_shared>> -> memref<10240x64xf32, #tpu.memory_space<vmem_shared>>
    tpu.enqueue_indirect_dma source(%arg9 : memref<80x64xf32, #tpu.memory_space<vmem>>) target(%dma_start3A_32 : memref<10240x64xf32, #tpu.memory_space<vmem_shared>>) offsets(%dma_start3A_29 : memref<80xi32, #tpu.memory_space<vmem>>) semaphore(%arg16 : memref<!tpu.dma_semaphore, #tpu.memory_space<semaphore_mem>>) {add = true}
    %dma_wait3A_33 = arith.constant 124 : i32
    %dma_wait3A_34 = arith.constant 0 : i32
    %dma_wait3A_35 = tpu.memref_slice %arg7[%dma_wait3A_33, %dma_wait3A_34] : memref<125x80xi32, #tpu.memory_space<vmem>> -> memref<1x80xi32, #tpu.memory_space<vmem>>
    %dma_wait3A_36 = tpu.memref_squeeze %dma_wait3A_35 : memref<1x80xi32, #tpu.memory_space<vmem>> -> memref<80xi32, #tpu.memory_space<vmem>>
    %dma_wait3A_37 = arith.constant 0 : i32
    %dma_wait3A_38 = arith.constant 0 : i32
    %dma_wait3A_39 = tpu.memref_slice %arg4[%dma_wait3A_37, %dma_wait3A_38] : memref<10000x64xf32, #tpu.memory_space<hbm>> -> memref<10000x64xf32, #tpu.memory_space<hbm>>
    tpu.wait_indirect_dma semaphore(%arg14 : memref<!tpu.dma_semaphore, #tpu.memory_space<semaphore_mem>>) src(%dma_wait3A_39 : memref<10000x64xf32, #tpu.memory_space<hbm>>) dst(%arg10 : memref<80x64xf32, #tpu.memory_space<vmem>>)
    %dma_start3A_40 = arith.constant 124 : i32
    %dma_start3A_41 = arith.constant 0 : i32
    %dma_start3A_42 = tpu.memref_slice %arg8[%dma_start3A_40, %dma_start3A_41] : memref<125x80xi32, #tpu.memory_space<vmem>> -> memref<1x80xi32, #tpu.memory_space<vmem>>
    %dma_start3A_43 = tpu.memref_squeeze %dma_start3A_42 : memref<1x80xi32, #tpu.memory_space<vmem>> -> memref<80xi32, #tpu.memory_space<vmem>>
    %dma_start3A_44 = arith.constant 0 : i32
    %dma_start3A_45 = arith.constant 0 : i32
    %dma_start3A_46 = tpu.memref_slice %arg12[%dma_start3A_44, %dma_start3A_45] : memref<10240x64xf32, #tpu.memory_space<vmem_shared>> -> memref<10240x64xf32, #tpu.memory_space<vmem_shared>>
    tpu.enqueue_indirect_dma source(%arg10 : memref<80x64xf32, #tpu.memory_space<vmem>>) target(%dma_start3A_46 : memref<10240x64xf32, #tpu.memory_space<vmem_shared>>) offsets(%dma_start3A_43 : memref<80xi32, #tpu.memory_space<vmem>>) semaphore(%arg17 : memref<!tpu.dma_semaphore, #tpu.memory_space<semaphore_mem>>) {add = true}
    %dma_wait3A_47 = arith.constant 122 : i32
    %dma_wait3A_48 = arith.constant 0 : i32
    %dma_wait3A_49 = tpu.memref_slice %arg8[%dma_wait3A_47, %dma_wait3A_48] : memref<125x80xi32, #tpu.memory_space<vmem>> -> memref<1x80xi32, #tpu.memory_space<vmem>>
    %dma_wait3A_50 = tpu.memref_squeeze %dma_wait3A_49 : memref<1x80xi32, #tpu.memory_space<vmem>> -> memref<80xi32, #tpu.memory_space<vmem>>
    %dma_wait3A_51 = arith.constant 0 : i32
    %dma_wait3A_52 = arith.constant 0 : i32
    %dma_wait3A_53 = tpu.memref_slice %arg12[%dma_wait3A_51, %dma_wait3A_52] : memref<10240x64xf32, #tpu.memory_space<vmem_shared>> -> memref<10240x64xf32, #tpu.memory_space<vmem_shared>>
    tpu.wait_indirect_dma semaphore(%arg18 : memref<!tpu.dma_semaphore, #tpu.memory_space<semaphore_mem>>) src(%arg11 : memref<80x64xf32, #tpu.memory_space<vmem>>) dst(%dma_wait3A_53 : memref<10240x64xf32, #tpu.memory_space<vmem_shared>>)
    %dma_wait3A_54 = arith.constant 123 : i32
    %dma_wait3A_55 = arith.constant 0 : i32
    %dma_wait3A_56 = tpu.memref_slice %arg8[%dma_wait3A_54, %dma_wait3A_55] : memref<125x80xi32, #tpu.memory_space<vmem>> -> memref<1x80xi32, #tpu.memory_space<vmem>>
    %dma_wait3A_57 = tpu.memref_squeeze %dma_wait3A_56 : memref<1x80xi32, #tpu.memory_space<vmem>> -> memref<80xi32, #tpu.memory_space<vmem>>
    %dma_wait3A_58 = arith.constant 0 : i32
    %dma_wait3A_59 = arith.constant 0 : i32
    %dma_wait3A_60 = tpu.memref_slice %arg12[%dma_wait3A_58, %dma_wait3A_59] : memref<10240x64xf32, #tpu.memory_space<vmem_shared>> -> memref<10240x64xf32, #tpu.memory_space<vmem_shared>>
    tpu.wait_indirect_dma semaphore(%arg16 : memref<!tpu.dma_semaphore, #tpu.memory_space<semaphore_mem>>) src(%arg9 : memref<80x64xf32, #tpu.memory_space<vmem>>) dst(%dma_wait3A_60 : memref<10240x64xf32, #tpu.memory_space<vmem_shared>>)
    %dma_wait3A_61 = arith.constant 124 : i32
    %dma_wait3A_62 = arith.constant 0 : i32
    %dma_wait3A_63 = tpu.memref_slice %arg8[%dma_wait3A_61, %dma_wait3A_62] : memref<125x80xi32, #tpu.memory_space<vmem>> -> memref<1x80xi32, #tpu.memory_space<vmem>>
    %dma_wait3A_64 = tpu.memref_squeeze %dma_wait3A_63 : memref<1x80xi32, #tpu.memory_space<vmem>> -> memref<80xi32, #tpu.memory_space<vmem>>
    %dma_wait3A_65 = arith.constant 0 : i32
    %dma_wait3A_66 = arith.constant 0 : i32
    %dma_wait3A_67 = tpu.memref_slice %arg12[%dma_wait3A_65, %dma_wait3A_66] : memref<10240x64xf32, #tpu.memory_space<vmem_shared>> -> memref<10240x64xf32, #tpu.memory_space<vmem_shared>>
    tpu.wait_indirect_dma semaphore(%arg17 : memref<!tpu.dma_semaphore, #tpu.memory_space<semaphore_mem>>) src(%arg10 : memref<80x64xf32, #tpu.memory_space<vmem>>) dst(%dma_wait3A_67 : memref<10240x64xf32, #tpu.memory_space<vmem_shared>>)
    %barrier3A_68 = arith.constant 0 : index
    tpu.barrier barrier_id(%barrier3A_68)
    "tpu.region"() ({
      %run_scoped3A = tpu.sem_alloc : memref<!tpu.dma_semaphore, #tpu.memory_space<semaphore_mem>>
      %dma_start3A_69 = arith.constant 0 : i32
      %dma_start3A_70 = arith.constant 0 : i32
      %dma_start3A_71 = tpu.memref_slice %arg6[%arg0, %dma_start3A_69, %dma_start3A_70] : memref<2x10240x64xf32, #tpu.memory_space<hbm>> -> memref<1x10240x64xf32, #tpu.memory_space<hbm>>
      %dma_start3A_72 = tpu.memref_squeeze %dma_start3A_71 : memref<1x10240x64xf32, #tpu.memory_space<hbm>> -> memref<10240x64xf32, #tpu.memory_space<hbm>>
      %dma_start3A_73 = arith.constant 0 : i32
      %dma_start3A_74 = tpu.memref_slice %dma_start3A_72[%mul3A_2, %dma_start3A_73] : memref<10240x64xf32, #tpu.memory_space<hbm>> -> memref<640x64xf32, #tpu.memory_space<hbm>>
      %dma_start3A_75 = arith.constant 0 : i32
      %dma_start3A_76 = tpu.memref_slice %arg12[%mul3A_2, %dma_start3A_75] : memref<10240x64xf32, #tpu.memory_space<vmem_shared>> -> memref<640x64xf32, #tpu.memory_space<vmem_shared>>
      tpu.enqueue_dma source(%dma_start3A_76 : memref<640x64xf32, #tpu.memory_space<vmem_shared>>) target(%dma_start3A_74 : memref<640x64xf32, #tpu.memory_space<hbm>>) target_semaphore(%run_scoped3A : memref<!tpu.dma_semaphore, #tpu.memory_space<semaphore_mem>>)
      %dma_wait3A_77 = arith.constant 0 : i32
      %dma_wait3A_78 = arith.constant 0 : i32
      %dma_wait3A_79 = tpu.memref_slice %arg6[%arg0, %dma_wait3A_77, %dma_wait3A_78] : memref<2x10240x64xf32, #tpu.memory_space<hbm>> -> memref<1x10240x64xf32, #tpu.memory_space<hbm>>
      %dma_wait3A_80 = tpu.memref_squeeze %dma_wait3A_79 : memref<1x10240x64xf32, #tpu.memory_space<hbm>> -> memref<10240x64xf32, #tpu.memory_space<hbm>>
      %dma_wait3A_81 = arith.constant 0 : i32
      %dma_wait3A_82 = tpu.memref_slice %dma_wait3A_80[%mul3A_2, %dma_wait3A_81] : memref<10240x64xf32, #tpu.memory_space<hbm>> -> memref<640x64xf32, #tpu.memory_space<hbm>>
      %dma_wait3A_83 = arith.constant 0 : i32
      %dma_wait3A_84 = tpu.memref_slice %arg12[%mul3A_2, %dma_wait3A_83] : memref<10240x64xf32, #tpu.memory_space<vmem_shared>> -> memref<640x64xf32, #tpu.memory_space<vmem_shared>>
      tpu.wait_dma2 semaphore(%run_scoped3A : memref<!tpu.dma_semaphore, #tpu.memory_space<semaphore_mem>>) src(%dma_wait3A_84 : memref<640x64xf32, #tpu.memory_space<vmem_shared>>) dst(%dma_wait3A_82 : memref<640x64xf32, #tpu.memory_space<hbm>>)
      tpu.yield
    }) : () -> ()
    return
  }
}

#map = affine_map<(d0, d1) -> (0, 0, 0)>
#map1 = affine_map<(d0, d1) -> (0, 0)>
#map2 = affine_map<(d0, d1) -> (0)>
module attributes {stable_mosaic.version = 14 : i64} {
  func.func @_score_body(%arg0: i32, %arg1: i32, %arg2: memref<32x125x80xi32, #tpu.memory_space<hbm>>, %arg3: memref<32x125x80xi32, #tpu.memory_space<hbm>>, %arg4: memref<10000x64xf32, #tpu.memory_space<hbm>>, %arg5: memref<10000x64xf32, #tpu.memory_space<hbm>>, %arg6: memref<64xf32, #tpu.memory_space<hbm>>, %arg7: memref<40000x128xf32, #tpu.memory_space<hbm>>, %arg8: memref<125x80xi32, #tpu.memory_space<vmem>>, %arg9: memref<125x80xi32, #tpu.memory_space<vmem>>, %arg10: memref<80x64xf32, #tpu.memory_space<vmem>>, %arg11: memref<80x64xf32, #tpu.memory_space<vmem>>, %arg12: memref<80x64xf32, #tpu.memory_space<vmem>>, %arg13: memref<80x64xf32, #tpu.memory_space<vmem>>, %arg14: memref<10x128xf32, #tpu.memory_space<vmem>>, %arg15: memref<10x128xf32, #tpu.memory_space<vmem>>, %arg16: memref<64xf32, #tpu.memory_space<vmem>>, %arg17: memref<!tpu.dma_semaphore, #tpu.memory_space<semaphore_mem>>, %arg18: memref<!tpu.dma_semaphore, #tpu.memory_space<semaphore_mem>>, %arg19: memref<!tpu.dma_semaphore, #tpu.memory_space<semaphore_mem>>, %arg20: memref<!tpu.dma_semaphore, #tpu.memory_space<semaphore_mem>>, %arg21: memref<!tpu.dma_semaphore, #tpu.memory_space<semaphore_mem>>, %arg22: memref<!tpu.dma_semaphore, #tpu.memory_space<semaphore_mem>>) attributes {dimension_semantics = [#tpu.dimension_semantics<core_parallel>, #tpu.dimension_semantics<subcore_parallel>], iteration_bounds = array<i64: 2, 16>, scalar_prefetch = 0 : i64, scratch_operands = 15 : i64, tpu.core_type = #tpu.core_type<sc_vector_subcore>, window_params = [{transform_indices = #map}, {transform_indices = #map}, {transform_indices = #map1}, {transform_indices = #map1}, {transform_indices = #map2}, {transform_indices = #map1}]} {
    %mul3A = arith.constant 2 : i32
    %mul3A_0 = arith.muli %arg1, %mul3A : i32
    %add3A = arith.addi %mul3A_0, %arg0 : i32
    %mul3A_1 = arith.constant 1250 : i32
    %mul3A_2 = arith.muli %add3A, %mul3A_1 : i32
    "tpu.region"() ({
      %run_scoped3A = tpu.sem_alloc : memref<!tpu.dma_semaphore, #tpu.memory_space<semaphore_mem>>
      %dma_start3A_88 = arith.constant 0 : i32
      %dma_start3A_89 = arith.constant 0 : i32
      %dma_start3A_90 = tpu.memref_slice %arg2[%add3A, %dma_start3A_88, %dma_start3A_89] : memref<32x125x80xi32, #tpu.memory_space<hbm>> -> memref<1x125x80xi32, #tpu.memory_space<hbm>>
      %dma_start3A_91 = tpu.memref_squeeze %dma_start3A_90 : memref<1x125x80xi32, #tpu.memory_space<hbm>> -> memref<125x80xi32, #tpu.memory_space<hbm>>
      %dma_start3A_92 = arith.constant 0 : i32
      %dma_start3A_93 = arith.constant 0 : i32
      %dma_start3A_94 = tpu.memref_slice %arg2[%add3A, %dma_start3A_92, %dma_start3A_93] : memref<32x125x80xi32, #tpu.memory_space<hbm>> -> memref<1x125x80xi32, #tpu.memory_space<hbm>>
      %dma_start3A_95 = tpu.memref_squeeze %dma_start3A_94 : memref<1x125x80xi32, #tpu.memory_space<hbm>> -> memref<125x80xi32, #tpu.memory_space<hbm>>
      tpu.enqueue_dma source(%dma_start3A_95 : memref<125x80xi32, #tpu.memory_space<hbm>>) target(%arg8 : memref<125x80xi32, #tpu.memory_space<vmem>>) target_semaphore(%run_scoped3A : memref<!tpu.dma_semaphore, #tpu.memory_space<semaphore_mem>>)
      %dma_wait3A_96 = arith.constant 0 : i32
      %dma_wait3A_97 = arith.constant 0 : i32
      %dma_wait3A_98 = tpu.memref_slice %arg2[%add3A, %dma_wait3A_96, %dma_wait3A_97] : memref<32x125x80xi32, #tpu.memory_space<hbm>> -> memref<1x125x80xi32, #tpu.memory_space<hbm>>
      %dma_wait3A_99 = tpu.memref_squeeze %dma_wait3A_98 : memref<1x125x80xi32, #tpu.memory_space<hbm>> -> memref<125x80xi32, #tpu.memory_space<hbm>>
      %dma_wait3A_100 = arith.constant 0 : i32
      %dma_wait3A_101 = arith.constant 0 : i32
      %dma_wait3A_102 = tpu.memref_slice %arg2[%add3A, %dma_wait3A_100, %dma_wait3A_101] : memref<32x125x80xi32, #tpu.memory_space<hbm>> -> memref<1x125x80xi32, #tpu.memory_space<hbm>>
      %dma_wait3A_103 = tpu.memref_squeeze %dma_wait3A_102 : memref<1x125x80xi32, #tpu.memory_space<hbm>> -> memref<125x80xi32, #tpu.memory_space<hbm>>
      tpu.wait_dma2 semaphore(%run_scoped3A : memref<!tpu.dma_semaphore, #tpu.memory_space<semaphore_mem>>) src(%dma_wait3A_103 : memref<125x80xi32, #tpu.memory_space<hbm>>) dst(%arg8 : memref<125x80xi32, #tpu.memory_space<vmem>>)
      tpu.yield
    }) : () -> ()
    "tpu.region"() ({
      %run_scoped3A = tpu.sem_alloc : memref<!tpu.dma_semaphore, #tpu.memory_space<semaphore_mem>>
      %dma_start3A_88 = arith.constant 0 : i32
      %dma_start3A_89 = arith.constant 0 : i32
      %dma_start3A_90 = tpu.memref_slice %arg3[%add3A, %dma_start3A_88, %dma_start3A_89] : memref<32x125x80xi32, #tpu.memory_space<hbm>> -> memref<1x125x80xi32, #tpu.memory_space<hbm>>
      %dma_start3A_91 = tpu.memref_squeeze %dma_start3A_90 : memref<1x125x80xi32, #tpu.memory_space<hbm>> -> memref<125x80xi32, #tpu.memory_space<hbm>>
      %dma_start3A_92 = arith.constant 0 : i32
      %dma_start3A_93 = arith.constant 0 : i32
      %dma_start3A_94 = tpu.memref_slice %arg3[%add3A, %dma_start3A_92, %dma_start3A_93] : memref<32x125x80xi32, #tpu.memory_space<hbm>> -> memref<1x125x80xi32, #tpu.memory_space<hbm>>
      %dma_start3A_95 = tpu.memref_squeeze %dma_start3A_94 : memref<1x125x80xi32, #tpu.memory_space<hbm>> -> memref<125x80xi32, #tpu.memory_space<hbm>>
      tpu.enqueue_dma source(%dma_start3A_95 : memref<125x80xi32, #tpu.memory_space<hbm>>) target(%arg9 : memref<125x80xi32, #tpu.memory_space<vmem>>) target_semaphore(%run_scoped3A : memref<!tpu.dma_semaphore, #tpu.memory_space<semaphore_mem>>)
      %dma_wait3A_96 = arith.constant 0 : i32
      %dma_wait3A_97 = arith.constant 0 : i32
      %dma_wait3A_98 = tpu.memref_slice %arg3[%add3A, %dma_wait3A_96, %dma_wait3A_97] : memref<32x125x80xi32, #tpu.memory_space<hbm>> -> memref<1x125x80xi32, #tpu.memory_space<hbm>>
      %dma_wait3A_99 = tpu.memref_squeeze %dma_wait3A_98 : memref<1x125x80xi32, #tpu.memory_space<hbm>> -> memref<125x80xi32, #tpu.memory_space<hbm>>
      %dma_wait3A_100 = arith.constant 0 : i32
      %dma_wait3A_101 = arith.constant 0 : i32
      %dma_wait3A_102 = tpu.memref_slice %arg3[%add3A, %dma_wait3A_100, %dma_wait3A_101] : memref<32x125x80xi32, #tpu.memory_space<hbm>> -> memref<1x125x80xi32, #tpu.memory_space<hbm>>
      %dma_wait3A_103 = tpu.memref_squeeze %dma_wait3A_102 : memref<1x125x80xi32, #tpu.memory_space<hbm>> -> memref<125x80xi32, #tpu.memory_space<hbm>>
      tpu.wait_dma2 semaphore(%run_scoped3A : memref<!tpu.dma_semaphore, #tpu.memory_space<semaphore_mem>>) src(%dma_wait3A_103 : memref<125x80xi32, #tpu.memory_space<hbm>>) dst(%arg9 : memref<125x80xi32, #tpu.memory_space<vmem>>)
      tpu.yield
    }) : () -> ()
    "tpu.region"() ({
      %run_scoped3A = tpu.sem_alloc : memref<!tpu.dma_semaphore, #tpu.memory_space<semaphore_mem>>
      tpu.enqueue_dma source(%arg6 : memref<64xf32, #tpu.memory_space<hbm>>) target(%arg16 : memref<64xf32, #tpu.memory_space<vmem>>) target_semaphore(%run_scoped3A : memref<!tpu.dma_semaphore, #tpu.memory_space<semaphore_mem>>)
      tpu.wait_dma2 semaphore(%run_scoped3A : memref<!tpu.dma_semaphore, #tpu.memory_space<semaphore_mem>>) src(%arg6 : memref<64xf32, #tpu.memory_space<hbm>>) dst(%arg16 : memref<64xf32, #tpu.memory_space<vmem>>)
      tpu.yield
    }) : () -> ()
    %get3A = arith.constant 0 : index
    %get3A_3 = tpu.vector_load %arg16[%get3A] {strides = array<i32>} : memref<64xf32, #tpu.memory_space<vmem>>, vector<16xf32>,
    %get3A_4 = vector.shape_cast %get3A_3 : vector<16xf32> to vector<16xf32>
    %get3A_5 = arith.constant 16 : index
    %get3A_6 = tpu.vector_load %arg16[%get3A_5] {strides = array<i32>} : memref<64xf32, #tpu.memory_space<vmem>>, vector<16xf32>,
    %get3A_7 = vector.shape_cast %get3A_6 : vector<16xf32> to vector<16xf32>
    %get3A_8 = arith.constant 32 : index
    %get3A_9 = tpu.vector_load %arg16[%get3A_8] {strides = array<i32>} : memref<64xf32, #tpu.memory_space<vmem>>, vector<16xf32>,
    %get3A_10 = vector.shape_cast %get3A_9 : vector<16xf32> to vector<16xf32>
    %get3A_11 = arith.constant 48 : index
    %get3A_12 = tpu.vector_load %arg16[%get3A_11] {strides = array<i32>} : memref<64xf32, #tpu.memory_space<vmem>>, vector<16xf32>,
    %get3A_13 = vector.shape_cast %get3A_12 : vector<16xf32> to vector<16xf32>
    %dma_start3A = arith.constant 0 : i32
    %dma_start3A_14 = arith.constant 0 : i32
    %dma_start3A_15 = tpu.memref_slice %arg8[%dma_start3A, %dma_start3A_14] : memref<125x80xi32, #tpu.memory_space<vmem>> -> memref<1x80xi32, #tpu.memory_space<vmem>>
    %dma_start3A_16 = tpu.memref_squeeze %dma_start3A_15 : memref<1x80xi32, #tpu.memory_space<vmem>> -> memref<80xi32, #tpu.memory_space<vmem>>
    %dma_start3A_17 = arith.constant 0 : i32
    %dma_start3A_18 = arith.constant 0 : i32
    %dma_start3A_19 = tpu.memref_slice %arg4[%dma_start3A_17, %dma_start3A_18] : memref<10000x64xf32, #tpu.memory_space<hbm>> -> memref<10000x64xf32, #tpu.memory_space<hbm>>
    tpu.enqueue_indirect_dma source(%dma_start3A_19 : memref<10000x64xf32, #tpu.memory_space<hbm>>) target(%arg10 : memref<80x64xf32, #tpu.memory_space<vmem>>) offsets(%dma_start3A_16 : memref<80xi32, #tpu.memory_space<vmem>>) semaphore(%arg17 : memref<!tpu.dma_semaphore, #tpu.memory_space<semaphore_mem>>)
    %dma_start3A_20 = arith.constant 0 : i32
    %dma_start3A_21 = arith.constant 0 : i32
    %dma_start3A_22 = tpu.memref_slice %arg9[%dma_start3A_20, %dma_start3A_21] : memref<125x80xi32, #tpu.memory_space<vmem>> -> memref<1x80xi32, #tpu.memory_space<vmem>>
    %dma_start3A_23 = tpu.memref_squeeze %dma_start3A_22 : memref<1x80xi32, #tpu.memory_space<vmem>> -> memref<80xi32, #tpu.memory_space<vmem>>
    %dma_start3A_24 = arith.constant 0 : i32
    %dma_start3A_25 = arith.constant 0 : i32
    %dma_start3A_26 = tpu.memref_slice %arg5[%dma_start3A_24, %dma_start3A_25] : memref<10000x64xf32, #tpu.memory_space<hbm>> -> memref<10000x64xf32, #tpu.memory_space<hbm>>
    tpu.enqueue_indirect_dma source(%dma_start3A_26 : memref<10000x64xf32, #tpu.memory_space<hbm>>) target(%arg12 : memref<80x64xf32, #tpu.memory_space<vmem>>) offsets(%dma_start3A_23 : memref<80xi32, #tpu.memory_space<vmem>>) semaphore(%arg19 : memref<!tpu.dma_semaphore, #tpu.memory_space<semaphore_mem>>)
    %dma_start3A_27 = arith.constant 1 : i32
    %dma_start3A_28 = arith.constant 0 : i32
    %dma_start3A_29 = tpu.memref_slice %arg8[%dma_start3A_27, %dma_start3A_28] : memref<125x80xi32, #tpu.memory_space<vmem>> -> memref<1x80xi32, #tpu.memory_space<vmem>>
    %dma_start3A_30 = tpu.memref_squeeze %dma_start3A_29 : memref<1x80xi32, #tpu.memory_space<vmem>> -> memref<80xi32, #tpu.memory_space<vmem>>
    %dma_start3A_31 = arith.constant 0 : i32
    %dma_start3A_32 = arith.constant 0 : i32
    %dma_start3A_33 = tpu.memref_slice %arg4[%dma_start3A_31, %dma_start3A_32] : memref<10000x64xf32, #tpu.memory_space<hbm>> -> memref<10000x64xf32, #tpu.memory_space<hbm>>
    tpu.enqueue_indirect_dma source(%dma_start3A_33 : memref<10000x64xf32, #tpu.memory_space<hbm>>) target(%arg11 : memref<80x64xf32, #tpu.memory_space<vmem>>) offsets(%dma_start3A_30 : memref<80xi32, #tpu.memory_space<vmem>>) semaphore(%arg18 : memref<!tpu.dma_semaphore, #tpu.memory_space<semaphore_mem>>)
    %dma_start3A_34 = arith.constant 1 : i32
    %dma_start3A_35 = arith.constant 0 : i32
    %dma_start3A_36 = tpu.memref_slice %arg9[%dma_start3A_34, %dma_start3A_35] : memref<125x80xi32, #tpu.memory_space<vmem>> -> memref<1x80xi32, #tpu.memory_space<vmem>>
    %dma_start3A_37 = tpu.memref_squeeze %dma_start3A_36 : memref<1x80xi32, #tpu.memory_space<vmem>> -> memref<80xi32, #tpu.memory_space<vmem>>
    %dma_start3A_38 = arith.constant 0 : i32
    %dma_start3A_39 = arith.constant 0 : i32
    %dma_start3A_40 = tpu.memref_slice %arg5[%dma_start3A_38, %dma_start3A_39] : memref<10000x64xf32, #tpu.memory_space<hbm>> -> memref<10000x64xf32, #tpu.memory_space<hbm>>
    tpu.enqueue_indirect_dma source(%dma_start3A_40 : memref<10000x64xf32, #tpu.memory_space<hbm>>) target(%arg13 : memref<80x64xf32, #tpu.memory_space<vmem>>) offsets(%dma_start3A_37 : memref<80xi32, #tpu.memory_space<vmem>>) semaphore(%arg20 : memref<!tpu.dma_semaphore, #tpu.memory_space<semaphore_mem>>)
    %scan3A = arith.constant 0 : i32
    %scan3A_41 = arith.constant 62 : i32
    %scan3A_42 = arith.addi %scan3A, %scan3A_41 : i32
    %scan3A_43 = arith.constant 1 : i32
    scf.for %scan3A_88 = %scan3A to %scan3A_42 step %scan3A_43  : i32 {
      %mul3A_89 = arith.constant 2 : i32
      %mul3A_90 = arith.muli %scan3A_88, %mul3A_89 : i32
      %add3A_91 = arith.constant 0 : i32
      %add3A_92 = arith.addi %add3A_91, %mul3A_90 : i32
      %add3A_93 = arith.constant 0 : i32
      %add3A_94 = arith.addi %add3A_92, %add3A_93 : i32
      %ge3A = arith.constant 2 : i32
      %ge3A_95 = arith.cmpi sge, %add3A_92, %ge3A : i32
      %convert_element_type3A = arith.extui %ge3A_95 : i1 to i32
      %cond3A = arith.constant 0 : i32
      %cond3A_96 = arith.cmpi ne, %convert_element_type3A, %cond3A : i32
      scf.if %cond3A_96 {
        %sub3A = arith.constant 2 : i32
        %sub3A_174 = arith.subi %add3A_94, %sub3A : i32
        %mul3A_175 = arith.constant 10 : i32
        %mul3A_176 = arith.muli %sub3A_174, %mul3A_175 : i32
        %add3A_177 = arith.addi %mul3A_2, %mul3A_176 : i32
        %dma_wait3A_178 = arith.constant 0 : i32
        %dma_wait3A_179 = tpu.memref_slice %arg7[%add3A_177, %dma_wait3A_178] : memref<40000x128xf32, #tpu.memory_space<hbm>> -> memref<10x128xf32, #tpu.memory_space<hbm>>
        %dma_wait3A_180 = arith.constant 0 : i32
        %dma_wait3A_181 = tpu.memref_slice %arg7[%add3A_177, %dma_wait3A_180] : memref<40000x128xf32, #tpu.memory_space<hbm>> -> memref<10x128xf32, #tpu.memory_space<hbm>>
        tpu.wait_dma2 semaphore(%arg21 : memref<!tpu.dma_semaphore, #tpu.memory_space<semaphore_mem>>) src(%arg14 : memref<10x128xf32, #tpu.memory_space<vmem>>) dst(%dma_wait3A_181 : memref<10x128xf32, #tpu.memory_space<hbm>>)
      } else {
      }
      %dma_wait3A_97 = arith.constant 0 : i32
      %dma_wait3A_98 = tpu.memref_slice %arg8[%add3A_94, %dma_wait3A_97] : memref<125x80xi32, #tpu.memory_space<vmem>> -> memref<1x80xi32, #tpu.memory_space<vmem>>
      %dma_wait3A_99 = tpu.memref_squeeze %dma_wait3A_98 : memref<1x80xi32, #tpu.memory_space<vmem>> -> memref<80xi32, #tpu.memory_space<vmem>>
      %dma_wait3A_100 = arith.constant 0 : i32
      %dma_wait3A_101 = arith.constant 0 : i32
      %dma_wait3A_102 = tpu.memref_slice %arg4[%dma_wait3A_100, %dma_wait3A_101] : memref<10000x64xf32, #tpu.memory_space<hbm>> -> memref<10000x64xf32, #tpu.memory_space<hbm>>
      tpu.wait_indirect_dma semaphore(%arg17 : memref<!tpu.dma_semaphore, #tpu.memory_space<semaphore_mem>>) src(%dma_wait3A_102 : memref<10000x64xf32, #tpu.memory_space<hbm>>) dst(%arg10 : memref<80x64xf32, #tpu.memory_space<vmem>>)
      %dma_wait3A_103 = arith.constant 0 : i32
      %dma_wait3A_104 = tpu.memref_slice %arg9[%add3A_94, %dma_wait3A_103] : memref<125x80xi32, #tpu.memory_space<vmem>> -> memref<1x80xi32, #tpu.memory_space<vmem>>
      %dma_wait3A_105 = tpu.memref_squeeze %dma_wait3A_104 : memref<1x80xi32, #tpu.memory_space<vmem>> -> memref<80xi32, #tpu.memory_space<vmem>>
      %dma_wait3A_106 = arith.constant 0 : i32
      %dma_wait3A_107 = arith.constant 0 : i32
      %dma_wait3A_108 = tpu.memref_slice %arg5[%dma_wait3A_106, %dma_wait3A_107] : memref<10000x64xf32, #tpu.memory_space<hbm>> -> memref<10000x64xf32, #tpu.memory_space<hbm>>
      tpu.wait_indirect_dma semaphore(%arg19 : memref<!tpu.dma_semaphore, #tpu.memory_space<semaphore_mem>>) src(%dma_wait3A_108 : memref<10000x64xf32, #tpu.memory_space<hbm>>) dst(%arg12 : memref<80x64xf32, #tpu.memory_space<vmem>>)
      %scan3A_109 = arith.constant 0 : i32
      %scan3A_110 = arith.constant 0 : i32
      %scan3A_111 = arith.constant 5 : i32
      %scan3A_112 = arith.addi %scan3A_110, %scan3A_111 : i32
      %scan3A_113 = arith.constant 1 : i32
      scf.for %scan3A_174 = %scan3A_110 to %scan3A_112 step %scan3A_113  : i32 {
        %mul3A_175 = arith.constant 16 : i32
        %mul3A_176 = arith.muli %scan3A_174, %mul3A_175 : i32
        %add3A_177 = arith.constant 0 : i32
        %add3A_178 = arith.addi %mul3A_176, %add3A_177 : i32
        %broadcast_in_dim3A = arith.constant 0.000000e+00 : f32
        %broadcast_in_dim3A_179 = vector.broadcast %broadcast_in_dim3A : f32 to vector<16xf32>
        %get3A_180 = arith.index_cast %add3A_178 : i32 to index
        %get3A_181 = arith.constant 0 : index
        %get3A_182 = tpu.vector_load %arg10[%get3A_180, %get3A_181] {strides = array<i32>} : memref<80x64xf32, #tpu.memory_space<vmem>>, vector<1x16xf32>,
        %get3A_183 = vector.shape_cast %get3A_182 : vector<1x16xf32> to vector<16xf32>
        %get3A_184 = arith.index_cast %add3A_178 : i32 to index
        %get3A_185 = arith.constant 0 : index
        %get3A_186 = tpu.vector_load %arg12[%get3A_184, %get3A_185] {strides = array<i32>} : memref<80x64xf32, #tpu.memory_space<vmem>>, vector<1x16xf32>,
        %get3A_187 = vector.shape_cast %get3A_186 : vector<1x16xf32> to vector<16xf32>
        %add3A_188 = arith.addf %get3A_183, %get3A_187 : vector<16xf32>
        %max3A = arith.constant 0.000000e+00 : f32
        %max3A_189 = vector.broadcast %max3A : f32 to vector<16xf32>
        %max3A_190 = arith.maximumf %add3A_188, %max3A_189 : vector<16xf32>
        %mul3A_191 = arith.mulf %max3A_190, %get3A_4 : vector<16xf32>
        %add3A_192 = arith.addf %broadcast_in_dim3A_179, %mul3A_191 : vector<16xf32>
        %get3A_193 = arith.index_cast %add3A_178 : i32 to index
        %get3A_194 = arith.constant 16 : index
        %get3A_195 = tpu.vector_load %arg10[%get3A_193, %get3A_194] {strides = array<i32>} : memref<80x64xf32, #tpu.memory_space<vmem>>, vector<1x16xf32>,
        %get3A_196 = vector.shape_cast %get3A_195 : vector<1x16xf32> to vector<16xf32>
        %get3A_197 = arith.index_cast %add3A_178 : i32 to index
        %get3A_198 = arith.constant 16 : index
        %get3A_199 = tpu.vector_load %arg12[%get3A_197, %get3A_198] {strides = array<i32>} : memref<80x64xf32, #tpu.memory_space<vmem>>, vector<1x16xf32>,
        %get3A_200 = vector.shape_cast %get3A_199 : vector<1x16xf32> to vector<16xf32>
        %add3A_201 = arith.addf %get3A_196, %get3A_200 : vector<16xf32>
        %max3A_202 = arith.constant 0.000000e+00 : f32
        %max3A_203 = vector.broadcast %max3A_202 : f32 to vector<16xf32>
        %max3A_204 = arith.maximumf %add3A_201, %max3A_203 : vector<16xf32>
        %mul3A_205 = arith.mulf %max3A_204, %get3A_7 : vector<16xf32>
        %add3A_206 = arith.addf %add3A_192, %mul3A_205 : vector<16xf32>
        %get3A_207 = arith.index_cast %add3A_178 : i32 to index
        %get3A_208 = arith.constant 32 : index
        %get3A_209 = tpu.vector_load %arg10[%get3A_207, %get3A_208] {strides = array<i32>} : memref<80x64xf32, #tpu.memory_space<vmem>>, vector<1x16xf32>,
        %get3A_210 = vector.shape_cast %get3A_209 : vector<1x16xf32> to vector<16xf32>
        %get3A_211 = arith.index_cast %add3A_178 : i32 to index
        %get3A_212 = arith.constant 32 : index
        %get3A_213 = tpu.vector_load %arg12[%get3A_211, %get3A_212] {strides = array<i32>} : memref<80x64xf32, #tpu.memory_space<vmem>>, vector<1x16xf32>,
        %get3A_214 = vector.shape_cast %get3A_213 : vector<1x16xf32> to vector<16xf32>
        %add3A_215 = arith.addf %get3A_210, %get3A_214 : vector<16xf32>
        %max3A_216 = arith.constant 0.000000e+00 : f32
        %max3A_217 = vector.broadcast %max3A_216 : f32 to vector<16xf32>
        %max3A_218 = arith.maximumf %add3A_215, %max3A_217 : vector<16xf32>
        %mul3A_219 = arith.mulf %max3A_218, %get3A_10 : vector<16xf32>
        %add3A_220 = arith.addf %add3A_206, %mul3A_219 : vector<16xf32>
        %get3A_221 = arith.index_cast %add3A_178 : i32 to index
        %get3A_222 = arith.constant 48 : index
        %get3A_223 = tpu.vector_load %arg10[%get3A_221, %get3A_222] {strides = array<i32>} : memref<80x64xf32, #tpu.memory_space<vmem>>, vector<1x16xf32>,
        %get3A_224 = vector.shape_cast %get3A_223 : vector<1x16xf32> to vector<16xf32>
        %get3A_225 = arith.index_cast %add3A_178 : i32 to index
        %get3A_226 = arith.constant 48 : index
        %get3A_227 = tpu.vector_load %arg12[%get3A_225, %get3A_226] {strides = array<i32>} : memref<80x64xf32, #tpu.memory_space<vmem>>, vector<1x16xf32>,
        %get3A_228 = vector.shape_cast %get3A_227 : vector<1x16xf32> to vector<16xf32>
        %add3A_229 = arith.addf %get3A_224, %get3A_228 : vector<16xf32>
        %max3A_230 = arith.constant 0.000000e+00 : f32
        %max3A_231 = vector.broadcast %max3A_230 : f32 to vector<16xf32>
        %max3A_232 = arith.maximumf %add3A_229, %max3A_231 : vector<16xf32>
        %mul3A_233 = arith.mulf %max3A_232, %get3A_13 : vector<16xf32>
        %add3A_234 = arith.addf %add3A_220, %mul3A_233 : vector<16xf32>
        %mul3A_235 = arith.constant 16 : i32
        %mul3A_236 = arith.muli %scan3A_174, %mul3A_235 : i32
        %add3A_237 = arith.constant 1 : i32
        %add3A_238 = arith.addi %mul3A_236, %add3A_237 : i32
        %broadcast_in_dim3A_239 = arith.constant 0.000000e+00 : f32
        %broadcast_in_dim3A_240 = vector.broadcast %broadcast_in_dim3A_239 : f32 to vector<16xf32>
        %get3A_241 = arith.index_cast %add3A_238 : i32 to index
        %get3A_242 = arith.constant 0 : index
        %get3A_243 = tpu.vector_load %arg10[%get3A_241, %get3A_242] {strides = array<i32>} : memref<80x64xf32, #tpu.memory_space<vmem>>, vector<1x16xf32>,
        %get3A_244 = vector.shape_cast %get3A_243 : vector<1x16xf32> to vector<16xf32>
        %get3A_245 = arith.index_cast %add3A_238 : i32 to index
        %get3A_246 = arith.constant 0 : index
        %get3A_247 = tpu.vector_load %arg12[%get3A_245, %get3A_246] {strides = array<i32>} : memref<80x64xf32, #tpu.memory_space<vmem>>, vector<1x16xf32>,
        %get3A_248 = vector.shape_cast %get3A_247 : vector<1x16xf32> to vector<16xf32>
        %add3A_249 = arith.addf %get3A_244, %get3A_248 : vector<16xf32>
        %max3A_250 = arith.constant 0.000000e+00 : f32
        %max3A_251 = vector.broadcast %max3A_250 : f32 to vector<16xf32>
        %max3A_252 = arith.maximumf %add3A_249, %max3A_251 : vector<16xf32>
        %mul3A_253 = arith.mulf %max3A_252, %get3A_4 : vector<16xf32>
        %add3A_254 = arith.addf %broadcast_in_dim3A_240, %mul3A_253 : vector<16xf32>
        %get3A_255 = arith.index_cast %add3A_238 : i32 to index
        %get3A_256 = arith.constant 16 : index
        %get3A_257 = tpu.vector_load %arg10[%get3A_255, %get3A_256] {strides = array<i32>} : memref<80x64xf32, #tpu.memory_space<vmem>>, vector<1x16xf32>,
        %get3A_258 = vector.shape_cast %get3A_257 : vector<1x16xf32> to vector<16xf32>
        %get3A_259 = arith.index_cast %add3A_238 : i32 to index
        %get3A_260 = arith.constant 16 : index
        %get3A_261 = tpu.vector_load %arg12[%get3A_259, %get3A_260] {strides = array<i32>} : memref<80x64xf32, #tpu.memory_space<vmem>>, vector<1x16xf32>,
        %get3A_262 = vector.shape_cast %get3A_261 : vector<1x16xf32> to vector<16xf32>
        %add3A_263 = arith.addf %get3A_258, %get3A_262 : vector<16xf32>
        %max3A_264 = arith.constant 0.000000e+00 : f32
        %max3A_265 = vector.broadcast %max3A_264 : f32 to vector<16xf32>
        %max3A_266 = arith.maximumf %add3A_263, %max3A_265 : vector<16xf32>
        %mul3A_267 = arith.mulf %max3A_266, %get3A_7 : vector<16xf32>
        %add3A_268 = arith.addf %add3A_254, %mul3A_267 : vector<16xf32>
        %get3A_269 = arith.index_cast %add3A_238 : i32 to index
        %get3A_270 = arith.constant 32 : index
        %get3A_271 = tpu.vector_load %arg10[%get3A_269, %get3A_270] {strides = array<i32>} : memref<80x64xf32, #tpu.memory_space<vmem>>, vector<1x16xf32>,
        %get3A_272 = vector.shape_cast %get3A_271 : vector<1x16xf32> to vector<16xf32>
        %get3A_273 = arith.index_cast %add3A_238 : i32 to index
        %get3A_274 = arith.constant 32 : index
        %get3A_275 = tpu.vector_load %arg12[%get3A_273, %get3A_274] {strides = array<i32>} : memref<80x64xf32, #tpu.memory_space<vmem>>, vector<1x16xf32>,
        %get3A_276 = vector.shape_cast %get3A_275 : vector<1x16xf32> to vector<16xf32>
        %add3A_277 = arith.addf %get3A_272, %get3A_276 : vector<16xf32>
        %max3A_278 = arith.constant 0.000000e+00 : f32
        %max3A_279 = vector.broadcast %max3A_278 : f32 to vector<16xf32>
        %max3A_280 = arith.maximumf %add3A_277, %max3A_279 : vector<16xf32>
        %mul3A_281 = arith.mulf %max3A_280, %get3A_10 : vector<16xf32>
        %add3A_282 = arith.addf %add3A_268, %mul3A_281 : vector<16xf32>
        %get3A_283 = arith.index_cast %add3A_238 : i32 to index
        %get3A_284 = arith.constant 48 : index
        %get3A_285 = tpu.vector_load %arg10[%get3A_283, %get3A_284] {strides = array<i32>} : memref<80x64xf32, #tpu.memory_space<vmem>>, vector<1x16xf32>,
        %get3A_286 = vector.shape_cast %get3A_285 : vector<1x16xf32> to vector<16xf32>
        %get3A_287 = arith.index_cast %add3A_238 : i32 to index
        %get3A_288 = arith.constant 48 : index
        %get3A_289 = tpu.vector_load %arg12[%get3A_287, %get3A_288] {strides = array<i32>} : memref<80x64xf32, #tpu.memory_space<vmem>>, vector<1x16xf32>,
        %get3A_290 = vector.shape_cast %get3A_289 : vector<1x16xf32> to vector<16xf32>
        %add3A_291 = arith.addf %get3A_286, %get3A_290 : vector<16xf32>
        %max3A_292 = arith.constant 0.000000e+00 : f32
        %max3A_293 = vector.broadcast %max3A_292 : f32 to vector<16xf32>
        %max3A_294 = arith.maximumf %add3A_291, %max3A_293 : vector<16xf32>
        %mul3A_295 = arith.mulf %max3A_294, %get3A_13 : vector<16xf32>
        %add3A_296 = arith.addf %add3A_282, %mul3A_295 : vector<16xf32>
        %mul3A_297 = arith.constant 16 : i32
        %mul3A_298 = arith.muli %scan3A_174, %mul3A_297 : i32
        %add3A_299 = arith.constant 2 : i32
        %add3A_300 = arith.addi %mul3A_298, %add3A_299 : i32
        %broadcast_in_dim3A_301 = arith.constant 0.000000e+00 : f32
        %broadcast_in_dim3A_302 = vector.broadcast %broadcast_in_dim3A_301 : f32 to vector<16xf32>
        %get3A_303 = arith.index_cast %add3A_300 : i32 to index
        %get3A_304 = arith.constant 0 : index
        %get3A_305 = tpu.vector_load %arg10[%get3A_303, %get3A_304] {strides = array<i32>} : memref<80x64xf32, #tpu.memory_space<vmem>>, vector<1x16xf32>,
        %get3A_306 = vector.shape_cast %get3A_305 : vector<1x16xf32> to vector<16xf32>
        %get3A_307 = arith.index_cast %add3A_300 : i32 to index
        %get3A_308 = arith.constant 0 : index
        %get3A_309 = tpu.vector_load %arg12[%get3A_307, %get3A_308] {strides = array<i32>} : memref<80x64xf32, #tpu.memory_space<vmem>>, vector<1x16xf32>,
        %get3A_310 = vector.shape_cast %get3A_309 : vector<1x16xf32> to vector<16xf32>
        %add3A_311 = arith.addf %get3A_306, %get3A_310 : vector<16xf32>
        %max3A_312 = arith.constant 0.000000e+00 : f32
        %max3A_313 = vector.broadcast %max3A_312 : f32 to vector<16xf32>
        %max3A_314 = arith.maximumf %add3A_311, %max3A_313 : vector<16xf32>
        %mul3A_315 = arith.mulf %max3A_314, %get3A_4 : vector<16xf32>
        %add3A_316 = arith.addf %broadcast_in_dim3A_302, %mul3A_315 : vector<16xf32>
        %get3A_317 = arith.index_cast %add3A_300 : i32 to index
        %get3A_318 = arith.constant 16 : index
        %get3A_319 = tpu.vector_load %arg10[%get3A_317, %get3A_318] {strides = array<i32>} : memref<80x64xf32, #tpu.memory_space<vmem>>, vector<1x16xf32>,
        %get3A_320 = vector.shape_cast %get3A_319 : vector<1x16xf32> to vector<16xf32>
        %get3A_321 = arith.index_cast %add3A_300 : i32 to index
        %get3A_322 = arith.constant 16 : index
        %get3A_323 = tpu.vector_load %arg12[%get3A_321, %get3A_322] {strides = array<i32>} : memref<80x64xf32, #tpu.memory_space<vmem>>, vector<1x16xf32>,
        %get3A_324 = vector.shape_cast %get3A_323 : vector<1x16xf32> to vector<16xf32>
        %add3A_325 = arith.addf %get3A_320, %get3A_324 : vector<16xf32>
        %max3A_326 = arith.constant 0.000000e+00 : f32
        %max3A_327 = vector.broadcast %max3A_326 : f32 to vector<16xf32>
        %max3A_328 = arith.maximumf %add3A_325, %max3A_327 : vector<16xf32>
        %mul3A_329 = arith.mulf %max3A_328, %get3A_7 : vector<16xf32>
        %add3A_330 = arith.addf %add3A_316, %mul3A_329 : vector<16xf32>
        %get3A_331 = arith.index_cast %add3A_300 : i32 to index
        %get3A_332 = arith.constant 32 : index
        %get3A_333 = tpu.vector_load %arg10[%get3A_331, %get3A_332] {strides = array<i32>} : memref<80x64xf32, #tpu.memory_space<vmem>>, vector<1x16xf32>,
        %get3A_334 = vector.shape_cast %get3A_333 : vector<1x16xf32> to vector<16xf32>
        %get3A_335 = arith.index_cast %add3A_300 : i32 to index
        %get3A_336 = arith.constant 32 : index
        %get3A_337 = tpu.vector_load %arg12[%get3A_335, %get3A_336] {strides = array<i32>} : memref<80x64xf32, #tpu.memory_space<vmem>>, vector<1x16xf32>,
        %get3A_338 = vector.shape_cast %get3A_337 : vector<1x16xf32> to vector<16xf32>
        %add3A_339 = arith.addf %get3A_334, %get3A_338 : vector<16xf32>
        %max3A_340 = arith.constant 0.000000e+00 : f32
        %max3A_341 = vector.broadcast %max3A_340 : f32 to vector<16xf32>
        %max3A_342 = arith.maximumf %add3A_339, %max3A_341 : vector<16xf32>
        %mul3A_343 = arith.mulf %max3A_342, %get3A_10 : vector<16xf32>
        %add3A_344 = arith.addf %add3A_330, %mul3A_343 : vector<16xf32>
        %get3A_345 = arith.index_cast %add3A_300 : i32 to index
        %get3A_346 = arith.constant 48 : index
        %get3A_347 = tpu.vector_load %arg10[%get3A_345, %get3A_346] {strides = array<i32>} : memref<80x64xf32, #tpu.memory_space<vmem>>, vector<1x16xf32>,
        %get3A_348 = vector.shape_cast %get3A_347 : vector<1x16xf32> to vector<16xf32>
        %get3A_349 = arith.index_cast %add3A_300 : i32 to index
        %get3A_350 = arith.constant 48 : index
        %get3A_351 = tpu.vector_load %arg12[%get3A_349, %get3A_350] {strides = array<i32>} : memref<80x64xf32, #tpu.memory_space<vmem>>, vector<1x16xf32>,
        %get3A_352 = vector.shape_cast %get3A_351 : vector<1x16xf32> to vector<16xf32>
        %add3A_353 = arith.addf %get3A_348, %get3A_352 : vector<16xf32>
        %max3A_354 = arith.constant 0.000000e+00 : f32
        %max3A_355 = vector.broadcast %max3A_354 : f32 to vector<16xf32>
        %max3A_356 = arith.maximumf %add3A_353, %max3A_355 : vector<16xf32>
        %mul3A_357 = arith.mulf %max3A_356, %get3A_13 : vector<16xf32>
        %add3A_358 = arith.addf %add3A_344, %mul3A_357 : vector<16xf32>
        %mul3A_359 = arith.constant 16 : i32
        %mul3A_360 = arith.muli %scan3A_174, %mul3A_359 : i32
        %add3A_361 = arith.constant 3 : i32
        %add3A_362 = arith.addi %mul3A_360, %add3A_361 : i32
        %broadcast_in_dim3A_363 = arith.constant 0.000000e+00 : f32
        %broadcast_in_dim3A_364 = vector.broadcast %broadcast_in_dim3A_363 : f32 to vector<16xf32>
        %get3A_365 = arith.index_cast %add3A_362 : i32 to index
        %get3A_366 = arith.constant 0 : index
        %get3A_367 = tpu.vector_load %arg10[%get3A_365, %get3A_366] {strides = array<i32>} : memref<80x64xf32, #tpu.memory_space<vmem>>, vector<1x16xf32>,
        %get3A_368 = vector.shape_cast %get3A_367 : vector<1x16xf32> to vector<16xf32>
        %get3A_369 = arith.index_cast %add3A_362 : i32 to index
        %get3A_370 = arith.constant 0 : index
        %get3A_371 = tpu.vector_load %arg12[%get3A_369, %get3A_370] {strides = array<i32>} : memref<80x64xf32, #tpu.memory_space<vmem>>, vector<1x16xf32>,
        %get3A_372 = vector.shape_cast %get3A_371 : vector<1x16xf32> to vector<16xf32>
        %add3A_373 = arith.addf %get3A_368, %get3A_372 : vector<16xf32>
        %max3A_374 = arith.constant 0.000000e+00 : f32
        %max3A_375 = vector.broadcast %max3A_374 : f32 to vector<16xf32>
        %max3A_376 = arith.maximumf %add3A_373, %max3A_375 : vector<16xf32>
        %mul3A_377 = arith.mulf %max3A_376, %get3A_4 : vector<16xf32>
        %add3A_378 = arith.addf %broadcast_in_dim3A_364, %mul3A_377 : vector<16xf32>
        %get3A_379 = arith.index_cast %add3A_362 : i32 to index
        %get3A_380 = arith.constant 16 : index
        %get3A_381 = tpu.vector_load %arg10[%get3A_379, %get3A_380] {strides = array<i32>} : memref<80x64xf32, #tpu.memory_space<vmem>>, vector<1x16xf32>,
        %get3A_382 = vector.shape_cast %get3A_381 : vector<1x16xf32> to vector<16xf32>
        %get3A_383 = arith.index_cast %add3A_362 : i32 to index
        %get3A_384 = arith.constant 16 : index
        %get3A_385 = tpu.vector_load %arg12[%get3A_383, %get3A_384] {strides = array<i32>} : memref<80x64xf32, #tpu.memory_space<vmem>>, vector<1x16xf32>,
        %get3A_386 = vector.shape_cast %get3A_385 : vector<1x16xf32> to vector<16xf32>
        %add3A_387 = arith.addf %get3A_382, %get3A_386 : vector<16xf32>
        %max3A_388 = arith.constant 0.000000e+00 : f32
        %max3A_389 = vector.broadcast %max3A_388 : f32 to vector<16xf32>
        %max3A_390 = arith.maximumf %add3A_387, %max3A_389 : vector<16xf32>
        %mul3A_391 = arith.mulf %max3A_390, %get3A_7 : vector<16xf32>
        %add3A_392 = arith.addf %add3A_378, %mul3A_391 : vector<16xf32>
        %get3A_393 = arith.index_cast %add3A_362 : i32 to index
        %get3A_394 = arith.constant 32 : index
        %get3A_395 = tpu.vector_load %arg10[%get3A_393, %get3A_394] {strides = array<i32>} : memref<80x64xf32, #tpu.memory_space<vmem>>, vector<1x16xf32>,
        %get3A_396 = vector.shape_cast %get3A_395 : vector<1x16xf32> to vector<16xf32>
        %get3A_397 = arith.index_cast %add3A_362 : i32 to index
        %get3A_398 = arith.constant 32 : index
        %get3A_399 = tpu.vector_load %arg12[%get3A_397, %get3A_398] {strides = array<i32>} : memref<80x64xf32, #tpu.memory_space<vmem>>, vector<1x16xf32>,
        %get3A_400 = vector.shape_cast %get3A_399 : vector<1x16xf32> to vector<16xf32>
        %add3A_401 = arith.addf %get3A_396, %get3A_400 : vector<16xf32>
        %max3A_402 = arith.constant 0.000000e+00 : f32
        %max3A_403 = vector.broadcast %max3A_402 : f32 to vector<16xf32>
        %max3A_404 = arith.maximumf %add3A_401, %max3A_403 : vector<16xf32>
        %mul3A_405 = arith.mulf %max3A_404, %get3A_10 : vector<16xf32>
        %add3A_406 = arith.addf %add3A_392, %mul3A_405 : vector<16xf32>
        %get3A_407 = arith.index_cast %add3A_362 : i32 to index
        %get3A_408 = arith.constant 48 : index
        %get3A_409 = tpu.vector_load %arg10[%get3A_407, %get3A_408] {strides = array<i32>} : memref<80x64xf32, #tpu.memory_space<vmem>>, vector<1x16xf32>,
        %get3A_410 = vector.shape_cast %get3A_409 : vector<1x16xf32> to vector<16xf32>
        %get3A_411 = arith.index_cast %add3A_362 : i32 to index
        %get3A_412 = arith.constant 48 : index
        %get3A_413 = tpu.vector_load %arg12[%get3A_411, %get3A_412] {strides = array<i32>} : memref<80x64xf32, #tpu.memory_space<vmem>>, vector<1x16xf32>,
        %get3A_414 = vector.shape_cast %get3A_413 : vector<1x16xf32> to vector<16xf32>
        %add3A_415 = arith.addf %get3A_410, %get3A_414 : vector<16xf32>
        %max3A_416 = arith.constant 0.000000e+00 : f32
        %max3A_417 = vector.broadcast %max3A_416 : f32 to vector<16xf32>
        %max3A_418 = arith.maximumf %add3A_415, %max3A_417 : vector<16xf32>
        %mul3A_419 = arith.mulf %max3A_418, %get3A_13 : vector<16xf32>
        %add3A_420 = arith.addf %add3A_406, %mul3A_419 : vector<16xf32>
        %mul3A_421 = arith.constant 16 : i32
        %mul3A_422 = arith.muli %scan3A_174, %mul3A_421 : i32
        %add3A_423 = arith.constant 4 : i32
        %add3A_424 = arith.addi %mul3A_422, %add3A_423 : i32
        %broadcast_in_dim3A_425 = arith.constant 0.000000e+00 : f32
        %broadcast_in_dim3A_426 = vector.broadcast %broadcast_in_dim3A_425 : f32 to vector<16xf32>
        %get3A_427 = arith.index_cast %add3A_424 : i32 to index
        %get3A_428 = arith.constant 0 : index
        %get3A_429 = tpu.vector_load %arg10[%get3A_427, %get3A_428] {strides = array<i32>} : memref<80x64xf32, #tpu.memory_space<vmem>>, vector<1x16xf32>,
        %get3A_430 = vector.shape_cast %get3A_429 : vector<1x16xf32> to vector<16xf32>
        %get3A_431 = arith.index_cast %add3A_424 : i32 to index
        %get3A_432 = arith.constant 0 : index
        %get3A_433 = tpu.vector_load %arg12[%get3A_431, %get3A_432] {strides = array<i32>} : memref<80x64xf32, #tpu.memory_space<vmem>>, vector<1x16xf32>,
        %get3A_434 = vector.shape_cast %get3A_433 : vector<1x16xf32> to vector<16xf32>
        %add3A_435 = arith.addf %get3A_430, %get3A_434 : vector<16xf32>
        %max3A_436 = arith.constant 0.000000e+00 : f32
        %max3A_437 = vector.broadcast %max3A_436 : f32 to vector<16xf32>
        %max3A_438 = arith.maximumf %add3A_435, %max3A_437 : vector<16xf32>
        %mul3A_439 = arith.mulf %max3A_438, %get3A_4 : vector<16xf32>
        %add3A_440 = arith.addf %broadcast_in_dim3A_426, %mul3A_439 : vector<16xf32>
        %get3A_441 = arith.index_cast %add3A_424 : i32 to index
        %get3A_442 = arith.constant 16 : index
        %get3A_443 = tpu.vector_load %arg10[%get3A_441, %get3A_442] {strides = array<i32>} : memref<80x64xf32, #tpu.memory_space<vmem>>, vector<1x16xf32>,
        %get3A_444 = vector.shape_cast %get3A_443 : vector<1x16xf32> to vector<16xf32>
        %get3A_445 = arith.index_cast %add3A_424 : i32 to index
        %get3A_446 = arith.constant 16 : index
        %get3A_447 = tpu.vector_load %arg12[%get3A_445, %get3A_446] {strides = array<i32>} : memref<80x64xf32, #tpu.memory_space<vmem>>, vector<1x16xf32>,
        %get3A_448 = vector.shape_cast %get3A_447 : vector<1x16xf32> to vector<16xf32>
        %add3A_449 = arith.addf %get3A_444, %get3A_448 : vector<16xf32>
        %max3A_450 = arith.constant 0.000000e+00 : f32
        %max3A_451 = vector.broadcast %max3A_450 : f32 to vector<16xf32>
        %max3A_452 = arith.maximumf %add3A_449, %max3A_451 : vector<16xf32>
        %mul3A_453 = arith.mulf %max3A_452, %get3A_7 : vector<16xf32>
        %add3A_454 = arith.addf %add3A_440, %mul3A_453 : vector<16xf32>
        %get3A_455 = arith.index_cast %add3A_424 : i32 to index
        %get3A_456 = arith.constant 32 : index
        %get3A_457 = tpu.vector_load %arg10[%get3A_455, %get3A_456] {strides = array<i32>} : memref<80x64xf32, #tpu.memory_space<vmem>>, vector<1x16xf32>,
        %get3A_458 = vector.shape_cast %get3A_457 : vector<1x16xf32> to vector<16xf32>
        %get3A_459 = arith.index_cast %add3A_424 : i32 to index
        %get3A_460 = arith.constant 32 : index
        %get3A_461 = tpu.vector_load %arg12[%get3A_459, %get3A_460] {strides = array<i32>} : memref<80x64xf32, #tpu.memory_space<vmem>>, vector<1x16xf32>,
        %get3A_462 = vector.shape_cast %get3A_461 : vector<1x16xf32> to vector<16xf32>
        %add3A_463 = arith.addf %get3A_458, %get3A_462 : vector<16xf32>
        %max3A_464 = arith.constant 0.000000e+00 : f32
        %max3A_465 = vector.broadcast %max3A_464 : f32 to vector<16xf32>
        %max3A_466 = arith.maximumf %add3A_463, %max3A_465 : vector<16xf32>
        %mul3A_467 = arith.mulf %max3A_466, %get3A_10 : vector<16xf32>
        %add3A_468 = arith.addf %add3A_454, %mul3A_467 : vector<16xf32>
        %get3A_469 = arith.index_cast %add3A_424 : i32 to index
        %get3A_470 = arith.constant 48 : index
        %get3A_471 = tpu.vector_load %arg10[%get3A_469, %get3A_470] {strides = array<i32>} : memref<80x64xf32, #tpu.memory_space<vmem>>, vector<1x16xf32>,
        %get3A_472 = vector.shape_cast %get3A_471 : vector<1x16xf32> to vector<16xf32>
        %get3A_473 = arith.index_cast %add3A_424 : i32 to index
        %get3A_474 = arith.constant 48 : index
        %get3A_475 = tpu.vector_load %arg12[%get3A_473, %get3A_474] {strides = array<i32>} : memref<80x64xf32, #tpu.memory_space<vmem>>, vector<1x16xf32>,
        %get3A_476 = vector.shape_cast %get3A_475 : vector<1x16xf32> to vector<16xf32>
        %add3A_477 = arith.addf %get3A_472, %get3A_476 : vector<16xf32>
        %max3A_478 = arith.constant 0.000000e+00 : f32
        %max3A_479 = vector.broadcast %max3A_478 : f32 to vector<16xf32>
        %max3A_480 = arith.maximumf %add3A_477, %max3A_479 : vector<16xf32>
        %mul3A_481 = arith.mulf %max3A_480, %get3A_13 : vector<16xf32>
        %add3A_482 = arith.addf %add3A_468, %mul3A_481 : vector<16xf32>
        %mul3A_483 = arith.constant 16 : i32
        %mul3A_484 = arith.muli %scan3A_174, %mul3A_483 : i32
        %add3A_485 = arith.constant 5 : i32
        %add3A_486 = arith.addi %mul3A_484, %add3A_485 : i32
        %broadcast_in_dim3A_487 = arith.constant 0.000000e+00 : f32
        %broadcast_in_dim3A_488 = vector.broadcast %broadcast_in_dim3A_487 : f32 to vector<16xf32>
        %get3A_489 = arith.index_cast %add3A_486 : i32 to index
        %get3A_490 = arith.constant 0 : index
        %get3A_491 = tpu.vector_load %arg10[%get3A_489, %get3A_490] {strides = array<i32>} : memref<80x64xf32, #tpu.memory_space<vmem>>, vector<1x16xf32>,
        %get3A_492 = vector.shape_cast %get3A_491 : vector<1x16xf32> to vector<16xf32>
        %get3A_493 = arith.index_cast %add3A_486 : i32 to index
        %get3A_494 = arith.constant 0 : index
        %get3A_495 = tpu.vector_load %arg12[%get3A_493, %get3A_494] {strides = array<i32>} : memref<80x64xf32, #tpu.memory_space<vmem>>, vector<1x16xf32>,
        %get3A_496 = vector.shape_cast %get3A_495 : vector<1x16xf32> to vector<16xf32>
        %add3A_497 = arith.addf %get3A_492, %get3A_496 : vector<16xf32>
        %max3A_498 = arith.constant 0.000000e+00 : f32
        %max3A_499 = vector.broadcast %max3A_498 : f32 to vector<16xf32>
        %max3A_500 = arith.maximumf %add3A_497, %max3A_499 : vector<16xf32>
        %mul3A_501 = arith.mulf %max3A_500, %get3A_4 : vector<16xf32>
        %add3A_502 = arith.addf %broadcast_in_dim3A_488, %mul3A_501 : vector<16xf32>
        %get3A_503 = arith.index_cast %add3A_486 : i32 to index
        %get3A_504 = arith.constant 16 : index
        %get3A_505 = tpu.vector_load %arg10[%get3A_503, %get3A_504] {strides = array<i32>} : memref<80x64xf32, #tpu.memory_space<vmem>>, vector<1x16xf32>,
        %get3A_506 = vector.shape_cast %get3A_505 : vector<1x16xf32> to vector<16xf32>
        %get3A_507 = arith.index_cast %add3A_486 : i32 to index
        %get3A_508 = arith.constant 16 : index
        %get3A_509 = tpu.vector_load %arg12[%get3A_507, %get3A_508] {strides = array<i32>} : memref<80x64xf32, #tpu.memory_space<vmem>>, vector<1x16xf32>,
        %get3A_510 = vector.shape_cast %get3A_509 : vector<1x16xf32> to vector<16xf32>
        %add3A_511 = arith.addf %get3A_506, %get3A_510 : vector<16xf32>
        %max3A_512 = arith.constant 0.000000e+00 : f32
        %max3A_513 = vector.broadcast %max3A_512 : f32 to vector<16xf32>
        %max3A_514 = arith.maximumf %add3A_511, %max3A_513 : vector<16xf32>
        %mul3A_515 = arith.mulf %max3A_514, %get3A_7 : vector<16xf32>
        %add3A_516 = arith.addf %add3A_502, %mul3A_515 : vector<16xf32>
        %get3A_517 = arith.index_cast %add3A_486 : i32 to index
        %get3A_518 = arith.constant 32 : index
        %get3A_519 = tpu.vector_load %arg10[%get3A_517, %get3A_518] {strides = array<i32>} : memref<80x64xf32, #tpu.memory_space<vmem>>, vector<1x16xf32>,
        %get3A_520 = vector.shape_cast %get3A_519 : vector<1x16xf32> to vector<16xf32>
        %get3A_521 = arith.index_cast %add3A_486 : i32 to index
        %get3A_522 = arith.constant 32 : index
        %get3A_523 = tpu.vector_load %arg12[%get3A_521, %get3A_522] {strides = array<i32>} : memref<80x64xf32, #tpu.memory_space<vmem>>, vector<1x16xf32>,
        %get3A_524 = vector.shape_cast %get3A_523 : vector<1x16xf32> to vector<16xf32>
        %add3A_525 = arith.addf %get3A_520, %get3A_524 : vector<16xf32>
        %max3A_526 = arith.constant 0.000000e+00 : f32
        %max3A_527 = vector.broadcast %max3A_526 : f32 to vector<16xf32>
        %max3A_528 = arith.maximumf %add3A_525, %max3A_527 : vector<16xf32>
        %mul3A_529 = arith.mulf %max3A_528, %get3A_10 : vector<16xf32>
        %add3A_530 = arith.addf %add3A_516, %mul3A_529 : vector<16xf32>
        %get3A_531 = arith.index_cast %add3A_486 : i32 to index
        %get3A_532 = arith.constant 48 : index
        %get3A_533 = tpu.vector_load %arg10[%get3A_531, %get3A_532] {strides = array<i32>} : memref<80x64xf32, #tpu.memory_space<vmem>>, vector<1x16xf32>,
        %get3A_534 = vector.shape_cast %get3A_533 : vector<1x16xf32> to vector<16xf32>
        %get3A_535 = arith.index_cast %add3A_486 : i32 to index
        %get3A_536 = arith.constant 48 : index
        %get3A_537 = tpu.vector_load %arg12[%get3A_535, %get3A_536] {strides = array<i32>} : memref<80x64xf32, #tpu.memory_space<vmem>>, vector<1x16xf32>,
        %get3A_538 = vector.shape_cast %get3A_537 : vector<1x16xf32> to vector<16xf32>
        %add3A_539 = arith.addf %get3A_534, %get3A_538 : vector<16xf32>
        %max3A_540 = arith.constant 0.000000e+00 : f32
        %max3A_541 = vector.broadcast %max3A_540 : f32 to vector<16xf32>
        %max3A_542 = arith.maximumf %add3A_539, %max3A_541 : vector<16xf32>
        %mul3A_543 = arith.mulf %max3A_542, %get3A_13 : vector<16xf32>
        %add3A_544 = arith.addf %add3A_530, %mul3A_543 : vector<16xf32>
        %mul3A_545 = arith.constant 16 : i32
        %mul3A_546 = arith.muli %scan3A_174, %mul3A_545 : i32
        %add3A_547 = arith.constant 6 : i32
        %add3A_548 = arith.addi %mul3A_546, %add3A_547 : i32
        %broadcast_in_dim3A_549 = arith.constant 0.000000e+00 : f32
        %broadcast_in_dim3A_550 = vector.broadcast %broadcast_in_dim3A_549 : f32 to vector<16xf32>
        %get3A_551 = arith.index_cast %add3A_548 : i32 to index
        %get3A_552 = arith.constant 0 : index
        %get3A_553 = tpu.vector_load %arg10[%get3A_551, %get3A_552] {strides = array<i32>} : memref<80x64xf32, #tpu.memory_space<vmem>>, vector<1x16xf32>,
        %get3A_554 = vector.shape_cast %get3A_553 : vector<1x16xf32> to vector<16xf32>
        %get3A_555 = arith.index_cast %add3A_548 : i32 to index
        %get3A_556 = arith.constant 0 : index
        %get3A_557 = tpu.vector_load %arg12[%get3A_555, %get3A_556] {strides = array<i32>} : memref<80x64xf32, #tpu.memory_space<vmem>>, vector<1x16xf32>,
        %get3A_558 = vector.shape_cast %get3A_557 : vector<1x16xf32> to vector<16xf32>
        %add3A_559 = arith.addf %get3A_554, %get3A_558 : vector<16xf32>
        %max3A_560 = arith.constant 0.000000e+00 : f32
        %max3A_561 = vector.broadcast %max3A_560 : f32 to vector<16xf32>
        %max3A_562 = arith.maximumf %add3A_559, %max3A_561 : vector<16xf32>
        %mul3A_563 = arith.mulf %max3A_562, %get3A_4 : vector<16xf32>
        %add3A_564 = arith.addf %broadcast_in_dim3A_550, %mul3A_563 : vector<16xf32>
        %get3A_565 = arith.index_cast %add3A_548 : i32 to index
        %get3A_566 = arith.constant 16 : index
        %get3A_567 = tpu.vector_load %arg10[%get3A_565, %get3A_566] {strides = array<i32>} : memref<80x64xf32, #tpu.memory_space<vmem>>, vector<1x16xf32>,
        %get3A_568 = vector.shape_cast %get3A_567 : vector<1x16xf32> to vector<16xf32>
        %get3A_569 = arith.index_cast %add3A_548 : i32 to index
        %get3A_570 = arith.constant 16 : index
        %get3A_571 = tpu.vector_load %arg12[%get3A_569, %get3A_570] {strides = array<i32>} : memref<80x64xf32, #tpu.memory_space<vmem>>, vector<1x16xf32>,
        %get3A_572 = vector.shape_cast %get3A_571 : vector<1x16xf32> to vector<16xf32>
        %add3A_573 = arith.addf %get3A_568, %get3A_572 : vector<16xf32>
        %max3A_574 = arith.constant 0.000000e+00 : f32
        %max3A_575 = vector.broadcast %max3A_574 : f32 to vector<16xf32>
        %max3A_576 = arith.maximumf %add3A_573, %max3A_575 : vector<16xf32>
        %mul3A_577 = arith.mulf %max3A_576, %get3A_7 : vector<16xf32>
        %add3A_578 = arith.addf %add3A_564, %mul3A_577 : vector<16xf32>
        %get3A_579 = arith.index_cast %add3A_548 : i32 to index
        %get3A_580 = arith.constant 32 : index
        %get3A_581 = tpu.vector_load %arg10[%get3A_579, %get3A_580] {strides = array<i32>} : memref<80x64xf32, #tpu.memory_space<vmem>>, vector<1x16xf32>,
        %get3A_582 = vector.shape_cast %get3A_581 : vector<1x16xf32> to vector<16xf32>
        %get3A_583 = arith.index_cast %add3A_548 : i32 to index
        %get3A_584 = arith.constant 32 : index
        %get3A_585 = tpu.vector_load %arg12[%get3A_583, %get3A_584] {strides = array<i32>} : memref<80x64xf32, #tpu.memory_space<vmem>>, vector<1x16xf32>,
        %get3A_586 = vector.shape_cast %get3A_585 : vector<1x16xf32> to vector<16xf32>
        %add3A_587 = arith.addf %get3A_582, %get3A_586 : vector<16xf32>
        %max3A_588 = arith.constant 0.000000e+00 : f32
        %max3A_589 = vector.broadcast %max3A_588 : f32 to vector<16xf32>
        %max3A_590 = arith.maximumf %add3A_587, %max3A_589 : vector<16xf32>
        %mul3A_591 = arith.mulf %max3A_590, %get3A_10 : vector<16xf32>
        %add3A_592 = arith.addf %add3A_578, %mul3A_591 : vector<16xf32>
        %get3A_593 = arith.index_cast %add3A_548 : i32 to index
        %get3A_594 = arith.constant 48 : index
        %get3A_595 = tpu.vector_load %arg10[%get3A_593, %get3A_594] {strides = array<i32>} : memref<80x64xf32, #tpu.memory_space<vmem>>, vector<1x16xf32>,
        %get3A_596 = vector.shape_cast %get3A_595 : vector<1x16xf32> to vector<16xf32>
        %get3A_597 = arith.index_cast %add3A_548 : i32 to index
        %get3A_598 = arith.constant 48 : index
        %get3A_599 = tpu.vector_load %arg12[%get3A_597, %get3A_598] {strides = array<i32>} : memref<80x64xf32, #tpu.memory_space<vmem>>, vector<1x16xf32>,
        %get3A_600 = vector.shape_cast %get3A_599 : vector<1x16xf32> to vector<16xf32>
        %add3A_601 = arith.addf %get3A_596, %get3A_600 : vector<16xf32>
        %max3A_602 = arith.constant 0.000000e+00 : f32
        %max3A_603 = vector.broadcast %max3A_602 : f32 to vector<16xf32>
        %max3A_604 = arith.maximumf %add3A_601, %max3A_603 : vector<16xf32>
        %mul3A_605 = arith.mulf %max3A_604, %get3A_13 : vector<16xf32>
        %add3A_606 = arith.addf %add3A_592, %mul3A_605 : vector<16xf32>
        %mul3A_607 = arith.constant 16 : i32
        %mul3A_608 = arith.muli %scan3A_174, %mul3A_607 : i32
        %add3A_609 = arith.constant 7 : i32
        %add3A_610 = arith.addi %mul3A_608, %add3A_609 : i32
        %broadcast_in_dim3A_611 = arith.constant 0.000000e+00 : f32
        %broadcast_in_dim3A_612 = vector.broadcast %broadcast_in_dim3A_611 : f32 to vector<16xf32>
        %get3A_613 = arith.index_cast %add3A_610 : i32 to index
        %get3A_614 = arith.constant 0 : index
        %get3A_615 = tpu.vector_load %arg10[%get3A_613, %get3A_614] {strides = array<i32>} : memref<80x64xf32, #tpu.memory_space<vmem>>, vector<1x16xf32>,
        %get3A_616 = vector.shape_cast %get3A_615 : vector<1x16xf32> to vector<16xf32>
        %get3A_617 = arith.index_cast %add3A_610 : i32 to index
        %get3A_618 = arith.constant 0 : index
        %get3A_619 = tpu.vector_load %arg12[%get3A_617, %get3A_618] {strides = array<i32>} : memref<80x64xf32, #tpu.memory_space<vmem>>, vector<1x16xf32>,
        %get3A_620 = vector.shape_cast %get3A_619 : vector<1x16xf32> to vector<16xf32>
        %add3A_621 = arith.addf %get3A_616, %get3A_620 : vector<16xf32>
        %max3A_622 = arith.constant 0.000000e+00 : f32
        %max3A_623 = vector.broadcast %max3A_622 : f32 to vector<16xf32>
        %max3A_624 = arith.maximumf %add3A_621, %max3A_623 : vector<16xf32>
        %mul3A_625 = arith.mulf %max3A_624, %get3A_4 : vector<16xf32>
        %add3A_626 = arith.addf %broadcast_in_dim3A_612, %mul3A_625 : vector<16xf32>
        %get3A_627 = arith.index_cast %add3A_610 : i32 to index
        %get3A_628 = arith.constant 16 : index
        %get3A_629 = tpu.vector_load %arg10[%get3A_627, %get3A_628] {strides = array<i32>} : memref<80x64xf32, #tpu.memory_space<vmem>>, vector<1x16xf32>,
        %get3A_630 = vector.shape_cast %get3A_629 : vector<1x16xf32> to vector<16xf32>
        %get3A_631 = arith.index_cast %add3A_610 : i32 to index
        %get3A_632 = arith.constant 16 : index
        %get3A_633 = tpu.vector_load %arg12[%get3A_631, %get3A_632] {strides = array<i32>} : memref<80x64xf32, #tpu.memory_space<vmem>>, vector<1x16xf32>,
        %get3A_634 = vector.shape_cast %get3A_633 : vector<1x16xf32> to vector<16xf32>
        %add3A_635 = arith.addf %get3A_630, %get3A_634 : vector<16xf32>
        %max3A_636 = arith.constant 0.000000e+00 : f32
        %max3A_637 = vector.broadcast %max3A_636 : f32 to vector<16xf32>
        %max3A_638 = arith.maximumf %add3A_635, %max3A_637 : vector<16xf32>
        %mul3A_639 = arith.mulf %max3A_638, %get3A_7 : vector<16xf32>
        %add3A_640 = arith.addf %add3A_626, %mul3A_639 : vector<16xf32>
        %get3A_641 = arith.index_cast %add3A_610 : i32 to index
        %get3A_642 = arith.constant 32 : index
        %get3A_643 = tpu.vector_load %arg10[%get3A_641, %get3A_642] {strides = array<i32>} : memref<80x64xf32, #tpu.memory_space<vmem>>, vector<1x16xf32>,
        %get3A_644 = vector.shape_cast %get3A_643 : vector<1x16xf32> to vector<16xf32>
        %get3A_645 = arith.index_cast %add3A_610 : i32 to index
        %get3A_646 = arith.constant 32 : index
        %get3A_647 = tpu.vector_load %arg12[%get3A_645, %get3A_646] {strides = array<i32>} : memref<80x64xf32, #tpu.memory_space<vmem>>, vector<1x16xf32>,
        %get3A_648 = vector.shape_cast %get3A_647 : vector<1x16xf32> to vector<16xf32>
        %add3A_649 = arith.addf %get3A_644, %get3A_648 : vector<16xf32>
        %max3A_650 = arith.constant 0.000000e+00 : f32
        %max3A_651 = vector.broadcast %max3A_650 : f32 to vector<16xf32>
        %max3A_652 = arith.maximumf %add3A_649, %max3A_651 : vector<16xf32>
        %mul3A_653 = arith.mulf %max3A_652, %get3A_10 : vector<16xf32>
        %add3A_654 = arith.addf %add3A_640, %mul3A_653 : vector<16xf32>
        %get3A_655 = arith.index_cast %add3A_610 : i32 to index
        %get3A_656 = arith.constant 48 : index
        %get3A_657 = tpu.vector_load %arg10[%get3A_655, %get3A_656] {strides = array<i32>} : memref<80x64xf32, #tpu.memory_space<vmem>>, vector<1x16xf32>,
        %get3A_658 = vector.shape_cast %get3A_657 : vector<1x16xf32> to vector<16xf32>
        %get3A_659 = arith.index_cast %add3A_610 : i32 to index
        %get3A_660 = arith.constant 48 : index
        %get3A_661 = tpu.vector_load %arg12[%get3A_659, %get3A_660] {strides = array<i32>} : memref<80x64xf32, #tpu.memory_space<vmem>>, vector<1x16xf32>,
        %get3A_662 = vector.shape_cast %get3A_661 : vector<1x16xf32> to vector<16xf32>
        %add3A_663 = arith.addf %get3A_658, %get3A_662 : vector<16xf32>
        %max3A_664 = arith.constant 0.000000e+00 : f32
        %max3A_665 = vector.broadcast %max3A_664 : f32 to vector<16xf32>
        %max3A_666 = arith.maximumf %add3A_663, %max3A_665 : vector<16xf32>
        %mul3A_667 = arith.mulf %max3A_666, %get3A_13 : vector<16xf32>
        %add3A_668 = arith.addf %add3A_654, %mul3A_667 : vector<16xf32>
        %mul3A_669 = arith.constant 16 : i32
        %mul3A_670 = arith.muli %scan3A_174, %mul3A_669 : i32
        %add3A_671 = arith.constant 8 : i32
        %add3A_672 = arith.addi %mul3A_670, %add3A_671 : i32
        %broadcast_in_dim3A_673 = arith.constant 0.000000e+00 : f32
        %broadcast_in_dim3A_674 = vector.broadcast %broadcast_in_dim3A_673 : f32 to vector<16xf32>
        %get3A_675 = arith.index_cast %add3A_672 : i32 to index
        %get3A_676 = arith.constant 0 : index
        %get3A_677 = tpu.vector_load %arg10[%get3A_675, %get3A_676] {strides = array<i32>} : memref<80x64xf32, #tpu.memory_space<vmem>>, vector<1x16xf32>,
        %get3A_678 = vector.shape_cast %get3A_677 : vector<1x16xf32> to vector<16xf32>
        %get3A_679 = arith.index_cast %add3A_672 : i32 to index
        %get3A_680 = arith.constant 0 : index
        %get3A_681 = tpu.vector_load %arg12[%get3A_679, %get3A_680] {strides = array<i32>} : memref<80x64xf32, #tpu.memory_space<vmem>>, vector<1x16xf32>,
        %get3A_682 = vector.shape_cast %get3A_681 : vector<1x16xf32> to vector<16xf32>
        %add3A_683 = arith.addf %get3A_678, %get3A_682 : vector<16xf32>
        %max3A_684 = arith.constant 0.000000e+00 : f32
        %max3A_685 = vector.broadcast %max3A_684 : f32 to vector<16xf32>
        %max3A_686 = arith.maximumf %add3A_683, %max3A_685 : vector<16xf32>
        %mul3A_687 = arith.mulf %max3A_686, %get3A_4 : vector<16xf32>
        %add3A_688 = arith.addf %broadcast_in_dim3A_674, %mul3A_687 : vector<16xf32>
        %get3A_689 = arith.index_cast %add3A_672 : i32 to index
        %get3A_690 = arith.constant 16 : index
        %get3A_691 = tpu.vector_load %arg10[%get3A_689, %get3A_690] {strides = array<i32>} : memref<80x64xf32, #tpu.memory_space<vmem>>, vector<1x16xf32>,
        %get3A_692 = vector.shape_cast %get3A_691 : vector<1x16xf32> to vector<16xf32>
        %get3A_693 = arith.index_cast %add3A_672 : i32 to index
        %get3A_694 = arith.constant 16 : index
        %get3A_695 = tpu.vector_load %arg12[%get3A_693, %get3A_694] {strides = array<i32>} : memref<80x64xf32, #tpu.memory_space<vmem>>, vector<1x16xf32>,
        %get3A_696 = vector.shape_cast %get3A_695 : vector<1x16xf32> to vector<16xf32>
        %add3A_697 = arith.addf %get3A_692, %get3A_696 : vector<16xf32>
        %max3A_698 = arith.constant 0.000000e+00 : f32
        %max3A_699 = vector.broadcast %max3A_698 : f32 to vector<16xf32>
        %max3A_700 = arith.maximumf %add3A_697, %max3A_699 : vector<16xf32>
        %mul3A_701 = arith.mulf %max3A_700, %get3A_7 : vector<16xf32>
        %add3A_702 = arith.addf %add3A_688, %mul3A_701 : vector<16xf32>
        %get3A_703 = arith.index_cast %add3A_672 : i32 to index
        %get3A_704 = arith.constant 32 : index
        %get3A_705 = tpu.vector_load %arg10[%get3A_703, %get3A_704] {strides = array<i32>} : memref<80x64xf32, #tpu.memory_space<vmem>>, vector<1x16xf32>,
        %get3A_706 = vector.shape_cast %get3A_705 : vector<1x16xf32> to vector<16xf32>
        %get3A_707 = arith.index_cast %add3A_672 : i32 to index
        %get3A_708 = arith.constant 32 : index
        %get3A_709 = tpu.vector_load %arg12[%get3A_707, %get3A_708] {strides = array<i32>} : memref<80x64xf32, #tpu.memory_space<vmem>>, vector<1x16xf32>,
        %get3A_710 = vector.shape_cast %get3A_709 : vector<1x16xf32> to vector<16xf32>
        %add3A_711 = arith.addf %get3A_706, %get3A_710 : vector<16xf32>
        %max3A_712 = arith.constant 0.000000e+00 : f32
        %max3A_713 = vector.broadcast %max3A_712 : f32 to vector<16xf32>
        %max3A_714 = arith.maximumf %add3A_711, %max3A_713 : vector<16xf32>
        %mul3A_715 = arith.mulf %max3A_714, %get3A_10 : vector<16xf32>
        %add3A_716 = arith.addf %add3A_702, %mul3A_715 : vector<16xf32>
        %get3A_717 = arith.index_cast %add3A_672 : i32 to index
        %get3A_718 = arith.constant 48 : index
        %get3A_719 = tpu.vector_load %arg10[%get3A_717, %get3A_718] {strides = array<i32>} : memref<80x64xf32, #tpu.memory_space<vmem>>, vector<1x16xf32>,
        %get3A_720 = vector.shape_cast %get3A_719 : vector<1x16xf32> to vector<16xf32>
        %get3A_721 = arith.index_cast %add3A_672 : i32 to index
        %get3A_722 = arith.constant 48 : index
        %get3A_723 = tpu.vector_load %arg12[%get3A_721, %get3A_722] {strides = array<i32>} : memref<80x64xf32, #tpu.memory_space<vmem>>, vector<1x16xf32>,
        %get3A_724 = vector.shape_cast %get3A_723 : vector<1x16xf32> to vector<16xf32>
        %add3A_725 = arith.addf %get3A_720, %get3A_724 : vector<16xf32>
        %max3A_726 = arith.constant 0.000000e+00 : f32
        %max3A_727 = vector.broadcast %max3A_726 : f32 to vector<16xf32>
        %max3A_728 = arith.maximumf %add3A_725, %max3A_727 : vector<16xf32>
        %mul3A_729 = arith.mulf %max3A_728, %get3A_13 : vector<16xf32>
        %add3A_730 = arith.addf %add3A_716, %mul3A_729 : vector<16xf32>
        %mul3A_731 = arith.constant 16 : i32
        %mul3A_732 = arith.muli %scan3A_174, %mul3A_731 : i32
        %add3A_733 = arith.constant 9 : i32
        %add3A_734 = arith.addi %mul3A_732, %add3A_733 : i32
        %broadcast_in_dim3A_735 = arith.constant 0.000000e+00 : f32
        %broadcast_in_dim3A_736 = vector.broadcast %broadcast_in_dim3A_735 : f32 to vector<16xf32>
        %get3A_737 = arith.index_cast %add3A_734 : i32 to index
        %get3A_738 = arith.constant 0 : index
        %get3A_739 = tpu.vector_load %arg10[%get3A_737, %get3A_738] {strides = array<i32>} : memref<80x64xf32, #tpu.memory_space<vmem>>, vector<1x16xf32>,
        %get3A_740 = vector.shape_cast %get3A_739 : vector<1x16xf32> to vector<16xf32>
        %get3A_741 = arith.index_cast %add3A_734 : i32 to index
        %get3A_742 = arith.constant 0 : index
        %get3A_743 = tpu.vector_load %arg12[%get3A_741, %get3A_742] {strides = array<i32>} : memref<80x64xf32, #tpu.memory_space<vmem>>, vector<1x16xf32>,
        %get3A_744 = vector.shape_cast %get3A_743 : vector<1x16xf32> to vector<16xf32>
        %add3A_745 = arith.addf %get3A_740, %get3A_744 : vector<16xf32>
        %max3A_746 = arith.constant 0.000000e+00 : f32
        %max3A_747 = vector.broadcast %max3A_746 : f32 to vector<16xf32>
        %max3A_748 = arith.maximumf %add3A_745, %max3A_747 : vector<16xf32>
        %mul3A_749 = arith.mulf %max3A_748, %get3A_4 : vector<16xf32>
        %add3A_750 = arith.addf %broadcast_in_dim3A_736, %mul3A_749 : vector<16xf32>
        %get3A_751 = arith.index_cast %add3A_734 : i32 to index
        %get3A_752 = arith.constant 16 : index
        %get3A_753 = tpu.vector_load %arg10[%get3A_751, %get3A_752] {strides = array<i32>} : memref<80x64xf32, #tpu.memory_space<vmem>>, vector<1x16xf32>,
        %get3A_754 = vector.shape_cast %get3A_753 : vector<1x16xf32> to vector<16xf32>
        %get3A_755 = arith.index_cast %add3A_734 : i32 to index
        %get3A_756 = arith.constant 16 : index
        %get3A_757 = tpu.vector_load %arg12[%get3A_755, %get3A_756] {strides = array<i32>} : memref<80x64xf32, #tpu.memory_space<vmem>>, vector<1x16xf32>,
        %get3A_758 = vector.shape_cast %get3A_757 : vector<1x16xf32> to vector<16xf32>
        %add3A_759 = arith.addf %get3A_754, %get3A_758 : vector<16xf32>
        %max3A_760 = arith.constant 0.000000e+00 : f32
        %max3A_761 = vector.broadcast %max3A_760 : f32 to vector<16xf32>
        %max3A_762 = arith.maximumf %add3A_759, %max3A_761 : vector<16xf32>
        %mul3A_763 = arith.mulf %max3A_762, %get3A_7 : vector<16xf32>
        %add3A_764 = arith.addf %add3A_750, %mul3A_763 : vector<16xf32>
        %get3A_765 = arith.index_cast %add3A_734 : i32 to index
        %get3A_766 = arith.constant 32 : index
        %get3A_767 = tpu.vector_load %arg10[%get3A_765, %get3A_766] {strides = array<i32>} : memref<80x64xf32, #tpu.memory_space<vmem>>, vector<1x16xf32>,
        %get3A_768 = vector.shape_cast %get3A_767 : vector<1x16xf32> to vector<16xf32>
        %get3A_769 = arith.index_cast %add3A_734 : i32 to index
        %get3A_770 = arith.constant 32 : index
        %get3A_771 = tpu.vector_load %arg12[%get3A_769, %get3A_770] {strides = array<i32>} : memref<80x64xf32, #tpu.memory_space<vmem>>, vector<1x16xf32>,
        %get3A_772 = vector.shape_cast %get3A_771 : vector<1x16xf32> to vector<16xf32>
        %add3A_773 = arith.addf %get3A_768, %get3A_772 : vector<16xf32>
        %max3A_774 = arith.constant 0.000000e+00 : f32
        %max3A_775 = vector.broadcast %max3A_774 : f32 to vector<16xf32>
        %max3A_776 = arith.maximumf %add3A_773, %max3A_775 : vector<16xf32>
        %mul3A_777 = arith.mulf %max3A_776, %get3A_10 : vector<16xf32>
        %add3A_778 = arith.addf %add3A_764, %mul3A_777 : vector<16xf32>
        %get3A_779 = arith.index_cast %add3A_734 : i32 to index
        %get3A_780 = arith.constant 48 : index
        %get3A_781 = tpu.vector_load %arg10[%get3A_779, %get3A_780] {strides = array<i32>} : memref<80x64xf32, #tpu.memory_space<vmem>>, vector<1x16xf32>,
        %get3A_782 = vector.shape_cast %get3A_781 : vector<1x16xf32> to vector<16xf32>
        %get3A_783 = arith.index_cast %add3A_734 : i32 to index
        %get3A_784 = arith.constant 48 : index
        %get3A_785 = tpu.vector_load %arg12[%get3A_783, %get3A_784] {strides = array<i32>} : memref<80x64xf32, #tpu.memory_space<vmem>>, vector<1x16xf32>,
        %get3A_786 = vector.shape_cast %get3A_785 : vector<1x16xf32> to vector<16xf32>
        %add3A_787 = arith.addf %get3A_782, %get3A_786 : vector<16xf32>
        %max3A_788 = arith.constant 0.000000e+00 : f32
        %max3A_789 = vector.broadcast %max3A_788 : f32 to vector<16xf32>
        %max3A_790 = arith.maximumf %add3A_787, %max3A_789 : vector<16xf32>
        %mul3A_791 = arith.mulf %max3A_790, %get3A_13 : vector<16xf32>
        %add3A_792 = arith.addf %add3A_778, %mul3A_791 : vector<16xf32>
        %mul3A_793 = arith.constant 16 : i32
        %mul3A_794 = arith.muli %scan3A_174, %mul3A_793 : i32
        %add3A_795 = arith.constant 10 : i32
        %add3A_796 = arith.addi %mul3A_794, %add3A_795 : i32
        %broadcast_in_dim3A_797 = arith.constant 0.000000e+00 : f32
        %broadcast_in_dim3A_798 = vector.broadcast %broadcast_in_dim3A_797 : f32 to vector<16xf32>
        %get3A_799 = arith.index_cast %add3A_796 : i32 to index
        %get3A_800 = arith.constant 0 : index
        %get3A_801 = tpu.vector_load %arg10[%get3A_799, %get3A_800] {strides = array<i32>} : memref<80x64xf32, #tpu.memory_space<vmem>>, vector<1x16xf32>,
        %get3A_802 = vector.shape_cast %get3A_801 : vector<1x16xf32> to vector<16xf32>
        %get3A_803 = arith.index_cast %add3A_796 : i32 to index
        %get3A_804 = arith.constant 0 : index
        %get3A_805 = tpu.vector_load %arg12[%get3A_803, %get3A_804] {strides = array<i32>} : memref<80x64xf32, #tpu.memory_space<vmem>>, vector<1x16xf32>,
        %get3A_806 = vector.shape_cast %get3A_805 : vector<1x16xf32> to vector<16xf32>
        %add3A_807 = arith.addf %get3A_802, %get3A_806 : vector<16xf32>
        %max3A_808 = arith.constant 0.000000e+00 : f32
        %max3A_809 = vector.broadcast %max3A_808 : f32 to vector<16xf32>
        %max3A_810 = arith.maximumf %add3A_807, %max3A_809 : vector<16xf32>
        %mul3A_811 = arith.mulf %max3A_810, %get3A_4 : vector<16xf32>
        %add3A_812 = arith.addf %broadcast_in_dim3A_798, %mul3A_811 : vector<16xf32>
        %get3A_813 = arith.index_cast %add3A_796 : i32 to index
        %get3A_814 = arith.constant 16 : index
        %get3A_815 = tpu.vector_load %arg10[%get3A_813, %get3A_814] {strides = array<i32>} : memref<80x64xf32, #tpu.memory_space<vmem>>, vector<1x16xf32>,
        %get3A_816 = vector.shape_cast %get3A_815 : vector<1x16xf32> to vector<16xf32>
        %get3A_817 = arith.index_cast %add3A_796 : i32 to index
        %get3A_818 = arith.constant 16 : index
        %get3A_819 = tpu.vector_load %arg12[%get3A_817, %get3A_818] {strides = array<i32>} : memref<80x64xf32, #tpu.memory_space<vmem>>, vector<1x16xf32>,
        %get3A_820 = vector.shape_cast %get3A_819 : vector<1x16xf32> to vector<16xf32>
        %add3A_821 = arith.addf %get3A_816, %get3A_820 : vector<16xf32>
        %max3A_822 = arith.constant 0.000000e+00 : f32
        %max3A_823 = vector.broadcast %max3A_822 : f32 to vector<16xf32>
        %max3A_824 = arith.maximumf %add3A_821, %max3A_823 : vector<16xf32>
        %mul3A_825 = arith.mulf %max3A_824, %get3A_7 : vector<16xf32>
        %add3A_826 = arith.addf %add3A_812, %mul3A_825 : vector<16xf32>
        %get3A_827 = arith.index_cast %add3A_796 : i32 to index
        %get3A_828 = arith.constant 32 : index
        %get3A_829 = tpu.vector_load %arg10[%get3A_827, %get3A_828] {strides = array<i32>} : memref<80x64xf32, #tpu.memory_space<vmem>>, vector<1x16xf32>,
        %get3A_830 = vector.shape_cast %get3A_829 : vector<1x16xf32> to vector<16xf32>
        %get3A_831 = arith.index_cast %add3A_796 : i32 to index
        %get3A_832 = arith.constant 32 : index
        %get3A_833 = tpu.vector_load %arg12[%get3A_831, %get3A_832] {strides = array<i32>} : memref<80x64xf32, #tpu.memory_space<vmem>>, vector<1x16xf32>,
        %get3A_834 = vector.shape_cast %get3A_833 : vector<1x16xf32> to vector<16xf32>
        %add3A_835 = arith.addf %get3A_830, %get3A_834 : vector<16xf32>
        %max3A_836 = arith.constant 0.000000e+00 : f32
        %max3A_837 = vector.broadcast %max3A_836 : f32 to vector<16xf32>
        %max3A_838 = arith.maximumf %add3A_835, %max3A_837 : vector<16xf32>
        %mul3A_839 = arith.mulf %max3A_838, %get3A_10 : vector<16xf32>
        %add3A_840 = arith.addf %add3A_826, %mul3A_839 : vector<16xf32>
        %get3A_841 = arith.index_cast %add3A_796 : i32 to index
        %get3A_842 = arith.constant 48 : index
        %get3A_843 = tpu.vector_load %arg10[%get3A_841, %get3A_842] {strides = array<i32>} : memref<80x64xf32, #tpu.memory_space<vmem>>, vector<1x16xf32>,
        %get3A_844 = vector.shape_cast %get3A_843 : vector<1x16xf32> to vector<16xf32>
        %get3A_845 = arith.index_cast %add3A_796 : i32 to index
        %get3A_846 = arith.constant 48 : index
        %get3A_847 = tpu.vector_load %arg12[%get3A_845, %get3A_846] {strides = array<i32>} : memref<80x64xf32, #tpu.memory_space<vmem>>, vector<1x16xf32>,
        %get3A_848 = vector.shape_cast %get3A_847 : vector<1x16xf32> to vector<16xf32>
        %add3A_849 = arith.addf %get3A_844, %get3A_848 : vector<16xf32>
        %max3A_850 = arith.constant 0.000000e+00 : f32
        %max3A_851 = vector.broadcast %max3A_850 : f32 to vector<16xf32>
        %max3A_852 = arith.maximumf %add3A_849, %max3A_851 : vector<16xf32>
        %mul3A_853 = arith.mulf %max3A_852, %get3A_13 : vector<16xf32>
        %add3A_854 = arith.addf %add3A_840, %mul3A_853 : vector<16xf32>
        %mul3A_855 = arith.constant 16 : i32
        %mul3A_856 = arith.muli %scan3A_174, %mul3A_855 : i32
        %add3A_857 = arith.constant 11 : i32
        %add3A_858 = arith.addi %mul3A_856, %add3A_857 : i32
        %broadcast_in_dim3A_859 = arith.constant 0.000000e+00 : f32
        %broadcast_in_dim3A_860 = vector.broadcast %broadcast_in_dim3A_859 : f32 to vector<16xf32>
        %get3A_861 = arith.index_cast %add3A_858 : i32 to index
        %get3A_862 = arith.constant 0 : index
        %get3A_863 = tpu.vector_load %arg10[%get3A_861, %get3A_862] {strides = array<i32>} : memref<80x64xf32, #tpu.memory_space<vmem>>, vector<1x16xf32>,
        %get3A_864 = vector.shape_cast %get3A_863 : vector<1x16xf32> to vector<16xf32>
        %get3A_865 = arith.index_cast %add3A_858 : i32 to index
        %get3A_866 = arith.constant 0 : index
        %get3A_867 = tpu.vector_load %arg12[%get3A_865, %get3A_866] {strides = array<i32>} : memref<80x64xf32, #tpu.memory_space<vmem>>, vector<1x16xf32>,
        %get3A_868 = vector.shape_cast %get3A_867 : vector<1x16xf32> to vector<16xf32>
        %add3A_869 = arith.addf %get3A_864, %get3A_868 : vector<16xf32>
        %max3A_870 = arith.constant 0.000000e+00 : f32
        %max3A_871 = vector.broadcast %max3A_870 : f32 to vector<16xf32>
        %max3A_872 = arith.maximumf %add3A_869, %max3A_871 : vector<16xf32>
        %mul3A_873 = arith.mulf %max3A_872, %get3A_4 : vector<16xf32>
        %add3A_874 = arith.addf %broadcast_in_dim3A_860, %mul3A_873 : vector<16xf32>
        %get3A_875 = arith.index_cast %add3A_858 : i32 to index
        %get3A_876 = arith.constant 16 : index
        %get3A_877 = tpu.vector_load %arg10[%get3A_875, %get3A_876] {strides = array<i32>} : memref<80x64xf32, #tpu.memory_space<vmem>>, vector<1x16xf32>,
        %get3A_878 = vector.shape_cast %get3A_877 : vector<1x16xf32> to vector<16xf32>
        %get3A_879 = arith.index_cast %add3A_858 : i32 to index
        %get3A_880 = arith.constant 16 : index
        %get3A_881 = tpu.vector_load %arg12[%get3A_879, %get3A_880] {strides = array<i32>} : memref<80x64xf32, #tpu.memory_space<vmem>>, vector<1x16xf32>,
        %get3A_882 = vector.shape_cast %get3A_881 : vector<1x16xf32> to vector<16xf32>
        %add3A_883 = arith.addf %get3A_878, %get3A_882 : vector<16xf32>
        %max3A_884 = arith.constant 0.000000e+00 : f32
        %max3A_885 = vector.broadcast %max3A_884 : f32 to vector<16xf32>
        %max3A_886 = arith.maximumf %add3A_883, %max3A_885 : vector<16xf32>
        %mul3A_887 = arith.mulf %max3A_886, %get3A_7 : vector<16xf32>
        %add3A_888 = arith.addf %add3A_874, %mul3A_887 : vector<16xf32>
        %get3A_889 = arith.index_cast %add3A_858 : i32 to index
        %get3A_890 = arith.constant 32 : index
        %get3A_891 = tpu.vector_load %arg10[%get3A_889, %get3A_890] {strides = array<i32>} : memref<80x64xf32, #tpu.memory_space<vmem>>, vector<1x16xf32>,
        %get3A_892 = vector.shape_cast %get3A_891 : vector<1x16xf32> to vector<16xf32>
        %get3A_893 = arith.index_cast %add3A_858 : i32 to index
        %get3A_894 = arith.constant 32 : index
        %get3A_895 = tpu.vector_load %arg12[%get3A_893, %get3A_894] {strides = array<i32>} : memref<80x64xf32, #tpu.memory_space<vmem>>, vector<1x16xf32>,
        %get3A_896 = vector.shape_cast %get3A_895 : vector<1x16xf32> to vector<16xf32>
        %add3A_897 = arith.addf %get3A_892, %get3A_896 : vector<16xf32>
        %max3A_898 = arith.constant 0.000000e+00 : f32
        %max3A_899 = vector.broadcast %max3A_898 : f32 to vector<16xf32>
        %max3A_900 = arith.maximumf %add3A_897, %max3A_899 : vector<16xf32>
        %mul3A_901 = arith.mulf %max3A_900, %get3A_10 : vector<16xf32>
        %add3A_902 = arith.addf %add3A_888, %mul3A_901 : vector<16xf32>
        %get3A_903 = arith.index_cast %add3A_858 : i32 to index
        %get3A_904 = arith.constant 48 : index
        %get3A_905 = tpu.vector_load %arg10[%get3A_903, %get3A_904] {strides = array<i32>} : memref<80x64xf32, #tpu.memory_space<vmem>>, vector<1x16xf32>,
        %get3A_906 = vector.shape_cast %get3A_905 : vector<1x16xf32> to vector<16xf32>
        %get3A_907 = arith.index_cast %add3A_858 : i32 to index
        %get3A_908 = arith.constant 48 : index
        %get3A_909 = tpu.vector_load %arg12[%get3A_907, %get3A_908] {strides = array<i32>} : memref<80x64xf32, #tpu.memory_space<vmem>>, vector<1x16xf32>,
        %get3A_910 = vector.shape_cast %get3A_909 : vector<1x16xf32> to vector<16xf32>
        %add3A_911 = arith.addf %get3A_906, %get3A_910 : vector<16xf32>
        %max3A_912 = arith.constant 0.000000e+00 : f32
        %max3A_913 = vector.broadcast %max3A_912 : f32 to vector<16xf32>
        %max3A_914 = arith.maximumf %add3A_911, %max3A_913 : vector<16xf32>
        %mul3A_915 = arith.mulf %max3A_914, %get3A_13 : vector<16xf32>
        %add3A_916 = arith.addf %add3A_902, %mul3A_915 : vector<16xf32>
        %mul3A_917 = arith.constant 16 : i32
        %mul3A_918 = arith.muli %scan3A_174, %mul3A_917 : i32
        %add3A_919 = arith.constant 12 : i32
        %add3A_920 = arith.addi %mul3A_918, %add3A_919 : i32
        %broadcast_in_dim3A_921 = arith.constant 0.000000e+00 : f32
        %broadcast_in_dim3A_922 = vector.broadcast %broadcast_in_dim3A_921 : f32 to vector<16xf32>
        %get3A_923 = arith.index_cast %add3A_920 : i32 to index
        %get3A_924 = arith.constant 0 : index
        %get3A_925 = tpu.vector_load %arg10[%get3A_923, %get3A_924] {strides = array<i32>} : memref<80x64xf32, #tpu.memory_space<vmem>>, vector<1x16xf32>,
        %get3A_926 = vector.shape_cast %get3A_925 : vector<1x16xf32> to vector<16xf32>
        %get3A_927 = arith.index_cast %add3A_920 : i32 to index
        %get3A_928 = arith.constant 0 : index
        %get3A_929 = tpu.vector_load %arg12[%get3A_927, %get3A_928] {strides = array<i32>} : memref<80x64xf32, #tpu.memory_space<vmem>>, vector<1x16xf32>,
        %get3A_930 = vector.shape_cast %get3A_929 : vector<1x16xf32> to vector<16xf32>
        %add3A_931 = arith.addf %get3A_926, %get3A_930 : vector<16xf32>
        %max3A_932 = arith.constant 0.000000e+00 : f32
        %max3A_933 = vector.broadcast %max3A_932 : f32 to vector<16xf32>
        %max3A_934 = arith.maximumf %add3A_931, %max3A_933 : vector<16xf32>
        %mul3A_935 = arith.mulf %max3A_934, %get3A_4 : vector<16xf32>
        %add3A_936 = arith.addf %broadcast_in_dim3A_922, %mul3A_935 : vector<16xf32>
        %get3A_937 = arith.index_cast %add3A_920 : i32 to index
        %get3A_938 = arith.constant 16 : index
        %get3A_939 = tpu.vector_load %arg10[%get3A_937, %get3A_938] {strides = array<i32>} : memref<80x64xf32, #tpu.memory_space<vmem>>, vector<1x16xf32>,
        %get3A_940 = vector.shape_cast %get3A_939 : vector<1x16xf32> to vector<16xf32>
        %get3A_941 = arith.index_cast %add3A_920 : i32 to index
        %get3A_942 = arith.constant 16 : index
        %get3A_943 = tpu.vector_load %arg12[%get3A_941, %get3A_942] {strides = array<i32>} : memref<80x64xf32, #tpu.memory_space<vmem>>, vector<1x16xf32>,
        %get3A_944 = vector.shape_cast %get3A_943 : vector<1x16xf32> to vector<16xf32>
        %add3A_945 = arith.addf %get3A_940, %get3A_944 : vector<16xf32>
        %max3A_946 = arith.constant 0.000000e+00 : f32
        %max3A_947 = vector.broadcast %max3A_946 : f32 to vector<16xf32>
        %max3A_948 = arith.maximumf %add3A_945, %max3A_947 : vector<16xf32>
        %mul3A_949 = arith.mulf %max3A_948, %get3A_7 : vector<16xf32>
        %add3A_950 = arith.addf %add3A_936, %mul3A_949 : vector<16xf32>
        %get3A_951 = arith.index_cast %add3A_920 : i32 to index
        %get3A_952 = arith.constant 32 : index
        %get3A_953 = tpu.vector_load %arg10[%get3A_951, %get3A_952] {strides = array<i32>} : memref<80x64xf32, #tpu.memory_space<vmem>>, vector<1x16xf32>,
        %get3A_954 = vector.shape_cast %get3A_953 : vector<1x16xf32> to vector<16xf32>
        %get3A_955 = arith.index_cast %add3A_920 : i32 to index
        %get3A_956 = arith.constant 32 : index
        %get3A_957 = tpu.vector_load %arg12[%get3A_955, %get3A_956] {strides = array<i32>} : memref<80x64xf32, #tpu.memory_space<vmem>>, vector<1x16xf32>,
        %get3A_958 = vector.shape_cast %get3A_957 : vector<1x16xf32> to vector<16xf32>
        %add3A_959 = arith.addf %get3A_954, %get3A_958 : vector<16xf32>
        %max3A_960 = arith.constant 0.000000e+00 : f32
        %max3A_961 = vector.broadcast %max3A_960 : f32 to vector<16xf32>
        %max3A_962 = arith.maximumf %add3A_959, %max3A_961 : vector<16xf32>
        %mul3A_963 = arith.mulf %max3A_962, %get3A_10 : vector<16xf32>
        %add3A_964 = arith.addf %add3A_950, %mul3A_963 : vector<16xf32>
        %get3A_965 = arith.index_cast %add3A_920 : i32 to index
        %get3A_966 = arith.constant 48 : index
        %get3A_967 = tpu.vector_load %arg10[%get3A_965, %get3A_966] {strides = array<i32>} : memref<80x64xf32, #tpu.memory_space<vmem>>, vector<1x16xf32>,
        %get3A_968 = vector.shape_cast %get3A_967 : vector<1x16xf32> to vector<16xf32>
        %get3A_969 = arith.index_cast %add3A_920 : i32 to index
        %get3A_970 = arith.constant 48 : index
        %get3A_971 = tpu.vector_load %arg12[%get3A_969, %get3A_970] {strides = array<i32>} : memref<80x64xf32, #tpu.memory_space<vmem>>, vector<1x16xf32>,
        %get3A_972 = vector.shape_cast %get3A_971 : vector<1x16xf32> to vector<16xf32>
        %add3A_973 = arith.addf %get3A_968, %get3A_972 : vector<16xf32>
        %max3A_974 = arith.constant 0.000000e+00 : f32
        %max3A_975 = vector.broadcast %max3A_974 : f32 to vector<16xf32>
        %max3A_976 = arith.maximumf %add3A_973, %max3A_975 : vector<16xf32>
        %mul3A_977 = arith.mulf %max3A_976, %get3A_13 : vector<16xf32>
        %add3A_978 = arith.addf %add3A_964, %mul3A_977 : vector<16xf32>
        %mul3A_979 = arith.constant 16 : i32
        %mul3A_980 = arith.muli %scan3A_174, %mul3A_979 : i32
        %add3A_981 = arith.constant 13 : i32
        %add3A_982 = arith.addi %mul3A_980, %add3A_981 : i32
        %broadcast_in_dim3A_983 = arith.constant 0.000000e+00 : f32
        %broadcast_in_dim3A_984 = vector.broadcast %broadcast_in_dim3A_983 : f32 to vector<16xf32>
        %get3A_985 = arith.index_cast %add3A_982 : i32 to index
        %get3A_986 = arith.constant 0 : index
        %get3A_987 = tpu.vector_load %arg10[%get3A_985, %get3A_986] {strides = array<i32>} : memref<80x64xf32, #tpu.memory_space<vmem>>, vector<1x16xf32>,
        %get3A_988 = vector.shape_cast %get3A_987 : vector<1x16xf32> to vector<16xf32>
        %get3A_989 = arith.index_cast %add3A_982 : i32 to index
        %get3A_990 = arith.constant 0 : index
        %get3A_991 = tpu.vector_load %arg12[%get3A_989, %get3A_990] {strides = array<i32>} : memref<80x64xf32, #tpu.memory_space<vmem>>, vector<1x16xf32>,
        %get3A_992 = vector.shape_cast %get3A_991 : vector<1x16xf32> to vector<16xf32>
        %add3A_993 = arith.addf %get3A_988, %get3A_992 : vector<16xf32>
        %max3A_994 = arith.constant 0.000000e+00 : f32
        %max3A_995 = vector.broadcast %max3A_994 : f32 to vector<16xf32>
        %max3A_996 = arith.maximumf %add3A_993, %max3A_995 : vector<16xf32>
        %mul3A_997 = arith.mulf %max3A_996, %get3A_4 : vector<16xf32>
        %add3A_998 = arith.addf %broadcast_in_dim3A_984, %mul3A_997 : vector<16xf32>
        %get3A_999 = arith.index_cast %add3A_982 : i32 to index
        %get3A_1000 = arith.constant 16 : index
        %get3A_1001 = tpu.vector_load %arg10[%get3A_999, %get3A_1000] {strides = array<i32>} : memref<80x64xf32, #tpu.memory_space<vmem>>, vector<1x16xf32>,
        %get3A_1002 = vector.shape_cast %get3A_1001 : vector<1x16xf32> to vector<16xf32>
        %get3A_1003 = arith.index_cast %add3A_982 : i32 to index
        %get3A_1004 = arith.constant 16 : index
        %get3A_1005 = tpu.vector_load %arg12[%get3A_1003, %get3A_1004] {strides = array<i32>} : memref<80x64xf32, #tpu.memory_space<vmem>>, vector<1x16xf32>,
        %get3A_1006 = vector.shape_cast %get3A_1005 : vector<1x16xf32> to vector<16xf32>
        %add3A_1007 = arith.addf %get3A_1002, %get3A_1006 : vector<16xf32>
        %max3A_1008 = arith.constant 0.000000e+00 : f32
        %max3A_1009 = vector.broadcast %max3A_1008 : f32 to vector<16xf32>
        %max3A_1010 = arith.maximumf %add3A_1007, %max3A_1009 : vector<16xf32>
        %mul3A_1011 = arith.mulf %max3A_1010, %get3A_7 : vector<16xf32>
        %add3A_1012 = arith.addf %add3A_998, %mul3A_1011 : vector<16xf32>
        %get3A_1013 = arith.index_cast %add3A_982 : i32 to index
        %get3A_1014 = arith.constant 32 : index
        %get3A_1015 = tpu.vector_load %arg10[%get3A_1013, %get3A_1014] {strides = array<i32>} : memref<80x64xf32, #tpu.memory_space<vmem>>, vector<1x16xf32>,
        %get3A_1016 = vector.shape_cast %get3A_1015 : vector<1x16xf32> to vector<16xf32>
        %get3A_1017 = arith.index_cast %add3A_982 : i32 to index
        %get3A_1018 = arith.constant 32 : index
        %get3A_1019 = tpu.vector_load %arg12[%get3A_1017, %get3A_1018] {strides = array<i32>} : memref<80x64xf32, #tpu.memory_space<vmem>>, vector<1x16xf32>,
        %get3A_1020 = vector.shape_cast %get3A_1019 : vector<1x16xf32> to vector<16xf32>
        %add3A_1021 = arith.addf %get3A_1016, %get3A_1020 : vector<16xf32>
        %max3A_1022 = arith.constant 0.000000e+00 : f32
        %max3A_1023 = vector.broadcast %max3A_1022 : f32 to vector<16xf32>
        %max3A_1024 = arith.maximumf %add3A_1021, %max3A_1023 : vector<16xf32>
        %mul3A_1025 = arith.mulf %max3A_1024, %get3A_10 : vector<16xf32>
        %add3A_1026 = arith.addf %add3A_1012, %mul3A_1025 : vector<16xf32>
        %get3A_1027 = arith.index_cast %add3A_982 : i32 to index
        %get3A_1028 = arith.constant 48 : index
        %get3A_1029 = tpu.vector_load %arg10[%get3A_1027, %get3A_1028] {strides = array<i32>} : memref<80x64xf32, #tpu.memory_space<vmem>>, vector<1x16xf32>,
        %get3A_1030 = vector.shape_cast %get3A_1029 : vector<1x16xf32> to vector<16xf32>
        %get3A_1031 = arith.index_cast %add3A_982 : i32 to index
        %get3A_1032 = arith.constant 48 : index
        %get3A_1033 = tpu.vector_load %arg12[%get3A_1031, %get3A_1032] {strides = array<i32>} : memref<80x64xf32, #tpu.memory_space<vmem>>, vector<1x16xf32>,
        %get3A_1034 = vector.shape_cast %get3A_1033 : vector<1x16xf32> to vector<16xf32>
        %add3A_1035 = arith.addf %get3A_1030, %get3A_1034 : vector<16xf32>
        %max3A_1036 = arith.constant 0.000000e+00 : f32
        %max3A_1037 = vector.broadcast %max3A_1036 : f32 to vector<16xf32>
        %max3A_1038 = arith.maximumf %add3A_1035, %max3A_1037 : vector<16xf32>
        %mul3A_1039 = arith.mulf %max3A_1038, %get3A_13 : vector<16xf32>
        %add3A_1040 = arith.addf %add3A_1026, %mul3A_1039 : vector<16xf32>
        %mul3A_1041 = arith.constant 16 : i32
        %mul3A_1042 = arith.muli %scan3A_174, %mul3A_1041 : i32
        %add3A_1043 = arith.constant 14 : i32
        %add3A_1044 = arith.addi %mul3A_1042, %add3A_1043 : i32
        %broadcast_in_dim3A_1045 = arith.constant 0.000000e+00 : f32
        %broadcast_in_dim3A_1046 = vector.broadcast %broadcast_in_dim3A_1045 : f32 to vector<16xf32>
        %get3A_1047 = arith.index_cast %add3A_1044 : i32 to index
        %get3A_1048 = arith.constant 0 : index
        %get3A_1049 = tpu.vector_load %arg10[%get3A_1047, %get3A_1048] {strides = array<i32>} : memref<80x64xf32, #tpu.memory_space<vmem>>, vector<1x16xf32>,
        %get3A_1050 = vector.shape_cast %get3A_1049 : vector<1x16xf32> to vector<16xf32>
        %get3A_1051 = arith.index_cast %add3A_1044 : i32 to index
        %get3A_1052 = arith.constant 0 : index
        %get3A_1053 = tpu.vector_load %arg12[%get3A_1051, %get3A_1052] {strides = array<i32>} : memref<80x64xf32, #tpu.memory_space<vmem>>, vector<1x16xf32>,
        %get3A_1054 = vector.shape_cast %get3A_1053 : vector<1x16xf32> to vector<16xf32>
        %add3A_1055 = arith.addf %get3A_1050, %get3A_1054 : vector<16xf32>
        %max3A_1056 = arith.constant 0.000000e+00 : f32
        %max3A_1057 = vector.broadcast %max3A_1056 : f32 to vector<16xf32>
        %max3A_1058 = arith.maximumf %add3A_1055, %max3A_1057 : vector<16xf32>
        %mul3A_1059 = arith.mulf %max3A_1058, %get3A_4 : vector<16xf32>
        %add3A_1060 = arith.addf %broadcast_in_dim3A_1046, %mul3A_1059 : vector<16xf32>
        %get3A_1061 = arith.index_cast %add3A_1044 : i32 to index
        %get3A_1062 = arith.constant 16 : index
        %get3A_1063 = tpu.vector_load %arg10[%get3A_1061, %get3A_1062] {strides = array<i32>} : memref<80x64xf32, #tpu.memory_space<vmem>>, vector<1x16xf32>,
        %get3A_1064 = vector.shape_cast %get3A_1063 : vector<1x16xf32> to vector<16xf32>
        %get3A_1065 = arith.index_cast %add3A_1044 : i32 to index
        %get3A_1066 = arith.constant 16 : index
        %get3A_1067 = tpu.vector_load %arg12[%get3A_1065, %get3A_1066] {strides = array<i32>} : memref<80x64xf32, #tpu.memory_space<vmem>>, vector<1x16xf32>,
        %get3A_1068 = vector.shape_cast %get3A_1067 : vector<1x16xf32> to vector<16xf32>
        %add3A_1069 = arith.addf %get3A_1064, %get3A_1068 : vector<16xf32>
        %max3A_1070 = arith.constant 0.000000e+00 : f32
        %max3A_1071 = vector.broadcast %max3A_1070 : f32 to vector<16xf32>
        %max3A_1072 = arith.maximumf %add3A_1069, %max3A_1071 : vector<16xf32>
        %mul3A_1073 = arith.mulf %max3A_1072, %get3A_7 : vector<16xf32>
        %add3A_1074 = arith.addf %add3A_1060, %mul3A_1073 : vector<16xf32>
        %get3A_1075 = arith.index_cast %add3A_1044 : i32 to index
        %get3A_1076 = arith.constant 32 : index
        %get3A_1077 = tpu.vector_load %arg10[%get3A_1075, %get3A_1076] {strides = array<i32>} : memref<80x64xf32, #tpu.memory_space<vmem>>, vector<1x16xf32>,
        %get3A_1078 = vector.shape_cast %get3A_1077 : vector<1x16xf32> to vector<16xf32>
        %get3A_1079 = arith.index_cast %add3A_1044 : i32 to index
        %get3A_1080 = arith.constant 32 : index
        %get3A_1081 = tpu.vector_load %arg12[%get3A_1079, %get3A_1080] {strides = array<i32>} : memref<80x64xf32, #tpu.memory_space<vmem>>, vector<1x16xf32>,
        %get3A_1082 = vector.shape_cast %get3A_1081 : vector<1x16xf32> to vector<16xf32>
        %add3A_1083 = arith.addf %get3A_1078, %get3A_1082 : vector<16xf32>
        %max3A_1084 = arith.constant 0.000000e+00 : f32
        %max3A_1085 = vector.broadcast %max3A_1084 : f32 to vector<16xf32>
        %max3A_1086 = arith.maximumf %add3A_1083, %max3A_1085 : vector<16xf32>
        %mul3A_1087 = arith.mulf %max3A_1086, %get3A_10 : vector<16xf32>
        %add3A_1088 = arith.addf %add3A_1074, %mul3A_1087 : vector<16xf32>
        %get3A_1089 = arith.index_cast %add3A_1044 : i32 to index
        %get3A_1090 = arith.constant 48 : index
        %get3A_1091 = tpu.vector_load %arg10[%get3A_1089, %get3A_1090] {strides = array<i32>} : memref<80x64xf32, #tpu.memory_space<vmem>>, vector<1x16xf32>,
        %get3A_1092 = vector.shape_cast %get3A_1091 : vector<1x16xf32> to vector<16xf32>
        %get3A_1093 = arith.index_cast %add3A_1044 : i32 to index
        %get3A_1094 = arith.constant 48 : index
        %get3A_1095 = tpu.vector_load %arg12[%get3A_1093, %get3A_1094] {strides = array<i32>} : memref<80x64xf32, #tpu.memory_space<vmem>>, vector<1x16xf32>,
        %get3A_1096 = vector.shape_cast %get3A_1095 : vector<1x16xf32> to vector<16xf32>
        %add3A_1097 = arith.addf %get3A_1092, %get3A_1096 : vector<16xf32>
        %max3A_1098 = arith.constant 0.000000e+00 : f32
        %max3A_1099 = vector.broadcast %max3A_1098 : f32 to vector<16xf32>
        %max3A_1100 = arith.maximumf %add3A_1097, %max3A_1099 : vector<16xf32>
        %mul3A_1101 = arith.mulf %max3A_1100, %get3A_13 : vector<16xf32>
        %add3A_1102 = arith.addf %add3A_1088, %mul3A_1101 : vector<16xf32>
        %mul3A_1103 = arith.constant 16 : i32
        %mul3A_1104 = arith.muli %scan3A_174, %mul3A_1103 : i32
        %add3A_1105 = arith.constant 15 : i32
        %add3A_1106 = arith.addi %mul3A_1104, %add3A_1105 : i32
        %broadcast_in_dim3A_1107 = arith.constant 0.000000e+00 : f32
        %broadcast_in_dim3A_1108 = vector.broadcast %broadcast_in_dim3A_1107 : f32 to vector<16xf32>
        %get3A_1109 = arith.index_cast %add3A_1106 : i32 to index
        %get3A_1110 = arith.constant 0 : index
        %get3A_1111 = tpu.vector_load %arg10[%get3A_1109, %get3A_1110] {strides = array<i32>} : memref<80x64xf32, #tpu.memory_space<vmem>>, vector<1x16xf32>,
        %get3A_1112 = vector.shape_cast %get3A_1111 : vector<1x16xf32> to vector<16xf32>
        %get3A_1113 = arith.index_cast %add3A_1106 : i32 to index
        %get3A_1114 = arith.constant 0 : index
        %get3A_1115 = tpu.vector_load %arg12[%get3A_1113, %get3A_1114] {strides = array<i32>} : memref<80x64xf32, #tpu.memory_space<vmem>>, vector<1x16xf32>,
        %get3A_1116 = vector.shape_cast %get3A_1115 : vector<1x16xf32> to vector<16xf32>
        %add3A_1117 = arith.addf %get3A_1112, %get3A_1116 : vector<16xf32>
        %max3A_1118 = arith.constant 0.000000e+00 : f32
        %max3A_1119 = vector.broadcast %max3A_1118 : f32 to vector<16xf32>
        %max3A_1120 = arith.maximumf %add3A_1117, %max3A_1119 : vector<16xf32>
        %mul3A_1121 = arith.mulf %max3A_1120, %get3A_4 : vector<16xf32>
        %add3A_1122 = arith.addf %broadcast_in_dim3A_1108, %mul3A_1121 : vector<16xf32>
        %get3A_1123 = arith.index_cast %add3A_1106 : i32 to index
        %get3A_1124 = arith.constant 16 : index
        %get3A_1125 = tpu.vector_load %arg10[%get3A_1123, %get3A_1124] {strides = array<i32>} : memref<80x64xf32, #tpu.memory_space<vmem>>, vector<1x16xf32>,
        %get3A_1126 = vector.shape_cast %get3A_1125 : vector<1x16xf32> to vector<16xf32>
        %get3A_1127 = arith.index_cast %add3A_1106 : i32 to index
        %get3A_1128 = arith.constant 16 : index
        %get3A_1129 = tpu.vector_load %arg12[%get3A_1127, %get3A_1128] {strides = array<i32>} : memref<80x64xf32, #tpu.memory_space<vmem>>, vector<1x16xf32>,
        %get3A_1130 = vector.shape_cast %get3A_1129 : vector<1x16xf32> to vector<16xf32>
        %add3A_1131 = arith.addf %get3A_1126, %get3A_1130 : vector<16xf32>
        %max3A_1132 = arith.constant 0.000000e+00 : f32
        %max3A_1133 = vector.broadcast %max3A_1132 : f32 to vector<16xf32>
        %max3A_1134 = arith.maximumf %add3A_1131, %max3A_1133 : vector<16xf32>
        %mul3A_1135 = arith.mulf %max3A_1134, %get3A_7 : vector<16xf32>
        %add3A_1136 = arith.addf %add3A_1122, %mul3A_1135 : vector<16xf32>
        %get3A_1137 = arith.index_cast %add3A_1106 : i32 to index
        %get3A_1138 = arith.constant 32 : index
        %get3A_1139 = tpu.vector_load %arg10[%get3A_1137, %get3A_1138] {strides = array<i32>} : memref<80x64xf32, #tpu.memory_space<vmem>>, vector<1x16xf32>,
        %get3A_1140 = vector.shape_cast %get3A_1139 : vector<1x16xf32> to vector<16xf32>
        %get3A_1141 = arith.index_cast %add3A_1106 : i32 to index
        %get3A_1142 = arith.constant 32 : index
        %get3A_1143 = tpu.vector_load %arg12[%get3A_1141, %get3A_1142] {strides = array<i32>} : memref<80x64xf32, #tpu.memory_space<vmem>>, vector<1x16xf32>,
        %get3A_1144 = vector.shape_cast %get3A_1143 : vector<1x16xf32> to vector<16xf32>
        %add3A_1145 = arith.addf %get3A_1140, %get3A_1144 : vector<16xf32>
        %max3A_1146 = arith.constant 0.000000e+00 : f32
        %max3A_1147 = vector.broadcast %max3A_1146 : f32 to vector<16xf32>
        %max3A_1148 = arith.maximumf %add3A_1145, %max3A_1147 : vector<16xf32>
        %mul3A_1149 = arith.mulf %max3A_1148, %get3A_10 : vector<16xf32>
        %add3A_1150 = arith.addf %add3A_1136, %mul3A_1149 : vector<16xf32>
        %get3A_1151 = arith.index_cast %add3A_1106 : i32 to index
        %get3A_1152 = arith.constant 48 : index
        %get3A_1153 = tpu.vector_load %arg10[%get3A_1151, %get3A_1152] {strides = array<i32>} : memref<80x64xf32, #tpu.memory_space<vmem>>, vector<1x16xf32>,
        %get3A_1154 = vector.shape_cast %get3A_1153 : vector<1x16xf32> to vector<16xf32>
        %get3A_1155 = arith.index_cast %add3A_1106 : i32 to index
        %get3A_1156 = arith.constant 48 : index
        %get3A_1157 = tpu.vector_load %arg12[%get3A_1155, %get3A_1156] {strides = array<i32>} : memref<80x64xf32, #tpu.memory_space<vmem>>, vector<1x16xf32>,
        %get3A_1158 = vector.shape_cast %get3A_1157 : vector<1x16xf32> to vector<16xf32>
        %add3A_1159 = arith.addf %get3A_1154, %get3A_1158 : vector<16xf32>
        %max3A_1160 = arith.constant 0.000000e+00 : f32
        %max3A_1161 = vector.broadcast %max3A_1160 : f32 to vector<16xf32>
        %max3A_1162 = arith.maximumf %add3A_1159, %max3A_1161 : vector<16xf32>
        %mul3A_1163 = arith.mulf %max3A_1162, %get3A_13 : vector<16xf32>
        %add3A_1164 = arith.addf %add3A_1150, %mul3A_1163 : vector<16xf32>
        %mul3A_1165 = arith.constant 2 : i32
        %mul3A_1166 = arith.muli %scan3A_174, %mul3A_1165 : i32
        %add3A_1167 = arith.constant 0 : i32
        %add3A_1168 = arith.addi %mul3A_1166, %add3A_1167 : i32
        %swap3A = arith.index_cast %add3A_1168 : i32 to index
        %swap3A_1169 = arith.constant 0 : index
        %swap3A_1170 = tpu.vector_load %arg14[%swap3A, %swap3A_1169] {strides = array<i32>} : memref<10x128xf32, #tpu.memory_space<vmem>>, vector<1x16xf32>,
        %swap3A_1171 = vector.shape_cast %swap3A_1170 : vector<1x16xf32> to vector<16xf32>
        %swap3A_1172 = vector.shape_cast %add3A_234 : vector<16xf32> to vector<1x16xf32>
        tpu.vector_store %arg14[%swap3A, %swap3A_1169], %swap3A_1172 {strides = array<i32>} : memref<10x128xf32, #tpu.memory_space<vmem>>, vector<1x16xf32>,
        %mul3A_1173 = arith.constant 2 : i32
        %mul3A_1174 = arith.muli %scan3A_174, %mul3A_1173 : i32
        %add3A_1175 = arith.constant 0 : i32
        %add3A_1176 = arith.addi %mul3A_1174, %add3A_1175 : i32
        %swap3A_1177 = arith.index_cast %add3A_1176 : i32 to index
        %swap3A_1178 = arith.constant 16 : index
        %swap3A_1179 = tpu.vector_load %arg14[%swap3A_1177, %swap3A_1178] {strides = array<i32>} : memref<10x128xf32, #tpu.memory_space<vmem>>, vector<1x16xf32>,
        %swap3A_1180 = vector.shape_cast %swap3A_1179 : vector<1x16xf32> to vector<16xf32>
        %swap3A_1181 = vector.shape_cast %add3A_296 : vector<16xf32> to vector<1x16xf32>
        tpu.vector_store %arg14[%swap3A_1177, %swap3A_1178], %swap3A_1181 {strides = array<i32>} : memref<10x128xf32, #tpu.memory_space<vmem>>, vector<1x16xf32>,
        %mul3A_1182 = arith.constant 2 : i32
        %mul3A_1183 = arith.muli %scan3A_174, %mul3A_1182 : i32
        %add3A_1184 = arith.constant 0 : i32
        %add3A_1185 = arith.addi %mul3A_1183, %add3A_1184 : i32
        %swap3A_1186 = arith.index_cast %add3A_1185 : i32 to index
        %swap3A_1187 = arith.constant 32 : index
        %swap3A_1188 = tpu.vector_load %arg14[%swap3A_1186, %swap3A_1187] {strides = array<i32>} : memref<10x128xf32, #tpu.memory_space<vmem>>, vector<1x16xf32>,
        %swap3A_1189 = vector.shape_cast %swap3A_1188 : vector<1x16xf32> to vector<16xf32>
        %swap3A_1190 = vector.shape_cast %add3A_358 : vector<16xf32> to vector<1x16xf32>
        tpu.vector_store %arg14[%swap3A_1186, %swap3A_1187], %swap3A_1190 {strides = array<i32>} : memref<10x128xf32, #tpu.memory_space<vmem>>, vector<1x16xf32>,
        %mul3A_1191 = arith.constant 2 : i32
        %mul3A_1192 = arith.muli %scan3A_174, %mul3A_1191 : i32
        %add3A_1193 = arith.constant 0 : i32
        %add3A_1194 = arith.addi %mul3A_1192, %add3A_1193 : i32
        %swap3A_1195 = arith.index_cast %add3A_1194 : i32 to index
        %swap3A_1196 = arith.constant 48 : index
        %swap3A_1197 = tpu.vector_load %arg14[%swap3A_1195, %swap3A_1196] {strides = array<i32>} : memref<10x128xf32, #tpu.memory_space<vmem>>, vector<1x16xf32>,
        %swap3A_1198 = vector.shape_cast %swap3A_1197 : vector<1x16xf32> to vector<16xf32>
        %swap3A_1199 = vector.shape_cast %add3A_420 : vector<16xf32> to vector<1x16xf32>
        tpu.vector_store %arg14[%swap3A_1195, %swap3A_1196], %swap3A_1199 {strides = array<i32>} : memref<10x128xf32, #tpu.memory_space<vmem>>, vector<1x16xf32>,
        %mul3A_1200 = arith.constant 2 : i32
        %mul3A_1201 = arith.muli %scan3A_174, %mul3A_1200 : i32
        %add3A_1202 = arith.constant 0 : i32
        %add3A_1203 = arith.addi %mul3A_1201, %add3A_1202 : i32
        %swap3A_1204 = arith.index_cast %add3A_1203 : i32 to index
        %swap3A_1205 = arith.constant 64 : index
        %swap3A_1206 = tpu.vector_load %arg14[%swap3A_1204, %swap3A_1205] {strides = array<i32>} : memref<10x128xf32, #tpu.memory_space<vmem>>, vector<1x16xf32>,
        %swap3A_1207 = vector.shape_cast %swap3A_1206 : vector<1x16xf32> to vector<16xf32>
        %swap3A_1208 = vector.shape_cast %add3A_482 : vector<16xf32> to vector<1x16xf32>
        tpu.vector_store %arg14[%swap3A_1204, %swap3A_1205], %swap3A_1208 {strides = array<i32>} : memref<10x128xf32, #tpu.memory_space<vmem>>, vector<1x16xf32>,
        %mul3A_1209 = arith.constant 2 : i32
        %mul3A_1210 = arith.muli %scan3A_174, %mul3A_1209 : i32
        %add3A_1211 = arith.constant 0 : i32
        %add3A_1212 = arith.addi %mul3A_1210, %add3A_1211 : i32
        %swap3A_1213 = arith.index_cast %add3A_1212 : i32 to index
        %swap3A_1214 = arith.constant 80 : index
        %swap3A_1215 = tpu.vector_load %arg14[%swap3A_1213, %swap3A_1214] {strides = array<i32>} : memref<10x128xf32, #tpu.memory_space<vmem>>, vector<1x16xf32>,
        %swap3A_1216 = vector.shape_cast %swap3A_1215 : vector<1x16xf32> to vector<16xf32>
        %swap3A_1217 = vector.shape_cast %add3A_544 : vector<16xf32> to vector<1x16xf32>
        tpu.vector_store %arg14[%swap3A_1213, %swap3A_1214], %swap3A_1217 {strides = array<i32>} : memref<10x128xf32, #tpu.memory_space<vmem>>, vector<1x16xf32>,
        %mul3A_1218 = arith.constant 2 : i32
        %mul3A_1219 = arith.muli %scan3A_174, %mul3A_1218 : i32
        %add3A_1220 = arith.constant 0 : i32
        %add3A_1221 = arith.addi %mul3A_1219, %add3A_1220 : i32
        %swap3A_1222 = arith.index_cast %add3A_1221 : i32 to index
        %swap3A_1223 = arith.constant 96 : index
        %swap3A_1224 = tpu.vector_load %arg14[%swap3A_1222, %swap3A_1223] {strides = array<i32>} : memref<10x128xf32, #tpu.memory_space<vmem>>, vector<1x16xf32>,
        %swap3A_1225 = vector.shape_cast %swap3A_1224 : vector<1x16xf32> to vector<16xf32>
        %swap3A_1226 = vector.shape_cast %add3A_606 : vector<16xf32> to vector<1x16xf32>
        tpu.vector_store %arg14[%swap3A_1222, %swap3A_1223], %swap3A_1226 {strides = array<i32>} : memref<10x128xf32, #tpu.memory_space<vmem>>, vector<1x16xf32>,
        %mul3A_1227 = arith.constant 2 : i32
        %mul3A_1228 = arith.muli %scan3A_174, %mul3A_1227 : i32
        %add3A_1229 = arith.constant 0 : i32
        %add3A_1230 = arith.addi %mul3A_1228, %add3A_1229 : i32
        %swap3A_1231 = arith.index_cast %add3A_1230 : i32 to index
        %swap3A_1232 = arith.constant 112 : index
        %swap3A_1233 = tpu.vector_load %arg14[%swap3A_1231, %swap3A_1232] {strides = array<i32>} : memref<10x128xf32, #tpu.memory_space<vmem>>, vector<1x16xf32>,
        %swap3A_1234 = vector.shape_cast %swap3A_1233 : vector<1x16xf32> to vector<16xf32>
        %swap3A_1235 = vector.shape_cast %add3A_668 : vector<16xf32> to vector<1x16xf32>
        tpu.vector_store %arg14[%swap3A_1231, %swap3A_1232], %swap3A_1235 {strides = array<i32>} : memref<10x128xf32, #tpu.memory_space<vmem>>, vector<1x16xf32>,
        %mul3A_1236 = arith.constant 2 : i32
        %mul3A_1237 = arith.muli %scan3A_174, %mul3A_1236 : i32
        %add3A_1238 = arith.constant 1 : i32
        %add3A_1239 = arith.addi %mul3A_1237, %add3A_1238 : i32
        %swap3A_1240 = arith.index_cast %add3A_1239 : i32 to index
        %swap3A_1241 = arith.constant 0 : index
        %swap3A_1242 = tpu.vector_load %arg14[%swap3A_1240, %swap3A_1241] {strides = array<i32>} : memref<10x128xf32, #tpu.memory_space<vmem>>, vector<1x16xf32>,
        %swap3A_1243 = vector.shape_cast %swap3A_1242 : vector<1x16xf32> to vector<16xf32>
        %swap3A_1244 = vector.shape_cast %add3A_730 : vector<16xf32> to vector<1x16xf32>
        tpu.vector_store %arg14[%swap3A_1240, %swap3A_1241], %swap3A_1244 {strides = array<i32>} : memref<10x128xf32, #tpu.memory_space<vmem>>, vector<1x16xf32>,
        %mul3A_1245 = arith.constant 2 : i32
        %mul3A_1246 = arith.muli %scan3A_174, %mul3A_1245 : i32
        %add3A_1247 = arith.constant 1 : i32
        %add3A_1248 = arith.addi %mul3A_1246, %add3A_1247 : i32
        %swap3A_1249 = arith.index_cast %add3A_1248 : i32 to index
        %swap3A_1250 = arith.constant 16 : index
        %swap3A_1251 = tpu.vector_load %arg14[%swap3A_1249, %swap3A_1250] {strides = array<i32>} : memref<10x128xf32, #tpu.memory_space<vmem>>, vector<1x16xf32>,
        %swap3A_1252 = vector.shape_cast %swap3A_1251 : vector<1x16xf32> to vector<16xf32>
        %swap3A_1253 = vector.shape_cast %add3A_792 : vector<16xf32> to vector<1x16xf32>
        tpu.vector_store %arg14[%swap3A_1249, %swap3A_1250], %swap3A_1253 {strides = array<i32>} : memref<10x128xf32, #tpu.memory_space<vmem>>, vector<1x16xf32>,
        %mul3A_1254 = arith.constant 2 : i32
        %mul3A_1255 = arith.muli %scan3A_174, %mul3A_1254 : i32
        %add3A_1256 = arith.constant 1 : i32
        %add3A_1257 = arith.addi %mul3A_1255, %add3A_1256 : i32
        %swap3A_1258 = arith.index_cast %add3A_1257 : i32 to index
        %swap3A_1259 = arith.constant 32 : index
        %swap3A_1260 = tpu.vector_load %arg14[%swap3A_1258, %swap3A_1259] {strides = array<i32>} : memref<10x128xf32, #tpu.memory_space<vmem>>, vector<1x16xf32>,
        %swap3A_1261 = vector.shape_cast %swap3A_1260 : vector<1x16xf32> to vector<16xf32>
        %swap3A_1262 = vector.shape_cast %add3A_854 : vector<16xf32> to vector<1x16xf32>
        tpu.vector_store %arg14[%swap3A_1258, %swap3A_1259], %swap3A_1262 {strides = array<i32>} : memref<10x128xf32, #tpu.memory_space<vmem>>, vector<1x16xf32>,
        %mul3A_1263 = arith.constant 2 : i32
        %mul3A_1264 = arith.muli %scan3A_174, %mul3A_1263 : i32
        %add3A_1265 = arith.constant 1 : i32
        %add3A_1266 = arith.addi %mul3A_1264, %add3A_1265 : i32
        %swap3A_1267 = arith.index_cast %add3A_1266 : i32 to index
        %swap3A_1268 = arith.constant 48 : index
        %swap3A_1269 = tpu.vector_load %arg14[%swap3A_1267, %swap3A_1268] {strides = array<i32>} : memref<10x128xf32, #tpu.memory_space<vmem>>, vector<1x16xf32>,
        %swap3A_1270 = vector.shape_cast %swap3A_1269 : vector<1x16xf32> to vector<16xf32>
        %swap3A_1271 = vector.shape_cast %add3A_916 : vector<16xf32> to vector<1x16xf32>
        tpu.vector_store %arg14[%swap3A_1267, %swap3A_1268], %swap3A_1271 {strides = array<i32>} : memref<10x128xf32, #tpu.memory_space<vmem>>, vector<1x16xf32>,
        %mul3A_1272 = arith.constant 2 : i32
        %mul3A_1273 = arith.muli %scan3A_174, %mul3A_1272 : i32
        %add3A_1274 = arith.constant 1 : i32
        %add3A_1275 = arith.addi %mul3A_1273, %add3A_1274 : i32
        %swap3A_1276 = arith.index_cast %add3A_1275 : i32 to index
        %swap3A_1277 = arith.constant 64 : index
        %swap3A_1278 = tpu.vector_load %arg14[%swap3A_1276, %swap3A_1277] {strides = array<i32>} : memref<10x128xf32, #tpu.memory_space<vmem>>, vector<1x16xf32>,
        %swap3A_1279 = vector.shape_cast %swap3A_1278 : vector<1x16xf32> to vector<16xf32>
        %swap3A_1280 = vector.shape_cast %add3A_978 : vector<16xf32> to vector<1x16xf32>
        tpu.vector_store %arg14[%swap3A_1276, %swap3A_1277], %swap3A_1280 {strides = array<i32>} : memref<10x128xf32, #tpu.memory_space<vmem>>, vector<1x16xf32>,
        %mul3A_1281 = arith.constant 2 : i32
        %mul3A_1282 = arith.muli %scan3A_174, %mul3A_1281 : i32
        %add3A_1283 = arith.constant 1 : i32
        %add3A_1284 = arith.addi %mul3A_1282, %add3A_1283 : i32
        %swap3A_1285 = arith.index_cast %add3A_1284 : i32 to index
        %swap3A_1286 = arith.constant 80 : index
        %swap3A_1287 = tpu.vector_load %arg14[%swap3A_1285, %swap3A_1286] {strides = array<i32>} : memref<10x128xf32, #tpu.memory_space<vmem>>, vector<1x16xf32>,
        %swap3A_1288 = vector.shape_cast %swap3A_1287 : vector<1x16xf32> to vector<16xf32>
        %swap3A_1289 = vector.shape_cast %add3A_1040 : vector<16xf32> to vector<1x16xf32>
        tpu.vector_store %arg14[%swap3A_1285, %swap3A_1286], %swap3A_1289 {strides = array<i32>} : memref<10x128xf32, #tpu.memory_space<vmem>>, vector<1x16xf32>,
        %mul3A_1290 = arith.constant 2 : i32
        %mul3A_1291 = arith.muli %scan3A_174, %mul3A_1290 : i32
        %add3A_1292 = arith.constant 1 : i32
        %add3A_1293 = arith.addi %mul3A_1291, %add3A_1292 : i32
        %swap3A_1294 = arith.index_cast %add3A_1293 : i32 to index
        %swap3A_1295 = arith.constant 96 : index
        %swap3A_1296 = tpu.vector_load %arg14[%swap3A_1294, %swap3A_1295] {strides = array<i32>} : memref<10x128xf32, #tpu.memory_space<vmem>>, vector<1x16xf32>,
        %swap3A_1297 = vector.shape_cast %swap3A_1296 : vector<1x16xf32> to vector<16xf32>
        %swap3A_1298 = vector.shape_cast %add3A_1102 : vector<16xf32> to vector<1x16xf32>
        tpu.vector_store %arg14[%swap3A_1294, %swap3A_1295], %swap3A_1298 {strides = array<i32>} : memref<10x128xf32, #tpu.memory_space<vmem>>, vector<1x16xf32>,
        %mul3A_1299 = arith.constant 2 : i32
        %mul3A_1300 = arith.muli %scan3A_174, %mul3A_1299 : i32
        %add3A_1301 = arith.constant 1 : i32
        %add3A_1302 = arith.addi %mul3A_1300, %add3A_1301 : i32
        %swap3A_1303 = arith.index_cast %add3A_1302 : i32 to index
        %swap3A_1304 = arith.constant 112 : index
        %swap3A_1305 = tpu.vector_load %arg14[%swap3A_1303, %swap3A_1304] {strides = array<i32>} : memref<10x128xf32, #tpu.memory_space<vmem>>, vector<1x16xf32>,
        %swap3A_1306 = vector.shape_cast %swap3A_1305 : vector<1x16xf32> to vector<16xf32>
        %swap3A_1307 = vector.shape_cast %add3A_1164 : vector<16xf32> to vector<1x16xf32>
        tpu.vector_store %arg14[%swap3A_1303, %swap3A_1304], %swap3A_1307 {strides = array<i32>} : memref<10x128xf32, #tpu.memory_space<vmem>>, vector<1x16xf32>,
      }
      %scan3A_114 = arith.constant 5 : i32
      %mul3A_115 = arith.constant 10 : i32
      %mul3A_116 = arith.muli %add3A_94, %mul3A_115 : i32
      %add3A_117 = arith.addi %mul3A_2, %mul3A_116 : i32
      %dma_start3A_118 = arith.constant 0 : i32
      %dma_start3A_119 = tpu.memref_slice %arg7[%add3A_117, %dma_start3A_118] : memref<40000x128xf32, #tpu.memory_space<hbm>> -> memref<10x128xf32, #tpu.memory_space<hbm>>
      %dma_start3A_120 = arith.constant 0 : i32
      %dma_start3A_121 = tpu.memref_slice %arg7[%add3A_117, %dma_start3A_120] : memref<40000x128xf32, #tpu.memory_space<hbm>> -> memref<10x128xf32, #tpu.memory_space<hbm>>
      tpu.enqueue_dma source(%arg14 : memref<10x128xf32, #tpu.memory_space<vmem>>) target(%dma_start3A_121 : memref<10x128xf32, #tpu.memory_space<hbm>>) target_semaphore(%arg21 : memref<!tpu.dma_semaphore, #tpu.memory_space<semaphore_mem>>)
      %add3A_122 = arith.constant 2 : i32
      %add3A_123 = arith.addi %add3A_94, %add3A_122 : i32
      %dma_start3A_124 = arith.constant 0 : i32
      %dma_start3A_125 = tpu.memref_slice %arg8[%add3A_123, %dma_start3A_124] : memref<125x80xi32, #tpu.memory_space<vmem>> -> memref<1x80xi32, #tpu.memory_space<vmem>>
      %dma_start3A_126 = tpu.memref_squeeze %dma_start3A_125 : memref<1x80xi32, #tpu.memory_space<vmem>> -> memref<80xi32, #tpu.memory_space<vmem>>
      %dma_start3A_127 = arith.constant 0 : i32
      %dma_start3A_128 = arith.constant 0 : i32
      %dma_start3A_129 = tpu.memref_slice %arg4[%dma_start3A_127, %dma_start3A_128] : memref<10000x64xf32, #tpu.memory_space<hbm>> -> memref<10000x64xf32, #tpu.memory_space<hbm>>
      tpu.enqueue_indirect_dma source(%dma_start3A_129 : memref<10000x64xf32, #tpu.memory_space<hbm>>) target(%arg10 : memref<80x64xf32, #tpu.memory_space<vmem>>) offsets(%dma_start3A_126 : memref<80xi32, #tpu.memory_space<vmem>>) semaphore(%arg17 : memref<!tpu.dma_semaphore, #tpu.memory_space<semaphore_mem>>)
      %dma_start3A_130 = arith.constant 0 : i32
      %dma_start3A_131 = tpu.memref_slice %arg9[%add3A_123, %dma_start3A_130] : memref<125x80xi32, #tpu.memory_space<vmem>> -> memref<1x80xi32, #tpu.memory_space<vmem>>
      %dma_start3A_132 = tpu.memref_squeeze %dma_start3A_131 : memref<1x80xi32, #tpu.memory_space<vmem>> -> memref<80xi32, #tpu.memory_space<vmem>>
      %dma_start3A_133 = arith.constant 0 : i32
      %dma_start3A_134 = arith.constant 0 : i32
      %dma_start3A_135 = tpu.memref_slice %arg5[%dma_start3A_133, %dma_start3A_134] : memref<10000x64xf32, #tpu.memory_space<hbm>> -> memref<10000x64xf32, #tpu.memory_space<hbm>>
      tpu.enqueue_indirect_dma source(%dma_start3A_135 : memref<10000x64xf32, #tpu.memory_space<hbm>>) target(%arg12 : memref<80x64xf32, #tpu.memory_space<vmem>>) offsets(%dma_start3A_132 : memref<80xi32, #tpu.memory_space<vmem>>) semaphore(%arg19 : memref<!tpu.dma_semaphore, #tpu.memory_space<semaphore_mem>>)
      %add3A_136 = arith.constant 1 : i32
      %add3A_137 = arith.addi %add3A_92, %add3A_136 : i32
      %ge3A_138 = arith.constant 2 : i32
      %ge3A_139 = arith.cmpi sge, %add3A_92, %ge3A_138 : i32
      %convert_element_type3A_140 = arith.extui %ge3A_139 : i1 to i32
      %cond3A_141 = arith.constant 0 : i32
      %cond3A_142 = arith.cmpi ne, %convert_element_type3A_140, %cond3A_141 : i32
      scf.if %cond3A_142 {
        %sub3A = arith.constant 2 : i32
        %sub3A_174 = arith.subi %add3A_137, %sub3A : i32
        %mul3A_175 = arith.constant 10 : i32
        %mul3A_176 = arith.muli %sub3A_174, %mul3A_175 : i32
        %add3A_177 = arith.addi %mul3A_2, %mul3A_176 : i32
        %dma_wait3A_178 = arith.constant 0 : i32
        %dma_wait3A_179 = tpu.memref_slice %arg7[%add3A_177, %dma_wait3A_178] : memref<40000x128xf32, #tpu.memory_space<hbm>> -> memref<10x128xf32, #tpu.memory_space<hbm>>
        %dma_wait3A_180 = arith.constant 0 : i32
        %dma_wait3A_181 = tpu.memref_slice %arg7[%add3A_177, %dma_wait3A_180] : memref<40000x128xf32, #tpu.memory_space<hbm>> -> memref<10x128xf32, #tpu.memory_space<hbm>>
        tpu.wait_dma2 semaphore(%arg22 : memref<!tpu.dma_semaphore, #tpu.memory_space<semaphore_mem>>) src(%arg15 : memref<10x128xf32, #tpu.memory_space<vmem>>) dst(%dma_wait3A_181 : memref<10x128xf32, #tpu.memory_space<hbm>>)
      } else {
      }
      %dma_wait3A_143 = arith.constant 0 : i32
      %dma_wait3A_144 = tpu.memref_slice %arg8[%add3A_137, %dma_wait3A_143] : memref<125x80xi32, #tpu.memory_space<vmem>> -> memref<1x80xi32, #tpu.memory_space<vmem>>
      %dma_wait3A_145 = tpu.memref_squeeze %dma_wait3A_144 : memref<1x80xi32, #tpu.memory_space<vmem>> -> memref<80xi32, #tpu.memory_space<vmem>>
      %dma_wait3A_146 = arith.constant 0 : i32
      %dma_wait3A_147 = arith.constant 0 : i32
      %dma_wait3A_148 = tpu.memref_slice %arg4[%dma_wait3A_146, %dma_wait3A_147] : memref<10000x64xf32, #tpu.memory_space<hbm>> -> memref<10000x64xf32, #tpu.memory_space<hbm>>
      tpu.wait_indirect_dma semaphore(%arg18 : memref<!tpu.dma_semaphore, #tpu.memory_space<semaphore_mem>>) src(%dma_wait3A_148 : memref<10000x64xf32, #tpu.memory_space<hbm>>) dst(%arg11 : memref<80x64xf32, #tpu.memory_space<vmem>>)
      %dma_wait3A_149 = arith.constant 0 : i32
      %dma_wait3A_150 = tpu.memref_slice %arg9[%add3A_137, %dma_wait3A_149] : memref<125x80xi32, #tpu.memory_space<vmem>> -> memref<1x80xi32, #tpu.memory_space<vmem>>
      %dma_wait3A_151 = tpu.memref_squeeze %dma_wait3A_150 : memref<1x80xi32, #tpu.memory_space<vmem>> -> memref<80xi32, #tpu.memory_space<vmem>>
      %dma_wait3A_152 = arith.constant 0 : i32
      %dma_wait3A_153 = arith.constant 0 : i32
      %dma_wait3A_154 = tpu.memref_slice %arg5[%dma_wait3A_152, %dma_wait3A_153] : memref<10000x64xf32, #tpu.memory_space<hbm>> -> memref<10000x64xf32, #tpu.memory_space<hbm>>
      tpu.wait_indirect_dma semaphore(%arg20 : memref<!tpu.dma_semaphore, #tpu.memory_space<semaphore_mem>>) src(%dma_wait3A_154 : memref<10000x64xf32, #tpu.memory_space<hbm>>) dst(%arg13 : memref<80x64xf32, #tpu.memory_space<vmem>>)
      %scan3A_155 = arith.constant 0 : i32
      %scan3A_156 = arith.constant 0 : i32
      %scan3A_157 = arith.constant 5 : i32
      %scan3A_158 = arith.addi %scan3A_156, %scan3A_157 : i32
      %scan3A_159 = arith.constant 1 : i32
      scf.for %scan3A_174 = %scan3A_156 to %scan3A_158 step %scan3A_159  : i32 {
        %mul3A_175 = arith.constant 16 : i32
        %mul3A_176 = arith.muli %scan3A_174, %mul3A_175 : i32
        %add3A_177 = arith.constant 0 : i32
        %add3A_178 = arith.addi %mul3A_176, %add3A_177 : i32
        %broadcast_in_dim3A = arith.constant 0.000000e+00 : f32
        %broadcast_in_dim3A_179 = vector.broadcast %broadcast_in_dim3A : f32 to vector<16xf32>
        %get3A_180 = arith.index_cast %add3A_178 : i32 to index
        %get3A_181 = arith.constant 0 : index
        %get3A_182 = tpu.vector_load %arg11[%get3A_180, %get3A_181] {strides = array<i32>} : memref<80x64xf32, #tpu.memory_space<vmem>>, vector<1x16xf32>,
        %get3A_183 = vector.shape_cast %get3A_182 : vector<1x16xf32> to vector<16xf32>
        %get3A_184 = arith.index_cast %add3A_178 : i32 to index
        %get3A_185 = arith.constant 0 : index
        %get3A_186 = tpu.vector_load %arg13[%get3A_184, %get3A_185] {strides = array<i32>} : memref<80x64xf32, #tpu.memory_space<vmem>>, vector<1x16xf32>,
        %get3A_187 = vector.shape_cast %get3A_186 : vector<1x16xf32> to vector<16xf32>
        %add3A_188 = arith.addf %get3A_183, %get3A_187 : vector<16xf32>
        %max3A = arith.constant 0.000000e+00 : f32
        %max3A_189 = vector.broadcast %max3A : f32 to vector<16xf32>
        %max3A_190 = arith.maximumf %add3A_188, %max3A_189 : vector<16xf32>
        %mul3A_191 = arith.mulf %max3A_190, %get3A_4 : vector<16xf32>
        %add3A_192 = arith.addf %broadcast_in_dim3A_179, %mul3A_191 : vector<16xf32>
        %get3A_193 = arith.index_cast %add3A_178 : i32 to index
        %get3A_194 = arith.constant 16 : index
        %get3A_195 = tpu.vector_load %arg11[%get3A_193, %get3A_194] {strides = array<i32>} : memref<80x64xf32, #tpu.memory_space<vmem>>, vector<1x16xf32>,
        %get3A_196 = vector.shape_cast %get3A_195 : vector<1x16xf32> to vector<16xf32>
        %get3A_197 = arith.index_cast %add3A_178 : i32 to index
        %get3A_198 = arith.constant 16 : index
        %get3A_199 = tpu.vector_load %arg13[%get3A_197, %get3A_198] {strides = array<i32>} : memref<80x64xf32, #tpu.memory_space<vmem>>, vector<1x16xf32>,
        %get3A_200 = vector.shape_cast %get3A_199 : vector<1x16xf32> to vector<16xf32>
        %add3A_201 = arith.addf %get3A_196, %get3A_200 : vector<16xf32>
        %max3A_202 = arith.constant 0.000000e+00 : f32
        %max3A_203 = vector.broadcast %max3A_202 : f32 to vector<16xf32>
        %max3A_204 = arith.maximumf %add3A_201, %max3A_203 : vector<16xf32>
        %mul3A_205 = arith.mulf %max3A_204, %get3A_7 : vector<16xf32>
        %add3A_206 = arith.addf %add3A_192, %mul3A_205 : vector<16xf32>
        %get3A_207 = arith.index_cast %add3A_178 : i32 to index
        %get3A_208 = arith.constant 32 : index
        %get3A_209 = tpu.vector_load %arg11[%get3A_207, %get3A_208] {strides = array<i32>} : memref<80x64xf32, #tpu.memory_space<vmem>>, vector<1x16xf32>,
        %get3A_210 = vector.shape_cast %get3A_209 : vector<1x16xf32> to vector<16xf32>
        %get3A_211 = arith.index_cast %add3A_178 : i32 to index
        %get3A_212 = arith.constant 32 : index
        %get3A_213 = tpu.vector_load %arg13[%get3A_211, %get3A_212] {strides = array<i32>} : memref<80x64xf32, #tpu.memory_space<vmem>>, vector<1x16xf32>,
        %get3A_214 = vector.shape_cast %get3A_213 : vector<1x16xf32> to vector<16xf32>
        %add3A_215 = arith.addf %get3A_210, %get3A_214 : vector<16xf32>
        %max3A_216 = arith.constant 0.000000e+00 : f32
        %max3A_217 = vector.broadcast %max3A_216 : f32 to vector<16xf32>
        %max3A_218 = arith.maximumf %add3A_215, %max3A_217 : vector<16xf32>
        %mul3A_219 = arith.mulf %max3A_218, %get3A_10 : vector<16xf32>
        %add3A_220 = arith.addf %add3A_206, %mul3A_219 : vector<16xf32>
        %get3A_221 = arith.index_cast %add3A_178 : i32 to index
        %get3A_222 = arith.constant 48 : index
        %get3A_223 = tpu.vector_load %arg11[%get3A_221, %get3A_222] {strides = array<i32>} : memref<80x64xf32, #tpu.memory_space<vmem>>, vector<1x16xf32>,
        %get3A_224 = vector.shape_cast %get3A_223 : vector<1x16xf32> to vector<16xf32>
        %get3A_225 = arith.index_cast %add3A_178 : i32 to index
        %get3A_226 = arith.constant 48 : index
        %get3A_227 = tpu.vector_load %arg13[%get3A_225, %get3A_226] {strides = array<i32>} : memref<80x64xf32, #tpu.memory_space<vmem>>, vector<1x16xf32>,
        %get3A_228 = vector.shape_cast %get3A_227 : vector<1x16xf32> to vector<16xf32>
        %add3A_229 = arith.addf %get3A_224, %get3A_228 : vector<16xf32>
        %max3A_230 = arith.constant 0.000000e+00 : f32
        %max3A_231 = vector.broadcast %max3A_230 : f32 to vector<16xf32>
        %max3A_232 = arith.maximumf %add3A_229, %max3A_231 : vector<16xf32>
        %mul3A_233 = arith.mulf %max3A_232, %get3A_13 : vector<16xf32>
        %add3A_234 = arith.addf %add3A_220, %mul3A_233 : vector<16xf32>
        %mul3A_235 = arith.constant 16 : i32
        %mul3A_236 = arith.muli %scan3A_174, %mul3A_235 : i32
        %add3A_237 = arith.constant 1 : i32
        %add3A_238 = arith.addi %mul3A_236, %add3A_237 : i32
        %broadcast_in_dim3A_239 = arith.constant 0.000000e+00 : f32
        %broadcast_in_dim3A_240 = vector.broadcast %broadcast_in_dim3A_239 : f32 to vector<16xf32>
        %get3A_241 = arith.index_cast %add3A_238 : i32 to index
        %get3A_242 = arith.constant 0 : index
        %get3A_243 = tpu.vector_load %arg11[%get3A_241, %get3A_242] {strides = array<i32>} : memref<80x64xf32, #tpu.memory_space<vmem>>, vector<1x16xf32>,
        %get3A_244 = vector.shape_cast %get3A_243 : vector<1x16xf32> to vector<16xf32>
        %get3A_245 = arith.index_cast %add3A_238 : i32 to index
        %get3A_246 = arith.constant 0 : index
        %get3A_247 = tpu.vector_load %arg13[%get3A_245, %get3A_246] {strides = array<i32>} : memref<80x64xf32, #tpu.memory_space<vmem>>, vector<1x16xf32>,
        %get3A_248 = vector.shape_cast %get3A_247 : vector<1x16xf32> to vector<16xf32>
        %add3A_249 = arith.addf %get3A_244, %get3A_248 : vector<16xf32>
        %max3A_250 = arith.constant 0.000000e+00 : f32
        %max3A_251 = vector.broadcast %max3A_250 : f32 to vector<16xf32>
        %max3A_252 = arith.maximumf %add3A_249, %max3A_251 : vector<16xf32>
        %mul3A_253 = arith.mulf %max3A_252, %get3A_4 : vector<16xf32>
        %add3A_254 = arith.addf %broadcast_in_dim3A_240, %mul3A_253 : vector<16xf32>
        %get3A_255 = arith.index_cast %add3A_238 : i32 to index
        %get3A_256 = arith.constant 16 : index
        %get3A_257 = tpu.vector_load %arg11[%get3A_255, %get3A_256] {strides = array<i32>} : memref<80x64xf32, #tpu.memory_space<vmem>>, vector<1x16xf32>,
        %get3A_258 = vector.shape_cast %get3A_257 : vector<1x16xf32> to vector<16xf32>
        %get3A_259 = arith.index_cast %add3A_238 : i32 to index
        %get3A_260 = arith.constant 16 : index
        %get3A_261 = tpu.vector_load %arg13[%get3A_259, %get3A_260] {strides = array<i32>} : memref<80x64xf32, #tpu.memory_space<vmem>>, vector<1x16xf32>,
        %get3A_262 = vector.shape_cast %get3A_261 : vector<1x16xf32> to vector<16xf32>
        %add3A_263 = arith.addf %get3A_258, %get3A_262 : vector<16xf32>
        %max3A_264 = arith.constant 0.000000e+00 : f32
        %max3A_265 = vector.broadcast %max3A_264 : f32 to vector<16xf32>
        %max3A_266 = arith.maximumf %add3A_263, %max3A_265 : vector<16xf32>
        %mul3A_267 = arith.mulf %max3A_266, %get3A_7 : vector<16xf32>
        %add3A_268 = arith.addf %add3A_254, %mul3A_267 : vector<16xf32>
        %get3A_269 = arith.index_cast %add3A_238 : i32 to index
        %get3A_270 = arith.constant 32 : index
        %get3A_271 = tpu.vector_load %arg11[%get3A_269, %get3A_270] {strides = array<i32>} : memref<80x64xf32, #tpu.memory_space<vmem>>, vector<1x16xf32>,
        %get3A_272 = vector.shape_cast %get3A_271 : vector<1x16xf32> to vector<16xf32>
        %get3A_273 = arith.index_cast %add3A_238 : i32 to index
        %get3A_274 = arith.constant 32 : index
        %get3A_275 = tpu.vector_load %arg13[%get3A_273, %get3A_274] {strides = array<i32>} : memref<80x64xf32, #tpu.memory_space<vmem>>, vector<1x16xf32>,
        %get3A_276 = vector.shape_cast %get3A_275 : vector<1x16xf32> to vector<16xf32>
        %add3A_277 = arith.addf %get3A_272, %get3A_276 : vector<16xf32>
        %max3A_278 = arith.constant 0.000000e+00 : f32
        %max3A_279 = vector.broadcast %max3A_278 : f32 to vector<16xf32>
        %max3A_280 = arith.maximumf %add3A_277, %max3A_279 : vector<16xf32>
        %mul3A_281 = arith.mulf %max3A_280, %get3A_10 : vector<16xf32>
        %add3A_282 = arith.addf %add3A_268, %mul3A_281 : vector<16xf32>
        %get3A_283 = arith.index_cast %add3A_238 : i32 to index
        %get3A_284 = arith.constant 48 : index
        %get3A_285 = tpu.vector_load %arg11[%get3A_283, %get3A_284] {strides = array<i32>} : memref<80x64xf32, #tpu.memory_space<vmem>>, vector<1x16xf32>,
        %get3A_286 = vector.shape_cast %get3A_285 : vector<1x16xf32> to vector<16xf32>
        %get3A_287 = arith.index_cast %add3A_238 : i32 to index
        %get3A_288 = arith.constant 48 : index
        %get3A_289 = tpu.vector_load %arg13[%get3A_287, %get3A_288] {strides = array<i32>} : memref<80x64xf32, #tpu.memory_space<vmem>>, vector<1x16xf32>,
        %get3A_290 = vector.shape_cast %get3A_289 : vector<1x16xf32> to vector<16xf32>
        %add3A_291 = arith.addf %get3A_286, %get3A_290 : vector<16xf32>
        %max3A_292 = arith.constant 0.000000e+00 : f32
        %max3A_293 = vector.broadcast %max3A_292 : f32 to vector<16xf32>
        %max3A_294 = arith.maximumf %add3A_291, %max3A_293 : vector<16xf32>
        %mul3A_295 = arith.mulf %max3A_294, %get3A_13 : vector<16xf32>
        %add3A_296 = arith.addf %add3A_282, %mul3A_295 : vector<16xf32>
        %mul3A_297 = arith.constant 16 : i32
        %mul3A_298 = arith.muli %scan3A_174, %mul3A_297 : i32
        %add3A_299 = arith.constant 2 : i32
        %add3A_300 = arith.addi %mul3A_298, %add3A_299 : i32
        %broadcast_in_dim3A_301 = arith.constant 0.000000e+00 : f32
        %broadcast_in_dim3A_302 = vector.broadcast %broadcast_in_dim3A_301 : f32 to vector<16xf32>
        %get3A_303 = arith.index_cast %add3A_300 : i32 to index
        %get3A_304 = arith.constant 0 : index
        %get3A_305 = tpu.vector_load %arg11[%get3A_303, %get3A_304] {strides = array<i32>} : memref<80x64xf32, #tpu.memory_space<vmem>>, vector<1x16xf32>,
        %get3A_306 = vector.shape_cast %get3A_305 : vector<1x16xf32> to vector<16xf32>
        %get3A_307 = arith.index_cast %add3A_300 : i32 to index
        %get3A_308 = arith.constant 0 : index
        %get3A_309 = tpu.vector_load %arg13[%get3A_307, %get3A_308] {strides = array<i32>} : memref<80x64xf32, #tpu.memory_space<vmem>>, vector<1x16xf32>,
        %get3A_310 = vector.shape_cast %get3A_309 : vector<1x16xf32> to vector<16xf32>
        %add3A_311 = arith.addf %get3A_306, %get3A_310 : vector<16xf32>
        %max3A_312 = arith.constant 0.000000e+00 : f32
        %max3A_313 = vector.broadcast %max3A_312 : f32 to vector<16xf32>
        %max3A_314 = arith.maximumf %add3A_311, %max3A_313 : vector<16xf32>
        %mul3A_315 = arith.mulf %max3A_314, %get3A_4 : vector<16xf32>
        %add3A_316 = arith.addf %broadcast_in_dim3A_302, %mul3A_315 : vector<16xf32>
        %get3A_317 = arith.index_cast %add3A_300 : i32 to index
        %get3A_318 = arith.constant 16 : index
        %get3A_319 = tpu.vector_load %arg11[%get3A_317, %get3A_318] {strides = array<i32>} : memref<80x64xf32, #tpu.memory_space<vmem>>, vector<1x16xf32>,
        %get3A_320 = vector.shape_cast %get3A_319 : vector<1x16xf32> to vector<16xf32>
        %get3A_321 = arith.index_cast %add3A_300 : i32 to index
        %get3A_322 = arith.constant 16 : index
        %get3A_323 = tpu.vector_load %arg13[%get3A_321, %get3A_322] {strides = array<i32>} : memref<80x64xf32, #tpu.memory_space<vmem>>, vector<1x16xf32>,
        %get3A_324 = vector.shape_cast %get3A_323 : vector<1x16xf32> to vector<16xf32>
        %add3A_325 = arith.addf %get3A_320, %get3A_324 : vector<16xf32>
        %max3A_326 = arith.constant 0.000000e+00 : f32
        %max3A_327 = vector.broadcast %max3A_326 : f32 to vector<16xf32>
        %max3A_328 = arith.maximumf %add3A_325, %max3A_327 : vector<16xf32>
        %mul3A_329 = arith.mulf %max3A_328, %get3A_7 : vector<16xf32>
        %add3A_330 = arith.addf %add3A_316, %mul3A_329 : vector<16xf32>
        %get3A_331 = arith.index_cast %add3A_300 : i32 to index
        %get3A_332 = arith.constant 32 : index
        %get3A_333 = tpu.vector_load %arg11[%get3A_331, %get3A_332] {strides = array<i32>} : memref<80x64xf32, #tpu.memory_space<vmem>>, vector<1x16xf32>,
        %get3A_334 = vector.shape_cast %get3A_333 : vector<1x16xf32> to vector<16xf32>
        %get3A_335 = arith.index_cast %add3A_300 : i32 to index
        %get3A_336 = arith.constant 32 : index
        %get3A_337 = tpu.vector_load %arg13[%get3A_335, %get3A_336] {strides = array<i32>} : memref<80x64xf32, #tpu.memory_space<vmem>>, vector<1x16xf32>,
        %get3A_338 = vector.shape_cast %get3A_337 : vector<1x16xf32> to vector<16xf32>
        %add3A_339 = arith.addf %get3A_334, %get3A_338 : vector<16xf32>
        %max3A_340 = arith.constant 0.000000e+00 : f32
        %max3A_341 = vector.broadcast %max3A_340 : f32 to vector<16xf32>
        %max3A_342 = arith.maximumf %add3A_339, %max3A_341 : vector<16xf32>
        %mul3A_343 = arith.mulf %max3A_342, %get3A_10 : vector<16xf32>
        %add3A_344 = arith.addf %add3A_330, %mul3A_343 : vector<16xf32>
        %get3A_345 = arith.index_cast %add3A_300 : i32 to index
        %get3A_346 = arith.constant 48 : index
        %get3A_347 = tpu.vector_load %arg11[%get3A_345, %get3A_346] {strides = array<i32>} : memref<80x64xf32, #tpu.memory_space<vmem>>, vector<1x16xf32>,
        %get3A_348 = vector.shape_cast %get3A_347 : vector<1x16xf32> to vector<16xf32>
        %get3A_349 = arith.index_cast %add3A_300 : i32 to index
        %get3A_350 = arith.constant 48 : index
        %get3A_351 = tpu.vector_load %arg13[%get3A_349, %get3A_350] {strides = array<i32>} : memref<80x64xf32, #tpu.memory_space<vmem>>, vector<1x16xf32>,
        %get3A_352 = vector.shape_cast %get3A_351 : vector<1x16xf32> to vector<16xf32>
        %add3A_353 = arith.addf %get3A_348, %get3A_352 : vector<16xf32>
        %max3A_354 = arith.constant 0.000000e+00 : f32
        %max3A_355 = vector.broadcast %max3A_354 : f32 to vector<16xf32>
        %max3A_356 = arith.maximumf %add3A_353, %max3A_355 : vector<16xf32>
        %mul3A_357 = arith.mulf %max3A_356, %get3A_13 : vector<16xf32>
        %add3A_358 = arith.addf %add3A_344, %mul3A_357 : vector<16xf32>
        %mul3A_359 = arith.constant 16 : i32
        %mul3A_360 = arith.muli %scan3A_174, %mul3A_359 : i32
        %add3A_361 = arith.constant 3 : i32
        %add3A_362 = arith.addi %mul3A_360, %add3A_361 : i32
        %broadcast_in_dim3A_363 = arith.constant 0.000000e+00 : f32
        %broadcast_in_dim3A_364 = vector.broadcast %broadcast_in_dim3A_363 : f32 to vector<16xf32>
        %get3A_365 = arith.index_cast %add3A_362 : i32 to index
        %get3A_366 = arith.constant 0 : index
        %get3A_367 = tpu.vector_load %arg11[%get3A_365, %get3A_366] {strides = array<i32>} : memref<80x64xf32, #tpu.memory_space<vmem>>, vector<1x16xf32>,
        %get3A_368 = vector.shape_cast %get3A_367 : vector<1x16xf32> to vector<16xf32>
        %get3A_369 = arith.index_cast %add3A_362 : i32 to index
        %get3A_370 = arith.constant 0 : index
        %get3A_371 = tpu.vector_load %arg13[%get3A_369, %get3A_370] {strides = array<i32>} : memref<80x64xf32, #tpu.memory_space<vmem>>, vector<1x16xf32>,
        %get3A_372 = vector.shape_cast %get3A_371 : vector<1x16xf32> to vector<16xf32>
        %add3A_373 = arith.addf %get3A_368, %get3A_372 : vector<16xf32>
        %max3A_374 = arith.constant 0.000000e+00 : f32
        %max3A_375 = vector.broadcast %max3A_374 : f32 to vector<16xf32>
        %max3A_376 = arith.maximumf %add3A_373, %max3A_375 : vector<16xf32>
        %mul3A_377 = arith.mulf %max3A_376, %get3A_4 : vector<16xf32>
        %add3A_378 = arith.addf %broadcast_in_dim3A_364, %mul3A_377 : vector<16xf32>
        %get3A_379 = arith.index_cast %add3A_362 : i32 to index
        %get3A_380 = arith.constant 16 : index
        %get3A_381 = tpu.vector_load %arg11[%get3A_379, %get3A_380] {strides = array<i32>} : memref<80x64xf32, #tpu.memory_space<vmem>>, vector<1x16xf32>,
        %get3A_382 = vector.shape_cast %get3A_381 : vector<1x16xf32> to vector<16xf32>
        %get3A_383 = arith.index_cast %add3A_362 : i32 to index
        %get3A_384 = arith.constant 16 : index
        %get3A_385 = tpu.vector_load %arg13[%get3A_383, %get3A_384] {strides = array<i32>} : memref<80x64xf32, #tpu.memory_space<vmem>>, vector<1x16xf32>,
        %get3A_386 = vector.shape_cast %get3A_385 : vector<1x16xf32> to vector<16xf32>
        %add3A_387 = arith.addf %get3A_382, %get3A_386 : vector<16xf32>
        %max3A_388 = arith.constant 0.000000e+00 : f32
        %max3A_389 = vector.broadcast %max3A_388 : f32 to vector<16xf32>
        %max3A_390 = arith.maximumf %add3A_387, %max3A_389 : vector<16xf32>
        %mul3A_391 = arith.mulf %max3A_390, %get3A_7 : vector<16xf32>
        %add3A_392 = arith.addf %add3A_378, %mul3A_391 : vector<16xf32>
        %get3A_393 = arith.index_cast %add3A_362 : i32 to index
        %get3A_394 = arith.constant 32 : index
        %get3A_395 = tpu.vector_load %arg11[%get3A_393, %get3A_394] {strides = array<i32>} : memref<80x64xf32, #tpu.memory_space<vmem>>, vector<1x16xf32>,
        %get3A_396 = vector.shape_cast %get3A_395 : vector<1x16xf32> to vector<16xf32>
        %get3A_397 = arith.index_cast %add3A_362 : i32 to index
        %get3A_398 = arith.constant 32 : index
        %get3A_399 = tpu.vector_load %arg13[%get3A_397, %get3A_398] {strides = array<i32>} : memref<80x64xf32, #tpu.memory_space<vmem>>, vector<1x16xf32>,
        %get3A_400 = vector.shape_cast %get3A_399 : vector<1x16xf32> to vector<16xf32>
        %add3A_401 = arith.addf %get3A_396, %get3A_400 : vector<16xf32>
        %max3A_402 = arith.constant 0.000000e+00 : f32
        %max3A_403 = vector.broadcast %max3A_402 : f32 to vector<16xf32>
        %max3A_404 = arith.maximumf %add3A_401, %max3A_403 : vector<16xf32>
        %mul3A_405 = arith.mulf %max3A_404, %get3A_10 : vector<16xf32>
        %add3A_406 = arith.addf %add3A_392, %mul3A_405 : vector<16xf32>
        %get3A_407 = arith.index_cast %add3A_362 : i32 to index
        %get3A_408 = arith.constant 48 : index
        %get3A_409 = tpu.vector_load %arg11[%get3A_407, %get3A_408] {strides = array<i32>} : memref<80x64xf32, #tpu.memory_space<vmem>>, vector<1x16xf32>,
        %get3A_410 = vector.shape_cast %get3A_409 : vector<1x16xf32> to vector<16xf32>
        %get3A_411 = arith.index_cast %add3A_362 : i32 to index
        %get3A_412 = arith.constant 48 : index
        %get3A_413 = tpu.vector_load %arg13[%get3A_411, %get3A_412] {strides = array<i32>} : memref<80x64xf32, #tpu.memory_space<vmem>>, vector<1x16xf32>,
        %get3A_414 = vector.shape_cast %get3A_413 : vector<1x16xf32> to vector<16xf32>
        %add3A_415 = arith.addf %get3A_410, %get3A_414 : vector<16xf32>
        %max3A_416 = arith.constant 0.000000e+00 : f32
        %max3A_417 = vector.broadcast %max3A_416 : f32 to vector<16xf32>
        %max3A_418 = arith.maximumf %add3A_415, %max3A_417 : vector<16xf32>
        %mul3A_419 = arith.mulf %max3A_418, %get3A_13 : vector<16xf32>
        %add3A_420 = arith.addf %add3A_406, %mul3A_419 : vector<16xf32>
        %mul3A_421 = arith.constant 16 : i32
        %mul3A_422 = arith.muli %scan3A_174, %mul3A_421 : i32
        %add3A_423 = arith.constant 4 : i32
        %add3A_424 = arith.addi %mul3A_422, %add3A_423 : i32
        %broadcast_in_dim3A_425 = arith.constant 0.000000e+00 : f32
        %broadcast_in_dim3A_426 = vector.broadcast %broadcast_in_dim3A_425 : f32 to vector<16xf32>
        %get3A_427 = arith.index_cast %add3A_424 : i32 to index
        %get3A_428 = arith.constant 0 : index
        %get3A_429 = tpu.vector_load %arg11[%get3A_427, %get3A_428] {strides = array<i32>} : memref<80x64xf32, #tpu.memory_space<vmem>>, vector<1x16xf32>,
        %get3A_430 = vector.shape_cast %get3A_429 : vector<1x16xf32> to vector<16xf32>
        %get3A_431 = arith.index_cast %add3A_424 : i32 to index
        %get3A_432 = arith.constant 0 : index
        %get3A_433 = tpu.vector_load %arg13[%get3A_431, %get3A_432] {strides = array<i32>} : memref<80x64xf32, #tpu.memory_space<vmem>>, vector<1x16xf32>,
        %get3A_434 = vector.shape_cast %get3A_433 : vector<1x16xf32> to vector<16xf32>
        %add3A_435 = arith.addf %get3A_430, %get3A_434 : vector<16xf32>
        %max3A_436 = arith.constant 0.000000e+00 : f32
        %max3A_437 = vector.broadcast %max3A_436 : f32 to vector<16xf32>
        %max3A_438 = arith.maximumf %add3A_435, %max3A_437 : vector<16xf32>
        %mul3A_439 = arith.mulf %max3A_438, %get3A_4 : vector<16xf32>
        %add3A_440 = arith.addf %broadcast_in_dim3A_426, %mul3A_439 : vector<16xf32>
        %get3A_441 = arith.index_cast %add3A_424 : i32 to index
        %get3A_442 = arith.constant 16 : index
        %get3A_443 = tpu.vector_load %arg11[%get3A_441, %get3A_442] {strides = array<i32>} : memref<80x64xf32, #tpu.memory_space<vmem>>, vector<1x16xf32>,
        %get3A_444 = vector.shape_cast %get3A_443 : vector<1x16xf32> to vector<16xf32>
        %get3A_445 = arith.index_cast %add3A_424 : i32 to index
        %get3A_446 = arith.constant 16 : index
        %get3A_447 = tpu.vector_load %arg13[%get3A_445, %get3A_446] {strides = array<i32>} : memref<80x64xf32, #tpu.memory_space<vmem>>, vector<1x16xf32>,
        %get3A_448 = vector.shape_cast %get3A_447 : vector<1x16xf32> to vector<16xf32>
        %add3A_449 = arith.addf %get3A_444, %get3A_448 : vector<16xf32>
        %max3A_450 = arith.constant 0.000000e+00 : f32
        %max3A_451 = vector.broadcast %max3A_450 : f32 to vector<16xf32>
        %max3A_452 = arith.maximumf %add3A_449, %max3A_451 : vector<16xf32>
        %mul3A_453 = arith.mulf %max3A_452, %get3A_7 : vector<16xf32>
        %add3A_454 = arith.addf %add3A_440, %mul3A_453 : vector<16xf32>
        %get3A_455 = arith.index_cast %add3A_424 : i32 to index
        %get3A_456 = arith.constant 32 : index
        %get3A_457 = tpu.vector_load %arg11[%get3A_455, %get3A_456] {strides = array<i32>} : memref<80x64xf32, #tpu.memory_space<vmem>>, vector<1x16xf32>,
        %get3A_458 = vector.shape_cast %get3A_457 : vector<1x16xf32> to vector<16xf32>
        %get3A_459 = arith.index_cast %add3A_424 : i32 to index
        %get3A_460 = arith.constant 32 : index
        %get3A_461 = tpu.vector_load %arg13[%get3A_459, %get3A_460] {strides = array<i32>} : memref<80x64xf32, #tpu.memory_space<vmem>>, vector<1x16xf32>,
        %get3A_462 = vector.shape_cast %get3A_461 : vector<1x16xf32> to vector<16xf32>
        %add3A_463 = arith.addf %get3A_458, %get3A_462 : vector<16xf32>
        %max3A_464 = arith.constant 0.000000e+00 : f32
        %max3A_465 = vector.broadcast %max3A_464 : f32 to vector<16xf32>
        %max3A_466 = arith.maximumf %add3A_463, %max3A_465 : vector<16xf32>
        %mul3A_467 = arith.mulf %max3A_466, %get3A_10 : vector<16xf32>
        %add3A_468 = arith.addf %add3A_454, %mul3A_467 : vector<16xf32>
        %get3A_469 = arith.index_cast %add3A_424 : i32 to index
        %get3A_470 = arith.constant 48 : index
        %get3A_471 = tpu.vector_load %arg11[%get3A_469, %get3A_470] {strides = array<i32>} : memref<80x64xf32, #tpu.memory_space<vmem>>, vector<1x16xf32>,
        %get3A_472 = vector.shape_cast %get3A_471 : vector<1x16xf32> to vector<16xf32>
        %get3A_473 = arith.index_cast %add3A_424 : i32 to index
        %get3A_474 = arith.constant 48 : index
        %get3A_475 = tpu.vector_load %arg13[%get3A_473, %get3A_474] {strides = array<i32>} : memref<80x64xf32, #tpu.memory_space<vmem>>, vector<1x16xf32>,
        %get3A_476 = vector.shape_cast %get3A_475 : vector<1x16xf32> to vector<16xf32>
        %add3A_477 = arith.addf %get3A_472, %get3A_476 : vector<16xf32>
        %max3A_478 = arith.constant 0.000000e+00 : f32
        %max3A_479 = vector.broadcast %max3A_478 : f32 to vector<16xf32>
        %max3A_480 = arith.maximumf %add3A_477, %max3A_479 : vector<16xf32>
        %mul3A_481 = arith.mulf %max3A_480, %get3A_13 : vector<16xf32>
        %add3A_482 = arith.addf %add3A_468, %mul3A_481 : vector<16xf32>
        %mul3A_483 = arith.constant 16 : i32
        %mul3A_484 = arith.muli %scan3A_174, %mul3A_483 : i32
        %add3A_485 = arith.constant 5 : i32
        %add3A_486 = arith.addi %mul3A_484, %add3A_485 : i32
        %broadcast_in_dim3A_487 = arith.constant 0.000000e+00 : f32
        %broadcast_in_dim3A_488 = vector.broadcast %broadcast_in_dim3A_487 : f32 to vector<16xf32>
        %get3A_489 = arith.index_cast %add3A_486 : i32 to index
        %get3A_490 = arith.constant 0 : index
        %get3A_491 = tpu.vector_load %arg11[%get3A_489, %get3A_490] {strides = array<i32>} : memref<80x64xf32, #tpu.memory_space<vmem>>, vector<1x16xf32>,
        %get3A_492 = vector.shape_cast %get3A_491 : vector<1x16xf32> to vector<16xf32>
        %get3A_493 = arith.index_cast %add3A_486 : i32 to index
        %get3A_494 = arith.constant 0 : index
        %get3A_495 = tpu.vector_load %arg13[%get3A_493, %get3A_494] {strides = array<i32>} : memref<80x64xf32, #tpu.memory_space<vmem>>, vector<1x16xf32>,
        %get3A_496 = vector.shape_cast %get3A_495 : vector<1x16xf32> to vector<16xf32>
        %add3A_497 = arith.addf %get3A_492, %get3A_496 : vector<16xf32>
        %max3A_498 = arith.constant 0.000000e+00 : f32
        %max3A_499 = vector.broadcast %max3A_498 : f32 to vector<16xf32>
        %max3A_500 = arith.maximumf %add3A_497, %max3A_499 : vector<16xf32>
        %mul3A_501 = arith.mulf %max3A_500, %get3A_4 : vector<16xf32>
        %add3A_502 = arith.addf %broadcast_in_dim3A_488, %mul3A_501 : vector<16xf32>
        %get3A_503 = arith.index_cast %add3A_486 : i32 to index
        %get3A_504 = arith.constant 16 : index
        %get3A_505 = tpu.vector_load %arg11[%get3A_503, %get3A_504] {strides = array<i32>} : memref<80x64xf32, #tpu.memory_space<vmem>>, vector<1x16xf32>,
        %get3A_506 = vector.shape_cast %get3A_505 : vector<1x16xf32> to vector<16xf32>
        %get3A_507 = arith.index_cast %add3A_486 : i32 to index
        %get3A_508 = arith.constant 16 : index
        %get3A_509 = tpu.vector_load %arg13[%get3A_507, %get3A_508] {strides = array<i32>} : memref<80x64xf32, #tpu.memory_space<vmem>>, vector<1x16xf32>,
        %get3A_510 = vector.shape_cast %get3A_509 : vector<1x16xf32> to vector<16xf32>
        %add3A_511 = arith.addf %get3A_506, %get3A_510 : vector<16xf32>
        %max3A_512 = arith.constant 0.000000e+00 : f32
        %max3A_513 = vector.broadcast %max3A_512 : f32 to vector<16xf32>
        %max3A_514 = arith.maximumf %add3A_511, %max3A_513 : vector<16xf32>
        %mul3A_515 = arith.mulf %max3A_514, %get3A_7 : vector<16xf32>
        %add3A_516 = arith.addf %add3A_502, %mul3A_515 : vector<16xf32>
        %get3A_517 = arith.index_cast %add3A_486 : i32 to index
        %get3A_518 = arith.constant 32 : index
        %get3A_519 = tpu.vector_load %arg11[%get3A_517, %get3A_518] {strides = array<i32>} : memref<80x64xf32, #tpu.memory_space<vmem>>, vector<1x16xf32>,
        %get3A_520 = vector.shape_cast %get3A_519 : vector<1x16xf32> to vector<16xf32>
        %get3A_521 = arith.index_cast %add3A_486 : i32 to index
        %get3A_522 = arith.constant 32 : index
        %get3A_523 = tpu.vector_load %arg13[%get3A_521, %get3A_522] {strides = array<i32>} : memref<80x64xf32, #tpu.memory_space<vmem>>, vector<1x16xf32>,
        %get3A_524 = vector.shape_cast %get3A_523 : vector<1x16xf32> to vector<16xf32>
        %add3A_525 = arith.addf %get3A_520, %get3A_524 : vector<16xf32>
        %max3A_526 = arith.constant 0.000000e+00 : f32
        %max3A_527 = vector.broadcast %max3A_526 : f32 to vector<16xf32>
        %max3A_528 = arith.maximumf %add3A_525, %max3A_527 : vector<16xf32>
        %mul3A_529 = arith.mulf %max3A_528, %get3A_10 : vector<16xf32>
        %add3A_530 = arith.addf %add3A_516, %mul3A_529 : vector<16xf32>
        %get3A_531 = arith.index_cast %add3A_486 : i32 to index
        %get3A_532 = arith.constant 48 : index
        %get3A_533 = tpu.vector_load %arg11[%get3A_531, %get3A_532] {strides = array<i32>} : memref<80x64xf32, #tpu.memory_space<vmem>>, vector<1x16xf32>,
        %get3A_534 = vector.shape_cast %get3A_533 : vector<1x16xf32> to vector<16xf32>
        %get3A_535 = arith.index_cast %add3A_486 : i32 to index
        %get3A_536 = arith.constant 48 : index
        %get3A_537 = tpu.vector_load %arg13[%get3A_535, %get3A_536] {strides = array<i32>} : memref<80x64xf32, #tpu.memory_space<vmem>>, vector<1x16xf32>,
        %get3A_538 = vector.shape_cast %get3A_537 : vector<1x16xf32> to vector<16xf32>
        %add3A_539 = arith.addf %get3A_534, %get3A_538 : vector<16xf32>
        %max3A_540 = arith.constant 0.000000e+00 : f32
        %max3A_541 = vector.broadcast %max3A_540 : f32 to vector<16xf32>
        %max3A_542 = arith.maximumf %add3A_539, %max3A_541 : vector<16xf32>
        %mul3A_543 = arith.mulf %max3A_542, %get3A_13 : vector<16xf32>
        %add3A_544 = arith.addf %add3A_530, %mul3A_543 : vector<16xf32>
        %mul3A_545 = arith.constant 16 : i32
        %mul3A_546 = arith.muli %scan3A_174, %mul3A_545 : i32
        %add3A_547 = arith.constant 6 : i32
        %add3A_548 = arith.addi %mul3A_546, %add3A_547 : i32
        %broadcast_in_dim3A_549 = arith.constant 0.000000e+00 : f32
        %broadcast_in_dim3A_550 = vector.broadcast %broadcast_in_dim3A_549 : f32 to vector<16xf32>
        %get3A_551 = arith.index_cast %add3A_548 : i32 to index
        %get3A_552 = arith.constant 0 : index
        %get3A_553 = tpu.vector_load %arg11[%get3A_551, %get3A_552] {strides = array<i32>} : memref<80x64xf32, #tpu.memory_space<vmem>>, vector<1x16xf32>,
        %get3A_554 = vector.shape_cast %get3A_553 : vector<1x16xf32> to vector<16xf32>
        %get3A_555 = arith.index_cast %add3A_548 : i32 to index
        %get3A_556 = arith.constant 0 : index
        %get3A_557 = tpu.vector_load %arg13[%get3A_555, %get3A_556] {strides = array<i32>} : memref<80x64xf32, #tpu.memory_space<vmem>>, vector<1x16xf32>,
        %get3A_558 = vector.shape_cast %get3A_557 : vector<1x16xf32> to vector<16xf32>
        %add3A_559 = arith.addf %get3A_554, %get3A_558 : vector<16xf32>
        %max3A_560 = arith.constant 0.000000e+00 : f32
        %max3A_561 = vector.broadcast %max3A_560 : f32 to vector<16xf32>
        %max3A_562 = arith.maximumf %add3A_559, %max3A_561 : vector<16xf32>
        %mul3A_563 = arith.mulf %max3A_562, %get3A_4 : vector<16xf32>
        %add3A_564 = arith.addf %broadcast_in_dim3A_550, %mul3A_563 : vector<16xf32>
        %get3A_565 = arith.index_cast %add3A_548 : i32 to index
        %get3A_566 = arith.constant 16 : index
        %get3A_567 = tpu.vector_load %arg11[%get3A_565, %get3A_566] {strides = array<i32>} : memref<80x64xf32, #tpu.memory_space<vmem>>, vector<1x16xf32>,
        %get3A_568 = vector.shape_cast %get3A_567 : vector<1x16xf32> to vector<16xf32>
        %get3A_569 = arith.index_cast %add3A_548 : i32 to index
        %get3A_570 = arith.constant 16 : index
        %get3A_571 = tpu.vector_load %arg13[%get3A_569, %get3A_570] {strides = array<i32>} : memref<80x64xf32, #tpu.memory_space<vmem>>, vector<1x16xf32>,
        %get3A_572 = vector.shape_cast %get3A_571 : vector<1x16xf32> to vector<16xf32>
        %add3A_573 = arith.addf %get3A_568, %get3A_572 : vector<16xf32>
        %max3A_574 = arith.constant 0.000000e+00 : f32
        %max3A_575 = vector.broadcast %max3A_574 : f32 to vector<16xf32>
        %max3A_576 = arith.maximumf %add3A_573, %max3A_575 : vector<16xf32>
        %mul3A_577 = arith.mulf %max3A_576, %get3A_7 : vector<16xf32>
        %add3A_578 = arith.addf %add3A_564, %mul3A_577 : vector<16xf32>
        %get3A_579 = arith.index_cast %add3A_548 : i32 to index
        %get3A_580 = arith.constant 32 : index
        %get3A_581 = tpu.vector_load %arg11[%get3A_579, %get3A_580] {strides = array<i32>} : memref<80x64xf32, #tpu.memory_space<vmem>>, vector<1x16xf32>,
        %get3A_582 = vector.shape_cast %get3A_581 : vector<1x16xf32> to vector<16xf32>
        %get3A_583 = arith.index_cast %add3A_548 : i32 to index
        %get3A_584 = arith.constant 32 : index
        %get3A_585 = tpu.vector_load %arg13[%get3A_583, %get3A_584] {strides = array<i32>} : memref<80x64xf32, #tpu.memory_space<vmem>>, vector<1x16xf32>,
        %get3A_586 = vector.shape_cast %get3A_585 : vector<1x16xf32> to vector<16xf32>
        %add3A_587 = arith.addf %get3A_582, %get3A_586 : vector<16xf32>
        %max3A_588 = arith.constant 0.000000e+00 : f32
        %max3A_589 = vector.broadcast %max3A_588 : f32 to vector<16xf32>
        %max3A_590 = arith.maximumf %add3A_587, %max3A_589 : vector<16xf32>
        %mul3A_591 = arith.mulf %max3A_590, %get3A_10 : vector<16xf32>
        %add3A_592 = arith.addf %add3A_578, %mul3A_591 : vector<16xf32>
        %get3A_593 = arith.index_cast %add3A_548 : i32 to index
        %get3A_594 = arith.constant 48 : index
        %get3A_595 = tpu.vector_load %arg11[%get3A_593, %get3A_594] {strides = array<i32>} : memref<80x64xf32, #tpu.memory_space<vmem>>, vector<1x16xf32>,
        %get3A_596 = vector.shape_cast %get3A_595 : vector<1x16xf32> to vector<16xf32>
        %get3A_597 = arith.index_cast %add3A_548 : i32 to index
        %get3A_598 = arith.constant 48 : index
        %get3A_599 = tpu.vector_load %arg13[%get3A_597, %get3A_598] {strides = array<i32>} : memref<80x64xf32, #tpu.memory_space<vmem>>, vector<1x16xf32>,
        %get3A_600 = vector.shape_cast %get3A_599 : vector<1x16xf32> to vector<16xf32>
        %add3A_601 = arith.addf %get3A_596, %get3A_600 : vector<16xf32>
        %max3A_602 = arith.constant 0.000000e+00 : f32
        %max3A_603 = vector.broadcast %max3A_602 : f32 to vector<16xf32>
        %max3A_604 = arith.maximumf %add3A_601, %max3A_603 : vector<16xf32>
        %mul3A_605 = arith.mulf %max3A_604, %get3A_13 : vector<16xf32>
        %add3A_606 = arith.addf %add3A_592, %mul3A_605 : vector<16xf32>
        %mul3A_607 = arith.constant 16 : i32
        %mul3A_608 = arith.muli %scan3A_174, %mul3A_607 : i32
        %add3A_609 = arith.constant 7 : i32
        %add3A_610 = arith.addi %mul3A_608, %add3A_609 : i32
        %broadcast_in_dim3A_611 = arith.constant 0.000000e+00 : f32
        %broadcast_in_dim3A_612 = vector.broadcast %broadcast_in_dim3A_611 : f32 to vector<16xf32>
        %get3A_613 = arith.index_cast %add3A_610 : i32 to index
        %get3A_614 = arith.constant 0 : index
        %get3A_615 = tpu.vector_load %arg11[%get3A_613, %get3A_614] {strides = array<i32>} : memref<80x64xf32, #tpu.memory_space<vmem>>, vector<1x16xf32>,
        %get3A_616 = vector.shape_cast %get3A_615 : vector<1x16xf32> to vector<16xf32>
        %get3A_617 = arith.index_cast %add3A_610 : i32 to index
        %get3A_618 = arith.constant 0 : index
        %get3A_619 = tpu.vector_load %arg13[%get3A_617, %get3A_618] {strides = array<i32>} : memref<80x64xf32, #tpu.memory_space<vmem>>, vector<1x16xf32>,
        %get3A_620 = vector.shape_cast %get3A_619 : vector<1x16xf32> to vector<16xf32>
        %add3A_621 = arith.addf %get3A_616, %get3A_620 : vector<16xf32>
        %max3A_622 = arith.constant 0.000000e+00 : f32
        %max3A_623 = vector.broadcast %max3A_622 : f32 to vector<16xf32>
        %max3A_624 = arith.maximumf %add3A_621, %max3A_623 : vector<16xf32>
        %mul3A_625 = arith.mulf %max3A_624, %get3A_4 : vector<16xf32>
        %add3A_626 = arith.addf %broadcast_in_dim3A_612, %mul3A_625 : vector<16xf32>
        %get3A_627 = arith.index_cast %add3A_610 : i32 to index
        %get3A_628 = arith.constant 16 : index
        %get3A_629 = tpu.vector_load %arg11[%get3A_627, %get3A_628] {strides = array<i32>} : memref<80x64xf32, #tpu.memory_space<vmem>>, vector<1x16xf32>,
        %get3A_630 = vector.shape_cast %get3A_629 : vector<1x16xf32> to vector<16xf32>
        %get3A_631 = arith.index_cast %add3A_610 : i32 to index
        %get3A_632 = arith.constant 16 : index
        %get3A_633 = tpu.vector_load %arg13[%get3A_631, %get3A_632] {strides = array<i32>} : memref<80x64xf32, #tpu.memory_space<vmem>>, vector<1x16xf32>,
        %get3A_634 = vector.shape_cast %get3A_633 : vector<1x16xf32> to vector<16xf32>
        %add3A_635 = arith.addf %get3A_630, %get3A_634 : vector<16xf32>
        %max3A_636 = arith.constant 0.000000e+00 : f32
        %max3A_637 = vector.broadcast %max3A_636 : f32 to vector<16xf32>
        %max3A_638 = arith.maximumf %add3A_635, %max3A_637 : vector<16xf32>
        %mul3A_639 = arith.mulf %max3A_638, %get3A_7 : vector<16xf32>
        %add3A_640 = arith.addf %add3A_626, %mul3A_639 : vector<16xf32>
        %get3A_641 = arith.index_cast %add3A_610 : i32 to index
        %get3A_642 = arith.constant 32 : index
        %get3A_643 = tpu.vector_load %arg11[%get3A_641, %get3A_642] {strides = array<i32>} : memref<80x64xf32, #tpu.memory_space<vmem>>, vector<1x16xf32>,
        %get3A_644 = vector.shape_cast %get3A_643 : vector<1x16xf32> to vector<16xf32>
        %get3A_645 = arith.index_cast %add3A_610 : i32 to index
        %get3A_646 = arith.constant 32 : index
        %get3A_647 = tpu.vector_load %arg13[%get3A_645, %get3A_646] {strides = array<i32>} : memref<80x64xf32, #tpu.memory_space<vmem>>, vector<1x16xf32>,
        %get3A_648 = vector.shape_cast %get3A_647 : vector<1x16xf32> to vector<16xf32>
        %add3A_649 = arith.addf %get3A_644, %get3A_648 : vector<16xf32>
        %max3A_650 = arith.constant 0.000000e+00 : f32
        %max3A_651 = vector.broadcast %max3A_650 : f32 to vector<16xf32>
        %max3A_652 = arith.maximumf %add3A_649, %max3A_651 : vector<16xf32>
        %mul3A_653 = arith.mulf %max3A_652, %get3A_10 : vector<16xf32>
        %add3A_654 = arith.addf %add3A_640, %mul3A_653 : vector<16xf32>
        %get3A_655 = arith.index_cast %add3A_610 : i32 to index
        %get3A_656 = arith.constant 48 : index
        %get3A_657 = tpu.vector_load %arg11[%get3A_655, %get3A_656] {strides = array<i32>} : memref<80x64xf32, #tpu.memory_space<vmem>>, vector<1x16xf32>,
        %get3A_658 = vector.shape_cast %get3A_657 : vector<1x16xf32> to vector<16xf32>
        %get3A_659 = arith.index_cast %add3A_610 : i32 to index
        %get3A_660 = arith.constant 48 : index
        %get3A_661 = tpu.vector_load %arg13[%get3A_659, %get3A_660] {strides = array<i32>} : memref<80x64xf32, #tpu.memory_space<vmem>>, vector<1x16xf32>,
        %get3A_662 = vector.shape_cast %get3A_661 : vector<1x16xf32> to vector<16xf32>
        %add3A_663 = arith.addf %get3A_658, %get3A_662 : vector<16xf32>
        %max3A_664 = arith.constant 0.000000e+00 : f32
        %max3A_665 = vector.broadcast %max3A_664 : f32 to vector<16xf32>
        %max3A_666 = arith.maximumf %add3A_663, %max3A_665 : vector<16xf32>
        %mul3A_667 = arith.mulf %max3A_666, %get3A_13 : vector<16xf32>
        %add3A_668 = arith.addf %add3A_654, %mul3A_667 : vector<16xf32>
        %mul3A_669 = arith.constant 16 : i32
        %mul3A_670 = arith.muli %scan3A_174, %mul3A_669 : i32
        %add3A_671 = arith.constant 8 : i32
        %add3A_672 = arith.addi %mul3A_670, %add3A_671 : i32
        %broadcast_in_dim3A_673 = arith.constant 0.000000e+00 : f32
        %broadcast_in_dim3A_674 = vector.broadcast %broadcast_in_dim3A_673 : f32 to vector<16xf32>
        %get3A_675 = arith.index_cast %add3A_672 : i32 to index
        %get3A_676 = arith.constant 0 : index
        %get3A_677 = tpu.vector_load %arg11[%get3A_675, %get3A_676] {strides = array<i32>} : memref<80x64xf32, #tpu.memory_space<vmem>>, vector<1x16xf32>,
        %get3A_678 = vector.shape_cast %get3A_677 : vector<1x16xf32> to vector<16xf32>
        %get3A_679 = arith.index_cast %add3A_672 : i32 to index
        %get3A_680 = arith.constant 0 : index
        %get3A_681 = tpu.vector_load %arg13[%get3A_679, %get3A_680] {strides = array<i32>} : memref<80x64xf32, #tpu.memory_space<vmem>>, vector<1x16xf32>,
        %get3A_682 = vector.shape_cast %get3A_681 : vector<1x16xf32> to vector<16xf32>
        %add3A_683 = arith.addf %get3A_678, %get3A_682 : vector<16xf32>
        %max3A_684 = arith.constant 0.000000e+00 : f32
        %max3A_685 = vector.broadcast %max3A_684 : f32 to vector<16xf32>
        %max3A_686 = arith.maximumf %add3A_683, %max3A_685 : vector<16xf32>
        %mul3A_687 = arith.mulf %max3A_686, %get3A_4 : vector<16xf32>
        %add3A_688 = arith.addf %broadcast_in_dim3A_674, %mul3A_687 : vector<16xf32>
        %get3A_689 = arith.index_cast %add3A_672 : i32 to index
        %get3A_690 = arith.constant 16 : index
        %get3A_691 = tpu.vector_load %arg11[%get3A_689, %get3A_690] {strides = array<i32>} : memref<80x64xf32, #tpu.memory_space<vmem>>, vector<1x16xf32>,
        %get3A_692 = vector.shape_cast %get3A_691 : vector<1x16xf32> to vector<16xf32>
        %get3A_693 = arith.index_cast %add3A_672 : i32 to index
        %get3A_694 = arith.constant 16 : index
        %get3A_695 = tpu.vector_load %arg13[%get3A_693, %get3A_694] {strides = array<i32>} : memref<80x64xf32, #tpu.memory_space<vmem>>, vector<1x16xf32>,
        %get3A_696 = vector.shape_cast %get3A_695 : vector<1x16xf32> to vector<16xf32>
        %add3A_697 = arith.addf %get3A_692, %get3A_696 : vector<16xf32>
        %max3A_698 = arith.constant 0.000000e+00 : f32
        %max3A_699 = vector.broadcast %max3A_698 : f32 to vector<16xf32>
        %max3A_700 = arith.maximumf %add3A_697, %max3A_699 : vector<16xf32>
        %mul3A_701 = arith.mulf %max3A_700, %get3A_7 : vector<16xf32>
        %add3A_702 = arith.addf %add3A_688, %mul3A_701 : vector<16xf32>
        %get3A_703 = arith.index_cast %add3A_672 : i32 to index
        %get3A_704 = arith.constant 32 : index
        %get3A_705 = tpu.vector_load %arg11[%get3A_703, %get3A_704] {strides = array<i32>} : memref<80x64xf32, #tpu.memory_space<vmem>>, vector<1x16xf32>,
        %get3A_706 = vector.shape_cast %get3A_705 : vector<1x16xf32> to vector<16xf32>
        %get3A_707 = arith.index_cast %add3A_672 : i32 to index
        %get3A_708 = arith.constant 32 : index
        %get3A_709 = tpu.vector_load %arg13[%get3A_707, %get3A_708] {strides = array<i32>} : memref<80x64xf32, #tpu.memory_space<vmem>>, vector<1x16xf32>,
        %get3A_710 = vector.shape_cast %get3A_709 : vector<1x16xf32> to vector<16xf32>
        %add3A_711 = arith.addf %get3A_706, %get3A_710 : vector<16xf32>
        %max3A_712 = arith.constant 0.000000e+00 : f32
        %max3A_713 = vector.broadcast %max3A_712 : f32 to vector<16xf32>
        %max3A_714 = arith.maximumf %add3A_711, %max3A_713 : vector<16xf32>
        %mul3A_715 = arith.mulf %max3A_714, %get3A_10 : vector<16xf32>
        %add3A_716 = arith.addf %add3A_702, %mul3A_715 : vector<16xf32>
        %get3A_717 = arith.index_cast %add3A_672 : i32 to index
        %get3A_718 = arith.constant 48 : index
        %get3A_719 = tpu.vector_load %arg11[%get3A_717, %get3A_718] {strides = array<i32>} : memref<80x64xf32, #tpu.memory_space<vmem>>, vector<1x16xf32>,
        %get3A_720 = vector.shape_cast %get3A_719 : vector<1x16xf32> to vector<16xf32>
        %get3A_721 = arith.index_cast %add3A_672 : i32 to index
        %get3A_722 = arith.constant 48 : index
        %get3A_723 = tpu.vector_load %arg13[%get3A_721, %get3A_722] {strides = array<i32>} : memref<80x64xf32, #tpu.memory_space<vmem>>, vector<1x16xf32>,
        %get3A_724 = vector.shape_cast %get3A_723 : vector<1x16xf32> to vector<16xf32>
        %add3A_725 = arith.addf %get3A_720, %get3A_724 : vector<16xf32>
        %max3A_726 = arith.constant 0.000000e+00 : f32
        %max3A_727 = vector.broadcast %max3A_726 : f32 to vector<16xf32>
        %max3A_728 = arith.maximumf %add3A_725, %max3A_727 : vector<16xf32>
        %mul3A_729 = arith.mulf %max3A_728, %get3A_13 : vector<16xf32>
        %add3A_730 = arith.addf %add3A_716, %mul3A_729 : vector<16xf32>
        %mul3A_731 = arith.constant 16 : i32
        %mul3A_732 = arith.muli %scan3A_174, %mul3A_731 : i32
        %add3A_733 = arith.constant 9 : i32
        %add3A_734 = arith.addi %mul3A_732, %add3A_733 : i32
        %broadcast_in_dim3A_735 = arith.constant 0.000000e+00 : f32
        %broadcast_in_dim3A_736 = vector.broadcast %broadcast_in_dim3A_735 : f32 to vector<16xf32>
        %get3A_737 = arith.index_cast %add3A_734 : i32 to index
        %get3A_738 = arith.constant 0 : index
        %get3A_739 = tpu.vector_load %arg11[%get3A_737, %get3A_738] {strides = array<i32>} : memref<80x64xf32, #tpu.memory_space<vmem>>, vector<1x16xf32>,
        %get3A_740 = vector.shape_cast %get3A_739 : vector<1x16xf32> to vector<16xf32>
        %get3A_741 = arith.index_cast %add3A_734 : i32 to index
        %get3A_742 = arith.constant 0 : index
        %get3A_743 = tpu.vector_load %arg13[%get3A_741, %get3A_742] {strides = array<i32>} : memref<80x64xf32, #tpu.memory_space<vmem>>, vector<1x16xf32>,
        %get3A_744 = vector.shape_cast %get3A_743 : vector<1x16xf32> to vector<16xf32>
        %add3A_745 = arith.addf %get3A_740, %get3A_744 : vector<16xf32>
        %max3A_746 = arith.constant 0.000000e+00 : f32
        %max3A_747 = vector.broadcast %max3A_746 : f32 to vector<16xf32>
        %max3A_748 = arith.maximumf %add3A_745, %max3A_747 : vector<16xf32>
        %mul3A_749 = arith.mulf %max3A_748, %get3A_4 : vector<16xf32>
        %add3A_750 = arith.addf %broadcast_in_dim3A_736, %mul3A_749 : vector<16xf32>
        %get3A_751 = arith.index_cast %add3A_734 : i32 to index
        %get3A_752 = arith.constant 16 : index
        %get3A_753 = tpu.vector_load %arg11[%get3A_751, %get3A_752] {strides = array<i32>} : memref<80x64xf32, #tpu.memory_space<vmem>>, vector<1x16xf32>,
        %get3A_754 = vector.shape_cast %get3A_753 : vector<1x16xf32> to vector<16xf32>
        %get3A_755 = arith.index_cast %add3A_734 : i32 to index
        %get3A_756 = arith.constant 16 : index
        %get3A_757 = tpu.vector_load %arg13[%get3A_755, %get3A_756] {strides = array<i32>} : memref<80x64xf32, #tpu.memory_space<vmem>>, vector<1x16xf32>,
        %get3A_758 = vector.shape_cast %get3A_757 : vector<1x16xf32> to vector<16xf32>
        %add3A_759 = arith.addf %get3A_754, %get3A_758 : vector<16xf32>
        %max3A_760 = arith.constant 0.000000e+00 : f32
        %max3A_761 = vector.broadcast %max3A_760 : f32 to vector<16xf32>
        %max3A_762 = arith.maximumf %add3A_759, %max3A_761 : vector<16xf32>
        %mul3A_763 = arith.mulf %max3A_762, %get3A_7 : vector<16xf32>
        %add3A_764 = arith.addf %add3A_750, %mul3A_763 : vector<16xf32>
        %get3A_765 = arith.index_cast %add3A_734 : i32 to index
        %get3A_766 = arith.constant 32 : index
        %get3A_767 = tpu.vector_load %arg11[%get3A_765, %get3A_766] {strides = array<i32>} : memref<80x64xf32, #tpu.memory_space<vmem>>, vector<1x16xf32>,
        %get3A_768 = vector.shape_cast %get3A_767 : vector<1x16xf32> to vector<16xf32>
        %get3A_769 = arith.index_cast %add3A_734 : i32 to index
        %get3A_770 = arith.constant 32 : index
        %get3A_771 = tpu.vector_load %arg13[%get3A_769, %get3A_770] {strides = array<i32>} : memref<80x64xf32, #tpu.memory_space<vmem>>, vector<1x16xf32>,
        %get3A_772 = vector.shape_cast %get3A_771 : vector<1x16xf32> to vector<16xf32>
        %add3A_773 = arith.addf %get3A_768, %get3A_772 : vector<16xf32>
        %max3A_774 = arith.constant 0.000000e+00 : f32
        %max3A_775 = vector.broadcast %max3A_774 : f32 to vector<16xf32>
        %max3A_776 = arith.maximumf %add3A_773, %max3A_775 : vector<16xf32>
        %mul3A_777 = arith.mulf %max3A_776, %get3A_10 : vector<16xf32>
        %add3A_778 = arith.addf %add3A_764, %mul3A_777 : vector<16xf32>
        %get3A_779 = arith.index_cast %add3A_734 : i32 to index
        %get3A_780 = arith.constant 48 : index
        %get3A_781 = tpu.vector_load %arg11[%get3A_779, %get3A_780] {strides = array<i32>} : memref<80x64xf32, #tpu.memory_space<vmem>>, vector<1x16xf32>,
        %get3A_782 = vector.shape_cast %get3A_781 : vector<1x16xf32> to vector<16xf32>
        %get3A_783 = arith.index_cast %add3A_734 : i32 to index
        %get3A_784 = arith.constant 48 : index
        %get3A_785 = tpu.vector_load %arg13[%get3A_783, %get3A_784] {strides = array<i32>} : memref<80x64xf32, #tpu.memory_space<vmem>>, vector<1x16xf32>,
        %get3A_786 = vector.shape_cast %get3A_785 : vector<1x16xf32> to vector<16xf32>
        %add3A_787 = arith.addf %get3A_782, %get3A_786 : vector<16xf32>
        %max3A_788 = arith.constant 0.000000e+00 : f32
        %max3A_789 = vector.broadcast %max3A_788 : f32 to vector<16xf32>
        %max3A_790 = arith.maximumf %add3A_787, %max3A_789 : vector<16xf32>
        %mul3A_791 = arith.mulf %max3A_790, %get3A_13 : vector<16xf32>
        %add3A_792 = arith.addf %add3A_778, %mul3A_791 : vector<16xf32>
        %mul3A_793 = arith.constant 16 : i32
        %mul3A_794 = arith.muli %scan3A_174, %mul3A_793 : i32
        %add3A_795 = arith.constant 10 : i32
        %add3A_796 = arith.addi %mul3A_794, %add3A_795 : i32
        %broadcast_in_dim3A_797 = arith.constant 0.000000e+00 : f32
        %broadcast_in_dim3A_798 = vector.broadcast %broadcast_in_dim3A_797 : f32 to vector<16xf32>
        %get3A_799 = arith.index_cast %add3A_796 : i32 to index
        %get3A_800 = arith.constant 0 : index
        %get3A_801 = tpu.vector_load %arg11[%get3A_799, %get3A_800] {strides = array<i32>} : memref<80x64xf32, #tpu.memory_space<vmem>>, vector<1x16xf32>,
        %get3A_802 = vector.shape_cast %get3A_801 : vector<1x16xf32> to vector<16xf32>
        %get3A_803 = arith.index_cast %add3A_796 : i32 to index
        %get3A_804 = arith.constant 0 : index
        %get3A_805 = tpu.vector_load %arg13[%get3A_803, %get3A_804] {strides = array<i32>} : memref<80x64xf32, #tpu.memory_space<vmem>>, vector<1x16xf32>,
        %get3A_806 = vector.shape_cast %get3A_805 : vector<1x16xf32> to vector<16xf32>
        %add3A_807 = arith.addf %get3A_802, %get3A_806 : vector<16xf32>
        %max3A_808 = arith.constant 0.000000e+00 : f32
        %max3A_809 = vector.broadcast %max3A_808 : f32 to vector<16xf32>
        %max3A_810 = arith.maximumf %add3A_807, %max3A_809 : vector<16xf32>
        %mul3A_811 = arith.mulf %max3A_810, %get3A_4 : vector<16xf32>
        %add3A_812 = arith.addf %broadcast_in_dim3A_798, %mul3A_811 : vector<16xf32>
        %get3A_813 = arith.index_cast %add3A_796 : i32 to index
        %get3A_814 = arith.constant 16 : index
        %get3A_815 = tpu.vector_load %arg11[%get3A_813, %get3A_814] {strides = array<i32>} : memref<80x64xf32, #tpu.memory_space<vmem>>, vector<1x16xf32>,
        %get3A_816 = vector.shape_cast %get3A_815 : vector<1x16xf32> to vector<16xf32>
        %get3A_817 = arith.index_cast %add3A_796 : i32 to index
        %get3A_818 = arith.constant 16 : index
        %get3A_819 = tpu.vector_load %arg13[%get3A_817, %get3A_818] {strides = array<i32>} : memref<80x64xf32, #tpu.memory_space<vmem>>, vector<1x16xf32>,
        %get3A_820 = vector.shape_cast %get3A_819 : vector<1x16xf32> to vector<16xf32>
        %add3A_821 = arith.addf %get3A_816, %get3A_820 : vector<16xf32>
        %max3A_822 = arith.constant 0.000000e+00 : f32
        %max3A_823 = vector.broadcast %max3A_822 : f32 to vector<16xf32>
        %max3A_824 = arith.maximumf %add3A_821, %max3A_823 : vector<16xf32>
        %mul3A_825 = arith.mulf %max3A_824, %get3A_7 : vector<16xf32>
        %add3A_826 = arith.addf %add3A_812, %mul3A_825 : vector<16xf32>
        %get3A_827 = arith.index_cast %add3A_796 : i32 to index
        %get3A_828 = arith.constant 32 : index
        %get3A_829 = tpu.vector_load %arg11[%get3A_827, %get3A_828] {strides = array<i32>} : memref<80x64xf32, #tpu.memory_space<vmem>>, vector<1x16xf32>,
        %get3A_830 = vector.shape_cast %get3A_829 : vector<1x16xf32> to vector<16xf32>
        %get3A_831 = arith.index_cast %add3A_796 : i32 to index
        %get3A_832 = arith.constant 32 : index
        %get3A_833 = tpu.vector_load %arg13[%get3A_831, %get3A_832] {strides = array<i32>} : memref<80x64xf32, #tpu.memory_space<vmem>>, vector<1x16xf32>,
        %get3A_834 = vector.shape_cast %get3A_833 : vector<1x16xf32> to vector<16xf32>
        %add3A_835 = arith.addf %get3A_830, %get3A_834 : vector<16xf32>
        %max3A_836 = arith.constant 0.000000e+00 : f32
        %max3A_837 = vector.broadcast %max3A_836 : f32 to vector<16xf32>
        %max3A_838 = arith.maximumf %add3A_835, %max3A_837 : vector<16xf32>
        %mul3A_839 = arith.mulf %max3A_838, %get3A_10 : vector<16xf32>
        %add3A_840 = arith.addf %add3A_826, %mul3A_839 : vector<16xf32>
        %get3A_841 = arith.index_cast %add3A_796 : i32 to index
        %get3A_842 = arith.constant 48 : index
        %get3A_843 = tpu.vector_load %arg11[%get3A_841, %get3A_842] {strides = array<i32>} : memref<80x64xf32, #tpu.memory_space<vmem>>, vector<1x16xf32>,
        %get3A_844 = vector.shape_cast %get3A_843 : vector<1x16xf32> to vector<16xf32>
        %get3A_845 = arith.index_cast %add3A_796 : i32 to index
        %get3A_846 = arith.constant 48 : index
        %get3A_847 = tpu.vector_load %arg13[%get3A_845, %get3A_846] {strides = array<i32>} : memref<80x64xf32, #tpu.memory_space<vmem>>, vector<1x16xf32>,
        %get3A_848 = vector.shape_cast %get3A_847 : vector<1x16xf32> to vector<16xf32>
        %add3A_849 = arith.addf %get3A_844, %get3A_848 : vector<16xf32>
        %max3A_850 = arith.constant 0.000000e+00 : f32
        %max3A_851 = vector.broadcast %max3A_850 : f32 to vector<16xf32>
        %max3A_852 = arith.maximumf %add3A_849, %max3A_851 : vector<16xf32>
        %mul3A_853 = arith.mulf %max3A_852, %get3A_13 : vector<16xf32>
        %add3A_854 = arith.addf %add3A_840, %mul3A_853 : vector<16xf32>
        %mul3A_855 = arith.constant 16 : i32
        %mul3A_856 = arith.muli %scan3A_174, %mul3A_855 : i32
        %add3A_857 = arith.constant 11 : i32
        %add3A_858 = arith.addi %mul3A_856, %add3A_857 : i32
        %broadcast_in_dim3A_859 = arith.constant 0.000000e+00 : f32
        %broadcast_in_dim3A_860 = vector.broadcast %broadcast_in_dim3A_859 : f32 to vector<16xf32>
        %get3A_861 = arith.index_cast %add3A_858 : i32 to index
        %get3A_862 = arith.constant 0 : index
        %get3A_863 = tpu.vector_load %arg11[%get3A_861, %get3A_862] {strides = array<i32>} : memref<80x64xf32, #tpu.memory_space<vmem>>, vector<1x16xf32>,
        %get3A_864 = vector.shape_cast %get3A_863 : vector<1x16xf32> to vector<16xf32>
        %get3A_865 = arith.index_cast %add3A_858 : i32 to index
        %get3A_866 = arith.constant 0 : index
        %get3A_867 = tpu.vector_load %arg13[%get3A_865, %get3A_866] {strides = array<i32>} : memref<80x64xf32, #tpu.memory_space<vmem>>, vector<1x16xf32>,
        %get3A_868 = vector.shape_cast %get3A_867 : vector<1x16xf32> to vector<16xf32>
        %add3A_869 = arith.addf %get3A_864, %get3A_868 : vector<16xf32>
        %max3A_870 = arith.constant 0.000000e+00 : f32
        %max3A_871 = vector.broadcast %max3A_870 : f32 to vector<16xf32>
        %max3A_872 = arith.maximumf %add3A_869, %max3A_871 : vector<16xf32>
        %mul3A_873 = arith.mulf %max3A_872, %get3A_4 : vector<16xf32>
        %add3A_874 = arith.addf %broadcast_in_dim3A_860, %mul3A_873 : vector<16xf32>
        %get3A_875 = arith.index_cast %add3A_858 : i32 to index
        %get3A_876 = arith.constant 16 : index
        %get3A_877 = tpu.vector_load %arg11[%get3A_875, %get3A_876] {strides = array<i32>} : memref<80x64xf32, #tpu.memory_space<vmem>>, vector<1x16xf32>,
        %get3A_878 = vector.shape_cast %get3A_877 : vector<1x16xf32> to vector<16xf32>
        %get3A_879 = arith.index_cast %add3A_858 : i32 to index
        %get3A_880 = arith.constant 16 : index
        %get3A_881 = tpu.vector_load %arg13[%get3A_879, %get3A_880] {strides = array<i32>} : memref<80x64xf32, #tpu.memory_space<vmem>>, vector<1x16xf32>,
        %get3A_882 = vector.shape_cast %get3A_881 : vector<1x16xf32> to vector<16xf32>
        %add3A_883 = arith.addf %get3A_878, %get3A_882 : vector<16xf32>
        %max3A_884 = arith.constant 0.000000e+00 : f32
        %max3A_885 = vector.broadcast %max3A_884 : f32 to vector<16xf32>
        %max3A_886 = arith.maximumf %add3A_883, %max3A_885 : vector<16xf32>
        %mul3A_887 = arith.mulf %max3A_886, %get3A_7 : vector<16xf32>
        %add3A_888 = arith.addf %add3A_874, %mul3A_887 : vector<16xf32>
        %get3A_889 = arith.index_cast %add3A_858 : i32 to index
        %get3A_890 = arith.constant 32 : index
        %get3A_891 = tpu.vector_load %arg11[%get3A_889, %get3A_890] {strides = array<i32>} : memref<80x64xf32, #tpu.memory_space<vmem>>, vector<1x16xf32>,
        %get3A_892 = vector.shape_cast %get3A_891 : vector<1x16xf32> to vector<16xf32>
        %get3A_893 = arith.index_cast %add3A_858 : i32 to index
        %get3A_894 = arith.constant 32 : index
        %get3A_895 = tpu.vector_load %arg13[%get3A_893, %get3A_894] {strides = array<i32>} : memref<80x64xf32, #tpu.memory_space<vmem>>, vector<1x16xf32>,
        %get3A_896 = vector.shape_cast %get3A_895 : vector<1x16xf32> to vector<16xf32>
        %add3A_897 = arith.addf %get3A_892, %get3A_896 : vector<16xf32>
        %max3A_898 = arith.constant 0.000000e+00 : f32
        %max3A_899 = vector.broadcast %max3A_898 : f32 to vector<16xf32>
        %max3A_900 = arith.maximumf %add3A_897, %max3A_899 : vector<16xf32>
        %mul3A_901 = arith.mulf %max3A_900, %get3A_10 : vector<16xf32>
        %add3A_902 = arith.addf %add3A_888, %mul3A_901 : vector<16xf32>
        %get3A_903 = arith.index_cast %add3A_858 : i32 to index
        %get3A_904 = arith.constant 48 : index
        %get3A_905 = tpu.vector_load %arg11[%get3A_903, %get3A_904] {strides = array<i32>} : memref<80x64xf32, #tpu.memory_space<vmem>>, vector<1x16xf32>,
        %get3A_906 = vector.shape_cast %get3A_905 : vector<1x16xf32> to vector<16xf32>
        %get3A_907 = arith.index_cast %add3A_858 : i32 to index
        %get3A_908 = arith.constant 48 : index
        %get3A_909 = tpu.vector_load %arg13[%get3A_907, %get3A_908] {strides = array<i32>} : memref<80x64xf32, #tpu.memory_space<vmem>>, vector<1x16xf32>,
        %get3A_910 = vector.shape_cast %get3A_909 : vector<1x16xf32> to vector<16xf32>
        %add3A_911 = arith.addf %get3A_906, %get3A_910 : vector<16xf32>
        %max3A_912 = arith.constant 0.000000e+00 : f32
        %max3A_913 = vector.broadcast %max3A_912 : f32 to vector<16xf32>
        %max3A_914 = arith.maximumf %add3A_911, %max3A_913 : vector<16xf32>
        %mul3A_915 = arith.mulf %max3A_914, %get3A_13 : vector<16xf32>
        %add3A_916 = arith.addf %add3A_902, %mul3A_915 : vector<16xf32>
        %mul3A_917 = arith.constant 16 : i32
        %mul3A_918 = arith.muli %scan3A_174, %mul3A_917 : i32
        %add3A_919 = arith.constant 12 : i32
        %add3A_920 = arith.addi %mul3A_918, %add3A_919 : i32
        %broadcast_in_dim3A_921 = arith.constant 0.000000e+00 : f32
        %broadcast_in_dim3A_922 = vector.broadcast %broadcast_in_dim3A_921 : f32 to vector<16xf32>
        %get3A_923 = arith.index_cast %add3A_920 : i32 to index
        %get3A_924 = arith.constant 0 : index
        %get3A_925 = tpu.vector_load %arg11[%get3A_923, %get3A_924] {strides = array<i32>} : memref<80x64xf32, #tpu.memory_space<vmem>>, vector<1x16xf32>,
        %get3A_926 = vector.shape_cast %get3A_925 : vector<1x16xf32> to vector<16xf32>
        %get3A_927 = arith.index_cast %add3A_920 : i32 to index
        %get3A_928 = arith.constant 0 : index
        %get3A_929 = tpu.vector_load %arg13[%get3A_927, %get3A_928] {strides = array<i32>} : memref<80x64xf32, #tpu.memory_space<vmem>>, vector<1x16xf32>,
        %get3A_930 = vector.shape_cast %get3A_929 : vector<1x16xf32> to vector<16xf32>
        %add3A_931 = arith.addf %get3A_926, %get3A_930 : vector<16xf32>
        %max3A_932 = arith.constant 0.000000e+00 : f32
        %max3A_933 = vector.broadcast %max3A_932 : f32 to vector<16xf32>
        %max3A_934 = arith.maximumf %add3A_931, %max3A_933 : vector<16xf32>
        %mul3A_935 = arith.mulf %max3A_934, %get3A_4 : vector<16xf32>
        %add3A_936 = arith.addf %broadcast_in_dim3A_922, %mul3A_935 : vector<16xf32>
        %get3A_937 = arith.index_cast %add3A_920 : i32 to index
        %get3A_938 = arith.constant 16 : index
        %get3A_939 = tpu.vector_load %arg11[%get3A_937, %get3A_938] {strides = array<i32>} : memref<80x64xf32, #tpu.memory_space<vmem>>, vector<1x16xf32>,
        %get3A_940 = vector.shape_cast %get3A_939 : vector<1x16xf32> to vector<16xf32>
        %get3A_941 = arith.index_cast %add3A_920 : i32 to index
        %get3A_942 = arith.constant 16 : index
        %get3A_943 = tpu.vector_load %arg13[%get3A_941, %get3A_942] {strides = array<i32>} : memref<80x64xf32, #tpu.memory_space<vmem>>, vector<1x16xf32>,
        %get3A_944 = vector.shape_cast %get3A_943 : vector<1x16xf32> to vector<16xf32>
        %add3A_945 = arith.addf %get3A_940, %get3A_944 : vector<16xf32>
        %max3A_946 = arith.constant 0.000000e+00 : f32
        %max3A_947 = vector.broadcast %max3A_946 : f32 to vector<16xf32>
        %max3A_948 = arith.maximumf %add3A_945, %max3A_947 : vector<16xf32>
        %mul3A_949 = arith.mulf %max3A_948, %get3A_7 : vector<16xf32>
        %add3A_950 = arith.addf %add3A_936, %mul3A_949 : vector<16xf32>
        %get3A_951 = arith.index_cast %add3A_920 : i32 to index
        %get3A_952 = arith.constant 32 : index
        %get3A_953 = tpu.vector_load %arg11[%get3A_951, %get3A_952] {strides = array<i32>} : memref<80x64xf32, #tpu.memory_space<vmem>>, vector<1x16xf32>,
        %get3A_954 = vector.shape_cast %get3A_953 : vector<1x16xf32> to vector<16xf32>
        %get3A_955 = arith.index_cast %add3A_920 : i32 to index
        %get3A_956 = arith.constant 32 : index
        %get3A_957 = tpu.vector_load %arg13[%get3A_955, %get3A_956] {strides = array<i32>} : memref<80x64xf32, #tpu.memory_space<vmem>>, vector<1x16xf32>,
        %get3A_958 = vector.shape_cast %get3A_957 : vector<1x16xf32> to vector<16xf32>
        %add3A_959 = arith.addf %get3A_954, %get3A_958 : vector<16xf32>
        %max3A_960 = arith.constant 0.000000e+00 : f32
        %max3A_961 = vector.broadcast %max3A_960 : f32 to vector<16xf32>
        %max3A_962 = arith.maximumf %add3A_959, %max3A_961 : vector<16xf32>
        %mul3A_963 = arith.mulf %max3A_962, %get3A_10 : vector<16xf32>
        %add3A_964 = arith.addf %add3A_950, %mul3A_963 : vector<16xf32>
        %get3A_965 = arith.index_cast %add3A_920 : i32 to index
        %get3A_966 = arith.constant 48 : index
        %get3A_967 = tpu.vector_load %arg11[%get3A_965, %get3A_966] {strides = array<i32>} : memref<80x64xf32, #tpu.memory_space<vmem>>, vector<1x16xf32>,
        %get3A_968 = vector.shape_cast %get3A_967 : vector<1x16xf32> to vector<16xf32>
        %get3A_969 = arith.index_cast %add3A_920 : i32 to index
        %get3A_970 = arith.constant 48 : index
        %get3A_971 = tpu.vector_load %arg13[%get3A_969, %get3A_970] {strides = array<i32>} : memref<80x64xf32, #tpu.memory_space<vmem>>, vector<1x16xf32>,
        %get3A_972 = vector.shape_cast %get3A_971 : vector<1x16xf32> to vector<16xf32>
        %add3A_973 = arith.addf %get3A_968, %get3A_972 : vector<16xf32>
        %max3A_974 = arith.constant 0.000000e+00 : f32
        %max3A_975 = vector.broadcast %max3A_974 : f32 to vector<16xf32>
        %max3A_976 = arith.maximumf %add3A_973, %max3A_975 : vector<16xf32>
        %mul3A_977 = arith.mulf %max3A_976, %get3A_13 : vector<16xf32>
        %add3A_978 = arith.addf %add3A_964, %mul3A_977 : vector<16xf32>
        %mul3A_979 = arith.constant 16 : i32
        %mul3A_980 = arith.muli %scan3A_174, %mul3A_979 : i32
        %add3A_981 = arith.constant 13 : i32
        %add3A_982 = arith.addi %mul3A_980, %add3A_981 : i32
        %broadcast_in_dim3A_983 = arith.constant 0.000000e+00 : f32
        %broadcast_in_dim3A_984 = vector.broadcast %broadcast_in_dim3A_983 : f32 to vector<16xf32>
        %get3A_985 = arith.index_cast %add3A_982 : i32 to index
        %get3A_986 = arith.constant 0 : index
        %get3A_987 = tpu.vector_load %arg11[%get3A_985, %get3A_986] {strides = array<i32>} : memref<80x64xf32, #tpu.memory_space<vmem>>, vector<1x16xf32>,
        %get3A_988 = vector.shape_cast %get3A_987 : vector<1x16xf32> to vector<16xf32>
        %get3A_989 = arith.index_cast %add3A_982 : i32 to index
        %get3A_990 = arith.constant 0 : index
        %get3A_991 = tpu.vector_load %arg13[%get3A_989, %get3A_990] {strides = array<i32>} : memref<80x64xf32, #tpu.memory_space<vmem>>, vector<1x16xf32>,
        %get3A_992 = vector.shape_cast %get3A_991 : vector<1x16xf32> to vector<16xf32>
        %add3A_993 = arith.addf %get3A_988, %get3A_992 : vector<16xf32>
        %max3A_994 = arith.constant 0.000000e+00 : f32
        %max3A_995 = vector.broadcast %max3A_994 : f32 to vector<16xf32>
        %max3A_996 = arith.maximumf %add3A_993, %max3A_995 : vector<16xf32>
        %mul3A_997 = arith.mulf %max3A_996, %get3A_4 : vector<16xf32>
        %add3A_998 = arith.addf %broadcast_in_dim3A_984, %mul3A_997 : vector<16xf32>
        %get3A_999 = arith.index_cast %add3A_982 : i32 to index
        %get3A_1000 = arith.constant 16 : index
        %get3A_1001 = tpu.vector_load %arg11[%get3A_999, %get3A_1000] {strides = array<i32>} : memref<80x64xf32, #tpu.memory_space<vmem>>, vector<1x16xf32>,
        %get3A_1002 = vector.shape_cast %get3A_1001 : vector<1x16xf32> to vector<16xf32>
        %get3A_1003 = arith.index_cast %add3A_982 : i32 to index
        %get3A_1004 = arith.constant 16 : index
        %get3A_1005 = tpu.vector_load %arg13[%get3A_1003, %get3A_1004] {strides = array<i32>} : memref<80x64xf32, #tpu.memory_space<vmem>>, vector<1x16xf32>,
        %get3A_1006 = vector.shape_cast %get3A_1005 : vector<1x16xf32> to vector<16xf32>
        %add3A_1007 = arith.addf %get3A_1002, %get3A_1006 : vector<16xf32>
        %max3A_1008 = arith.constant 0.000000e+00 : f32
        %max3A_1009 = vector.broadcast %max3A_1008 : f32 to vector<16xf32>
        %max3A_1010 = arith.maximumf %add3A_1007, %max3A_1009 : vector<16xf32>
        %mul3A_1011 = arith.mulf %max3A_1010, %get3A_7 : vector<16xf32>
        %add3A_1012 = arith.addf %add3A_998, %mul3A_1011 : vector<16xf32>
        %get3A_1013 = arith.index_cast %add3A_982 : i32 to index
        %get3A_1014 = arith.constant 32 : index
        %get3A_1015 = tpu.vector_load %arg11[%get3A_1013, %get3A_1014] {strides = array<i32>} : memref<80x64xf32, #tpu.memory_space<vmem>>, vector<1x16xf32>,
        %get3A_1016 = vector.shape_cast %get3A_1015 : vector<1x16xf32> to vector<16xf32>
        %get3A_1017 = arith.index_cast %add3A_982 : i32 to index
        %get3A_1018 = arith.constant 32 : index
        %get3A_1019 = tpu.vector_load %arg13[%get3A_1017, %get3A_1018] {strides = array<i32>} : memref<80x64xf32, #tpu.memory_space<vmem>>, vector<1x16xf32>,
        %get3A_1020 = vector.shape_cast %get3A_1019 : vector<1x16xf32> to vector<16xf32>
        %add3A_1021 = arith.addf %get3A_1016, %get3A_1020 : vector<16xf32>
        %max3A_1022 = arith.constant 0.000000e+00 : f32
        %max3A_1023 = vector.broadcast %max3A_1022 : f32 to vector<16xf32>
        %max3A_1024 = arith.maximumf %add3A_1021, %max3A_1023 : vector<16xf32>
        %mul3A_1025 = arith.mulf %max3A_1024, %get3A_10 : vector<16xf32>
        %add3A_1026 = arith.addf %add3A_1012, %mul3A_1025 : vector<16xf32>
        %get3A_1027 = arith.index_cast %add3A_982 : i32 to index
        %get3A_1028 = arith.constant 48 : index
        %get3A_1029 = tpu.vector_load %arg11[%get3A_1027, %get3A_1028] {strides = array<i32>} : memref<80x64xf32, #tpu.memory_space<vmem>>, vector<1x16xf32>,
        %get3A_1030 = vector.shape_cast %get3A_1029 : vector<1x16xf32> to vector<16xf32>
        %get3A_1031 = arith.index_cast %add3A_982 : i32 to index
        %get3A_1032 = arith.constant 48 : index
        %get3A_1033 = tpu.vector_load %arg13[%get3A_1031, %get3A_1032] {strides = array<i32>} : memref<80x64xf32, #tpu.memory_space<vmem>>, vector<1x16xf32>,
        %get3A_1034 = vector.shape_cast %get3A_1033 : vector<1x16xf32> to vector<16xf32>
        %add3A_1035 = arith.addf %get3A_1030, %get3A_1034 : vector<16xf32>
        %max3A_1036 = arith.constant 0.000000e+00 : f32
        %max3A_1037 = vector.broadcast %max3A_1036 : f32 to vector<16xf32>
        %max3A_1038 = arith.maximumf %add3A_1035, %max3A_1037 : vector<16xf32>
        %mul3A_1039 = arith.mulf %max3A_1038, %get3A_13 : vector<16xf32>
        %add3A_1040 = arith.addf %add3A_1026, %mul3A_1039 : vector<16xf32>
        %mul3A_1041 = arith.constant 16 : i32
        %mul3A_1042 = arith.muli %scan3A_174, %mul3A_1041 : i32
        %add3A_1043 = arith.constant 14 : i32
        %add3A_1044 = arith.addi %mul3A_1042, %add3A_1043 : i32
        %broadcast_in_dim3A_1045 = arith.constant 0.000000e+00 : f32
        %broadcast_in_dim3A_1046 = vector.broadcast %broadcast_in_dim3A_1045 : f32 to vector<16xf32>
        %get3A_1047 = arith.index_cast %add3A_1044 : i32 to index
        %get3A_1048 = arith.constant 0 : index
        %get3A_1049 = tpu.vector_load %arg11[%get3A_1047, %get3A_1048] {strides = array<i32>} : memref<80x64xf32, #tpu.memory_space<vmem>>, vector<1x16xf32>,
        %get3A_1050 = vector.shape_cast %get3A_1049 : vector<1x16xf32> to vector<16xf32>
        %get3A_1051 = arith.index_cast %add3A_1044 : i32 to index
        %get3A_1052 = arith.constant 0 : index
        %get3A_1053 = tpu.vector_load %arg13[%get3A_1051, %get3A_1052] {strides = array<i32>} : memref<80x64xf32, #tpu.memory_space<vmem>>, vector<1x16xf32>,
        %get3A_1054 = vector.shape_cast %get3A_1053 : vector<1x16xf32> to vector<16xf32>
        %add3A_1055 = arith.addf %get3A_1050, %get3A_1054 : vector<16xf32>
        %max3A_1056 = arith.constant 0.000000e+00 : f32
        %max3A_1057 = vector.broadcast %max3A_1056 : f32 to vector<16xf32>
        %max3A_1058 = arith.maximumf %add3A_1055, %max3A_1057 : vector<16xf32>
        %mul3A_1059 = arith.mulf %max3A_1058, %get3A_4 : vector<16xf32>
        %add3A_1060 = arith.addf %broadcast_in_dim3A_1046, %mul3A_1059 : vector<16xf32>
        %get3A_1061 = arith.index_cast %add3A_1044 : i32 to index
        %get3A_1062 = arith.constant 16 : index
        %get3A_1063 = tpu.vector_load %arg11[%get3A_1061, %get3A_1062] {strides = array<i32>} : memref<80x64xf32, #tpu.memory_space<vmem>>, vector<1x16xf32>,
        %get3A_1064 = vector.shape_cast %get3A_1063 : vector<1x16xf32> to vector<16xf32>
        %get3A_1065 = arith.index_cast %add3A_1044 : i32 to index
        %get3A_1066 = arith.constant 16 : index
        %get3A_1067 = tpu.vector_load %arg13[%get3A_1065, %get3A_1066] {strides = array<i32>} : memref<80x64xf32, #tpu.memory_space<vmem>>, vector<1x16xf32>,
        %get3A_1068 = vector.shape_cast %get3A_1067 : vector<1x16xf32> to vector<16xf32>
        %add3A_1069 = arith.addf %get3A_1064, %get3A_1068 : vector<16xf32>
        %max3A_1070 = arith.constant 0.000000e+00 : f32
        %max3A_1071 = vector.broadcast %max3A_1070 : f32 to vector<16xf32>
        %max3A_1072 = arith.maximumf %add3A_1069, %max3A_1071 : vector<16xf32>
        %mul3A_1073 = arith.mulf %max3A_1072, %get3A_7 : vector<16xf32>
        %add3A_1074 = arith.addf %add3A_1060, %mul3A_1073 : vector<16xf32>
        %get3A_1075 = arith.index_cast %add3A_1044 : i32 to index
        %get3A_1076 = arith.constant 32 : index
        %get3A_1077 = tpu.vector_load %arg11[%get3A_1075, %get3A_1076] {strides = array<i32>} : memref<80x64xf32, #tpu.memory_space<vmem>>, vector<1x16xf32>,
        %get3A_1078 = vector.shape_cast %get3A_1077 : vector<1x16xf32> to vector<16xf32>
        %get3A_1079 = arith.index_cast %add3A_1044 : i32 to index
        %get3A_1080 = arith.constant 32 : index
        %get3A_1081 = tpu.vector_load %arg13[%get3A_1079, %get3A_1080] {strides = array<i32>} : memref<80x64xf32, #tpu.memory_space<vmem>>, vector<1x16xf32>,
        %get3A_1082 = vector.shape_cast %get3A_1081 : vector<1x16xf32> to vector<16xf32>
        %add3A_1083 = arith.addf %get3A_1078, %get3A_1082 : vector<16xf32>
        %max3A_1084 = arith.constant 0.000000e+00 : f32
        %max3A_1085 = vector.broadcast %max3A_1084 : f32 to vector<16xf32>
        %max3A_1086 = arith.maximumf %add3A_1083, %max3A_1085 : vector<16xf32>
        %mul3A_1087 = arith.mulf %max3A_1086, %get3A_10 : vector<16xf32>
        %add3A_1088 = arith.addf %add3A_1074, %mul3A_1087 : vector<16xf32>
        %get3A_1089 = arith.index_cast %add3A_1044 : i32 to index
        %get3A_1090 = arith.constant 48 : index
        %get3A_1091 = tpu.vector_load %arg11[%get3A_1089, %get3A_1090] {strides = array<i32>} : memref<80x64xf32, #tpu.memory_space<vmem>>, vector<1x16xf32>,
        %get3A_1092 = vector.shape_cast %get3A_1091 : vector<1x16xf32> to vector<16xf32>
        %get3A_1093 = arith.index_cast %add3A_1044 : i32 to index
        %get3A_1094 = arith.constant 48 : index
        %get3A_1095 = tpu.vector_load %arg13[%get3A_1093, %get3A_1094] {strides = array<i32>} : memref<80x64xf32, #tpu.memory_space<vmem>>, vector<1x16xf32>,
        %get3A_1096 = vector.shape_cast %get3A_1095 : vector<1x16xf32> to vector<16xf32>
        %add3A_1097 = arith.addf %get3A_1092, %get3A_1096 : vector<16xf32>
        %max3A_1098 = arith.constant 0.000000e+00 : f32
        %max3A_1099 = vector.broadcast %max3A_1098 : f32 to vector<16xf32>
        %max3A_1100 = arith.maximumf %add3A_1097, %max3A_1099 : vector<16xf32>
        %mul3A_1101 = arith.mulf %max3A_1100, %get3A_13 : vector<16xf32>
        %add3A_1102 = arith.addf %add3A_1088, %mul3A_1101 : vector<16xf32>
        %mul3A_1103 = arith.constant 16 : i32
        %mul3A_1104 = arith.muli %scan3A_174, %mul3A_1103 : i32
        %add3A_1105 = arith.constant 15 : i32
        %add3A_1106 = arith.addi %mul3A_1104, %add3A_1105 : i32
        %broadcast_in_dim3A_1107 = arith.constant 0.000000e+00 : f32
        %broadcast_in_dim3A_1108 = vector.broadcast %broadcast_in_dim3A_1107 : f32 to vector<16xf32>
        %get3A_1109 = arith.index_cast %add3A_1106 : i32 to index
        %get3A_1110 = arith.constant 0 : index
        %get3A_1111 = tpu.vector_load %arg11[%get3A_1109, %get3A_1110] {strides = array<i32>} : memref<80x64xf32, #tpu.memory_space<vmem>>, vector<1x16xf32>,
        %get3A_1112 = vector.shape_cast %get3A_1111 : vector<1x16xf32> to vector<16xf32>
        %get3A_1113 = arith.index_cast %add3A_1106 : i32 to index
        %get3A_1114 = arith.constant 0 : index
        %get3A_1115 = tpu.vector_load %arg13[%get3A_1113, %get3A_1114] {strides = array<i32>} : memref<80x64xf32, #tpu.memory_space<vmem>>, vector<1x16xf32>,
        %get3A_1116 = vector.shape_cast %get3A_1115 : vector<1x16xf32> to vector<16xf32>
        %add3A_1117 = arith.addf %get3A_1112, %get3A_1116 : vector<16xf32>
        %max3A_1118 = arith.constant 0.000000e+00 : f32
        %max3A_1119 = vector.broadcast %max3A_1118 : f32 to vector<16xf32>
        %max3A_1120 = arith.maximumf %add3A_1117, %max3A_1119 : vector<16xf32>
        %mul3A_1121 = arith.mulf %max3A_1120, %get3A_4 : vector<16xf32>
        %add3A_1122 = arith.addf %broadcast_in_dim3A_1108, %mul3A_1121 : vector<16xf32>
        %get3A_1123 = arith.index_cast %add3A_1106 : i32 to index
        %get3A_1124 = arith.constant 16 : index
        %get3A_1125 = tpu.vector_load %arg11[%get3A_1123, %get3A_1124] {strides = array<i32>} : memref<80x64xf32, #tpu.memory_space<vmem>>, vector<1x16xf32>,
        %get3A_1126 = vector.shape_cast %get3A_1125 : vector<1x16xf32> to vector<16xf32>
        %get3A_1127 = arith.index_cast %add3A_1106 : i32 to index
        %get3A_1128 = arith.constant 16 : index
        %get3A_1129 = tpu.vector_load %arg13[%get3A_1127, %get3A_1128] {strides = array<i32>} : memref<80x64xf32, #tpu.memory_space<vmem>>, vector<1x16xf32>,
        %get3A_1130 = vector.shape_cast %get3A_1129 : vector<1x16xf32> to vector<16xf32>
        %add3A_1131 = arith.addf %get3A_1126, %get3A_1130 : vector<16xf32>
        %max3A_1132 = arith.constant 0.000000e+00 : f32
        %max3A_1133 = vector.broadcast %max3A_1132 : f32 to vector<16xf32>
        %max3A_1134 = arith.maximumf %add3A_1131, %max3A_1133 : vector<16xf32>
        %mul3A_1135 = arith.mulf %max3A_1134, %get3A_7 : vector<16xf32>
        %add3A_1136 = arith.addf %add3A_1122, %mul3A_1135 : vector<16xf32>
        %get3A_1137 = arith.index_cast %add3A_1106 : i32 to index
        %get3A_1138 = arith.constant 32 : index
        %get3A_1139 = tpu.vector_load %arg11[%get3A_1137, %get3A_1138] {strides = array<i32>} : memref<80x64xf32, #tpu.memory_space<vmem>>, vector<1x16xf32>,
        %get3A_1140 = vector.shape_cast %get3A_1139 : vector<1x16xf32> to vector<16xf32>
        %get3A_1141 = arith.index_cast %add3A_1106 : i32 to index
        %get3A_1142 = arith.constant 32 : index
        %get3A_1143 = tpu.vector_load %arg13[%get3A_1141, %get3A_1142] {strides = array<i32>} : memref<80x64xf32, #tpu.memory_space<vmem>>, vector<1x16xf32>,
        %get3A_1144 = vector.shape_cast %get3A_1143 : vector<1x16xf32> to vector<16xf32>
        %add3A_1145 = arith.addf %get3A_1140, %get3A_1144 : vector<16xf32>
        %max3A_1146 = arith.constant 0.000000e+00 : f32
        %max3A_1147 = vector.broadcast %max3A_1146 : f32 to vector<16xf32>
        %max3A_1148 = arith.maximumf %add3A_1145, %max3A_1147 : vector<16xf32>
        %mul3A_1149 = arith.mulf %max3A_1148, %get3A_10 : vector<16xf32>
        %add3A_1150 = arith.addf %add3A_1136, %mul3A_1149 : vector<16xf32>
        %get3A_1151 = arith.index_cast %add3A_1106 : i32 to index
        %get3A_1152 = arith.constant 48 : index
        %get3A_1153 = tpu.vector_load %arg11[%get3A_1151, %get3A_1152] {strides = array<i32>} : memref<80x64xf32, #tpu.memory_space<vmem>>, vector<1x16xf32>,
        %get3A_1154 = vector.shape_cast %get3A_1153 : vector<1x16xf32> to vector<16xf32>
        %get3A_1155 = arith.index_cast %add3A_1106 : i32 to index
        %get3A_1156 = arith.constant 48 : index
        %get3A_1157 = tpu.vector_load %arg13[%get3A_1155, %get3A_1156] {strides = array<i32>} : memref<80x64xf32, #tpu.memory_space<vmem>>, vector<1x16xf32>,
        %get3A_1158 = vector.shape_cast %get3A_1157 : vector<1x16xf32> to vector<16xf32>
        %add3A_1159 = arith.addf %get3A_1154, %get3A_1158 : vector<16xf32>
        %max3A_1160 = arith.constant 0.000000e+00 : f32
        %max3A_1161 = vector.broadcast %max3A_1160 : f32 to vector<16xf32>
        %max3A_1162 = arith.maximumf %add3A_1159, %max3A_1161 : vector<16xf32>
        %mul3A_1163 = arith.mulf %max3A_1162, %get3A_13 : vector<16xf32>
        %add3A_1164 = arith.addf %add3A_1150, %mul3A_1163 : vector<16xf32>
        %mul3A_1165 = arith.constant 2 : i32
        %mul3A_1166 = arith.muli %scan3A_174, %mul3A_1165 : i32
        %add3A_1167 = arith.constant 0 : i32
        %add3A_1168 = arith.addi %mul3A_1166, %add3A_1167 : i32
        %swap3A = arith.index_cast %add3A_1168 : i32 to index
        %swap3A_1169 = arith.constant 0 : index
        %swap3A_1170 = tpu.vector_load %arg15[%swap3A, %swap3A_1169] {strides = array<i32>} : memref<10x128xf32, #tpu.memory_space<vmem>>, vector<1x16xf32>,
        %swap3A_1171 = vector.shape_cast %swap3A_1170 : vector<1x16xf32> to vector<16xf32>
        %swap3A_1172 = vector.shape_cast %add3A_234 : vector<16xf32> to vector<1x16xf32>
        tpu.vector_store %arg15[%swap3A, %swap3A_1169], %swap3A_1172 {strides = array<i32>} : memref<10x128xf32, #tpu.memory_space<vmem>>, vector<1x16xf32>,
        %mul3A_1173 = arith.constant 2 : i32
        %mul3A_1174 = arith.muli %scan3A_174, %mul3A_1173 : i32
        %add3A_1175 = arith.constant 0 : i32
        %add3A_1176 = arith.addi %mul3A_1174, %add3A_1175 : i32
        %swap3A_1177 = arith.index_cast %add3A_1176 : i32 to index
        %swap3A_1178 = arith.constant 16 : index
        %swap3A_1179 = tpu.vector_load %arg15[%swap3A_1177, %swap3A_1178] {strides = array<i32>} : memref<10x128xf32, #tpu.memory_space<vmem>>, vector<1x16xf32>,
        %swap3A_1180 = vector.shape_cast %swap3A_1179 : vector<1x16xf32> to vector<16xf32>
        %swap3A_1181 = vector.shape_cast %add3A_296 : vector<16xf32> to vector<1x16xf32>
        tpu.vector_store %arg15[%swap3A_1177, %swap3A_1178], %swap3A_1181 {strides = array<i32>} : memref<10x128xf32, #tpu.memory_space<vmem>>, vector<1x16xf32>,
        %mul3A_1182 = arith.constant 2 : i32
        %mul3A_1183 = arith.muli %scan3A_174, %mul3A_1182 : i32
        %add3A_1184 = arith.constant 0 : i32
        %add3A_1185 = arith.addi %mul3A_1183, %add3A_1184 : i32
        %swap3A_1186 = arith.index_cast %add3A_1185 : i32 to index
        %swap3A_1187 = arith.constant 32 : index
        %swap3A_1188 = tpu.vector_load %arg15[%swap3A_1186, %swap3A_1187] {strides = array<i32>} : memref<10x128xf32, #tpu.memory_space<vmem>>, vector<1x16xf32>,
        %swap3A_1189 = vector.shape_cast %swap3A_1188 : vector<1x16xf32> to vector<16xf32>
        %swap3A_1190 = vector.shape_cast %add3A_358 : vector<16xf32> to vector<1x16xf32>
        tpu.vector_store %arg15[%swap3A_1186, %swap3A_1187], %swap3A_1190 {strides = array<i32>} : memref<10x128xf32, #tpu.memory_space<vmem>>, vector<1x16xf32>,
        %mul3A_1191 = arith.constant 2 : i32
        %mul3A_1192 = arith.muli %scan3A_174, %mul3A_1191 : i32
        %add3A_1193 = arith.constant 0 : i32
        %add3A_1194 = arith.addi %mul3A_1192, %add3A_1193 : i32
        %swap3A_1195 = arith.index_cast %add3A_1194 : i32 to index
        %swap3A_1196 = arith.constant 48 : index
        %swap3A_1197 = tpu.vector_load %arg15[%swap3A_1195, %swap3A_1196] {strides = array<i32>} : memref<10x128xf32, #tpu.memory_space<vmem>>, vector<1x16xf32>,
        %swap3A_1198 = vector.shape_cast %swap3A_1197 : vector<1x16xf32> to vector<16xf32>
        %swap3A_1199 = vector.shape_cast %add3A_420 : vector<16xf32> to vector<1x16xf32>
        tpu.vector_store %arg15[%swap3A_1195, %swap3A_1196], %swap3A_1199 {strides = array<i32>} : memref<10x128xf32, #tpu.memory_space<vmem>>, vector<1x16xf32>,
        %mul3A_1200 = arith.constant 2 : i32
        %mul3A_1201 = arith.muli %scan3A_174, %mul3A_1200 : i32
        %add3A_1202 = arith.constant 0 : i32
        %add3A_1203 = arith.addi %mul3A_1201, %add3A_1202 : i32
        %swap3A_1204 = arith.index_cast %add3A_1203 : i32 to index
        %swap3A_1205 = arith.constant 64 : index
        %swap3A_1206 = tpu.vector_load %arg15[%swap3A_1204, %swap3A_1205] {strides = array<i32>} : memref<10x128xf32, #tpu.memory_space<vmem>>, vector<1x16xf32>,
        %swap3A_1207 = vector.shape_cast %swap3A_1206 : vector<1x16xf32> to vector<16xf32>
        %swap3A_1208 = vector.shape_cast %add3A_482 : vector<16xf32> to vector<1x16xf32>
        tpu.vector_store %arg15[%swap3A_1204, %swap3A_1205], %swap3A_1208 {strides = array<i32>} : memref<10x128xf32, #tpu.memory_space<vmem>>, vector<1x16xf32>,
        %mul3A_1209 = arith.constant 2 : i32
        %mul3A_1210 = arith.muli %scan3A_174, %mul3A_1209 : i32
        %add3A_1211 = arith.constant 0 : i32
        %add3A_1212 = arith.addi %mul3A_1210, %add3A_1211 : i32
        %swap3A_1213 = arith.index_cast %add3A_1212 : i32 to index
        %swap3A_1214 = arith.constant 80 : index
        %swap3A_1215 = tpu.vector_load %arg15[%swap3A_1213, %swap3A_1214] {strides = array<i32>} : memref<10x128xf32, #tpu.memory_space<vmem>>, vector<1x16xf32>,
        %swap3A_1216 = vector.shape_cast %swap3A_1215 : vector<1x16xf32> to vector<16xf32>
        %swap3A_1217 = vector.shape_cast %add3A_544 : vector<16xf32> to vector<1x16xf32>
        tpu.vector_store %arg15[%swap3A_1213, %swap3A_1214], %swap3A_1217 {strides = array<i32>} : memref<10x128xf32, #tpu.memory_space<vmem>>, vector<1x16xf32>,
        %mul3A_1218 = arith.constant 2 : i32
        %mul3A_1219 = arith.muli %scan3A_174, %mul3A_1218 : i32
        %add3A_1220 = arith.constant 0 : i32
        %add3A_1221 = arith.addi %mul3A_1219, %add3A_1220 : i32
        %swap3A_1222 = arith.index_cast %add3A_1221 : i32 to index
        %swap3A_1223 = arith.constant 96 : index
        %swap3A_1224 = tpu.vector_load %arg15[%swap3A_1222, %swap3A_1223] {strides = array<i32>} : memref<10x128xf32, #tpu.memory_space<vmem>>, vector<1x16xf32>,
        %swap3A_1225 = vector.shape_cast %swap3A_1224 : vector<1x16xf32> to vector<16xf32>
        %swap3A_1226 = vector.shape_cast %add3A_606 : vector<16xf32> to vector<1x16xf32>
        tpu.vector_store %arg15[%swap3A_1222, %swap3A_1223], %swap3A_1226 {strides = array<i32>} : memref<10x128xf32, #tpu.memory_space<vmem>>, vector<1x16xf32>,
        %mul3A_1227 = arith.constant 2 : i32
        %mul3A_1228 = arith.muli %scan3A_174, %mul3A_1227 : i32
        %add3A_1229 = arith.constant 0 : i32
        %add3A_1230 = arith.addi %mul3A_1228, %add3A_1229 : i32
        %swap3A_1231 = arith.index_cast %add3A_1230 : i32 to index
        %swap3A_1232 = arith.constant 112 : index
        %swap3A_1233 = tpu.vector_load %arg15[%swap3A_1231, %swap3A_1232] {strides = array<i32>} : memref<10x128xf32, #tpu.memory_space<vmem>>, vector<1x16xf32>,
        %swap3A_1234 = vector.shape_cast %swap3A_1233 : vector<1x16xf32> to vector<16xf32>
        %swap3A_1235 = vector.shape_cast %add3A_668 : vector<16xf32> to vector<1x16xf32>
        tpu.vector_store %arg15[%swap3A_1231, %swap3A_1232], %swap3A_1235 {strides = array<i32>} : memref<10x128xf32, #tpu.memory_space<vmem>>, vector<1x16xf32>,
        %mul3A_1236 = arith.constant 2 : i32
        %mul3A_1237 = arith.muli %scan3A_174, %mul3A_1236 : i32
        %add3A_1238 = arith.constant 1 : i32
        %add3A_1239 = arith.addi %mul3A_1237, %add3A_1238 : i32
        %swap3A_1240 = arith.index_cast %add3A_1239 : i32 to index
        %swap3A_1241 = arith.constant 0 : index
        %swap3A_1242 = tpu.vector_load %arg15[%swap3A_1240, %swap3A_1241] {strides = array<i32>} : memref<10x128xf32, #tpu.memory_space<vmem>>, vector<1x16xf32>,
        %swap3A_1243 = vector.shape_cast %swap3A_1242 : vector<1x16xf32> to vector<16xf32>
        %swap3A_1244 = vector.shape_cast %add3A_730 : vector<16xf32> to vector<1x16xf32>
        tpu.vector_store %arg15[%swap3A_1240, %swap3A_1241], %swap3A_1244 {strides = array<i32>} : memref<10x128xf32, #tpu.memory_space<vmem>>, vector<1x16xf32>,
        %mul3A_1245 = arith.constant 2 : i32
        %mul3A_1246 = arith.muli %scan3A_174, %mul3A_1245 : i32
        %add3A_1247 = arith.constant 1 : i32
        %add3A_1248 = arith.addi %mul3A_1246, %add3A_1247 : i32
        %swap3A_1249 = arith.index_cast %add3A_1248 : i32 to index
        %swap3A_1250 = arith.constant 16 : index
        %swap3A_1251 = tpu.vector_load %arg15[%swap3A_1249, %swap3A_1250] {strides = array<i32>} : memref<10x128xf32, #tpu.memory_space<vmem>>, vector<1x16xf32>,
        %swap3A_1252 = vector.shape_cast %swap3A_1251 : vector<1x16xf32> to vector<16xf32>
        %swap3A_1253 = vector.shape_cast %add3A_792 : vector<16xf32> to vector<1x16xf32>
        tpu.vector_store %arg15[%swap3A_1249, %swap3A_1250], %swap3A_1253 {strides = array<i32>} : memref<10x128xf32, #tpu.memory_space<vmem>>, vector<1x16xf32>,
        %mul3A_1254 = arith.constant 2 : i32
        %mul3A_1255 = arith.muli %scan3A_174, %mul3A_1254 : i32
        %add3A_1256 = arith.constant 1 : i32
        %add3A_1257 = arith.addi %mul3A_1255, %add3A_1256 : i32
        %swap3A_1258 = arith.index_cast %add3A_1257 : i32 to index
        %swap3A_1259 = arith.constant 32 : index
        %swap3A_1260 = tpu.vector_load %arg15[%swap3A_1258, %swap3A_1259] {strides = array<i32>} : memref<10x128xf32, #tpu.memory_space<vmem>>, vector<1x16xf32>,
        %swap3A_1261 = vector.shape_cast %swap3A_1260 : vector<1x16xf32> to vector<16xf32>
        %swap3A_1262 = vector.shape_cast %add3A_854 : vector<16xf32> to vector<1x16xf32>
        tpu.vector_store %arg15[%swap3A_1258, %swap3A_1259], %swap3A_1262 {strides = array<i32>} : memref<10x128xf32, #tpu.memory_space<vmem>>, vector<1x16xf32>,
        %mul3A_1263 = arith.constant 2 : i32
        %mul3A_1264 = arith.muli %scan3A_174, %mul3A_1263 : i32
        %add3A_1265 = arith.constant 1 : i32
        %add3A_1266 = arith.addi %mul3A_1264, %add3A_1265 : i32
        %swap3A_1267 = arith.index_cast %add3A_1266 : i32 to index
        %swap3A_1268 = arith.constant 48 : index
        %swap3A_1269 = tpu.vector_load %arg15[%swap3A_1267, %swap3A_1268] {strides = array<i32>} : memref<10x128xf32, #tpu.memory_space<vmem>>, vector<1x16xf32>,
        %swap3A_1270 = vector.shape_cast %swap3A_1269 : vector<1x16xf32> to vector<16xf32>
        %swap3A_1271 = vector.shape_cast %add3A_916 : vector<16xf32> to vector<1x16xf32>
        tpu.vector_store %arg15[%swap3A_1267, %swap3A_1268], %swap3A_1271 {strides = array<i32>} : memref<10x128xf32, #tpu.memory_space<vmem>>, vector<1x16xf32>,
        %mul3A_1272 = arith.constant 2 : i32
        %mul3A_1273 = arith.muli %scan3A_174, %mul3A_1272 : i32
        %add3A_1274 = arith.constant 1 : i32
        %add3A_1275 = arith.addi %mul3A_1273, %add3A_1274 : i32
        %swap3A_1276 = arith.index_cast %add3A_1275 : i32 to index
        %swap3A_1277 = arith.constant 64 : index
        %swap3A_1278 = tpu.vector_load %arg15[%swap3A_1276, %swap3A_1277] {strides = array<i32>} : memref<10x128xf32, #tpu.memory_space<vmem>>, vector<1x16xf32>,
        %swap3A_1279 = vector.shape_cast %swap3A_1278 : vector<1x16xf32> to vector<16xf32>
        %swap3A_1280 = vector.shape_cast %add3A_978 : vector<16xf32> to vector<1x16xf32>
        tpu.vector_store %arg15[%swap3A_1276, %swap3A_1277], %swap3A_1280 {strides = array<i32>} : memref<10x128xf32, #tpu.memory_space<vmem>>, vector<1x16xf32>,
        %mul3A_1281 = arith.constant 2 : i32
        %mul3A_1282 = arith.muli %scan3A_174, %mul3A_1281 : i32
        %add3A_1283 = arith.constant 1 : i32
        %add3A_1284 = arith.addi %mul3A_1282, %add3A_1283 : i32
        %swap3A_1285 = arith.index_cast %add3A_1284 : i32 to index
        %swap3A_1286 = arith.constant 80 : index
        %swap3A_1287 = tpu.vector_load %arg15[%swap3A_1285, %swap3A_1286] {strides = array<i32>} : memref<10x128xf32, #tpu.memory_space<vmem>>, vector<1x16xf32>,
        %swap3A_1288 = vector.shape_cast %swap3A_1287 : vector<1x16xf32> to vector<16xf32>
        %swap3A_1289 = vector.shape_cast %add3A_1040 : vector<16xf32> to vector<1x16xf32>
        tpu.vector_store %arg15[%swap3A_1285, %swap3A_1286], %swap3A_1289 {strides = array<i32>} : memref<10x128xf32, #tpu.memory_space<vmem>>, vector<1x16xf32>,
        %mul3A_1290 = arith.constant 2 : i32
        %mul3A_1291 = arith.muli %scan3A_174, %mul3A_1290 : i32
        %add3A_1292 = arith.constant 1 : i32
        %add3A_1293 = arith.addi %mul3A_1291, %add3A_1292 : i32
        %swap3A_1294 = arith.index_cast %add3A_1293 : i32 to index
        %swap3A_1295 = arith.constant 96 : index
        %swap3A_1296 = tpu.vector_load %arg15[%swap3A_1294, %swap3A_1295] {strides = array<i32>} : memref<10x128xf32, #tpu.memory_space<vmem>>, vector<1x16xf32>,
        %swap3A_1297 = vector.shape_cast %swap3A_1296 : vector<1x16xf32> to vector<16xf32>
        %swap3A_1298 = vector.shape_cast %add3A_1102 : vector<16xf32> to vector<1x16xf32>
        tpu.vector_store %arg15[%swap3A_1294, %swap3A_1295], %swap3A_1298 {strides = array<i32>} : memref<10x128xf32, #tpu.memory_space<vmem>>, vector<1x16xf32>,
        %mul3A_1299 = arith.constant 2 : i32
        %mul3A_1300 = arith.muli %scan3A_174, %mul3A_1299 : i32
        %add3A_1301 = arith.constant 1 : i32
        %add3A_1302 = arith.addi %mul3A_1300, %add3A_1301 : i32
        %swap3A_1303 = arith.index_cast %add3A_1302 : i32 to index
        %swap3A_1304 = arith.constant 112 : index
        %swap3A_1305 = tpu.vector_load %arg15[%swap3A_1303, %swap3A_1304] {strides = array<i32>} : memref<10x128xf32, #tpu.memory_space<vmem>>, vector<1x16xf32>,
        %swap3A_1306 = vector.shape_cast %swap3A_1305 : vector<1x16xf32> to vector<16xf32>
        %swap3A_1307 = vector.shape_cast %add3A_1164 : vector<16xf32> to vector<1x16xf32>
        tpu.vector_store %arg15[%swap3A_1303, %swap3A_1304], %swap3A_1307 {strides = array<i32>} : memref<10x128xf32, #tpu.memory_space<vmem>>, vector<1x16xf32>,
      }
      %scan3A_160 = arith.constant 5 : i32
      %mul3A_161 = arith.constant 10 : i32
      %mul3A_162 = arith.muli %add3A_137, %mul3A_161 : i32
      %add3A_163 = arith.addi %mul3A_2, %mul3A_162 : i32
      %dma_start3A_164 = arith.constant 0 : i32
      %dma_start3A_165 = tpu.memref_slice %arg7[%add3A_163, %dma_start3A_164] : memref<40000x128xf32, #tpu.memory_space<hbm>> -> memref<10x128xf32, #tpu.memory_space<hbm>>
      %dma_start3A_166 = arith.constant 0 : i32
      %dma_start3A_167 = tpu.memref_slice %arg7[%add3A_163, %dma_start3A_166] : memref<40000x128xf32, #tpu.memory_space<hbm>> -> memref<10x128xf32, #tpu.memory_space<hbm>>
      tpu.enqueue_dma source(%arg15 : memref<10x128xf32, #tpu.memory_space<vmem>>) target(%dma_start3A_167 : memref<10x128xf32, #tpu.memory_space<hbm>>) target_semaphore(%arg22 : memref<!tpu.dma_semaphore, #tpu.memory_space<semaphore_mem>>)
      %add3A_168 = arith.constant 3 : i32
      %add3A_169 = arith.addi %add3A_92, %add3A_168 : i32
      %lt3A = arith.constant 125 : i32
      %lt3A_170 = arith.cmpi slt, %add3A_169, %lt3A : i32
      %convert_element_type3A_171 = arith.extui %lt3A_170 : i1 to i32
      %cond3A_172 = arith.constant 0 : i32
      %cond3A_173 = arith.cmpi ne, %convert_element_type3A_171, %cond3A_172 : i32
      scf.if %cond3A_173 {
        %add3A_174 = arith.constant 2 : i32
        %add3A_175 = arith.addi %add3A_137, %add3A_174 : i32
        %dma_start3A_176 = arith.constant 0 : i32
        %dma_start3A_177 = tpu.memref_slice %arg8[%add3A_175, %dma_start3A_176] : memref<125x80xi32, #tpu.memory_space<vmem>> -> memref<1x80xi32, #tpu.memory_space<vmem>>
        %dma_start3A_178 = tpu.memref_squeeze %dma_start3A_177 : memref<1x80xi32, #tpu.memory_space<vmem>> -> memref<80xi32, #tpu.memory_space<vmem>>
        %dma_start3A_179 = arith.constant 0 : i32
        %dma_start3A_180 = arith.constant 0 : i32
        %dma_start3A_181 = tpu.memref_slice %arg4[%dma_start3A_179, %dma_start3A_180] : memref<10000x64xf32, #tpu.memory_space<hbm>> -> memref<10000x64xf32, #tpu.memory_space<hbm>>
        tpu.enqueue_indirect_dma source(%dma_start3A_181 : memref<10000x64xf32, #tpu.memory_space<hbm>>) target(%arg11 : memref<80x64xf32, #tpu.memory_space<vmem>>) offsets(%dma_start3A_178 : memref<80xi32, #tpu.memory_space<vmem>>) semaphore(%arg18 : memref<!tpu.dma_semaphore, #tpu.memory_space<semaphore_mem>>)
        %dma_start3A_182 = arith.constant 0 : i32
        %dma_start3A_183 = tpu.memref_slice %arg9[%add3A_175, %dma_start3A_182] : memref<125x80xi32, #tpu.memory_space<vmem>> -> memref<1x80xi32, #tpu.memory_space<vmem>>
        %dma_start3A_184 = tpu.memref_squeeze %dma_start3A_183 : memref<1x80xi32, #tpu.memory_space<vmem>> -> memref<80xi32, #tpu.memory_space<vmem>>
        %dma_start3A_185 = arith.constant 0 : i32
        %dma_start3A_186 = arith.constant 0 : i32
        %dma_start3A_187 = tpu.memref_slice %arg5[%dma_start3A_185, %dma_start3A_186] : memref<10000x64xf32, #tpu.memory_space<hbm>> -> memref<10000x64xf32, #tpu.memory_space<hbm>>
        tpu.enqueue_indirect_dma source(%dma_start3A_187 : memref<10000x64xf32, #tpu.memory_space<hbm>>) target(%arg13 : memref<80x64xf32, #tpu.memory_space<vmem>>) offsets(%dma_start3A_184 : memref<80xi32, #tpu.memory_space<vmem>>) semaphore(%arg20 : memref<!tpu.dma_semaphore, #tpu.memory_space<semaphore_mem>>)
      } else {
      }
    }
    %scan3A_44 = arith.constant 62 : i32
    %add3A_45 = arith.constant 1220 : i32
    %add3A_46 = arith.addi %mul3A_2, %add3A_45 : i32
    %dma_wait3A = arith.constant 0 : i32
    %dma_wait3A_47 = tpu.memref_slice %arg7[%add3A_46, %dma_wait3A] : memref<40000x128xf32, #tpu.memory_space<hbm>> -> memref<10x128xf32, #tpu.memory_space<hbm>>
    %dma_wait3A_48 = arith.constant 0 : i32
    %dma_wait3A_49 = tpu.memref_slice %arg7[%add3A_46, %dma_wait3A_48] : memref<40000x128xf32, #tpu.memory_space<hbm>> -> memref<10x128xf32, #tpu.memory_space<hbm>>
    tpu.wait_dma2 semaphore(%arg21 : memref<!tpu.dma_semaphore, #tpu.memory_space<semaphore_mem>>) src(%arg14 : memref<10x128xf32, #tpu.memory_space<vmem>>) dst(%dma_wait3A_49 : memref<10x128xf32, #tpu.memory_space<hbm>>)
    %dma_wait3A_50 = arith.constant 124 : i32
    %dma_wait3A_51 = arith.constant 0 : i32
    %dma_wait3A_52 = tpu.memref_slice %arg8[%dma_wait3A_50, %dma_wait3A_51] : memref<125x80xi32, #tpu.memory_space<vmem>> -> memref<1x80xi32, #tpu.memory_space<vmem>>
    %dma_wait3A_53 = tpu.memref_squeeze %dma_wait3A_52 : memref<1x80xi32, #tpu.memory_space<vmem>> -> memref<80xi32, #tpu.memory_space<vmem>>
    %dma_wait3A_54 = arith.constant 0 : i32
    %dma_wait3A_55 = arith.constant 0 : i32
    %dma_wait3A_56 = tpu.memref_slice %arg4[%dma_wait3A_54, %dma_wait3A_55] : memref<10000x64xf32, #tpu.memory_space<hbm>> -> memref<10000x64xf32, #tpu.memory_space<hbm>>
    tpu.wait_indirect_dma semaphore(%arg17 : memref<!tpu.dma_semaphore, #tpu.memory_space<semaphore_mem>>) src(%dma_wait3A_56 : memref<10000x64xf32, #tpu.memory_space<hbm>>) dst(%arg10 : memref<80x64xf32, #tpu.memory_space<vmem>>)
    %dma_wait3A_57 = arith.constant 124 : i32
    %dma_wait3A_58 = arith.constant 0 : i32
    %dma_wait3A_59 = tpu.memref_slice %arg9[%dma_wait3A_57, %dma_wait3A_58] : memref<125x80xi32, #tpu.memory_space<vmem>> -> memref<1x80xi32, #tpu.memory_space<vmem>>
    %dma_wait3A_60 = tpu.memref_squeeze %dma_wait3A_59 : memref<1x80xi32, #tpu.memory_space<vmem>> -> memref<80xi32, #tpu.memory_space<vmem>>
    %dma_wait3A_61 = arith.constant 0 : i32
    %dma_wait3A_62 = arith.constant 0 : i32
    %dma_wait3A_63 = tpu.memref_slice %arg5[%dma_wait3A_61, %dma_wait3A_62] : memref<10000x64xf32, #tpu.memory_space<hbm>> -> memref<10000x64xf32, #tpu.memory_space<hbm>>
    tpu.wait_indirect_dma semaphore(%arg19 : memref<!tpu.dma_semaphore, #tpu.memory_space<semaphore_mem>>) src(%dma_wait3A_63 : memref<10000x64xf32, #tpu.memory_space<hbm>>) dst(%arg12 : memref<80x64xf32, #tpu.memory_space<vmem>>)
    %scan3A_64 = arith.constant 0 : i32
    %scan3A_65 = arith.constant 0 : i32
    %scan3A_66 = arith.constant 5 : i32
    %scan3A_67 = arith.addi %scan3A_65, %scan3A_66 : i32
    %scan3A_68 = arith.constant 1 : i32
    scf.for %scan3A_88 = %scan3A_65 to %scan3A_67 step %scan3A_68  : i32 {
      %mul3A_89 = arith.constant 16 : i32
      %mul3A_90 = arith.muli %scan3A_88, %mul3A_89 : i32
      %add3A_91 = arith.constant 0 : i32
      %add3A_92 = arith.addi %mul3A_90, %add3A_91 : i32
      %broadcast_in_dim3A = arith.constant 0.000000e+00 : f32
      %broadcast_in_dim3A_93 = vector.broadcast %broadcast_in_dim3A : f32 to vector<16xf32>
      %get3A_94 = arith.index_cast %add3A_92 : i32 to index
      %get3A_95 = arith.constant 0 : index
      %get3A_96 = tpu.vector_load %arg10[%get3A_94, %get3A_95] {strides = array<i32>} : memref<80x64xf32, #tpu.memory_space<vmem>>, vector<1x16xf32>,
      %get3A_97 = vector.shape_cast %get3A_96 : vector<1x16xf32> to vector<16xf32>
      %get3A_98 = arith.index_cast %add3A_92 : i32 to index
      %get3A_99 = arith.constant 0 : index
      %get3A_100 = tpu.vector_load %arg12[%get3A_98, %get3A_99] {strides = array<i32>} : memref<80x64xf32, #tpu.memory_space<vmem>>, vector<1x16xf32>,
      %get3A_101 = vector.shape_cast %get3A_100 : vector<1x16xf32> to vector<16xf32>
      %add3A_102 = arith.addf %get3A_97, %get3A_101 : vector<16xf32>
      %max3A = arith.constant 0.000000e+00 : f32
      %max3A_103 = vector.broadcast %max3A : f32 to vector<16xf32>
      %max3A_104 = arith.maximumf %add3A_102, %max3A_103 : vector<16xf32>
      %mul3A_105 = arith.mulf %max3A_104, %get3A_4 : vector<16xf32>
      %add3A_106 = arith.addf %broadcast_in_dim3A_93, %mul3A_105 : vector<16xf32>
      %get3A_107 = arith.index_cast %add3A_92 : i32 to index
      %get3A_108 = arith.constant 16 : index
      %get3A_109 = tpu.vector_load %arg10[%get3A_107, %get3A_108] {strides = array<i32>} : memref<80x64xf32, #tpu.memory_space<vmem>>, vector<1x16xf32>,
      %get3A_110 = vector.shape_cast %get3A_109 : vector<1x16xf32> to vector<16xf32>
      %get3A_111 = arith.index_cast %add3A_92 : i32 to index
      %get3A_112 = arith.constant 16 : index
      %get3A_113 = tpu.vector_load %arg12[%get3A_111, %get3A_112] {strides = array<i32>} : memref<80x64xf32, #tpu.memory_space<vmem>>, vector<1x16xf32>,
      %get3A_114 = vector.shape_cast %get3A_113 : vector<1x16xf32> to vector<16xf32>
      %add3A_115 = arith.addf %get3A_110, %get3A_114 : vector<16xf32>
      %max3A_116 = arith.constant 0.000000e+00 : f32
      %max3A_117 = vector.broadcast %max3A_116 : f32 to vector<16xf32>
      %max3A_118 = arith.maximumf %add3A_115, %max3A_117 : vector<16xf32>
      %mul3A_119 = arith.mulf %max3A_118, %get3A_7 : vector<16xf32>
      %add3A_120 = arith.addf %add3A_106, %mul3A_119 : vector<16xf32>
      %get3A_121 = arith.index_cast %add3A_92 : i32 to index
      %get3A_122 = arith.constant 32 : index
      %get3A_123 = tpu.vector_load %arg10[%get3A_121, %get3A_122] {strides = array<i32>} : memref<80x64xf32, #tpu.memory_space<vmem>>, vector<1x16xf32>,
      %get3A_124 = vector.shape_cast %get3A_123 : vector<1x16xf32> to vector<16xf32>
      %get3A_125 = arith.index_cast %add3A_92 : i32 to index
      %get3A_126 = arith.constant 32 : index
      %get3A_127 = tpu.vector_load %arg12[%get3A_125, %get3A_126] {strides = array<i32>} : memref<80x64xf32, #tpu.memory_space<vmem>>, vector<1x16xf32>,
      %get3A_128 = vector.shape_cast %get3A_127 : vector<1x16xf32> to vector<16xf32>
      %add3A_129 = arith.addf %get3A_124, %get3A_128 : vector<16xf32>
      %max3A_130 = arith.constant 0.000000e+00 : f32
      %max3A_131 = vector.broadcast %max3A_130 : f32 to vector<16xf32>
      %max3A_132 = arith.maximumf %add3A_129, %max3A_131 : vector<16xf32>
      %mul3A_133 = arith.mulf %max3A_132, %get3A_10 : vector<16xf32>
      %add3A_134 = arith.addf %add3A_120, %mul3A_133 : vector<16xf32>
      %get3A_135 = arith.index_cast %add3A_92 : i32 to index
      %get3A_136 = arith.constant 48 : index
      %get3A_137 = tpu.vector_load %arg10[%get3A_135, %get3A_136] {strides = array<i32>} : memref<80x64xf32, #tpu.memory_space<vmem>>, vector<1x16xf32>,
      %get3A_138 = vector.shape_cast %get3A_137 : vector<1x16xf32> to vector<16xf32>
      %get3A_139 = arith.index_cast %add3A_92 : i32 to index
      %get3A_140 = arith.constant 48 : index
      %get3A_141 = tpu.vector_load %arg12[%get3A_139, %get3A_140] {strides = array<i32>} : memref<80x64xf32, #tpu.memory_space<vmem>>, vector<1x16xf32>,
      %get3A_142 = vector.shape_cast %get3A_141 : vector<1x16xf32> to vector<16xf32>
      %add3A_143 = arith.addf %get3A_138, %get3A_142 : vector<16xf32>
      %max3A_144 = arith.constant 0.000000e+00 : f32
      %max3A_145 = vector.broadcast %max3A_144 : f32 to vector<16xf32>
      %max3A_146 = arith.maximumf %add3A_143, %max3A_145 : vector<16xf32>
      %mul3A_147 = arith.mulf %max3A_146, %get3A_13 : vector<16xf32>
      %add3A_148 = arith.addf %add3A_134, %mul3A_147 : vector<16xf32>
      %mul3A_149 = arith.constant 16 : i32
      %mul3A_150 = arith.muli %scan3A_88, %mul3A_149 : i32
      %add3A_151 = arith.constant 1 : i32
      %add3A_152 = arith.addi %mul3A_150, %add3A_151 : i32
      %broadcast_in_dim3A_153 = arith.constant 0.000000e+00 : f32
      %broadcast_in_dim3A_154 = vector.broadcast %broadcast_in_dim3A_153 : f32 to vector<16xf32>
      %get3A_155 = arith.index_cast %add3A_152 : i32 to index
      %get3A_156 = arith.constant 0 : index
      %get3A_157 = tpu.vector_load %arg10[%get3A_155, %get3A_156] {strides = array<i32>} : memref<80x64xf32, #tpu.memory_space<vmem>>, vector<1x16xf32>,
      %get3A_158 = vector.shape_cast %get3A_157 : vector<1x16xf32> to vector<16xf32>
      %get3A_159 = arith.index_cast %add3A_152 : i32 to index
      %get3A_160 = arith.constant 0 : index
      %get3A_161 = tpu.vector_load %arg12[%get3A_159, %get3A_160] {strides = array<i32>} : memref<80x64xf32, #tpu.memory_space<vmem>>, vector<1x16xf32>,
      %get3A_162 = vector.shape_cast %get3A_161 : vector<1x16xf32> to vector<16xf32>
      %add3A_163 = arith.addf %get3A_158, %get3A_162 : vector<16xf32>
      %max3A_164 = arith.constant 0.000000e+00 : f32
      %max3A_165 = vector.broadcast %max3A_164 : f32 to vector<16xf32>
      %max3A_166 = arith.maximumf %add3A_163, %max3A_165 : vector<16xf32>
      %mul3A_167 = arith.mulf %max3A_166, %get3A_4 : vector<16xf32>
      %add3A_168 = arith.addf %broadcast_in_dim3A_154, %mul3A_167 : vector<16xf32>
      %get3A_169 = arith.index_cast %add3A_152 : i32 to index
      %get3A_170 = arith.constant 16 : index
      %get3A_171 = tpu.vector_load %arg10[%get3A_169, %get3A_170] {strides = array<i32>} : memref<80x64xf32, #tpu.memory_space<vmem>>, vector<1x16xf32>,
      %get3A_172 = vector.shape_cast %get3A_171 : vector<1x16xf32> to vector<16xf32>
      %get3A_173 = arith.index_cast %add3A_152 : i32 to index
      %get3A_174 = arith.constant 16 : index
      %get3A_175 = tpu.vector_load %arg12[%get3A_173, %get3A_174] {strides = array<i32>} : memref<80x64xf32, #tpu.memory_space<vmem>>, vector<1x16xf32>,
      %get3A_176 = vector.shape_cast %get3A_175 : vector<1x16xf32> to vector<16xf32>
      %add3A_177 = arith.addf %get3A_172, %get3A_176 : vector<16xf32>
      %max3A_178 = arith.constant 0.000000e+00 : f32
      %max3A_179 = vector.broadcast %max3A_178 : f32 to vector<16xf32>
      %max3A_180 = arith.maximumf %add3A_177, %max3A_179 : vector<16xf32>
      %mul3A_181 = arith.mulf %max3A_180, %get3A_7 : vector<16xf32>
      %add3A_182 = arith.addf %add3A_168, %mul3A_181 : vector<16xf32>
      %get3A_183 = arith.index_cast %add3A_152 : i32 to index
      %get3A_184 = arith.constant 32 : index
      %get3A_185 = tpu.vector_load %arg10[%get3A_183, %get3A_184] {strides = array<i32>} : memref<80x64xf32, #tpu.memory_space<vmem>>, vector<1x16xf32>,
      %get3A_186 = vector.shape_cast %get3A_185 : vector<1x16xf32> to vector<16xf32>
      %get3A_187 = arith.index_cast %add3A_152 : i32 to index
      %get3A_188 = arith.constant 32 : index
      %get3A_189 = tpu.vector_load %arg12[%get3A_187, %get3A_188] {strides = array<i32>} : memref<80x64xf32, #tpu.memory_space<vmem>>, vector<1x16xf32>,
      %get3A_190 = vector.shape_cast %get3A_189 : vector<1x16xf32> to vector<16xf32>
      %add3A_191 = arith.addf %get3A_186, %get3A_190 : vector<16xf32>
      %max3A_192 = arith.constant 0.000000e+00 : f32
      %max3A_193 = vector.broadcast %max3A_192 : f32 to vector<16xf32>
      %max3A_194 = arith.maximumf %add3A_191, %max3A_193 : vector<16xf32>
      %mul3A_195 = arith.mulf %max3A_194, %get3A_10 : vector<16xf32>
      %add3A_196 = arith.addf %add3A_182, %mul3A_195 : vector<16xf32>
      %get3A_197 = arith.index_cast %add3A_152 : i32 to index
      %get3A_198 = arith.constant 48 : index
      %get3A_199 = tpu.vector_load %arg10[%get3A_197, %get3A_198] {strides = array<i32>} : memref<80x64xf32, #tpu.memory_space<vmem>>, vector<1x16xf32>,
      %get3A_200 = vector.shape_cast %get3A_199 : vector<1x16xf32> to vector<16xf32>
      %get3A_201 = arith.index_cast %add3A_152 : i32 to index
      %get3A_202 = arith.constant 48 : index
      %get3A_203 = tpu.vector_load %arg12[%get3A_201, %get3A_202] {strides = array<i32>} : memref<80x64xf32, #tpu.memory_space<vmem>>, vector<1x16xf32>,
      %get3A_204 = vector.shape_cast %get3A_203 : vector<1x16xf32> to vector<16xf32>
      %add3A_205 = arith.addf %get3A_200, %get3A_204 : vector<16xf32>
      %max3A_206 = arith.constant 0.000000e+00 : f32
      %max3A_207 = vector.broadcast %max3A_206 : f32 to vector<16xf32>
      %max3A_208 = arith.maximumf %add3A_205, %max3A_207 : vector<16xf32>
      %mul3A_209 = arith.mulf %max3A_208, %get3A_13 : vector<16xf32>
      %add3A_210 = arith.addf %add3A_196, %mul3A_209 : vector<16xf32>
      %mul3A_211 = arith.constant 16 : i32
      %mul3A_212 = arith.muli %scan3A_88, %mul3A_211 : i32
      %add3A_213 = arith.constant 2 : i32
      %add3A_214 = arith.addi %mul3A_212, %add3A_213 : i32
      %broadcast_in_dim3A_215 = arith.constant 0.000000e+00 : f32
      %broadcast_in_dim3A_216 = vector.broadcast %broadcast_in_dim3A_215 : f32 to vector<16xf32>
      %get3A_217 = arith.index_cast %add3A_214 : i32 to index
      %get3A_218 = arith.constant 0 : index
      %get3A_219 = tpu.vector_load %arg10[%get3A_217, %get3A_218] {strides = array<i32>} : memref<80x64xf32, #tpu.memory_space<vmem>>, vector<1x16xf32>,
      %get3A_220 = vector.shape_cast %get3A_219 : vector<1x16xf32> to vector<16xf32>
      %get3A_221 = arith.index_cast %add3A_214 : i32 to index
      %get3A_222 = arith.constant 0 : index
      %get3A_223 = tpu.vector_load %arg12[%get3A_221, %get3A_222] {strides = array<i32>} : memref<80x64xf32, #tpu.memory_space<vmem>>, vector<1x16xf32>,
      %get3A_224 = vector.shape_cast %get3A_223 : vector<1x16xf32> to vector<16xf32>
      %add3A_225 = arith.addf %get3A_220, %get3A_224 : vector<16xf32>
      %max3A_226 = arith.constant 0.000000e+00 : f32
      %max3A_227 = vector.broadcast %max3A_226 : f32 to vector<16xf32>
      %max3A_228 = arith.maximumf %add3A_225, %max3A_227 : vector<16xf32>
      %mul3A_229 = arith.mulf %max3A_228, %get3A_4 : vector<16xf32>
      %add3A_230 = arith.addf %broadcast_in_dim3A_216, %mul3A_229 : vector<16xf32>
      %get3A_231 = arith.index_cast %add3A_214 : i32 to index
      %get3A_232 = arith.constant 16 : index
      %get3A_233 = tpu.vector_load %arg10[%get3A_231, %get3A_232] {strides = array<i32>} : memref<80x64xf32, #tpu.memory_space<vmem>>, vector<1x16xf32>,
      %get3A_234 = vector.shape_cast %get3A_233 : vector<1x16xf32> to vector<16xf32>
      %get3A_235 = arith.index_cast %add3A_214 : i32 to index
      %get3A_236 = arith.constant 16 : index
      %get3A_237 = tpu.vector_load %arg12[%get3A_235, %get3A_236] {strides = array<i32>} : memref<80x64xf32, #tpu.memory_space<vmem>>, vector<1x16xf32>,
      %get3A_238 = vector.shape_cast %get3A_237 : vector<1x16xf32> to vector<16xf32>
      %add3A_239 = arith.addf %get3A_234, %get3A_238 : vector<16xf32>
      %max3A_240 = arith.constant 0.000000e+00 : f32
      %max3A_241 = vector.broadcast %max3A_240 : f32 to vector<16xf32>
      %max3A_242 = arith.maximumf %add3A_239, %max3A_241 : vector<16xf32>
      %mul3A_243 = arith.mulf %max3A_242, %get3A_7 : vector<16xf32>
      %add3A_244 = arith.addf %add3A_230, %mul3A_243 : vector<16xf32>
      %get3A_245 = arith.index_cast %add3A_214 : i32 to index
      %get3A_246 = arith.constant 32 : index
      %get3A_247 = tpu.vector_load %arg10[%get3A_245, %get3A_246] {strides = array<i32>} : memref<80x64xf32, #tpu.memory_space<vmem>>, vector<1x16xf32>,
      %get3A_248 = vector.shape_cast %get3A_247 : vector<1x16xf32> to vector<16xf32>
      %get3A_249 = arith.index_cast %add3A_214 : i32 to index
      %get3A_250 = arith.constant 32 : index
      %get3A_251 = tpu.vector_load %arg12[%get3A_249, %get3A_250] {strides = array<i32>} : memref<80x64xf32, #tpu.memory_space<vmem>>, vector<1x16xf32>,
      %get3A_252 = vector.shape_cast %get3A_251 : vector<1x16xf32> to vector<16xf32>
      %add3A_253 = arith.addf %get3A_248, %get3A_252 : vector<16xf32>
      %max3A_254 = arith.constant 0.000000e+00 : f32
      %max3A_255 = vector.broadcast %max3A_254 : f32 to vector<16xf32>
      %max3A_256 = arith.maximumf %add3A_253, %max3A_255 : vector<16xf32>
      %mul3A_257 = arith.mulf %max3A_256, %get3A_10 : vector<16xf32>
      %add3A_258 = arith.addf %add3A_244, %mul3A_257 : vector<16xf32>
      %get3A_259 = arith.index_cast %add3A_214 : i32 to index
      %get3A_260 = arith.constant 48 : index
      %get3A_261 = tpu.vector_load %arg10[%get3A_259, %get3A_260] {strides = array<i32>} : memref<80x64xf32, #tpu.memory_space<vmem>>, vector<1x16xf32>,
      %get3A_262 = vector.shape_cast %get3A_261 : vector<1x16xf32> to vector<16xf32>
      %get3A_263 = arith.index_cast %add3A_214 : i32 to index
      %get3A_264 = arith.constant 48 : index
      %get3A_265 = tpu.vector_load %arg12[%get3A_263, %get3A_264] {strides = array<i32>} : memref<80x64xf32, #tpu.memory_space<vmem>>, vector<1x16xf32>,
      %get3A_266 = vector.shape_cast %get3A_265 : vector<1x16xf32> to vector<16xf32>
      %add3A_267 = arith.addf %get3A_262, %get3A_266 : vector<16xf32>
      %max3A_268 = arith.constant 0.000000e+00 : f32
      %max3A_269 = vector.broadcast %max3A_268 : f32 to vector<16xf32>
      %max3A_270 = arith.maximumf %add3A_267, %max3A_269 : vector<16xf32>
      %mul3A_271 = arith.mulf %max3A_270, %get3A_13 : vector<16xf32>
      %add3A_272 = arith.addf %add3A_258, %mul3A_271 : vector<16xf32>
      %mul3A_273 = arith.constant 16 : i32
      %mul3A_274 = arith.muli %scan3A_88, %mul3A_273 : i32
      %add3A_275 = arith.constant 3 : i32
      %add3A_276 = arith.addi %mul3A_274, %add3A_275 : i32
      %broadcast_in_dim3A_277 = arith.constant 0.000000e+00 : f32
      %broadcast_in_dim3A_278 = vector.broadcast %broadcast_in_dim3A_277 : f32 to vector<16xf32>
      %get3A_279 = arith.index_cast %add3A_276 : i32 to index
      %get3A_280 = arith.constant 0 : index
      %get3A_281 = tpu.vector_load %arg10[%get3A_279, %get3A_280] {strides = array<i32>} : memref<80x64xf32, #tpu.memory_space<vmem>>, vector<1x16xf32>,
      %get3A_282 = vector.shape_cast %get3A_281 : vector<1x16xf32> to vector<16xf32>
      %get3A_283 = arith.index_cast %add3A_276 : i32 to index
      %get3A_284 = arith.constant 0 : index
      %get3A_285 = tpu.vector_load %arg12[%get3A_283, %get3A_284] {strides = array<i32>} : memref<80x64xf32, #tpu.memory_space<vmem>>, vector<1x16xf32>,
      %get3A_286 = vector.shape_cast %get3A_285 : vector<1x16xf32> to vector<16xf32>
      %add3A_287 = arith.addf %get3A_282, %get3A_286 : vector<16xf32>
      %max3A_288 = arith.constant 0.000000e+00 : f32
      %max3A_289 = vector.broadcast %max3A_288 : f32 to vector<16xf32>
      %max3A_290 = arith.maximumf %add3A_287, %max3A_289 : vector<16xf32>
      %mul3A_291 = arith.mulf %max3A_290, %get3A_4 : vector<16xf32>
      %add3A_292 = arith.addf %broadcast_in_dim3A_278, %mul3A_291 : vector<16xf32>
      %get3A_293 = arith.index_cast %add3A_276 : i32 to index
      %get3A_294 = arith.constant 16 : index
      %get3A_295 = tpu.vector_load %arg10[%get3A_293, %get3A_294] {strides = array<i32>} : memref<80x64xf32, #tpu.memory_space<vmem>>, vector<1x16xf32>,
      %get3A_296 = vector.shape_cast %get3A_295 : vector<1x16xf32> to vector<16xf32>
      %get3A_297 = arith.index_cast %add3A_276 : i32 to index
      %get3A_298 = arith.constant 16 : index
      %get3A_299 = tpu.vector_load %arg12[%get3A_297, %get3A_298] {strides = array<i32>} : memref<80x64xf32, #tpu.memory_space<vmem>>, vector<1x16xf32>,
      %get3A_300 = vector.shape_cast %get3A_299 : vector<1x16xf32> to vector<16xf32>
      %add3A_301 = arith.addf %get3A_296, %get3A_300 : vector<16xf32>
      %max3A_302 = arith.constant 0.000000e+00 : f32
      %max3A_303 = vector.broadcast %max3A_302 : f32 to vector<16xf32>
      %max3A_304 = arith.maximumf %add3A_301, %max3A_303 : vector<16xf32>
      %mul3A_305 = arith.mulf %max3A_304, %get3A_7 : vector<16xf32>
      %add3A_306 = arith.addf %add3A_292, %mul3A_305 : vector<16xf32>
      %get3A_307 = arith.index_cast %add3A_276 : i32 to index
      %get3A_308 = arith.constant 32 : index
      %get3A_309 = tpu.vector_load %arg10[%get3A_307, %get3A_308] {strides = array<i32>} : memref<80x64xf32, #tpu.memory_space<vmem>>, vector<1x16xf32>,
      %get3A_310 = vector.shape_cast %get3A_309 : vector<1x16xf32> to vector<16xf32>
      %get3A_311 = arith.index_cast %add3A_276 : i32 to index
      %get3A_312 = arith.constant 32 : index
      %get3A_313 = tpu.vector_load %arg12[%get3A_311, %get3A_312] {strides = array<i32>} : memref<80x64xf32, #tpu.memory_space<vmem>>, vector<1x16xf32>,
      %get3A_314 = vector.shape_cast %get3A_313 : vector<1x16xf32> to vector<16xf32>
      %add3A_315 = arith.addf %get3A_310, %get3A_314 : vector<16xf32>
      %max3A_316 = arith.constant 0.000000e+00 : f32
      %max3A_317 = vector.broadcast %max3A_316 : f32 to vector<16xf32>
      %max3A_318 = arith.maximumf %add3A_315, %max3A_317 : vector<16xf32>
      %mul3A_319 = arith.mulf %max3A_318, %get3A_10 : vector<16xf32>
      %add3A_320 = arith.addf %add3A_306, %mul3A_319 : vector<16xf32>
      %get3A_321 = arith.index_cast %add3A_276 : i32 to index
      %get3A_322 = arith.constant 48 : index
      %get3A_323 = tpu.vector_load %arg10[%get3A_321, %get3A_322] {strides = array<i32>} : memref<80x64xf32, #tpu.memory_space<vmem>>, vector<1x16xf32>,
      %get3A_324 = vector.shape_cast %get3A_323 : vector<1x16xf32> to vector<16xf32>
      %get3A_325 = arith.index_cast %add3A_276 : i32 to index
      %get3A_326 = arith.constant 48 : index
      %get3A_327 = tpu.vector_load %arg12[%get3A_325, %get3A_326] {strides = array<i32>} : memref<80x64xf32, #tpu.memory_space<vmem>>, vector<1x16xf32>,
      %get3A_328 = vector.shape_cast %get3A_327 : vector<1x16xf32> to vector<16xf32>
      %add3A_329 = arith.addf %get3A_324, %get3A_328 : vector<16xf32>
      %max3A_330 = arith.constant 0.000000e+00 : f32
      %max3A_331 = vector.broadcast %max3A_330 : f32 to vector<16xf32>
      %max3A_332 = arith.maximumf %add3A_329, %max3A_331 : vector<16xf32>
      %mul3A_333 = arith.mulf %max3A_332, %get3A_13 : vector<16xf32>
      %add3A_334 = arith.addf %add3A_320, %mul3A_333 : vector<16xf32>
      %mul3A_335 = arith.constant 16 : i32
      %mul3A_336 = arith.muli %scan3A_88, %mul3A_335 : i32
      %add3A_337 = arith.constant 4 : i32
      %add3A_338 = arith.addi %mul3A_336, %add3A_337 : i32
      %broadcast_in_dim3A_339 = arith.constant 0.000000e+00 : f32
      %broadcast_in_dim3A_340 = vector.broadcast %broadcast_in_dim3A_339 : f32 to vector<16xf32>
      %get3A_341 = arith.index_cast %add3A_338 : i32 to index
      %get3A_342 = arith.constant 0 : index
      %get3A_343 = tpu.vector_load %arg10[%get3A_341, %get3A_342] {strides = array<i32>} : memref<80x64xf32, #tpu.memory_space<vmem>>, vector<1x16xf32>,
      %get3A_344 = vector.shape_cast %get3A_343 : vector<1x16xf32> to vector<16xf32>
      %get3A_345 = arith.index_cast %add3A_338 : i32 to index
      %get3A_346 = arith.constant 0 : index
      %get3A_347 = tpu.vector_load %arg12[%get3A_345, %get3A_346] {strides = array<i32>} : memref<80x64xf32, #tpu.memory_space<vmem>>, vector<1x16xf32>,
      %get3A_348 = vector.shape_cast %get3A_347 : vector<1x16xf32> to vector<16xf32>
      %add3A_349 = arith.addf %get3A_344, %get3A_348 : vector<16xf32>
      %max3A_350 = arith.constant 0.000000e+00 : f32
      %max3A_351 = vector.broadcast %max3A_350 : f32 to vector<16xf32>
      %max3A_352 = arith.maximumf %add3A_349, %max3A_351 : vector<16xf32>
      %mul3A_353 = arith.mulf %max3A_352, %get3A_4 : vector<16xf32>
      %add3A_354 = arith.addf %broadcast_in_dim3A_340, %mul3A_353 : vector<16xf32>
      %get3A_355 = arith.index_cast %add3A_338 : i32 to index
      %get3A_356 = arith.constant 16 : index
      %get3A_357 = tpu.vector_load %arg10[%get3A_355, %get3A_356] {strides = array<i32>} : memref<80x64xf32, #tpu.memory_space<vmem>>, vector<1x16xf32>,
      %get3A_358 = vector.shape_cast %get3A_357 : vector<1x16xf32> to vector<16xf32>
      %get3A_359 = arith.index_cast %add3A_338 : i32 to index
      %get3A_360 = arith.constant 16 : index
      %get3A_361 = tpu.vector_load %arg12[%get3A_359, %get3A_360] {strides = array<i32>} : memref<80x64xf32, #tpu.memory_space<vmem>>, vector<1x16xf32>,
      %get3A_362 = vector.shape_cast %get3A_361 : vector<1x16xf32> to vector<16xf32>
      %add3A_363 = arith.addf %get3A_358, %get3A_362 : vector<16xf32>
      %max3A_364 = arith.constant 0.000000e+00 : f32
      %max3A_365 = vector.broadcast %max3A_364 : f32 to vector<16xf32>
      %max3A_366 = arith.maximumf %add3A_363, %max3A_365 : vector<16xf32>
      %mul3A_367 = arith.mulf %max3A_366, %get3A_7 : vector<16xf32>
      %add3A_368 = arith.addf %add3A_354, %mul3A_367 : vector<16xf32>
      %get3A_369 = arith.index_cast %add3A_338 : i32 to index
      %get3A_370 = arith.constant 32 : index
      %get3A_371 = tpu.vector_load %arg10[%get3A_369, %get3A_370] {strides = array<i32>} : memref<80x64xf32, #tpu.memory_space<vmem>>, vector<1x16xf32>,
      %get3A_372 = vector.shape_cast %get3A_371 : vector<1x16xf32> to vector<16xf32>
      %get3A_373 = arith.index_cast %add3A_338 : i32 to index
      %get3A_374 = arith.constant 32 : index
      %get3A_375 = tpu.vector_load %arg12[%get3A_373, %get3A_374] {strides = array<i32>} : memref<80x64xf32, #tpu.memory_space<vmem>>, vector<1x16xf32>,
      %get3A_376 = vector.shape_cast %get3A_375 : vector<1x16xf32> to vector<16xf32>
      %add3A_377 = arith.addf %get3A_372, %get3A_376 : vector<16xf32>
      %max3A_378 = arith.constant 0.000000e+00 : f32
      %max3A_379 = vector.broadcast %max3A_378 : f32 to vector<16xf32>
      %max3A_380 = arith.maximumf %add3A_377, %max3A_379 : vector<16xf32>
      %mul3A_381 = arith.mulf %max3A_380, %get3A_10 : vector<16xf32>
      %add3A_382 = arith.addf %add3A_368, %mul3A_381 : vector<16xf32>
      %get3A_383 = arith.index_cast %add3A_338 : i32 to index
      %get3A_384 = arith.constant 48 : index
      %get3A_385 = tpu.vector_load %arg10[%get3A_383, %get3A_384] {strides = array<i32>} : memref<80x64xf32, #tpu.memory_space<vmem>>, vector<1x16xf32>,
      %get3A_386 = vector.shape_cast %get3A_385 : vector<1x16xf32> to vector<16xf32>
      %get3A_387 = arith.index_cast %add3A_338 : i32 to index
      %get3A_388 = arith.constant 48 : index
      %get3A_389 = tpu.vector_load %arg12[%get3A_387, %get3A_388] {strides = array<i32>} : memref<80x64xf32, #tpu.memory_space<vmem>>, vector<1x16xf32>,
      %get3A_390 = vector.shape_cast %get3A_389 : vector<1x16xf32> to vector<16xf32>
      %add3A_391 = arith.addf %get3A_386, %get3A_390 : vector<16xf32>
      %max3A_392 = arith.constant 0.000000e+00 : f32
      %max3A_393 = vector.broadcast %max3A_392 : f32 to vector<16xf32>
      %max3A_394 = arith.maximumf %add3A_391, %max3A_393 : vector<16xf32>
      %mul3A_395 = arith.mulf %max3A_394, %get3A_13 : vector<16xf32>
      %add3A_396 = arith.addf %add3A_382, %mul3A_395 : vector<16xf32>
      %mul3A_397 = arith.constant 16 : i32
      %mul3A_398 = arith.muli %scan3A_88, %mul3A_397 : i32
      %add3A_399 = arith.constant 5 : i32
      %add3A_400 = arith.addi %mul3A_398, %add3A_399 : i32
      %broadcast_in_dim3A_401 = arith.constant 0.000000e+00 : f32
      %broadcast_in_dim3A_402 = vector.broadcast %broadcast_in_dim3A_401 : f32 to vector<16xf32>
      %get3A_403 = arith.index_cast %add3A_400 : i32 to index
      %get3A_404 = arith.constant 0 : index
      %get3A_405 = tpu.vector_load %arg10[%get3A_403, %get3A_404] {strides = array<i32>} : memref<80x64xf32, #tpu.memory_space<vmem>>, vector<1x16xf32>,
      %get3A_406 = vector.shape_cast %get3A_405 : vector<1x16xf32> to vector<16xf32>
      %get3A_407 = arith.index_cast %add3A_400 : i32 to index
      %get3A_408 = arith.constant 0 : index
      %get3A_409 = tpu.vector_load %arg12[%get3A_407, %get3A_408] {strides = array<i32>} : memref<80x64xf32, #tpu.memory_space<vmem>>, vector<1x16xf32>,
      %get3A_410 = vector.shape_cast %get3A_409 : vector<1x16xf32> to vector<16xf32>
      %add3A_411 = arith.addf %get3A_406, %get3A_410 : vector<16xf32>
      %max3A_412 = arith.constant 0.000000e+00 : f32
      %max3A_413 = vector.broadcast %max3A_412 : f32 to vector<16xf32>
      %max3A_414 = arith.maximumf %add3A_411, %max3A_413 : vector<16xf32>
      %mul3A_415 = arith.mulf %max3A_414, %get3A_4 : vector<16xf32>
      %add3A_416 = arith.addf %broadcast_in_dim3A_402, %mul3A_415 : vector<16xf32>
      %get3A_417 = arith.index_cast %add3A_400 : i32 to index
      %get3A_418 = arith.constant 16 : index
      %get3A_419 = tpu.vector_load %arg10[%get3A_417, %get3A_418] {strides = array<i32>} : memref<80x64xf32, #tpu.memory_space<vmem>>, vector<1x16xf32>,
      %get3A_420 = vector.shape_cast %get3A_419 : vector<1x16xf32> to vector<16xf32>
      %get3A_421 = arith.index_cast %add3A_400 : i32 to index
      %get3A_422 = arith.constant 16 : index
      %get3A_423 = tpu.vector_load %arg12[%get3A_421, %get3A_422] {strides = array<i32>} : memref<80x64xf32, #tpu.memory_space<vmem>>, vector<1x16xf32>,
      %get3A_424 = vector.shape_cast %get3A_423 : vector<1x16xf32> to vector<16xf32>
      %add3A_425 = arith.addf %get3A_420, %get3A_424 : vector<16xf32>
      %max3A_426 = arith.constant 0.000000e+00 : f32
      %max3A_427 = vector.broadcast %max3A_426 : f32 to vector<16xf32>
      %max3A_428 = arith.maximumf %add3A_425, %max3A_427 : vector<16xf32>
      %mul3A_429 = arith.mulf %max3A_428, %get3A_7 : vector<16xf32>
      %add3A_430 = arith.addf %add3A_416, %mul3A_429 : vector<16xf32>
      %get3A_431 = arith.index_cast %add3A_400 : i32 to index
      %get3A_432 = arith.constant 32 : index
      %get3A_433 = tpu.vector_load %arg10[%get3A_431, %get3A_432] {strides = array<i32>} : memref<80x64xf32, #tpu.memory_space<vmem>>, vector<1x16xf32>,
      %get3A_434 = vector.shape_cast %get3A_433 : vector<1x16xf32> to vector<16xf32>
      %get3A_435 = arith.index_cast %add3A_400 : i32 to index
      %get3A_436 = arith.constant 32 : index
      %get3A_437 = tpu.vector_load %arg12[%get3A_435, %get3A_436] {strides = array<i32>} : memref<80x64xf32, #tpu.memory_space<vmem>>, vector<1x16xf32>,
      %get3A_438 = vector.shape_cast %get3A_437 : vector<1x16xf32> to vector<16xf32>
      %add3A_439 = arith.addf %get3A_434, %get3A_438 : vector<16xf32>
      %max3A_440 = arith.constant 0.000000e+00 : f32
      %max3A_441 = vector.broadcast %max3A_440 : f32 to vector<16xf32>
      %max3A_442 = arith.maximumf %add3A_439, %max3A_441 : vector<16xf32>
      %mul3A_443 = arith.mulf %max3A_442, %get3A_10 : vector<16xf32>
      %add3A_444 = arith.addf %add3A_430, %mul3A_443 : vector<16xf32>
      %get3A_445 = arith.index_cast %add3A_400 : i32 to index
      %get3A_446 = arith.constant 48 : index
      %get3A_447 = tpu.vector_load %arg10[%get3A_445, %get3A_446] {strides = array<i32>} : memref<80x64xf32, #tpu.memory_space<vmem>>, vector<1x16xf32>,
      %get3A_448 = vector.shape_cast %get3A_447 : vector<1x16xf32> to vector<16xf32>
      %get3A_449 = arith.index_cast %add3A_400 : i32 to index
      %get3A_450 = arith.constant 48 : index
      %get3A_451 = tpu.vector_load %arg12[%get3A_449, %get3A_450] {strides = array<i32>} : memref<80x64xf32, #tpu.memory_space<vmem>>, vector<1x16xf32>,
      %get3A_452 = vector.shape_cast %get3A_451 : vector<1x16xf32> to vector<16xf32>
      %add3A_453 = arith.addf %get3A_448, %get3A_452 : vector<16xf32>
      %max3A_454 = arith.constant 0.000000e+00 : f32
      %max3A_455 = vector.broadcast %max3A_454 : f32 to vector<16xf32>
      %max3A_456 = arith.maximumf %add3A_453, %max3A_455 : vector<16xf32>
      %mul3A_457 = arith.mulf %max3A_456, %get3A_13 : vector<16xf32>
      %add3A_458 = arith.addf %add3A_444, %mul3A_457 : vector<16xf32>
      %mul3A_459 = arith.constant 16 : i32
      %mul3A_460 = arith.muli %scan3A_88, %mul3A_459 : i32
      %add3A_461 = arith.constant 6 : i32
      %add3A_462 = arith.addi %mul3A_460, %add3A_461 : i32
      %broadcast_in_dim3A_463 = arith.constant 0.000000e+00 : f32
      %broadcast_in_dim3A_464 = vector.broadcast %broadcast_in_dim3A_463 : f32 to vector<16xf32>
      %get3A_465 = arith.index_cast %add3A_462 : i32 to index
      %get3A_466 = arith.constant 0 : index
      %get3A_467 = tpu.vector_load %arg10[%get3A_465, %get3A_466] {strides = array<i32>} : memref<80x64xf32, #tpu.memory_space<vmem>>, vector<1x16xf32>,
      %get3A_468 = vector.shape_cast %get3A_467 : vector<1x16xf32> to vector<16xf32>
      %get3A_469 = arith.index_cast %add3A_462 : i32 to index
      %get3A_470 = arith.constant 0 : index
      %get3A_471 = tpu.vector_load %arg12[%get3A_469, %get3A_470] {strides = array<i32>} : memref<80x64xf32, #tpu.memory_space<vmem>>, vector<1x16xf32>,
      %get3A_472 = vector.shape_cast %get3A_471 : vector<1x16xf32> to vector<16xf32>
      %add3A_473 = arith.addf %get3A_468, %get3A_472 : vector<16xf32>
      %max3A_474 = arith.constant 0.000000e+00 : f32
      %max3A_475 = vector.broadcast %max3A_474 : f32 to vector<16xf32>
      %max3A_476 = arith.maximumf %add3A_473, %max3A_475 : vector<16xf32>
      %mul3A_477 = arith.mulf %max3A_476, %get3A_4 : vector<16xf32>
      %add3A_478 = arith.addf %broadcast_in_dim3A_464, %mul3A_477 : vector<16xf32>
      %get3A_479 = arith.index_cast %add3A_462 : i32 to index
      %get3A_480 = arith.constant 16 : index
      %get3A_481 = tpu.vector_load %arg10[%get3A_479, %get3A_480] {strides = array<i32>} : memref<80x64xf32, #tpu.memory_space<vmem>>, vector<1x16xf32>,
      %get3A_482 = vector.shape_cast %get3A_481 : vector<1x16xf32> to vector<16xf32>
      %get3A_483 = arith.index_cast %add3A_462 : i32 to index
      %get3A_484 = arith.constant 16 : index
      %get3A_485 = tpu.vector_load %arg12[%get3A_483, %get3A_484] {strides = array<i32>} : memref<80x64xf32, #tpu.memory_space<vmem>>, vector<1x16xf32>,
      %get3A_486 = vector.shape_cast %get3A_485 : vector<1x16xf32> to vector<16xf32>
      %add3A_487 = arith.addf %get3A_482, %get3A_486 : vector<16xf32>
      %max3A_488 = arith.constant 0.000000e+00 : f32
      %max3A_489 = vector.broadcast %max3A_488 : f32 to vector<16xf32>
      %max3A_490 = arith.maximumf %add3A_487, %max3A_489 : vector<16xf32>
      %mul3A_491 = arith.mulf %max3A_490, %get3A_7 : vector<16xf32>
      %add3A_492 = arith.addf %add3A_478, %mul3A_491 : vector<16xf32>
      %get3A_493 = arith.index_cast %add3A_462 : i32 to index
      %get3A_494 = arith.constant 32 : index
      %get3A_495 = tpu.vector_load %arg10[%get3A_493, %get3A_494] {strides = array<i32>} : memref<80x64xf32, #tpu.memory_space<vmem>>, vector<1x16xf32>,
      %get3A_496 = vector.shape_cast %get3A_495 : vector<1x16xf32> to vector<16xf32>
      %get3A_497 = arith.index_cast %add3A_462 : i32 to index
      %get3A_498 = arith.constant 32 : index
      %get3A_499 = tpu.vector_load %arg12[%get3A_497, %get3A_498] {strides = array<i32>} : memref<80x64xf32, #tpu.memory_space<vmem>>, vector<1x16xf32>,
      %get3A_500 = vector.shape_cast %get3A_499 : vector<1x16xf32> to vector<16xf32>
      %add3A_501 = arith.addf %get3A_496, %get3A_500 : vector<16xf32>
      %max3A_502 = arith.constant 0.000000e+00 : f32
      %max3A_503 = vector.broadcast %max3A_502 : f32 to vector<16xf32>
      %max3A_504 = arith.maximumf %add3A_501, %max3A_503 : vector<16xf32>
      %mul3A_505 = arith.mulf %max3A_504, %get3A_10 : vector<16xf32>
      %add3A_506 = arith.addf %add3A_492, %mul3A_505 : vector<16xf32>
      %get3A_507 = arith.index_cast %add3A_462 : i32 to index
      %get3A_508 = arith.constant 48 : index
      %get3A_509 = tpu.vector_load %arg10[%get3A_507, %get3A_508] {strides = array<i32>} : memref<80x64xf32, #tpu.memory_space<vmem>>, vector<1x16xf32>,
      %get3A_510 = vector.shape_cast %get3A_509 : vector<1x16xf32> to vector<16xf32>
      %get3A_511 = arith.index_cast %add3A_462 : i32 to index
      %get3A_512 = arith.constant 48 : index
      %get3A_513 = tpu.vector_load %arg12[%get3A_511, %get3A_512] {strides = array<i32>} : memref<80x64xf32, #tpu.memory_space<vmem>>, vector<1x16xf32>,
      %get3A_514 = vector.shape_cast %get3A_513 : vector<1x16xf32> to vector<16xf32>
      %add3A_515 = arith.addf %get3A_510, %get3A_514 : vector<16xf32>
      %max3A_516 = arith.constant 0.000000e+00 : f32
      %max3A_517 = vector.broadcast %max3A_516 : f32 to vector<16xf32>
      %max3A_518 = arith.maximumf %add3A_515, %max3A_517 : vector<16xf32>
      %mul3A_519 = arith.mulf %max3A_518, %get3A_13 : vector<16xf32>
      %add3A_520 = arith.addf %add3A_506, %mul3A_519 : vector<16xf32>
      %mul3A_521 = arith.constant 16 : i32
      %mul3A_522 = arith.muli %scan3A_88, %mul3A_521 : i32
      %add3A_523 = arith.constant 7 : i32
      %add3A_524 = arith.addi %mul3A_522, %add3A_523 : i32
      %broadcast_in_dim3A_525 = arith.constant 0.000000e+00 : f32
      %broadcast_in_dim3A_526 = vector.broadcast %broadcast_in_dim3A_525 : f32 to vector<16xf32>
      %get3A_527 = arith.index_cast %add3A_524 : i32 to index
      %get3A_528 = arith.constant 0 : index
      %get3A_529 = tpu.vector_load %arg10[%get3A_527, %get3A_528] {strides = array<i32>} : memref<80x64xf32, #tpu.memory_space<vmem>>, vector<1x16xf32>,
      %get3A_530 = vector.shape_cast %get3A_529 : vector<1x16xf32> to vector<16xf32>
      %get3A_531 = arith.index_cast %add3A_524 : i32 to index
      %get3A_532 = arith.constant 0 : index
      %get3A_533 = tpu.vector_load %arg12[%get3A_531, %get3A_532] {strides = array<i32>} : memref<80x64xf32, #tpu.memory_space<vmem>>, vector<1x16xf32>,
      %get3A_534 = vector.shape_cast %get3A_533 : vector<1x16xf32> to vector<16xf32>
      %add3A_535 = arith.addf %get3A_530, %get3A_534 : vector<16xf32>
      %max3A_536 = arith.constant 0.000000e+00 : f32
      %max3A_537 = vector.broadcast %max3A_536 : f32 to vector<16xf32>
      %max3A_538 = arith.maximumf %add3A_535, %max3A_537 : vector<16xf32>
      %mul3A_539 = arith.mulf %max3A_538, %get3A_4 : vector<16xf32>
      %add3A_540 = arith.addf %broadcast_in_dim3A_526, %mul3A_539 : vector<16xf32>
      %get3A_541 = arith.index_cast %add3A_524 : i32 to index
      %get3A_542 = arith.constant 16 : index
      %get3A_543 = tpu.vector_load %arg10[%get3A_541, %get3A_542] {strides = array<i32>} : memref<80x64xf32, #tpu.memory_space<vmem>>, vector<1x16xf32>,
      %get3A_544 = vector.shape_cast %get3A_543 : vector<1x16xf32> to vector<16xf32>
      %get3A_545 = arith.index_cast %add3A_524 : i32 to index
      %get3A_546 = arith.constant 16 : index
      %get3A_547 = tpu.vector_load %arg12[%get3A_545, %get3A_546] {strides = array<i32>} : memref<80x64xf32, #tpu.memory_space<vmem>>, vector<1x16xf32>,
      %get3A_548 = vector.shape_cast %get3A_547 : vector<1x16xf32> to vector<16xf32>
      %add3A_549 = arith.addf %get3A_544, %get3A_548 : vector<16xf32>
      %max3A_550 = arith.constant 0.000000e+00 : f32
      %max3A_551 = vector.broadcast %max3A_550 : f32 to vector<16xf32>
      %max3A_552 = arith.maximumf %add3A_549, %max3A_551 : vector<16xf32>
      %mul3A_553 = arith.mulf %max3A_552, %get3A_7 : vector<16xf32>
      %add3A_554 = arith.addf %add3A_540, %mul3A_553 : vector<16xf32>
      %get3A_555 = arith.index_cast %add3A_524 : i32 to index
      %get3A_556 = arith.constant 32 : index
      %get3A_557 = tpu.vector_load %arg10[%get3A_555, %get3A_556] {strides = array<i32>} : memref<80x64xf32, #tpu.memory_space<vmem>>, vector<1x16xf32>,
      %get3A_558 = vector.shape_cast %get3A_557 : vector<1x16xf32> to vector<16xf32>
      %get3A_559 = arith.index_cast %add3A_524 : i32 to index
      %get3A_560 = arith.constant 32 : index
      %get3A_561 = tpu.vector_load %arg12[%get3A_559, %get3A_560] {strides = array<i32>} : memref<80x64xf32, #tpu.memory_space<vmem>>, vector<1x16xf32>,
      %get3A_562 = vector.shape_cast %get3A_561 : vector<1x16xf32> to vector<16xf32>
      %add3A_563 = arith.addf %get3A_558, %get3A_562 : vector<16xf32>
      %max3A_564 = arith.constant 0.000000e+00 : f32
      %max3A_565 = vector.broadcast %max3A_564 : f32 to vector<16xf32>
      %max3A_566 = arith.maximumf %add3A_563, %max3A_565 : vector<16xf32>
      %mul3A_567 = arith.mulf %max3A_566, %get3A_10 : vector<16xf32>
      %add3A_568 = arith.addf %add3A_554, %mul3A_567 : vector<16xf32>
      %get3A_569 = arith.index_cast %add3A_524 : i32 to index
      %get3A_570 = arith.constant 48 : index
      %get3A_571 = tpu.vector_load %arg10[%get3A_569, %get3A_570] {strides = array<i32>} : memref<80x64xf32, #tpu.memory_space<vmem>>, vector<1x16xf32>,
      %get3A_572 = vector.shape_cast %get3A_571 : vector<1x16xf32> to vector<16xf32>
      %get3A_573 = arith.index_cast %add3A_524 : i32 to index
      %get3A_574 = arith.constant 48 : index
      %get3A_575 = tpu.vector_load %arg12[%get3A_573, %get3A_574] {strides = array<i32>} : memref<80x64xf32, #tpu.memory_space<vmem>>, vector<1x16xf32>,
      %get3A_576 = vector.shape_cast %get3A_575 : vector<1x16xf32> to vector<16xf32>
      %add3A_577 = arith.addf %get3A_572, %get3A_576 : vector<16xf32>
      %max3A_578 = arith.constant 0.000000e+00 : f32
      %max3A_579 = vector.broadcast %max3A_578 : f32 to vector<16xf32>
      %max3A_580 = arith.maximumf %add3A_577, %max3A_579 : vector<16xf32>
      %mul3A_581 = arith.mulf %max3A_580, %get3A_13 : vector<16xf32>
      %add3A_582 = arith.addf %add3A_568, %mul3A_581 : vector<16xf32>
      %mul3A_583 = arith.constant 16 : i32
      %mul3A_584 = arith.muli %scan3A_88, %mul3A_583 : i32
      %add3A_585 = arith.constant 8 : i32
      %add3A_586 = arith.addi %mul3A_584, %add3A_585 : i32
      %broadcast_in_dim3A_587 = arith.constant 0.000000e+00 : f32
      %broadcast_in_dim3A_588 = vector.broadcast %broadcast_in_dim3A_587 : f32 to vector<16xf32>
      %get3A_589 = arith.index_cast %add3A_586 : i32 to index
      %get3A_590 = arith.constant 0 : index
      %get3A_591 = tpu.vector_load %arg10[%get3A_589, %get3A_590] {strides = array<i32>} : memref<80x64xf32, #tpu.memory_space<vmem>>, vector<1x16xf32>,
      %get3A_592 = vector.shape_cast %get3A_591 : vector<1x16xf32> to vector<16xf32>
      %get3A_593 = arith.index_cast %add3A_586 : i32 to index
      %get3A_594 = arith.constant 0 : index
      %get3A_595 = tpu.vector_load %arg12[%get3A_593, %get3A_594] {strides = array<i32>} : memref<80x64xf32, #tpu.memory_space<vmem>>, vector<1x16xf32>,
      %get3A_596 = vector.shape_cast %get3A_595 : vector<1x16xf32> to vector<16xf32>
      %add3A_597 = arith.addf %get3A_592, %get3A_596 : vector<16xf32>
      %max3A_598 = arith.constant 0.000000e+00 : f32
      %max3A_599 = vector.broadcast %max3A_598 : f32 to vector<16xf32>
      %max3A_600 = arith.maximumf %add3A_597, %max3A_599 : vector<16xf32>
      %mul3A_601 = arith.mulf %max3A_600, %get3A_4 : vector<16xf32>
      %add3A_602 = arith.addf %broadcast_in_dim3A_588, %mul3A_601 : vector<16xf32>
      %get3A_603 = arith.index_cast %add3A_586 : i32 to index
      %get3A_604 = arith.constant 16 : index
      %get3A_605 = tpu.vector_load %arg10[%get3A_603, %get3A_604] {strides = array<i32>} : memref<80x64xf32, #tpu.memory_space<vmem>>, vector<1x16xf32>,
      %get3A_606 = vector.shape_cast %get3A_605 : vector<1x16xf32> to vector<16xf32>
      %get3A_607 = arith.index_cast %add3A_586 : i32 to index
      %get3A_608 = arith.constant 16 : index
      %get3A_609 = tpu.vector_load %arg12[%get3A_607, %get3A_608] {strides = array<i32>} : memref<80x64xf32, #tpu.memory_space<vmem>>, vector<1x16xf32>,
      %get3A_610 = vector.shape_cast %get3A_609 : vector<1x16xf32> to vector<16xf32>
      %add3A_611 = arith.addf %get3A_606, %get3A_610 : vector<16xf32>
      %max3A_612 = arith.constant 0.000000e+00 : f32
      %max3A_613 = vector.broadcast %max3A_612 : f32 to vector<16xf32>
      %max3A_614 = arith.maximumf %add3A_611, %max3A_613 : vector<16xf32>
      %mul3A_615 = arith.mulf %max3A_614, %get3A_7 : vector<16xf32>
      %add3A_616 = arith.addf %add3A_602, %mul3A_615 : vector<16xf32>
      %get3A_617 = arith.index_cast %add3A_586 : i32 to index
      %get3A_618 = arith.constant 32 : index
      %get3A_619 = tpu.vector_load %arg10[%get3A_617, %get3A_618] {strides = array<i32>} : memref<80x64xf32, #tpu.memory_space<vmem>>, vector<1x16xf32>,
      %get3A_620 = vector.shape_cast %get3A_619 : vector<1x16xf32> to vector<16xf32>
      %get3A_621 = arith.index_cast %add3A_586 : i32 to index
      %get3A_622 = arith.constant 32 : index
      %get3A_623 = tpu.vector_load %arg12[%get3A_621, %get3A_622] {strides = array<i32>} : memref<80x64xf32, #tpu.memory_space<vmem>>, vector<1x16xf32>,
      %get3A_624 = vector.shape_cast %get3A_623 : vector<1x16xf32> to vector<16xf32>
      %add3A_625 = arith.addf %get3A_620, %get3A_624 : vector<16xf32>
      %max3A_626 = arith.constant 0.000000e+00 : f32
      %max3A_627 = vector.broadcast %max3A_626 : f32 to vector<16xf32>
      %max3A_628 = arith.maximumf %add3A_625, %max3A_627 : vector<16xf32>
      %mul3A_629 = arith.mulf %max3A_628, %get3A_10 : vector<16xf32>
      %add3A_630 = arith.addf %add3A_616, %mul3A_629 : vector<16xf32>
      %get3A_631 = arith.index_cast %add3A_586 : i32 to index
      %get3A_632 = arith.constant 48 : index
      %get3A_633 = tpu.vector_load %arg10[%get3A_631, %get3A_632] {strides = array<i32>} : memref<80x64xf32, #tpu.memory_space<vmem>>, vector<1x16xf32>,
      %get3A_634 = vector.shape_cast %get3A_633 : vector<1x16xf32> to vector<16xf32>
      %get3A_635 = arith.index_cast %add3A_586 : i32 to index
      %get3A_636 = arith.constant 48 : index
      %get3A_637 = tpu.vector_load %arg12[%get3A_635, %get3A_636] {strides = array<i32>} : memref<80x64xf32, #tpu.memory_space<vmem>>, vector<1x16xf32>,
      %get3A_638 = vector.shape_cast %get3A_637 : vector<1x16xf32> to vector<16xf32>
      %add3A_639 = arith.addf %get3A_634, %get3A_638 : vector<16xf32>
      %max3A_640 = arith.constant 0.000000e+00 : f32
      %max3A_641 = vector.broadcast %max3A_640 : f32 to vector<16xf32>
      %max3A_642 = arith.maximumf %add3A_639, %max3A_641 : vector<16xf32>
      %mul3A_643 = arith.mulf %max3A_642, %get3A_13 : vector<16xf32>
      %add3A_644 = arith.addf %add3A_630, %mul3A_643 : vector<16xf32>
      %mul3A_645 = arith.constant 16 : i32
      %mul3A_646 = arith.muli %scan3A_88, %mul3A_645 : i32
      %add3A_647 = arith.constant 9 : i32
      %add3A_648 = arith.addi %mul3A_646, %add3A_647 : i32
      %broadcast_in_dim3A_649 = arith.constant 0.000000e+00 : f32
      %broadcast_in_dim3A_650 = vector.broadcast %broadcast_in_dim3A_649 : f32 to vector<16xf32>
      %get3A_651 = arith.index_cast %add3A_648 : i32 to index
      %get3A_652 = arith.constant 0 : index
      %get3A_653 = tpu.vector_load %arg10[%get3A_651, %get3A_652] {strides = array<i32>} : memref<80x64xf32, #tpu.memory_space<vmem>>, vector<1x16xf32>,
      %get3A_654 = vector.shape_cast %get3A_653 : vector<1x16xf32> to vector<16xf32>
      %get3A_655 = arith.index_cast %add3A_648 : i32 to index
      %get3A_656 = arith.constant 0 : index
      %get3A_657 = tpu.vector_load %arg12[%get3A_655, %get3A_656] {strides = array<i32>} : memref<80x64xf32, #tpu.memory_space<vmem>>, vector<1x16xf32>,
      %get3A_658 = vector.shape_cast %get3A_657 : vector<1x16xf32> to vector<16xf32>
      %add3A_659 = arith.addf %get3A_654, %get3A_658 : vector<16xf32>
      %max3A_660 = arith.constant 0.000000e+00 : f32
      %max3A_661 = vector.broadcast %max3A_660 : f32 to vector<16xf32>
      %max3A_662 = arith.maximumf %add3A_659, %max3A_661 : vector<16xf32>
      %mul3A_663 = arith.mulf %max3A_662, %get3A_4 : vector<16xf32>
      %add3A_664 = arith.addf %broadcast_in_dim3A_650, %mul3A_663 : vector<16xf32>
      %get3A_665 = arith.index_cast %add3A_648 : i32 to index
      %get3A_666 = arith.constant 16 : index
      %get3A_667 = tpu.vector_load %arg10[%get3A_665, %get3A_666] {strides = array<i32>} : memref<80x64xf32, #tpu.memory_space<vmem>>, vector<1x16xf32>,
      %get3A_668 = vector.shape_cast %get3A_667 : vector<1x16xf32> to vector<16xf32>
      %get3A_669 = arith.index_cast %add3A_648 : i32 to index
      %get3A_670 = arith.constant 16 : index
      %get3A_671 = tpu.vector_load %arg12[%get3A_669, %get3A_670] {strides = array<i32>} : memref<80x64xf32, #tpu.memory_space<vmem>>, vector<1x16xf32>,
      %get3A_672 = vector.shape_cast %get3A_671 : vector<1x16xf32> to vector<16xf32>
      %add3A_673 = arith.addf %get3A_668, %get3A_672 : vector<16xf32>
      %max3A_674 = arith.constant 0.000000e+00 : f32
      %max3A_675 = vector.broadcast %max3A_674 : f32 to vector<16xf32>
      %max3A_676 = arith.maximumf %add3A_673, %max3A_675 : vector<16xf32>
      %mul3A_677 = arith.mulf %max3A_676, %get3A_7 : vector<16xf32>
      %add3A_678 = arith.addf %add3A_664, %mul3A_677 : vector<16xf32>
      %get3A_679 = arith.index_cast %add3A_648 : i32 to index
      %get3A_680 = arith.constant 32 : index
      %get3A_681 = tpu.vector_load %arg10[%get3A_679, %get3A_680] {strides = array<i32>} : memref<80x64xf32, #tpu.memory_space<vmem>>, vector<1x16xf32>,
      %get3A_682 = vector.shape_cast %get3A_681 : vector<1x16xf32> to vector<16xf32>
      %get3A_683 = arith.index_cast %add3A_648 : i32 to index
      %get3A_684 = arith.constant 32 : index
      %get3A_685 = tpu.vector_load %arg12[%get3A_683, %get3A_684] {strides = array<i32>} : memref<80x64xf32, #tpu.memory_space<vmem>>, vector<1x16xf32>,
      %get3A_686 = vector.shape_cast %get3A_685 : vector<1x16xf32> to vector<16xf32>
      %add3A_687 = arith.addf %get3A_682, %get3A_686 : vector<16xf32>
      %max3A_688 = arith.constant 0.000000e+00 : f32
      %max3A_689 = vector.broadcast %max3A_688 : f32 to vector<16xf32>
      %max3A_690 = arith.maximumf %add3A_687, %max3A_689 : vector<16xf32>
      %mul3A_691 = arith.mulf %max3A_690, %get3A_10 : vector<16xf32>
      %add3A_692 = arith.addf %add3A_678, %mul3A_691 : vector<16xf32>
      %get3A_693 = arith.index_cast %add3A_648 : i32 to index
      %get3A_694 = arith.constant 48 : index
      %get3A_695 = tpu.vector_load %arg10[%get3A_693, %get3A_694] {strides = array<i32>} : memref<80x64xf32, #tpu.memory_space<vmem>>, vector<1x16xf32>,
      %get3A_696 = vector.shape_cast %get3A_695 : vector<1x16xf32> to vector<16xf32>
      %get3A_697 = arith.index_cast %add3A_648 : i32 to index
      %get3A_698 = arith.constant 48 : index
      %get3A_699 = tpu.vector_load %arg12[%get3A_697, %get3A_698] {strides = array<i32>} : memref<80x64xf32, #tpu.memory_space<vmem>>, vector<1x16xf32>,
      %get3A_700 = vector.shape_cast %get3A_699 : vector<1x16xf32> to vector<16xf32>
      %add3A_701 = arith.addf %get3A_696, %get3A_700 : vector<16xf32>
      %max3A_702 = arith.constant 0.000000e+00 : f32
      %max3A_703 = vector.broadcast %max3A_702 : f32 to vector<16xf32>
      %max3A_704 = arith.maximumf %add3A_701, %max3A_703 : vector<16xf32>
      %mul3A_705 = arith.mulf %max3A_704, %get3A_13 : vector<16xf32>
      %add3A_706 = arith.addf %add3A_692, %mul3A_705 : vector<16xf32>
      %mul3A_707 = arith.constant 16 : i32
      %mul3A_708 = arith.muli %scan3A_88, %mul3A_707 : i32
      %add3A_709 = arith.constant 10 : i32
      %add3A_710 = arith.addi %mul3A_708, %add3A_709 : i32
      %broadcast_in_dim3A_711 = arith.constant 0.000000e+00 : f32
      %broadcast_in_dim3A_712 = vector.broadcast %broadcast_in_dim3A_711 : f32 to vector<16xf32>
      %get3A_713 = arith.index_cast %add3A_710 : i32 to index
      %get3A_714 = arith.constant 0 : index
      %get3A_715 = tpu.vector_load %arg10[%get3A_713, %get3A_714] {strides = array<i32>} : memref<80x64xf32, #tpu.memory_space<vmem>>, vector<1x16xf32>,
      %get3A_716 = vector.shape_cast %get3A_715 : vector<1x16xf32> to vector<16xf32>
      %get3A_717 = arith.index_cast %add3A_710 : i32 to index
      %get3A_718 = arith.constant 0 : index
      %get3A_719 = tpu.vector_load %arg12[%get3A_717, %get3A_718] {strides = array<i32>} : memref<80x64xf32, #tpu.memory_space<vmem>>, vector<1x16xf32>,
      %get3A_720 = vector.shape_cast %get3A_719 : vector<1x16xf32> to vector<16xf32>
      %add3A_721 = arith.addf %get3A_716, %get3A_720 : vector<16xf32>
      %max3A_722 = arith.constant 0.000000e+00 : f32
      %max3A_723 = vector.broadcast %max3A_722 : f32 to vector<16xf32>
      %max3A_724 = arith.maximumf %add3A_721, %max3A_723 : vector<16xf32>
      %mul3A_725 = arith.mulf %max3A_724, %get3A_4 : vector<16xf32>
      %add3A_726 = arith.addf %broadcast_in_dim3A_712, %mul3A_725 : vector<16xf32>
      %get3A_727 = arith.index_cast %add3A_710 : i32 to index
      %get3A_728 = arith.constant 16 : index
      %get3A_729 = tpu.vector_load %arg10[%get3A_727, %get3A_728] {strides = array<i32>} : memref<80x64xf32, #tpu.memory_space<vmem>>, vector<1x16xf32>,
      %get3A_730 = vector.shape_cast %get3A_729 : vector<1x16xf32> to vector<16xf32>
      %get3A_731 = arith.index_cast %add3A_710 : i32 to index
      %get3A_732 = arith.constant 16 : index
      %get3A_733 = tpu.vector_load %arg12[%get3A_731, %get3A_732] {strides = array<i32>} : memref<80x64xf32, #tpu.memory_space<vmem>>, vector<1x16xf32>,
      %get3A_734 = vector.shape_cast %get3A_733 : vector<1x16xf32> to vector<16xf32>
      %add3A_735 = arith.addf %get3A_730, %get3A_734 : vector<16xf32>
      %max3A_736 = arith.constant 0.000000e+00 : f32
      %max3A_737 = vector.broadcast %max3A_736 : f32 to vector<16xf32>
      %max3A_738 = arith.maximumf %add3A_735, %max3A_737 : vector<16xf32>
      %mul3A_739 = arith.mulf %max3A_738, %get3A_7 : vector<16xf32>
      %add3A_740 = arith.addf %add3A_726, %mul3A_739 : vector<16xf32>
      %get3A_741 = arith.index_cast %add3A_710 : i32 to index
      %get3A_742 = arith.constant 32 : index
      %get3A_743 = tpu.vector_load %arg10[%get3A_741, %get3A_742] {strides = array<i32>} : memref<80x64xf32, #tpu.memory_space<vmem>>, vector<1x16xf32>,
      %get3A_744 = vector.shape_cast %get3A_743 : vector<1x16xf32> to vector<16xf32>
      %get3A_745 = arith.index_cast %add3A_710 : i32 to index
      %get3A_746 = arith.constant 32 : index
      %get3A_747 = tpu.vector_load %arg12[%get3A_745, %get3A_746] {strides = array<i32>} : memref<80x64xf32, #tpu.memory_space<vmem>>, vector<1x16xf32>,
      %get3A_748 = vector.shape_cast %get3A_747 : vector<1x16xf32> to vector<16xf32>
      %add3A_749 = arith.addf %get3A_744, %get3A_748 : vector<16xf32>
      %max3A_750 = arith.constant 0.000000e+00 : f32
      %max3A_751 = vector.broadcast %max3A_750 : f32 to vector<16xf32>
      %max3A_752 = arith.maximumf %add3A_749, %max3A_751 : vector<16xf32>
      %mul3A_753 = arith.mulf %max3A_752, %get3A_10 : vector<16xf32>
      %add3A_754 = arith.addf %add3A_740, %mul3A_753 : vector<16xf32>
      %get3A_755 = arith.index_cast %add3A_710 : i32 to index
      %get3A_756 = arith.constant 48 : index
      %get3A_757 = tpu.vector_load %arg10[%get3A_755, %get3A_756] {strides = array<i32>} : memref<80x64xf32, #tpu.memory_space<vmem>>, vector<1x16xf32>,
      %get3A_758 = vector.shape_cast %get3A_757 : vector<1x16xf32> to vector<16xf32>
      %get3A_759 = arith.index_cast %add3A_710 : i32 to index
      %get3A_760 = arith.constant 48 : index
      %get3A_761 = tpu.vector_load %arg12[%get3A_759, %get3A_760] {strides = array<i32>} : memref<80x64xf32, #tpu.memory_space<vmem>>, vector<1x16xf32>,
      %get3A_762 = vector.shape_cast %get3A_761 : vector<1x16xf32> to vector<16xf32>
      %add3A_763 = arith.addf %get3A_758, %get3A_762 : vector<16xf32>
      %max3A_764 = arith.constant 0.000000e+00 : f32
      %max3A_765 = vector.broadcast %max3A_764 : f32 to vector<16xf32>
      %max3A_766 = arith.maximumf %add3A_763, %max3A_765 : vector<16xf32>
      %mul3A_767 = arith.mulf %max3A_766, %get3A_13 : vector<16xf32>
      %add3A_768 = arith.addf %add3A_754, %mul3A_767 : vector<16xf32>
      %mul3A_769 = arith.constant 16 : i32
      %mul3A_770 = arith.muli %scan3A_88, %mul3A_769 : i32
      %add3A_771 = arith.constant 11 : i32
      %add3A_772 = arith.addi %mul3A_770, %add3A_771 : i32
      %broadcast_in_dim3A_773 = arith.constant 0.000000e+00 : f32
      %broadcast_in_dim3A_774 = vector.broadcast %broadcast_in_dim3A_773 : f32 to vector<16xf32>
      %get3A_775 = arith.index_cast %add3A_772 : i32 to index
      %get3A_776 = arith.constant 0 : index
      %get3A_777 = tpu.vector_load %arg10[%get3A_775, %get3A_776] {strides = array<i32>} : memref<80x64xf32, #tpu.memory_space<vmem>>, vector<1x16xf32>,
      %get3A_778 = vector.shape_cast %get3A_777 : vector<1x16xf32> to vector<16xf32>
      %get3A_779 = arith.index_cast %add3A_772 : i32 to index
      %get3A_780 = arith.constant 0 : index
      %get3A_781 = tpu.vector_load %arg12[%get3A_779, %get3A_780] {strides = array<i32>} : memref<80x64xf32, #tpu.memory_space<vmem>>, vector<1x16xf32>,
      %get3A_782 = vector.shape_cast %get3A_781 : vector<1x16xf32> to vector<16xf32>
      %add3A_783 = arith.addf %get3A_778, %get3A_782 : vector<16xf32>
      %max3A_784 = arith.constant 0.000000e+00 : f32
      %max3A_785 = vector.broadcast %max3A_784 : f32 to vector<16xf32>
      %max3A_786 = arith.maximumf %add3A_783, %max3A_785 : vector<16xf32>
      %mul3A_787 = arith.mulf %max3A_786, %get3A_4 : vector<16xf32>
      %add3A_788 = arith.addf %broadcast_in_dim3A_774, %mul3A_787 : vector<16xf32>
      %get3A_789 = arith.index_cast %add3A_772 : i32 to index
      %get3A_790 = arith.constant 16 : index
      %get3A_791 = tpu.vector_load %arg10[%get3A_789, %get3A_790] {strides = array<i32>} : memref<80x64xf32, #tpu.memory_space<vmem>>, vector<1x16xf32>,
      %get3A_792 = vector.shape_cast %get3A_791 : vector<1x16xf32> to vector<16xf32>
      %get3A_793 = arith.index_cast %add3A_772 : i32 to index
      %get3A_794 = arith.constant 16 : index
      %get3A_795 = tpu.vector_load %arg12[%get3A_793, %get3A_794] {strides = array<i32>} : memref<80x64xf32, #tpu.memory_space<vmem>>, vector<1x16xf32>,
      %get3A_796 = vector.shape_cast %get3A_795 : vector<1x16xf32> to vector<16xf32>
      %add3A_797 = arith.addf %get3A_792, %get3A_796 : vector<16xf32>
      %max3A_798 = arith.constant 0.000000e+00 : f32
      %max3A_799 = vector.broadcast %max3A_798 : f32 to vector<16xf32>
      %max3A_800 = arith.maximumf %add3A_797, %max3A_799 : vector<16xf32>
      %mul3A_801 = arith.mulf %max3A_800, %get3A_7 : vector<16xf32>
      %add3A_802 = arith.addf %add3A_788, %mul3A_801 : vector<16xf32>
      %get3A_803 = arith.index_cast %add3A_772 : i32 to index
      %get3A_804 = arith.constant 32 : index
      %get3A_805 = tpu.vector_load %arg10[%get3A_803, %get3A_804] {strides = array<i32>} : memref<80x64xf32, #tpu.memory_space<vmem>>, vector<1x16xf32>,
      %get3A_806 = vector.shape_cast %get3A_805 : vector<1x16xf32> to vector<16xf32>
      %get3A_807 = arith.index_cast %add3A_772 : i32 to index
      %get3A_808 = arith.constant 32 : index
      %get3A_809 = tpu.vector_load %arg12[%get3A_807, %get3A_808] {strides = array<i32>} : memref<80x64xf32, #tpu.memory_space<vmem>>, vector<1x16xf32>,
      %get3A_810 = vector.shape_cast %get3A_809 : vector<1x16xf32> to vector<16xf32>
      %add3A_811 = arith.addf %get3A_806, %get3A_810 : vector<16xf32>
      %max3A_812 = arith.constant 0.000000e+00 : f32
      %max3A_813 = vector.broadcast %max3A_812 : f32 to vector<16xf32>
      %max3A_814 = arith.maximumf %add3A_811, %max3A_813 : vector<16xf32>
      %mul3A_815 = arith.mulf %max3A_814, %get3A_10 : vector<16xf32>
      %add3A_816 = arith.addf %add3A_802, %mul3A_815 : vector<16xf32>
      %get3A_817 = arith.index_cast %add3A_772 : i32 to index
      %get3A_818 = arith.constant 48 : index
      %get3A_819 = tpu.vector_load %arg10[%get3A_817, %get3A_818] {strides = array<i32>} : memref<80x64xf32, #tpu.memory_space<vmem>>, vector<1x16xf32>,
      %get3A_820 = vector.shape_cast %get3A_819 : vector<1x16xf32> to vector<16xf32>
      %get3A_821 = arith.index_cast %add3A_772 : i32 to index
      %get3A_822 = arith.constant 48 : index
      %get3A_823 = tpu.vector_load %arg12[%get3A_821, %get3A_822] {strides = array<i32>} : memref<80x64xf32, #tpu.memory_space<vmem>>, vector<1x16xf32>,
      %get3A_824 = vector.shape_cast %get3A_823 : vector<1x16xf32> to vector<16xf32>
      %add3A_825 = arith.addf %get3A_820, %get3A_824 : vector<16xf32>
      %max3A_826 = arith.constant 0.000000e+00 : f32
      %max3A_827 = vector.broadcast %max3A_826 : f32 to vector<16xf32>
      %max3A_828 = arith.maximumf %add3A_825, %max3A_827 : vector<16xf32>
      %mul3A_829 = arith.mulf %max3A_828, %get3A_13 : vector<16xf32>
      %add3A_830 = arith.addf %add3A_816, %mul3A_829 : vector<16xf32>
      %mul3A_831 = arith.constant 16 : i32
      %mul3A_832 = arith.muli %scan3A_88, %mul3A_831 : i32
      %add3A_833 = arith.constant 12 : i32
      %add3A_834 = arith.addi %mul3A_832, %add3A_833 : i32
      %broadcast_in_dim3A_835 = arith.constant 0.000000e+00 : f32
      %broadcast_in_dim3A_836 = vector.broadcast %broadcast_in_dim3A_835 : f32 to vector<16xf32>
      %get3A_837 = arith.index_cast %add3A_834 : i32 to index
      %get3A_838 = arith.constant 0 : index
      %get3A_839 = tpu.vector_load %arg10[%get3A_837, %get3A_838] {strides = array<i32>} : memref<80x64xf32, #tpu.memory_space<vmem>>, vector<1x16xf32>,
      %get3A_840 = vector.shape_cast %get3A_839 : vector<1x16xf32> to vector<16xf32>
      %get3A_841 = arith.index_cast %add3A_834 : i32 to index
      %get3A_842 = arith.constant 0 : index
      %get3A_843 = tpu.vector_load %arg12[%get3A_841, %get3A_842] {strides = array<i32>} : memref<80x64xf32, #tpu.memory_space<vmem>>, vector<1x16xf32>,
      %get3A_844 = vector.shape_cast %get3A_843 : vector<1x16xf32> to vector<16xf32>
      %add3A_845 = arith.addf %get3A_840, %get3A_844 : vector<16xf32>
      %max3A_846 = arith.constant 0.000000e+00 : f32
      %max3A_847 = vector.broadcast %max3A_846 : f32 to vector<16xf32>
      %max3A_848 = arith.maximumf %add3A_845, %max3A_847 : vector<16xf32>
      %mul3A_849 = arith.mulf %max3A_848, %get3A_4 : vector<16xf32>
      %add3A_850 = arith.addf %broadcast_in_dim3A_836, %mul3A_849 : vector<16xf32>
      %get3A_851 = arith.index_cast %add3A_834 : i32 to index
      %get3A_852 = arith.constant 16 : index
      %get3A_853 = tpu.vector_load %arg10[%get3A_851, %get3A_852] {strides = array<i32>} : memref<80x64xf32, #tpu.memory_space<vmem>>, vector<1x16xf32>,
      %get3A_854 = vector.shape_cast %get3A_853 : vector<1x16xf32> to vector<16xf32>
      %get3A_855 = arith.index_cast %add3A_834 : i32 to index
      %get3A_856 = arith.constant 16 : index
      %get3A_857 = tpu.vector_load %arg12[%get3A_855, %get3A_856] {strides = array<i32>} : memref<80x64xf32, #tpu.memory_space<vmem>>, vector<1x16xf32>,
      %get3A_858 = vector.shape_cast %get3A_857 : vector<1x16xf32> to vector<16xf32>
      %add3A_859 = arith.addf %get3A_854, %get3A_858 : vector<16xf32>
      %max3A_860 = arith.constant 0.000000e+00 : f32
      %max3A_861 = vector.broadcast %max3A_860 : f32 to vector<16xf32>
      %max3A_862 = arith.maximumf %add3A_859, %max3A_861 : vector<16xf32>
      %mul3A_863 = arith.mulf %max3A_862, %get3A_7 : vector<16xf32>
      %add3A_864 = arith.addf %add3A_850, %mul3A_863 : vector<16xf32>
      %get3A_865 = arith.index_cast %add3A_834 : i32 to index
      %get3A_866 = arith.constant 32 : index
      %get3A_867 = tpu.vector_load %arg10[%get3A_865, %get3A_866] {strides = array<i32>} : memref<80x64xf32, #tpu.memory_space<vmem>>, vector<1x16xf32>,
      %get3A_868 = vector.shape_cast %get3A_867 : vector<1x16xf32> to vector<16xf32>
      %get3A_869 = arith.index_cast %add3A_834 : i32 to index
      %get3A_870 = arith.constant 32 : index
      %get3A_871 = tpu.vector_load %arg12[%get3A_869, %get3A_870] {strides = array<i32>} : memref<80x64xf32, #tpu.memory_space<vmem>>, vector<1x16xf32>,
      %get3A_872 = vector.shape_cast %get3A_871 : vector<1x16xf32> to vector<16xf32>
      %add3A_873 = arith.addf %get3A_868, %get3A_872 : vector<16xf32>
      %max3A_874 = arith.constant 0.000000e+00 : f32
      %max3A_875 = vector.broadcast %max3A_874 : f32 to vector<16xf32>
      %max3A_876 = arith.maximumf %add3A_873, %max3A_875 : vector<16xf32>
      %mul3A_877 = arith.mulf %max3A_876, %get3A_10 : vector<16xf32>
      %add3A_878 = arith.addf %add3A_864, %mul3A_877 : vector<16xf32>
      %get3A_879 = arith.index_cast %add3A_834 : i32 to index
      %get3A_880 = arith.constant 48 : index
      %get3A_881 = tpu.vector_load %arg10[%get3A_879, %get3A_880] {strides = array<i32>} : memref<80x64xf32, #tpu.memory_space<vmem>>, vector<1x16xf32>,
      %get3A_882 = vector.shape_cast %get3A_881 : vector<1x16xf32> to vector<16xf32>
      %get3A_883 = arith.index_cast %add3A_834 : i32 to index
      %get3A_884 = arith.constant 48 : index
      %get3A_885 = tpu.vector_load %arg12[%get3A_883, %get3A_884] {strides = array<i32>} : memref<80x64xf32, #tpu.memory_space<vmem>>, vector<1x16xf32>,
      %get3A_886 = vector.shape_cast %get3A_885 : vector<1x16xf32> to vector<16xf32>
      %add3A_887 = arith.addf %get3A_882, %get3A_886 : vector<16xf32>
      %max3A_888 = arith.constant 0.000000e+00 : f32
      %max3A_889 = vector.broadcast %max3A_888 : f32 to vector<16xf32>
      %max3A_890 = arith.maximumf %add3A_887, %max3A_889 : vector<16xf32>
      %mul3A_891 = arith.mulf %max3A_890, %get3A_13 : vector<16xf32>
      %add3A_892 = arith.addf %add3A_878, %mul3A_891 : vector<16xf32>
      %mul3A_893 = arith.constant 16 : i32
      %mul3A_894 = arith.muli %scan3A_88, %mul3A_893 : i32
      %add3A_895 = arith.constant 13 : i32
      %add3A_896 = arith.addi %mul3A_894, %add3A_895 : i32
      %broadcast_in_dim3A_897 = arith.constant 0.000000e+00 : f32
      %broadcast_in_dim3A_898 = vector.broadcast %broadcast_in_dim3A_897 : f32 to vector<16xf32>
      %get3A_899 = arith.index_cast %add3A_896 : i32 to index
      %get3A_900 = arith.constant 0 : index
      %get3A_901 = tpu.vector_load %arg10[%get3A_899, %get3A_900] {strides = array<i32>} : memref<80x64xf32, #tpu.memory_space<vmem>>, vector<1x16xf32>,
      %get3A_902 = vector.shape_cast %get3A_901 : vector<1x16xf32> to vector<16xf32>
      %get3A_903 = arith.index_cast %add3A_896 : i32 to index
      %get3A_904 = arith.constant 0 : index
      %get3A_905 = tpu.vector_load %arg12[%get3A_903, %get3A_904] {strides = array<i32>} : memref<80x64xf32, #tpu.memory_space<vmem>>, vector<1x16xf32>,
      %get3A_906 = vector.shape_cast %get3A_905 : vector<1x16xf32> to vector<16xf32>
      %add3A_907 = arith.addf %get3A_902, %get3A_906 : vector<16xf32>
      %max3A_908 = arith.constant 0.000000e+00 : f32
      %max3A_909 = vector.broadcast %max3A_908 : f32 to vector<16xf32>
      %max3A_910 = arith.maximumf %add3A_907, %max3A_909 : vector<16xf32>
      %mul3A_911 = arith.mulf %max3A_910, %get3A_4 : vector<16xf32>
      %add3A_912 = arith.addf %broadcast_in_dim3A_898, %mul3A_911 : vector<16xf32>
      %get3A_913 = arith.index_cast %add3A_896 : i32 to index
      %get3A_914 = arith.constant 16 : index
      %get3A_915 = tpu.vector_load %arg10[%get3A_913, %get3A_914] {strides = array<i32>} : memref<80x64xf32, #tpu.memory_space<vmem>>, vector<1x16xf32>,
      %get3A_916 = vector.shape_cast %get3A_915 : vector<1x16xf32> to vector<16xf32>
      %get3A_917 = arith.index_cast %add3A_896 : i32 to index
      %get3A_918 = arith.constant 16 : index
      %get3A_919 = tpu.vector_load %arg12[%get3A_917, %get3A_918] {strides = array<i32>} : memref<80x64xf32, #tpu.memory_space<vmem>>, vector<1x16xf32>,
      %get3A_920 = vector.shape_cast %get3A_919 : vector<1x16xf32> to vector<16xf32>
      %add3A_921 = arith.addf %get3A_916, %get3A_920 : vector<16xf32>
      %max3A_922 = arith.constant 0.000000e+00 : f32
      %max3A_923 = vector.broadcast %max3A_922 : f32 to vector<16xf32>
      %max3A_924 = arith.maximumf %add3A_921, %max3A_923 : vector<16xf32>
      %mul3A_925 = arith.mulf %max3A_924, %get3A_7 : vector<16xf32>
      %add3A_926 = arith.addf %add3A_912, %mul3A_925 : vector<16xf32>
      %get3A_927 = arith.index_cast %add3A_896 : i32 to index
      %get3A_928 = arith.constant 32 : index
      %get3A_929 = tpu.vector_load %arg10[%get3A_927, %get3A_928] {strides = array<i32>} : memref<80x64xf32, #tpu.memory_space<vmem>>, vector<1x16xf32>,
      %get3A_930 = vector.shape_cast %get3A_929 : vector<1x16xf32> to vector<16xf32>
      %get3A_931 = arith.index_cast %add3A_896 : i32 to index
      %get3A_932 = arith.constant 32 : index
      %get3A_933 = tpu.vector_load %arg12[%get3A_931, %get3A_932] {strides = array<i32>} : memref<80x64xf32, #tpu.memory_space<vmem>>, vector<1x16xf32>,
      %get3A_934 = vector.shape_cast %get3A_933 : vector<1x16xf32> to vector<16xf32>
      %add3A_935 = arith.addf %get3A_930, %get3A_934 : vector<16xf32>
      %max3A_936 = arith.constant 0.000000e+00 : f32
      %max3A_937 = vector.broadcast %max3A_936 : f32 to vector<16xf32>
      %max3A_938 = arith.maximumf %add3A_935, %max3A_937 : vector<16xf32>
      %mul3A_939 = arith.mulf %max3A_938, %get3A_10 : vector<16xf32>
      %add3A_940 = arith.addf %add3A_926, %mul3A_939 : vector<16xf32>
      %get3A_941 = arith.index_cast %add3A_896 : i32 to index
      %get3A_942 = arith.constant 48 : index
      %get3A_943 = tpu.vector_load %arg10[%get3A_941, %get3A_942] {strides = array<i32>} : memref<80x64xf32, #tpu.memory_space<vmem>>, vector<1x16xf32>,
      %get3A_944 = vector.shape_cast %get3A_943 : vector<1x16xf32> to vector<16xf32>
      %get3A_945 = arith.index_cast %add3A_896 : i32 to index
      %get3A_946 = arith.constant 48 : index
      %get3A_947 = tpu.vector_load %arg12[%get3A_945, %get3A_946] {strides = array<i32>} : memref<80x64xf32, #tpu.memory_space<vmem>>, vector<1x16xf32>,
      %get3A_948 = vector.shape_cast %get3A_947 : vector<1x16xf32> to vector<16xf32>
      %add3A_949 = arith.addf %get3A_944, %get3A_948 : vector<16xf32>
      %max3A_950 = arith.constant 0.000000e+00 : f32
      %max3A_951 = vector.broadcast %max3A_950 : f32 to vector<16xf32>
      %max3A_952 = arith.maximumf %add3A_949, %max3A_951 : vector<16xf32>
      %mul3A_953 = arith.mulf %max3A_952, %get3A_13 : vector<16xf32>
      %add3A_954 = arith.addf %add3A_940, %mul3A_953 : vector<16xf32>
      %mul3A_955 = arith.constant 16 : i32
      %mul3A_956 = arith.muli %scan3A_88, %mul3A_955 : i32
      %add3A_957 = arith.constant 14 : i32
      %add3A_958 = arith.addi %mul3A_956, %add3A_957 : i32
      %broadcast_in_dim3A_959 = arith.constant 0.000000e+00 : f32
      %broadcast_in_dim3A_960 = vector.broadcast %broadcast_in_dim3A_959 : f32 to vector<16xf32>
      %get3A_961 = arith.index_cast %add3A_958 : i32 to index
      %get3A_962 = arith.constant 0 : index
      %get3A_963 = tpu.vector_load %arg10[%get3A_961, %get3A_962] {strides = array<i32>} : memref<80x64xf32, #tpu.memory_space<vmem>>, vector<1x16xf32>,
      %get3A_964 = vector.shape_cast %get3A_963 : vector<1x16xf32> to vector<16xf32>
      %get3A_965 = arith.index_cast %add3A_958 : i32 to index
      %get3A_966 = arith.constant 0 : index
      %get3A_967 = tpu.vector_load %arg12[%get3A_965, %get3A_966] {strides = array<i32>} : memref<80x64xf32, #tpu.memory_space<vmem>>, vector<1x16xf32>,
      %get3A_968 = vector.shape_cast %get3A_967 : vector<1x16xf32> to vector<16xf32>
      %add3A_969 = arith.addf %get3A_964, %get3A_968 : vector<16xf32>
      %max3A_970 = arith.constant 0.000000e+00 : f32
      %max3A_971 = vector.broadcast %max3A_970 : f32 to vector<16xf32>
      %max3A_972 = arith.maximumf %add3A_969, %max3A_971 : vector<16xf32>
      %mul3A_973 = arith.mulf %max3A_972, %get3A_4 : vector<16xf32>
      %add3A_974 = arith.addf %broadcast_in_dim3A_960, %mul3A_973 : vector<16xf32>
      %get3A_975 = arith.index_cast %add3A_958 : i32 to index
      %get3A_976 = arith.constant 16 : index
      %get3A_977 = tpu.vector_load %arg10[%get3A_975, %get3A_976] {strides = array<i32>} : memref<80x64xf32, #tpu.memory_space<vmem>>, vector<1x16xf32>,
      %get3A_978 = vector.shape_cast %get3A_977 : vector<1x16xf32> to vector<16xf32>
      %get3A_979 = arith.index_cast %add3A_958 : i32 to index
      %get3A_980 = arith.constant 16 : index
      %get3A_981 = tpu.vector_load %arg12[%get3A_979, %get3A_980] {strides = array<i32>} : memref<80x64xf32, #tpu.memory_space<vmem>>, vector<1x16xf32>,
      %get3A_982 = vector.shape_cast %get3A_981 : vector<1x16xf32> to vector<16xf32>
      %add3A_983 = arith.addf %get3A_978, %get3A_982 : vector<16xf32>
      %max3A_984 = arith.constant 0.000000e+00 : f32
      %max3A_985 = vector.broadcast %max3A_984 : f32 to vector<16xf32>
      %max3A_986 = arith.maximumf %add3A_983, %max3A_985 : vector<16xf32>
      %mul3A_987 = arith.mulf %max3A_986, %get3A_7 : vector<16xf32>
      %add3A_988 = arith.addf %add3A_974, %mul3A_987 : vector<16xf32>
      %get3A_989 = arith.index_cast %add3A_958 : i32 to index
      %get3A_990 = arith.constant 32 : index
      %get3A_991 = tpu.vector_load %arg10[%get3A_989, %get3A_990] {strides = array<i32>} : memref<80x64xf32, #tpu.memory_space<vmem>>, vector<1x16xf32>,
      %get3A_992 = vector.shape_cast %get3A_991 : vector<1x16xf32> to vector<16xf32>
      %get3A_993 = arith.index_cast %add3A_958 : i32 to index
      %get3A_994 = arith.constant 32 : index
      %get3A_995 = tpu.vector_load %arg12[%get3A_993, %get3A_994] {strides = array<i32>} : memref<80x64xf32, #tpu.memory_space<vmem>>, vector<1x16xf32>,
      %get3A_996 = vector.shape_cast %get3A_995 : vector<1x16xf32> to vector<16xf32>
      %add3A_997 = arith.addf %get3A_992, %get3A_996 : vector<16xf32>
      %max3A_998 = arith.constant 0.000000e+00 : f32
      %max3A_999 = vector.broadcast %max3A_998 : f32 to vector<16xf32>
      %max3A_1000 = arith.maximumf %add3A_997, %max3A_999 : vector<16xf32>
      %mul3A_1001 = arith.mulf %max3A_1000, %get3A_10 : vector<16xf32>
      %add3A_1002 = arith.addf %add3A_988, %mul3A_1001 : vector<16xf32>
      %get3A_1003 = arith.index_cast %add3A_958 : i32 to index
      %get3A_1004 = arith.constant 48 : index
      %get3A_1005 = tpu.vector_load %arg10[%get3A_1003, %get3A_1004] {strides = array<i32>} : memref<80x64xf32, #tpu.memory_space<vmem>>, vector<1x16xf32>,
      %get3A_1006 = vector.shape_cast %get3A_1005 : vector<1x16xf32> to vector<16xf32>
      %get3A_1007 = arith.index_cast %add3A_958 : i32 to index
      %get3A_1008 = arith.constant 48 : index
      %get3A_1009 = tpu.vector_load %arg12[%get3A_1007, %get3A_1008] {strides = array<i32>} : memref<80x64xf32, #tpu.memory_space<vmem>>, vector<1x16xf32>,
      %get3A_1010 = vector.shape_cast %get3A_1009 : vector<1x16xf32> to vector<16xf32>
      %add3A_1011 = arith.addf %get3A_1006, %get3A_1010 : vector<16xf32>
      %max3A_1012 = arith.constant 0.000000e+00 : f32
      %max3A_1013 = vector.broadcast %max3A_1012 : f32 to vector<16xf32>
      %max3A_1014 = arith.maximumf %add3A_1011, %max3A_1013 : vector<16xf32>
      %mul3A_1015 = arith.mulf %max3A_1014, %get3A_13 : vector<16xf32>
      %add3A_1016 = arith.addf %add3A_1002, %mul3A_1015 : vector<16xf32>
      %mul3A_1017 = arith.constant 16 : i32
      %mul3A_1018 = arith.muli %scan3A_88, %mul3A_1017 : i32
      %add3A_1019 = arith.constant 15 : i32
      %add3A_1020 = arith.addi %mul3A_1018, %add3A_1019 : i32
      %broadcast_in_dim3A_1021 = arith.constant 0.000000e+00 : f32
      %broadcast_in_dim3A_1022 = vector.broadcast %broadcast_in_dim3A_1021 : f32 to vector<16xf32>
      %get3A_1023 = arith.index_cast %add3A_1020 : i32 to index
      %get3A_1024 = arith.constant 0 : index
      %get3A_1025 = tpu.vector_load %arg10[%get3A_1023, %get3A_1024] {strides = array<i32>} : memref<80x64xf32, #tpu.memory_space<vmem>>, vector<1x16xf32>,
      %get3A_1026 = vector.shape_cast %get3A_1025 : vector<1x16xf32> to vector<16xf32>
      %get3A_1027 = arith.index_cast %add3A_1020 : i32 to index
      %get3A_1028 = arith.constant 0 : index
      %get3A_1029 = tpu.vector_load %arg12[%get3A_1027, %get3A_1028] {strides = array<i32>} : memref<80x64xf32, #tpu.memory_space<vmem>>, vector<1x16xf32>,
      %get3A_1030 = vector.shape_cast %get3A_1029 : vector<1x16xf32> to vector<16xf32>
      %add3A_1031 = arith.addf %get3A_1026, %get3A_1030 : vector<16xf32>
      %max3A_1032 = arith.constant 0.000000e+00 : f32
      %max3A_1033 = vector.broadcast %max3A_1032 : f32 to vector<16xf32>
      %max3A_1034 = arith.maximumf %add3A_1031, %max3A_1033 : vector<16xf32>
      %mul3A_1035 = arith.mulf %max3A_1034, %get3A_4 : vector<16xf32>
      %add3A_1036 = arith.addf %broadcast_in_dim3A_1022, %mul3A_1035 : vector<16xf32>
      %get3A_1037 = arith.index_cast %add3A_1020 : i32 to index
      %get3A_1038 = arith.constant 16 : index
      %get3A_1039 = tpu.vector_load %arg10[%get3A_1037, %get3A_1038] {strides = array<i32>} : memref<80x64xf32, #tpu.memory_space<vmem>>, vector<1x16xf32>,
      %get3A_1040 = vector.shape_cast %get3A_1039 : vector<1x16xf32> to vector<16xf32>
      %get3A_1041 = arith.index_cast %add3A_1020 : i32 to index
      %get3A_1042 = arith.constant 16 : index
      %get3A_1043 = tpu.vector_load %arg12[%get3A_1041, %get3A_1042] {strides = array<i32>} : memref<80x64xf32, #tpu.memory_space<vmem>>, vector<1x16xf32>,
      %get3A_1044 = vector.shape_cast %get3A_1043 : vector<1x16xf32> to vector<16xf32>
      %add3A_1045 = arith.addf %get3A_1040, %get3A_1044 : vector<16xf32>
      %max3A_1046 = arith.constant 0.000000e+00 : f32
      %max3A_1047 = vector.broadcast %max3A_1046 : f32 to vector<16xf32>
      %max3A_1048 = arith.maximumf %add3A_1045, %max3A_1047 : vector<16xf32>
      %mul3A_1049 = arith.mulf %max3A_1048, %get3A_7 : vector<16xf32>
      %add3A_1050 = arith.addf %add3A_1036, %mul3A_1049 : vector<16xf32>
      %get3A_1051 = arith.index_cast %add3A_1020 : i32 to index
      %get3A_1052 = arith.constant 32 : index
      %get3A_1053 = tpu.vector_load %arg10[%get3A_1051, %get3A_1052] {strides = array<i32>} : memref<80x64xf32, #tpu.memory_space<vmem>>, vector<1x16xf32>,
      %get3A_1054 = vector.shape_cast %get3A_1053 : vector<1x16xf32> to vector<16xf32>
      %get3A_1055 = arith.index_cast %add3A_1020 : i32 to index
      %get3A_1056 = arith.constant 32 : index
      %get3A_1057 = tpu.vector_load %arg12[%get3A_1055, %get3A_1056] {strides = array<i32>} : memref<80x64xf32, #tpu.memory_space<vmem>>, vector<1x16xf32>,
      %get3A_1058 = vector.shape_cast %get3A_1057 : vector<1x16xf32> to vector<16xf32>
      %add3A_1059 = arith.addf %get3A_1054, %get3A_1058 : vector<16xf32>
      %max3A_1060 = arith.constant 0.000000e+00 : f32
      %max3A_1061 = vector.broadcast %max3A_1060 : f32 to vector<16xf32>
      %max3A_1062 = arith.maximumf %add3A_1059, %max3A_1061 : vector<16xf32>
      %mul3A_1063 = arith.mulf %max3A_1062, %get3A_10 : vector<16xf32>
      %add3A_1064 = arith.addf %add3A_1050, %mul3A_1063 : vector<16xf32>
      %get3A_1065 = arith.index_cast %add3A_1020 : i32 to index
      %get3A_1066 = arith.constant 48 : index
      %get3A_1067 = tpu.vector_load %arg10[%get3A_1065, %get3A_1066] {strides = array<i32>} : memref<80x64xf32, #tpu.memory_space<vmem>>, vector<1x16xf32>,
      %get3A_1068 = vector.shape_cast %get3A_1067 : vector<1x16xf32> to vector<16xf32>
      %get3A_1069 = arith.index_cast %add3A_1020 : i32 to index
      %get3A_1070 = arith.constant 48 : index
      %get3A_1071 = tpu.vector_load %arg12[%get3A_1069, %get3A_1070] {strides = array<i32>} : memref<80x64xf32, #tpu.memory_space<vmem>>, vector<1x16xf32>,
      %get3A_1072 = vector.shape_cast %get3A_1071 : vector<1x16xf32> to vector<16xf32>
      %add3A_1073 = arith.addf %get3A_1068, %get3A_1072 : vector<16xf32>
      %max3A_1074 = arith.constant 0.000000e+00 : f32
      %max3A_1075 = vector.broadcast %max3A_1074 : f32 to vector<16xf32>
      %max3A_1076 = arith.maximumf %add3A_1073, %max3A_1075 : vector<16xf32>
      %mul3A_1077 = arith.mulf %max3A_1076, %get3A_13 : vector<16xf32>
      %add3A_1078 = arith.addf %add3A_1064, %mul3A_1077 : vector<16xf32>
      %mul3A_1079 = arith.constant 2 : i32
      %mul3A_1080 = arith.muli %scan3A_88, %mul3A_1079 : i32
      %add3A_1081 = arith.constant 0 : i32
      %add3A_1082 = arith.addi %mul3A_1080, %add3A_1081 : i32
      %swap3A = arith.index_cast %add3A_1082 : i32 to index
      %swap3A_1083 = arith.constant 0 : index
      %swap3A_1084 = tpu.vector_load %arg14[%swap3A, %swap3A_1083] {strides = array<i32>} : memref<10x128xf32, #tpu.memory_space<vmem>>, vector<1x16xf32>,
      %swap3A_1085 = vector.shape_cast %swap3A_1084 : vector<1x16xf32> to vector<16xf32>
      %swap3A_1086 = vector.shape_cast %add3A_148 : vector<16xf32> to vector<1x16xf32>
      tpu.vector_store %arg14[%swap3A, %swap3A_1083], %swap3A_1086 {strides = array<i32>} : memref<10x128xf32, #tpu.memory_space<vmem>>, vector<1x16xf32>,
      %mul3A_1087 = arith.constant 2 : i32
      %mul3A_1088 = arith.muli %scan3A_88, %mul3A_1087 : i32
      %add3A_1089 = arith.constant 0 : i32
      %add3A_1090 = arith.addi %mul3A_1088, %add3A_1089 : i32
      %swap3A_1091 = arith.index_cast %add3A_1090 : i32 to index
      %swap3A_1092 = arith.constant 16 : index
      %swap3A_1093 = tpu.vector_load %arg14[%swap3A_1091, %swap3A_1092] {strides = array<i32>} : memref<10x128xf32, #tpu.memory_space<vmem>>, vector<1x16xf32>,
      %swap3A_1094 = vector.shape_cast %swap3A_1093 : vector<1x16xf32> to vector<16xf32>
      %swap3A_1095 = vector.shape_cast %add3A_210 : vector<16xf32> to vector<1x16xf32>
      tpu.vector_store %arg14[%swap3A_1091, %swap3A_1092], %swap3A_1095 {strides = array<i32>} : memref<10x128xf32, #tpu.memory_space<vmem>>, vector<1x16xf32>,
      %mul3A_1096 = arith.constant 2 : i32
      %mul3A_1097 = arith.muli %scan3A_88, %mul3A_1096 : i32
      %add3A_1098 = arith.constant 0 : i32
      %add3A_1099 = arith.addi %mul3A_1097, %add3A_1098 : i32
      %swap3A_1100 = arith.index_cast %add3A_1099 : i32 to index
      %swap3A_1101 = arith.constant 32 : index
      %swap3A_1102 = tpu.vector_load %arg14[%swap3A_1100, %swap3A_1101] {strides = array<i32>} : memref<10x128xf32, #tpu.memory_space<vmem>>, vector<1x16xf32>,
      %swap3A_1103 = vector.shape_cast %swap3A_1102 : vector<1x16xf32> to vector<16xf32>
      %swap3A_1104 = vector.shape_cast %add3A_272 : vector<16xf32> to vector<1x16xf32>
      tpu.vector_store %arg14[%swap3A_1100, %swap3A_1101], %swap3A_1104 {strides = array<i32>} : memref<10x128xf32, #tpu.memory_space<vmem>>, vector<1x16xf32>,
      %mul3A_1105 = arith.constant 2 : i32
      %mul3A_1106 = arith.muli %scan3A_88, %mul3A_1105 : i32
      %add3A_1107 = arith.constant 0 : i32
      %add3A_1108 = arith.addi %mul3A_1106, %add3A_1107 : i32
      %swap3A_1109 = arith.index_cast %add3A_1108 : i32 to index
      %swap3A_1110 = arith.constant 48 : index
      %swap3A_1111 = tpu.vector_load %arg14[%swap3A_1109, %swap3A_1110] {strides = array<i32>} : memref<10x128xf32, #tpu.memory_space<vmem>>, vector<1x16xf32>,
      %swap3A_1112 = vector.shape_cast %swap3A_1111 : vector<1x16xf32> to vector<16xf32>
      %swap3A_1113 = vector.shape_cast %add3A_334 : vector<16xf32> to vector<1x16xf32>
      tpu.vector_store %arg14[%swap3A_1109, %swap3A_1110], %swap3A_1113 {strides = array<i32>} : memref<10x128xf32, #tpu.memory_space<vmem>>, vector<1x16xf32>,
      %mul3A_1114 = arith.constant 2 : i32
      %mul3A_1115 = arith.muli %scan3A_88, %mul3A_1114 : i32
      %add3A_1116 = arith.constant 0 : i32
      %add3A_1117 = arith.addi %mul3A_1115, %add3A_1116 : i32
      %swap3A_1118 = arith.index_cast %add3A_1117 : i32 to index
      %swap3A_1119 = arith.constant 64 : index
      %swap3A_1120 = tpu.vector_load %arg14[%swap3A_1118, %swap3A_1119] {strides = array<i32>} : memref<10x128xf32, #tpu.memory_space<vmem>>, vector<1x16xf32>,
      %swap3A_1121 = vector.shape_cast %swap3A_1120 : vector<1x16xf32> to vector<16xf32>
      %swap3A_1122 = vector.shape_cast %add3A_396 : vector<16xf32> to vector<1x16xf32>
      tpu.vector_store %arg14[%swap3A_1118, %swap3A_1119], %swap3A_1122 {strides = array<i32>} : memref<10x128xf32, #tpu.memory_space<vmem>>, vector<1x16xf32>,
      %mul3A_1123 = arith.constant 2 : i32
      %mul3A_1124 = arith.muli %scan3A_88, %mul3A_1123 : i32
      %add3A_1125 = arith.constant 0 : i32
      %add3A_1126 = arith.addi %mul3A_1124, %add3A_1125 : i32
      %swap3A_1127 = arith.index_cast %add3A_1126 : i32 to index
      %swap3A_1128 = arith.constant 80 : index
      %swap3A_1129 = tpu.vector_load %arg14[%swap3A_1127, %swap3A_1128] {strides = array<i32>} : memref<10x128xf32, #tpu.memory_space<vmem>>, vector<1x16xf32>,
      %swap3A_1130 = vector.shape_cast %swap3A_1129 : vector<1x16xf32> to vector<16xf32>
      %swap3A_1131 = vector.shape_cast %add3A_458 : vector<16xf32> to vector<1x16xf32>
      tpu.vector_store %arg14[%swap3A_1127, %swap3A_1128], %swap3A_1131 {strides = array<i32>} : memref<10x128xf32, #tpu.memory_space<vmem>>, vector<1x16xf32>,
      %mul3A_1132 = arith.constant 2 : i32
      %mul3A_1133 = arith.muli %scan3A_88, %mul3A_1132 : i32
      %add3A_1134 = arith.constant 0 : i32
      %add3A_1135 = arith.addi %mul3A_1133, %add3A_1134 : i32
      %swap3A_1136 = arith.index_cast %add3A_1135 : i32 to index
      %swap3A_1137 = arith.constant 96 : index
      %swap3A_1138 = tpu.vector_load %arg14[%swap3A_1136, %swap3A_1137] {strides = array<i32>} : memref<10x128xf32, #tpu.memory_space<vmem>>, vector<1x16xf32>,
      %swap3A_1139 = vector.shape_cast %swap3A_1138 : vector<1x16xf32> to vector<16xf32>
      %swap3A_1140 = vector.shape_cast %add3A_520 : vector<16xf32> to vector<1x16xf32>
      tpu.vector_store %arg14[%swap3A_1136, %swap3A_1137], %swap3A_1140 {strides = array<i32>} : memref<10x128xf32, #tpu.memory_space<vmem>>, vector<1x16xf32>,
      %mul3A_1141 = arith.constant 2 : i32
      %mul3A_1142 = arith.muli %scan3A_88, %mul3A_1141 : i32
      %add3A_1143 = arith.constant 0 : i32
      %add3A_1144 = arith.addi %mul3A_1142, %add3A_1143 : i32
      %swap3A_1145 = arith.index_cast %add3A_1144 : i32 to index
      %swap3A_1146 = arith.constant 112 : index
      %swap3A_1147 = tpu.vector_load %arg14[%swap3A_1145, %swap3A_1146] {strides = array<i32>} : memref<10x128xf32, #tpu.memory_space<vmem>>, vector<1x16xf32>,
      %swap3A_1148 = vector.shape_cast %swap3A_1147 : vector<1x16xf32> to vector<16xf32>
      %swap3A_1149 = vector.shape_cast %add3A_582 : vector<16xf32> to vector<1x16xf32>
      tpu.vector_store %arg14[%swap3A_1145, %swap3A_1146], %swap3A_1149 {strides = array<i32>} : memref<10x128xf32, #tpu.memory_space<vmem>>, vector<1x16xf32>,
      %mul3A_1150 = arith.constant 2 : i32
      %mul3A_1151 = arith.muli %scan3A_88, %mul3A_1150 : i32
      %add3A_1152 = arith.constant 1 : i32
      %add3A_1153 = arith.addi %mul3A_1151, %add3A_1152 : i32
      %swap3A_1154 = arith.index_cast %add3A_1153 : i32 to index
      %swap3A_1155 = arith.constant 0 : index
      %swap3A_1156 = tpu.vector_load %arg14[%swap3A_1154, %swap3A_1155] {strides = array<i32>} : memref<10x128xf32, #tpu.memory_space<vmem>>, vector<1x16xf32>,
      %swap3A_1157 = vector.shape_cast %swap3A_1156 : vector<1x16xf32> to vector<16xf32>
      %swap3A_1158 = vector.shape_cast %add3A_644 : vector<16xf32> to vector<1x16xf32>
      tpu.vector_store %arg14[%swap3A_1154, %swap3A_1155], %swap3A_1158 {strides = array<i32>} : memref<10x128xf32, #tpu.memory_space<vmem>>, vector<1x16xf32>,
      %mul3A_1159 = arith.constant 2 : i32
      %mul3A_1160 = arith.muli %scan3A_88, %mul3A_1159 : i32
      %add3A_1161 = arith.constant 1 : i32
      %add3A_1162 = arith.addi %mul3A_1160, %add3A_1161 : i32
      %swap3A_1163 = arith.index_cast %add3A_1162 : i32 to index
      %swap3A_1164 = arith.constant 16 : index
      %swap3A_1165 = tpu.vector_load %arg14[%swap3A_1163, %swap3A_1164] {strides = array<i32>} : memref<10x128xf32, #tpu.memory_space<vmem>>, vector<1x16xf32>,
      %swap3A_1166 = vector.shape_cast %swap3A_1165 : vector<1x16xf32> to vector<16xf32>
      %swap3A_1167 = vector.shape_cast %add3A_706 : vector<16xf32> to vector<1x16xf32>
      tpu.vector_store %arg14[%swap3A_1163, %swap3A_1164], %swap3A_1167 {strides = array<i32>} : memref<10x128xf32, #tpu.memory_space<vmem>>, vector<1x16xf32>,
      %mul3A_1168 = arith.constant 2 : i32
      %mul3A_1169 = arith.muli %scan3A_88, %mul3A_1168 : i32
      %add3A_1170 = arith.constant 1 : i32
      %add3A_1171 = arith.addi %mul3A_1169, %add3A_1170 : i32
      %swap3A_1172 = arith.index_cast %add3A_1171 : i32 to index
      %swap3A_1173 = arith.constant 32 : index
      %swap3A_1174 = tpu.vector_load %arg14[%swap3A_1172, %swap3A_1173] {strides = array<i32>} : memref<10x128xf32, #tpu.memory_space<vmem>>, vector<1x16xf32>,
      %swap3A_1175 = vector.shape_cast %swap3A_1174 : vector<1x16xf32> to vector<16xf32>
      %swap3A_1176 = vector.shape_cast %add3A_768 : vector<16xf32> to vector<1x16xf32>
      tpu.vector_store %arg14[%swap3A_1172, %swap3A_1173], %swap3A_1176 {strides = array<i32>} : memref<10x128xf32, #tpu.memory_space<vmem>>, vector<1x16xf32>,
      %mul3A_1177 = arith.constant 2 : i32
      %mul3A_1178 = arith.muli %scan3A_88, %mul3A_1177 : i32
      %add3A_1179 = arith.constant 1 : i32
      %add3A_1180 = arith.addi %mul3A_1178, %add3A_1179 : i32
      %swap3A_1181 = arith.index_cast %add3A_1180 : i32 to index
      %swap3A_1182 = arith.constant 48 : index
      %swap3A_1183 = tpu.vector_load %arg14[%swap3A_1181, %swap3A_1182] {strides = array<i32>} : memref<10x128xf32, #tpu.memory_space<vmem>>, vector<1x16xf32>,
      %swap3A_1184 = vector.shape_cast %swap3A_1183 : vector<1x16xf32> to vector<16xf32>
      %swap3A_1185 = vector.shape_cast %add3A_830 : vector<16xf32> to vector<1x16xf32>
      tpu.vector_store %arg14[%swap3A_1181, %swap3A_1182], %swap3A_1185 {strides = array<i32>} : memref<10x128xf32, #tpu.memory_space<vmem>>, vector<1x16xf32>,
      %mul3A_1186 = arith.constant 2 : i32
      %mul3A_1187 = arith.muli %scan3A_88, %mul3A_1186 : i32
      %add3A_1188 = arith.constant 1 : i32
      %add3A_1189 = arith.addi %mul3A_1187, %add3A_1188 : i32
      %swap3A_1190 = arith.index_cast %add3A_1189 : i32 to index
      %swap3A_1191 = arith.constant 64 : index
      %swap3A_1192 = tpu.vector_load %arg14[%swap3A_1190, %swap3A_1191] {strides = array<i32>} : memref<10x128xf32, #tpu.memory_space<vmem>>, vector<1x16xf32>,
      %swap3A_1193 = vector.shape_cast %swap3A_1192 : vector<1x16xf32> to vector<16xf32>
      %swap3A_1194 = vector.shape_cast %add3A_892 : vector<16xf32> to vector<1x16xf32>
      tpu.vector_store %arg14[%swap3A_1190, %swap3A_1191], %swap3A_1194 {strides = array<i32>} : memref<10x128xf32, #tpu.memory_space<vmem>>, vector<1x16xf32>,
      %mul3A_1195 = arith.constant 2 : i32
      %mul3A_1196 = arith.muli %scan3A_88, %mul3A_1195 : i32
      %add3A_1197 = arith.constant 1 : i32
      %add3A_1198 = arith.addi %mul3A_1196, %add3A_1197 : i32
      %swap3A_1199 = arith.index_cast %add3A_1198 : i32 to index
      %swap3A_1200 = arith.constant 80 : index
      %swap3A_1201 = tpu.vector_load %arg14[%swap3A_1199, %swap3A_1200] {strides = array<i32>} : memref<10x128xf32, #tpu.memory_space<vmem>>, vector<1x16xf32>,
      %swap3A_1202 = vector.shape_cast %swap3A_1201 : vector<1x16xf32> to vector<16xf32>
      %swap3A_1203 = vector.shape_cast %add3A_954 : vector<16xf32> to vector<1x16xf32>
      tpu.vector_store %arg14[%swap3A_1199, %swap3A_1200], %swap3A_1203 {strides = array<i32>} : memref<10x128xf32, #tpu.memory_space<vmem>>, vector<1x16xf32>,
      %mul3A_1204 = arith.constant 2 : i32
      %mul3A_1205 = arith.muli %scan3A_88, %mul3A_1204 : i32
      %add3A_1206 = arith.constant 1 : i32
      %add3A_1207 = arith.addi %mul3A_1205, %add3A_1206 : i32
      %swap3A_1208 = arith.index_cast %add3A_1207 : i32 to index
      %swap3A_1209 = arith.constant 96 : index
      %swap3A_1210 = tpu.vector_load %arg14[%swap3A_1208, %swap3A_1209] {strides = array<i32>} : memref<10x128xf32, #tpu.memory_space<vmem>>, vector<1x16xf32>,
      %swap3A_1211 = vector.shape_cast %swap3A_1210 : vector<1x16xf32> to vector<16xf32>
      %swap3A_1212 = vector.shape_cast %add3A_1016 : vector<16xf32> to vector<1x16xf32>
      tpu.vector_store %arg14[%swap3A_1208, %swap3A_1209], %swap3A_1212 {strides = array<i32>} : memref<10x128xf32, #tpu.memory_space<vmem>>, vector<1x16xf32>,
      %mul3A_1213 = arith.constant 2 : i32
      %mul3A_1214 = arith.muli %scan3A_88, %mul3A_1213 : i32
      %add3A_1215 = arith.constant 1 : i32
      %add3A_1216 = arith.addi %mul3A_1214, %add3A_1215 : i32
      %swap3A_1217 = arith.index_cast %add3A_1216 : i32 to index
      %swap3A_1218 = arith.constant 112 : index
      %swap3A_1219 = tpu.vector_load %arg14[%swap3A_1217, %swap3A_1218] {strides = array<i32>} : memref<10x128xf32, #tpu.memory_space<vmem>>, vector<1x16xf32>,
      %swap3A_1220 = vector.shape_cast %swap3A_1219 : vector<1x16xf32> to vector<16xf32>
      %swap3A_1221 = vector.shape_cast %add3A_1078 : vector<16xf32> to vector<1x16xf32>
      tpu.vector_store %arg14[%swap3A_1217, %swap3A_1218], %swap3A_1221 {strides = array<i32>} : memref<10x128xf32, #tpu.memory_space<vmem>>, vector<1x16xf32>,
    }
    %scan3A_69 = arith.constant 5 : i32
    %add3A_70 = arith.constant 1240 : i32
    %add3A_71 = arith.addi %mul3A_2, %add3A_70 : i32
    %dma_start3A_72 = arith.constant 0 : i32
    %dma_start3A_73 = tpu.memref_slice %arg7[%add3A_71, %dma_start3A_72] : memref<40000x128xf32, #tpu.memory_space<hbm>> -> memref<10x128xf32, #tpu.memory_space<hbm>>
    %dma_start3A_74 = arith.constant 0 : i32
    %dma_start3A_75 = tpu.memref_slice %arg7[%add3A_71, %dma_start3A_74] : memref<40000x128xf32, #tpu.memory_space<hbm>> -> memref<10x128xf32, #tpu.memory_space<hbm>>
    tpu.enqueue_dma source(%arg14 : memref<10x128xf32, #tpu.memory_space<vmem>>) target(%dma_start3A_75 : memref<10x128xf32, #tpu.memory_space<hbm>>) target_semaphore(%arg21 : memref<!tpu.dma_semaphore, #tpu.memory_space<semaphore_mem>>)
    %add3A_76 = arith.constant 1230 : i32
    %add3A_77 = arith.addi %mul3A_2, %add3A_76 : i32
    %dma_wait3A_78 = arith.constant 0 : i32
    %dma_wait3A_79 = tpu.memref_slice %arg7[%add3A_77, %dma_wait3A_78] : memref<40000x128xf32, #tpu.memory_space<hbm>> -> memref<10x128xf32, #tpu.memory_space<hbm>>
    %dma_wait3A_80 = arith.constant 0 : i32
    %dma_wait3A_81 = tpu.memref_slice %arg7[%add3A_77, %dma_wait3A_80] : memref<40000x128xf32, #tpu.memory_space<hbm>> -> memref<10x128xf32, #tpu.memory_space<hbm>>
    tpu.wait_dma2 semaphore(%arg22 : memref<!tpu.dma_semaphore, #tpu.memory_space<semaphore_mem>>) src(%arg15 : memref<10x128xf32, #tpu.memory_space<vmem>>) dst(%dma_wait3A_81 : memref<10x128xf32, #tpu.memory_space<hbm>>)
    %add3A_82 = arith.constant 1240 : i32
    %add3A_83 = arith.addi %mul3A_2, %add3A_82 : i32
    %dma_wait3A_84 = arith.constant 0 : i32
    %dma_wait3A_85 = tpu.memref_slice %arg7[%add3A_83, %dma_wait3A_84] : memref<40000x128xf32, #tpu.memory_space<hbm>> -> memref<10x128xf32, #tpu.memory_space<hbm>>
    %dma_wait3A_86 = arith.constant 0 : i32
    %dma_wait3A_87 = tpu.memref_slice %arg7[%add3A_83, %dma_wait3A_86] : memref<40000x128xf32, #tpu.memory_space<hbm>> -> memref<10x128xf32, #tpu.memory_space<hbm>>
    tpu.wait_dma2 semaphore(%arg21 : memref<!tpu.dma_semaphore, #tpu.memory_space<semaphore_mem>>) src(%arg14 : memref<10x128xf32, #tpu.memory_space<vmem>>) dst(%dma_wait3A_87 : memref<10x128xf32, #tpu.memory_space<hbm>>)
    return
  }
}

module attributes {stable_mosaic.version = 14 : i64} {
  func.func @_k1_body(%arg0: memref<10000x128xf32, #tpu.memory_space<vmem>>, %arg1: memref<128x64xf32, #tpu.memory_space<vmem>>, %arg2: memref<128x64xf32, #tpu.memory_space<vmem>>, %arg3: memref<1x64xf32, #tpu.memory_space<vmem>>, %arg4: memref<10000x64xf32, #tpu.memory_space<vmem>>, %arg5: memref<10000x64xf32, #tpu.memory_space<vmem>>) attributes {dimension_semantics = [], scalar_prefetch = 0 : i64, scratch_operands = 0 : i64, tpu.core_type = #tpu.core_type<tc>} {
    %get3A = arith.constant 0 : index
    %get3A_0 = arith.constant 0 : index
    %get3A_1 = vector.load %arg0[%get3A, %get3A_0] : memref<10000x128xf32, #tpu.memory_space<vmem>>, vector<10000x128xf32>
    %get3A_2 = arith.constant 0 : index
    %get3A_3 = arith.constant 0 : index
    %get3A_4 = vector.load %arg1[%get3A_2, %get3A_3] : memref<128x64xf32, #tpu.memory_space<vmem>>, vector<128x64xf32>
    %dot_general3A = arith.constant dense<0.000000e+00> : vector<10000x64xf32>
    %dot_general3A_5 = tpu.matmul %get3A_1, %get3A_4, %dot_general3A {dimension_numbers = #tpu.dot_dimension_numbers<[1], [0], [0], [1], [0, 0, 1, 1], [], []>, transpose_lhs_hint = false} : vector<10000x128xf32>, vector<128x64xf32>, vector<10000x64xf32> -> vector<10000x64xf32>
    %swap3A = arith.constant 0 : index
    %swap3A_6 = arith.constant 0 : index
    %swap3A_7 = vector.load %arg4[%swap3A, %swap3A_6] : memref<10000x64xf32, #tpu.memory_space<vmem>>, vector<10000x64xf32>
    tpu.vector_store %arg4[%swap3A, %swap3A_6], %dot_general3A_5 {strides = array<i32>} : memref<10000x64xf32, #tpu.memory_space<vmem>>, vector<10000x64xf32>,
    %get3A_8 = arith.constant 0 : index
    %get3A_9 = arith.constant 0 : index
    %get3A_10 = vector.load %arg2[%get3A_8, %get3A_9] : memref<128x64xf32, #tpu.memory_space<vmem>>, vector<128x64xf32>
    %dot_general3A_11 = arith.constant dense<0.000000e+00> : vector<10000x64xf32>
    %dot_general3A_12 = tpu.matmul %get3A_1, %get3A_10, %dot_general3A_11 {dimension_numbers = #tpu.dot_dimension_numbers<[1], [0], [0], [1], [0, 0, 1, 1], [], []>, transpose_lhs_hint = false} : vector<10000x128xf32>, vector<128x64xf32>, vector<10000x64xf32> -> vector<10000x64xf32>
    %get3A_13 = arith.constant 0 : index
    %get3A_14 = arith.constant 0 : index
    %get3A_15 = vector.load %arg3[%get3A_13, %get3A_14] : memref<1x64xf32, #tpu.memory_space<vmem>>, vector<1x64xf32>
    %add3A = vector.broadcast %get3A_15 : vector<1x64xf32> to vector<10000x64xf32>
    %add3A_16 = arith.addf %dot_general3A_12, %add3A : vector<10000x64xf32>
    %swap3A_17 = arith.constant 0 : index
    %swap3A_18 = arith.constant 0 : index
    %swap3A_19 = vector.load %arg5[%swap3A_17, %swap3A_18] : memref<10000x64xf32, #tpu.memory_space<vmem>>, vector<10000x64xf32>
    tpu.vector_store %arg5[%swap3A_17, %swap3A_18], %add3A_16 {strides = array<i32>} : memref<10000x64xf32, #tpu.memory_space<vmem>>, vector<10000x64xf32>,
    return
  }
}

module attributes {stable_mosaic.version = 14 : i64} {
  func.func @_mix_body(%arg0: memref<10000x64xf32, #tpu.memory_space<vmem>>, %arg1: memref<2x10240x64xf32, #tpu.memory_space<vmem>>, %arg2: memref<2x10240x16xf32, #tpu.memory_space<vmem>>, %arg3: memref<64x64xf32, #tpu.memory_space<vmem>>, %arg4: memref<64x64xf32, #tpu.memory_space<vmem>>, %arg5: memref<1x64xf32, #tpu.memory_space<vmem>>, %arg6: memref<10000x64xf32, #tpu.memory_space<vmem>>, %arg7: memref<10000x64xf32, #tpu.memory_space<vmem>>) attributes {dimension_semantics = [], scalar_prefetch = 0 : i64, scratch_operands = 0 : i64, tpu.core_type = #tpu.core_type<tc>} {
    %get3A = arith.constant 0 : index
    %get3A_0 = arith.constant 0 : index
    %get3A_1 = arith.constant 0 : index
    %get3A_2 = vector.load %arg2[%get3A, %get3A_0, %get3A_1] : memref<2x10240x16xf32, #tpu.memory_space<vmem>>, vector<1x10000x1xf32>
    %get3A_3 = vector.shape_cast %get3A_2 : vector<1x10000x1xf32> to vector<10000x1xf32>
    %get3A_4 = arith.constant 1 : index
    %get3A_5 = arith.constant 0 : index
    %get3A_6 = arith.constant 0 : index
    %get3A_7 = vector.load %arg2[%get3A_4, %get3A_5, %get3A_6] : memref<2x10240x16xf32, #tpu.memory_space<vmem>>, vector<1x10000x1xf32>
    %get3A_8 = vector.shape_cast %get3A_7 : vector<1x10000x1xf32> to vector<10000x1xf32>
    %add3A = arith.addf %get3A_3, %get3A_8 : vector<10000x1xf32>
    %get3A_9 = arith.constant 0 : index
    %get3A_10 = arith.constant 0 : index
    %get3A_11 = arith.constant 0 : index
    %get3A_12 = vector.load %arg1[%get3A_9, %get3A_10, %get3A_11] : memref<2x10240x64xf32, #tpu.memory_space<vmem>>, vector<1x10000x64xf32>
    %get3A_13 = vector.shape_cast %get3A_12 : vector<1x10000x64xf32> to vector<10000x64xf32>
    %get3A_14 = arith.constant 1 : index
    %get3A_15 = arith.constant 0 : index
    %get3A_16 = arith.constant 0 : index
    %get3A_17 = vector.load %arg1[%get3A_14, %get3A_15, %get3A_16] : memref<2x10240x64xf32, #tpu.memory_space<vmem>>, vector<1x10000x64xf32>
    %get3A_18 = vector.shape_cast %get3A_17 : vector<1x10000x64xf32> to vector<10000x64xf32>
    %add3A_19 = arith.addf %get3A_13, %get3A_18 : vector<10000x64xf32>
    %get3A_20 = arith.constant 0 : index
    %get3A_21 = arith.constant 0 : index
    %get3A_22 = vector.load %arg0[%get3A_20, %get3A_21] : memref<10000x64xf32, #tpu.memory_space<vmem>>, vector<10000x64xf32>
    %max3A = arith.constant 1.000000e+00 : f32
    %max3A_23 = vector.broadcast %max3A : f32 to vector<10000x1xf32>
    %max3A_24 = arith.maximumf %add3A, %max3A_23 : vector<10000x1xf32>
    %div3A = vector.broadcast %max3A_24 : vector<10000x1xf32> to vector<10000x64xf32>
    %div3A_25 = arith.divf %add3A_19, %div3A : vector<10000x64xf32>
    %add3A_26 = arith.addf %get3A_22, %div3A_25 : vector<10000x64xf32>
    %max3A_27 = arith.constant 0.000000e+00 : f32
    %max3A_28 = vector.broadcast %max3A_27 : f32 to vector<10000x64xf32>
    %max3A_29 = arith.maximumf %add3A_26, %max3A_28 : vector<10000x64xf32>
    %get3A_30 = arith.constant 0 : index
    %get3A_31 = arith.constant 0 : index
    %get3A_32 = vector.load %arg3[%get3A_30, %get3A_31] : memref<64x64xf32, #tpu.memory_space<vmem>>, vector<64x64xf32>
    %dot_general3A = arith.constant dense<0.000000e+00> : vector<10000x64xf32>
    %dot_general3A_33 = tpu.matmul %max3A_29, %get3A_32, %dot_general3A {dimension_numbers = #tpu.dot_dimension_numbers<[1], [0], [0], [1], [0, 0, 1, 1], [], []>, transpose_lhs_hint = false} : vector<10000x64xf32>, vector<64x64xf32>, vector<10000x64xf32> -> vector<10000x64xf32>
    %swap3A = arith.constant 0 : index
    %swap3A_34 = arith.constant 0 : index
    %swap3A_35 = vector.load %arg6[%swap3A, %swap3A_34] : memref<10000x64xf32, #tpu.memory_space<vmem>>, vector<10000x64xf32>
    tpu.vector_store %arg6[%swap3A, %swap3A_34], %dot_general3A_33 {strides = array<i32>} : memref<10000x64xf32, #tpu.memory_space<vmem>>, vector<10000x64xf32>,
    %get3A_36 = arith.constant 0 : index
    %get3A_37 = arith.constant 0 : index
    %get3A_38 = vector.load %arg4[%get3A_36, %get3A_37] : memref<64x64xf32, #tpu.memory_space<vmem>>, vector<64x64xf32>
    %dot_general3A_39 = arith.constant dense<0.000000e+00> : vector<10000x64xf32>
    %dot_general3A_40 = tpu.matmul %max3A_29, %get3A_38, %dot_general3A_39 {dimension_numbers = #tpu.dot_dimension_numbers<[1], [0], [0], [1], [0, 0, 1, 1], [], []>, transpose_lhs_hint = false} : vector<10000x64xf32>, vector<64x64xf32>, vector<10000x64xf32> -> vector<10000x64xf32>
    %get3A_41 = arith.constant 0 : index
    %get3A_42 = arith.constant 0 : index
    %get3A_43 = vector.load %arg5[%get3A_41, %get3A_42] : memref<1x64xf32, #tpu.memory_space<vmem>>, vector<1x64xf32>
    %add3A_44 = vector.broadcast %get3A_43 : vector<1x64xf32> to vector<10000x64xf32>
    %add3A_45 = arith.addf %dot_general3A_40, %add3A_44 : vector<10000x64xf32>
    %swap3A_46 = arith.constant 0 : index
    %swap3A_47 = arith.constant 0 : index
    %swap3A_48 = vector.load %arg7[%swap3A_46, %swap3A_47] : memref<10000x64xf32, #tpu.memory_space<vmem>>, vector<10000x64xf32>
    tpu.vector_store %arg7[%swap3A_46, %swap3A_47], %add3A_45 {strides = array<i32>} : memref<10000x64xf32, #tpu.memory_space<vmem>>, vector<10000x64xf32>,
    return
  }
}

module attributes {stable_mosaic.version = 14 : i64} {
  func.func @_k3_body(%arg0: memref<10000x64xf32, #tpu.memory_space<vmem>>, %arg1: memref<2x10240x64xf32, #tpu.memory_space<vmem>>, %arg2: memref<2x10240x16xf32, #tpu.memory_space<vmem>>, %arg3: memref<64x64xf32, #tpu.memory_space<vmem>>, %arg4: memref<64x64xf32, #tpu.memory_space<vmem>>, %arg5: memref<1x64xf32, #tpu.memory_space<vmem>>, %arg6: memref<10000x64xf32, #tpu.memory_space<vmem>>, %arg7: memref<10000x64xf32, #tpu.memory_space<vmem>>, %arg8: memref<10000x64xf32, #tpu.memory_space<vmem>>) attributes {dimension_semantics = [], scalar_prefetch = 0 : i64, scratch_operands = 0 : i64, tpu.core_type = #tpu.core_type<tc>} {
    %get3A = arith.constant 0 : index
    %get3A_0 = arith.constant 0 : index
    %get3A_1 = arith.constant 0 : index
    %get3A_2 = vector.load %arg2[%get3A, %get3A_0, %get3A_1] : memref<2x10240x16xf32, #tpu.memory_space<vmem>>, vector<1x10000x1xf32>
    %get3A_3 = vector.shape_cast %get3A_2 : vector<1x10000x1xf32> to vector<10000x1xf32>
    %get3A_4 = arith.constant 1 : index
    %get3A_5 = arith.constant 0 : index
    %get3A_6 = arith.constant 0 : index
    %get3A_7 = vector.load %arg2[%get3A_4, %get3A_5, %get3A_6] : memref<2x10240x16xf32, #tpu.memory_space<vmem>>, vector<1x10000x1xf32>
    %get3A_8 = vector.shape_cast %get3A_7 : vector<1x10000x1xf32> to vector<10000x1xf32>
    %add3A = arith.addf %get3A_3, %get3A_8 : vector<10000x1xf32>
    %get3A_9 = arith.constant 0 : index
    %get3A_10 = arith.constant 0 : index
    %get3A_11 = arith.constant 0 : index
    %get3A_12 = vector.load %arg1[%get3A_9, %get3A_10, %get3A_11] : memref<2x10240x64xf32, #tpu.memory_space<vmem>>, vector<1x10000x64xf32>
    %get3A_13 = vector.shape_cast %get3A_12 : vector<1x10000x64xf32> to vector<10000x64xf32>
    %get3A_14 = arith.constant 1 : index
    %get3A_15 = arith.constant 0 : index
    %get3A_16 = arith.constant 0 : index
    %get3A_17 = vector.load %arg1[%get3A_14, %get3A_15, %get3A_16] : memref<2x10240x64xf32, #tpu.memory_space<vmem>>, vector<1x10000x64xf32>
    %get3A_18 = vector.shape_cast %get3A_17 : vector<1x10000x64xf32> to vector<10000x64xf32>
    %add3A_19 = arith.addf %get3A_13, %get3A_18 : vector<10000x64xf32>
    %get3A_20 = arith.constant 0 : index
    %get3A_21 = arith.constant 0 : index
    %get3A_22 = vector.load %arg0[%get3A_20, %get3A_21] : memref<10000x64xf32, #tpu.memory_space<vmem>>, vector<10000x64xf32>
    %max3A = arith.constant 1.000000e+00 : f32
    %max3A_23 = vector.broadcast %max3A : f32 to vector<10000x1xf32>
    %max3A_24 = arith.maximumf %add3A, %max3A_23 : vector<10000x1xf32>
    %div3A = vector.broadcast %max3A_24 : vector<10000x1xf32> to vector<10000x64xf32>
    %div3A_25 = arith.divf %add3A_19, %div3A : vector<10000x64xf32>
    %add3A_26 = arith.addf %get3A_22, %div3A_25 : vector<10000x64xf32>
    %max3A_27 = arith.constant 0.000000e+00 : f32
    %max3A_28 = vector.broadcast %max3A_27 : f32 to vector<10000x64xf32>
    %max3A_29 = arith.maximumf %add3A_26, %max3A_28 : vector<10000x64xf32>
    %swap3A = arith.constant 0 : index
    %swap3A_30 = arith.constant 0 : index
    %swap3A_31 = vector.load %arg6[%swap3A, %swap3A_30] : memref<10000x64xf32, #tpu.memory_space<vmem>>, vector<10000x64xf32>
    tpu.vector_store %arg6[%swap3A, %swap3A_30], %max3A_29 {strides = array<i32>} : memref<10000x64xf32, #tpu.memory_space<vmem>>, vector<10000x64xf32>,
    %get3A_32 = arith.constant 0 : index
    %get3A_33 = arith.constant 0 : index
    %get3A_34 = vector.load %arg3[%get3A_32, %get3A_33] : memref<64x64xf32, #tpu.memory_space<vmem>>, vector<64x64xf32>
    %dot_general3A = arith.constant dense<0.000000e+00> : vector<10000x64xf32>
    %dot_general3A_35 = tpu.matmul %max3A_29, %get3A_34, %dot_general3A {dimension_numbers = #tpu.dot_dimension_numbers<[1], [0], [0], [1], [0, 0, 1, 1], [], []>, transpose_lhs_hint = false} : vector<10000x64xf32>, vector<64x64xf32>, vector<10000x64xf32> -> vector<10000x64xf32>
    %get3A_36 = arith.constant 0 : index
    %get3A_37 = arith.constant 0 : index
    %get3A_38 = vector.load %arg5[%get3A_36, %get3A_37] : memref<1x64xf32, #tpu.memory_space<vmem>>, vector<1x64xf32>
    %add3A_39 = vector.broadcast %get3A_38 : vector<1x64xf32> to vector<10000x64xf32>
    %add3A_40 = arith.addf %dot_general3A_35, %add3A_39 : vector<10000x64xf32>
    %swap3A_41 = arith.constant 0 : index
    %swap3A_42 = arith.constant 0 : index
    %swap3A_43 = vector.load %arg7[%swap3A_41, %swap3A_42] : memref<10000x64xf32, #tpu.memory_space<vmem>>, vector<10000x64xf32>
    tpu.vector_store %arg7[%swap3A_41, %swap3A_42], %add3A_40 {strides = array<i32>} : memref<10000x64xf32, #tpu.memory_space<vmem>>, vector<10000x64xf32>,
    %get3A_44 = arith.constant 0 : index
    %get3A_45 = arith.constant 0 : index
    %get3A_46 = vector.load %arg4[%get3A_44, %get3A_45] : memref<64x64xf32, #tpu.memory_space<vmem>>, vector<64x64xf32>
    %dot_general3A_47 = arith.constant dense<0.000000e+00> : vector<10000x64xf32>
    %dot_general3A_48 = tpu.matmul %max3A_29, %get3A_46, %dot_general3A_47 {dimension_numbers = #tpu.dot_dimension_numbers<[1], [0], [0], [1], [0, 0, 1, 1], [], []>, transpose_lhs_hint = false} : vector<10000x64xf32>, vector<64x64xf32>, vector<10000x64xf32> -> vector<10000x64xf32>
    %swap3A_49 = arith.constant 0 : index
    %swap3A_50 = arith.constant 0 : index
    %swap3A_51 = vector.load %arg8[%swap3A_49, %swap3A_50] : memref<10000x64xf32, #tpu.memory_space<vmem>>, vector<10000x64xf32>
    tpu.vector_store %arg8[%swap3A_49, %swap3A_50], %dot_general3A_48 {strides = array<i32>} : memref<10000x64xf32, #tpu.memory_space<vmem>>, vector<10000x64xf32>,
    return
  }
}

module attributes {stable_mosaic.version = 14 : i64} {
  func.func @_fin_body(%arg0: i32, %arg1: memref<8000x128xf32, #tpu.memory_space<vmem>>, %arg2: memref<1x1xf32, #tpu.memory_space<vmem>>, %arg3: memref<8000x8xf32, #tpu.memory_space<vmem>>) attributes {dimension_semantics = [#tpu.dimension_semantics<arbitrary>], iteration_bounds = array<i64: 5>, scalar_prefetch = 0 : i64, scratch_operands = 0 : i64, tpu.core_type = #tpu.core_type<tc>, window_params = [{transform_indices = @transform_0, window_bounds = array<i64: 8000, 128>}, {pipeline_mode = #tpu.pipeline_mode<synchronous>, transform_indices = @transform_1, window_bounds = array<i64: 1, 1>}, {transform_indices = @transform_2, window_bounds = array<i64: 8000, 8>}]} {
    %iota3A = tpu.iota {dimensions = array<i32: 0>} : vector<128x8xi32>
    %jit3A = arith.constant 16 : i32
    %div3A = vector.broadcast %jit3A : i32 to vector<128x8xi32>
    %div3A_0 = arith.divsi %iota3A, %div3A : vector<128x8xi32>
    %sign3A = arith.constant 0 : i32
    %sign3A_1 = vector.broadcast %sign3A : i32 to vector<128x8xi32>
    %sign3A_2 = arith.cmpi sgt, %iota3A, %sign3A_1 : vector<128x8xi32>
    %sign3A_3 = arith.extui %sign3A_2 : vector<128x8xi1> to vector<128x8xi32>
    %sign3A_4 = arith.constant 0 : i32
    %sign3A_5 = vector.broadcast %sign3A_4 : i32 to vector<128x8xi32>
    %sign3A_6 = arith.cmpi slt, %iota3A, %sign3A_5 : vector<128x8xi32>
    %sign3A_7 = arith.extui %sign3A_6 : vector<128x8xi1> to vector<128x8xi32>
    %sign3A_8 = arith.subi %sign3A_3, %sign3A_7 : vector<128x8xi32>
    %sign3A_9 = arith.constant 0 : i32
    %sign3A_10 = arith.cmpi sgt, %jit3A, %sign3A_9 : i32
    %sign3A_11 = arith.extui %sign3A_10 : i1 to i32
    %sign3A_12 = arith.constant 0 : i32
    %sign3A_13 = arith.cmpi slt, %jit3A, %sign3A_12 : i32
    %sign3A_14 = arith.extui %sign3A_13 : i1 to i32
    %sign3A_15 = arith.subi %sign3A_11, %sign3A_14 : i32
    %ne3A = vector.broadcast %sign3A_15 : i32 to vector<128x8xi32>
    %ne3A_16 = arith.cmpi ne, %sign3A_8, %ne3A : vector<128x8xi32>
    %rem3A = vector.broadcast %jit3A : i32 to vector<128x8xi32>
    %rem3A_17 = arith.remsi %iota3A, %rem3A : vector<128x8xi32>
    %ne3A_18 = arith.constant 0 : i32
    %ne3A_19 = vector.broadcast %ne3A_18 : i32 to vector<128x8xi32>
    %ne3A_20 = arith.cmpi ne, %rem3A_17, %ne3A_19 : vector<128x8xi32>
    %and3A = arith.andi %ne3A_16, %ne3A_20 : vector<128x8xi1>
    %sub3A = arith.constant 1 : i32
    %sub3A_21 = vector.broadcast %sub3A : i32 to vector<128x8xi32>
    %sub3A_22 = arith.subi %div3A_0, %sub3A_21 : vector<128x8xi32>
    %select_n3A = arith.select %and3A, %sub3A_22, %div3A_0 : vector<128x8xi1>, vector<128x8xi32>
    %iota3A_23 = tpu.iota {dimensions = array<i32: 1>} : vector<128x8xi32>
    %eq3A = arith.cmpi eq, %select_n3A, %iota3A_23 : vector<128x8xi32>
    %convert_element_type3A = arith.extui %eq3A : vector<128x8xi1> to vector<128x8xi32>
    %convert_element_type3A_24 = arith.sitofp %convert_element_type3A : vector<128x8xi32> to vector<128x8xf32>
    %get3A = arith.constant 0 : index
    %get3A_25 = arith.constant 0 : index
    %get3A_26 = vector.load %arg1[%get3A, %get3A_25] : memref<8000x128xf32, #tpu.memory_space<vmem>>, vector<8000x128xf32>
    %dot_general3A = arith.constant dense<0.000000e+00> : vector<8000x8xf32>
    %dot_general3A_27 = tpu.matmul %get3A_26, %convert_element_type3A_24, %dot_general3A {dimension_numbers = #tpu.dot_dimension_numbers<[1], [0], [0], [1], [0, 0, 1, 1], [], []>, transpose_lhs_hint = false} : vector<8000x128xf32>, vector<128x8xf32>, vector<8000x8xf32> -> vector<8000x8xf32>
    %get3A_28 = arith.constant 0 : index
    %get3A_29 = arith.constant 0 : index
    %get3A_30 = vector.load %arg2[%get3A_28, %get3A_29] : memref<1x1xf32, #tpu.memory_space<vmem>>, vector<1x1xf32>
    %add3A = vector.broadcast %get3A_30 : vector<1x1xf32> to vector<8000x8xf32>
    %add3A_31 = arith.addf %dot_general3A_27, %add3A : vector<8000x8xf32>
    %logistic3A = arith.negf %add3A_31 : vector<8000x8xf32>
    %logistic3A_32 = math.exp %logistic3A : vector<8000x8xf32>
    %logistic3A_33 = arith.constant 1.000000e+00 : f32
    %logistic3A_34 = vector.broadcast %logistic3A_33 : f32 to vector<8000x8xf32>
    %logistic3A_35 = arith.addf %logistic3A_34, %logistic3A_32 : vector<8000x8xf32>
    %logistic3A_36 = arith.divf %logistic3A_34, %logistic3A_35 : vector<8000x8xf32>
    %swap3A = arith.constant 0 : index
    %swap3A_37 = arith.constant 0 : index
    %swap3A_38 = vector.load %arg3[%swap3A, %swap3A_37] : memref<8000x8xf32, #tpu.memory_space<vmem>>, vector<8000x8xf32>
    tpu.vector_store %arg3[%swap3A, %swap3A_37], %logistic3A_36 {strides = array<i32>} : memref<8000x8xf32, #tpu.memory_space<vmem>>, vector<8000x8xf32>,
    return
  }
  func.func @transform_0(%arg0: i32) -> (i32, i32) {
    %c0_i32 = arith.constant 0 : i32
    %c0_i32_0 = arith.constant 0 : i32
    return %arg0, %c0_i32 : i32, i32
  }
  func.func @transform_1(%arg0: i32) -> (i32, i32) {
    %c0_i32 = arith.constant 0 : i32
    %c0_i32_0 = arith.constant 0 : i32
    %c0_i32_1 = arith.constant 0 : i32
    return %c0_i32, %c0_i32_0 : i32, i32
  }
  func.func @transform_2(%arg0: i32) -> (i32, i32) {
    %c0_i32 = arith.constant 0 : i32
    %c0_i32_0 = arith.constant 0 : i32
    return %arg0, %c0_i32 : i32, i32
  }
}

</mosaic_0001>

<sc_bundles>
// kernel: kernel.12.cloned.1.call-start
scs
__scs_entry_jumppad:
0x0: {  	(pc) =	sbr.rel $0x88, $3  }
0x1: {  	(tag) =	ssettag $0x0;
	lr =	simm.s32 $0x1  }
0x2: {  	[smem:$0x3F94] =	sst lr;
	_ =	strace $0xD0000000  }
0x3: {  	_ = 	snop  }
0x4: {  	_ = 	snop  }
0x5: {  	_ = 	snop  }
0x6: {  	_ = 	snop  }
0x7: {  	_ = 	snop  }
__scs_overlays_trampoline_lowered:
0x8: {  	[smem:$0x3FA3] =	sst s0  }
0x9: {  	[smem:$0x3FA4] =	sst s1  }
0xa: {  	[smem:$0x3FA5] =	sst s2  }
0xb: {  	[smem:$0x3FA6] =	sst s3  }
0xc: {  	[smem:$0x3FA7] =	sst s4  }
0xd: {  	[smem:$0x3FA8] =	sst s5  }
0xe: {  	[smem:$0x3FA9] =	sst s6  }
0xf: {  	[smem:$0x3FAA] =	sst s7  }
0x10: {  	[smem:$0x3FAB] =	sst s8  }
0x11: {  	[smem:$0x3FAC] =	sst s9;
	s0 =	simm.s32 @!p0 $0x0  }
0x12: {  	s1 =	sld [smem:$0x3F92];
	s0 =	simm.s32 @p0 $0x1  }
0x13: {  	[smem:$0x3FAD] =	sst s0;
	s0 =	simm.s32 @!p1 $0x0  }
0x14: {  	s2 =	sld [smem:$0x3F91];
	s0 =	simm.s32 @p1 $0x1  }
0x15: {  	[smem:$0x3FAE] =	sst s0;
	s0 =	simm.s32 @!p2 $0x0  }
0x16: {  	s3 =	sld [smem:$0x3FDB];
	s0 =	simm.s32 @p2 $0x1  }
0x17: {  	s4 =	simm.s32 $0x1BF5;
	[smem:$0x3FB0] =	sst s0  }
0x18: {  	s0 =	sld [smem:$0x3F93];
	_ =	swait.ge [sflag:s4], $0x0  }
0x19: {  	s7 =	sld [smem:$0x3F94]  }
0x1a: {  	s8 =	sadd.s32 $0xFFFFE003, lr  }
0x1b: {  	s9 =	sadd.s32 $0xFFFFFEF7, lr;
	s5 =	simm.s32 $0xFFFFFFFF;
	p2 =	slt.u32 s8, $0xFFFFF086  }
0x1c: {  	p1 =	slt.u32 s9, $0xF7A;
	s5 =	simm.s32 @!p2 $0x0  }
0x1d: {  	s5 =	simm.s32 @p1 $0x1;
	p0 =	seq.s32 s7, s2  }
0x1e: {  	s7 =	smul.u32 @!p0 $0xF7A, s2;
	p2 =	seq.s32 @!p0 s5, $0x0  }
0x1f: {  	s9 =	smul.u32 $0xF7A, s1;
	s8 =	simm.s32 @!p0 $0x1BF5;
	p2 =	por !p2, p0  }
0x20: {  	[sflag:s8] =	ssyncset.s32 @!p0 $0xFFFFF086;
	s6 =	sadd.s32 @!p0 s3, s7;
	s7 =	simm.s32 @!p0 $0x108  }
0x21: {  	s3 =	sadd.s32 s3, s9;
	s6 =	sadd.s32 @!p0 $0x88, s6;
	s7 =	simm.s32 @p2 $0x1082  }
0x22: {  	[simem:s7], [sflag:s8] =	dma.local @!p0 [hbm:s6], $0xF7A  }
0x23: {  	s9 =	sor.u32 $0xD0000000, s2;
	s6 =	simm.s32 $0x108;
	_ =	swait.ge @!p0 [sflag:s8], $0x0  }
0x24: {  	s3 =	sadd.s32 $0x88, s3;
	s6 =	simm.s32 @!p1 $0x1082;
	[sflag:s4] =	ssyncset.s32 $0xFFFFF086  }
0x25: {  	[simem:s6], [sflag:s4] =	dma.local [hbm:s3], $0xF7A  }
0x26: {  	[smem:$0x3F94] =	sst s1;
	(tag) =	ssettag s2;
	_ =	strace s9  }
0x27: {  	s1 =	sld [smem:$0x3FA4]  }
0x28: {  	s2 =	sld [smem:$0x3FA5]  }
0x29: {  	s4 =	sld [smem:$0x3FA7]  }
0x2a: {  	p0 =	seq.s32 s5, $0x0;
	s5 =	sld [smem:$0x3FA8]  }
0x2b: {  	s6 =	sld [smem:$0x3FA9]  }
0x2c: {  	s7 =	sld [smem:$0x3FAA]  }
0x2d: {  	s3 =	simm.s32 $0x108;
	s8 =	sld [smem:$0x3FAB]  }
0x2e: {  	s3 =	simm.s32 @!p0 $0x1082;
	s9 =	sld [smem:$0x3FAC]  }
0x2f: {  	lr =	sadd.s32 s0, s3;
	s0 =	sld [smem:$0x3FA3]  }
0x30: {  	s3 =	sld [smem:$0x3FA6]  }
0x31: {  	[smem:$0x3FAF] =	sst s10  }
0x32: {  	s10 =	sld [smem:$0x3FAD];
	_ =	sdelay $0x3  }
0x33: {  	p0 =	seq.s32 s10, $0x1;
	s10 =	sld [smem:$0x3FAF];
	_ =	sdelay $0x3  }
0x34: {  	[smem:$0x3FAF] =	sst s10  }
0x35: {  	s10 =	sld [smem:$0x3FAE];
	_ =	sdelay $0x3  }
0x36: {  	p1 =	seq.s32 s10, $0x1;
	s10 =	sld [smem:$0x3FAF];
	_ =	sdelay $0x3  }
0x37: {  	[smem:$0x3FAF] =	sst s10  }
0x38: {  	s10 =	sld [smem:$0x3FB0]  }
0x39: {  	_ = 	snop;
	(pc) =	sbr.ind lr, $3  }
0x3a: {  	_ = 	snop  }
0x3b: {  	_ = 	snop  }
0x3c: {  	p2 =	seq.s32 s10, $0x1;
	s10 =	sld [smem:$0x3FAF]  }
0x3d: {  	_ =	shalt  }
0x3e: {  	_ =	shalt  }
0x3f: {  	_ =	shalt  }
0x40: {  	_ =	shalt  }
0x41: {  	_ =	shalt  }
0x42: {  	_ =	shalt  }
0x43: {  	_ =	shalt  }
0x44: {  	_ =	shalt  }
0x45: {  	_ =	shalt  }
0x46: {  	_ =	shalt  }
0x47: {  	_ =	shalt  }
0x48: {  	_ =	shalt  }
0x49: {  	_ =	shalt  }
0x4a: {  	_ =	shalt  }
0x4b: {  	_ =	shalt  }
0x4c: {  	_ =	shalt  }
0x4d: {  	_ =	shalt  }
0x4e: {  	_ =	shalt  }
0x4f: {  	_ =	shalt  }
0x50: {  	_ =	shalt  }
0x51: {  	_ =	shalt  }
0x52: {  	_ =	shalt  }
0x53: {  	_ =	shalt  }
0x54: {  	_ =	shalt  }
0x55: {  	_ =	shalt  }
0x56: {  	_ =	shalt  }
0x57: {  	_ =	shalt  }
0x58: {  	_ =	shalt  }
0x59: {  	_ =	shalt  }
0x5a: {  	_ =	shalt  }
0x5b: {  	_ =	shalt  }
0x5c: {  	_ =	shalt  }
0x5d: {  	_ =	shalt  }
0x5e: {  	_ =	shalt  }
0x5f: {  	_ =	shalt  }
0x60: {  	_ =	shalt  }
0x61: {  	_ =	shalt  }
0x62: {  	_ =	shalt  }
0x63: {  	_ =	shalt  }
0x64: {  	_ =	shalt  }
0x65: {  	_ =	shalt  }
0x66: {  	_ =	shalt  }
0x67: {  	_ =	shalt  }
0x68: {  	_ =	shalt  }
0x69: {  	_ =	shalt  }
0x6a: {  	_ =	shalt  }
0x6b: {  	_ =	shalt  }
0x6c: {  	_ =	shalt  }
0x6d: {  	_ =	shalt  }
0x6e: {  	_ =	shalt  }
0x6f: {  	_ =	shalt  }
0x70: {  	_ =	shalt  }
0x71: {  	_ =	shalt  }
0x72: {  	_ =	shalt  }
0x73: {  	_ =	shalt  }
0x74: {  	_ =	shalt  }
0x75: {  	_ =	shalt  }
0x76: {  	_ =	shalt  }
0x77: {  	_ =	shalt  }
0x78: {  	_ =	shalt  }
0x79: {  	_ =	shalt  }
0x7a: {  	_ =	shalt  }
0x7b: {  	_ =	shalt  }
0x7c: {  	_ =	shalt  }
0x7d: {  	_ =	shalt  }
0x7e: {  	_ =	shalt  }
0x7f: {  	_ =	shalt  }
0x80: {  	_ =	shalt  }
0x81: {  	_ =	shalt  }
0x82: {  	_ =	shalt  }
0x83: {  	_ =	shalt  }
0x84: {  	_ =	shalt  }
0x85: {  	_ =	shalt  }
0x86: {  	_ =	shalt  }
0x87: {  	_ =	shalt  }
.Lfunc_end0:
.L_simem_size_0:
called_computation.1_lowered:
.L_overlay_start_0:
0x88: {  	s2 =	sld [smem:$0x3FD9]  }
0x89: {  	s3 =	sld [smem:$0x3FFE];
	_ =	sdelay $0x1  }
0x8a: {  	s1 =	srdreg.scid  }
0x8b: {  	s0 =	sand.u32 $0x1, s1  }
0x8c: {  	s14 =	sshll.u32 s0, $0xA;
	s2 =	sadd.s32 s3, s2  }
0x8d: {  	s2 =	sadd.s32 s2, s14  }
0x8e: {  	[smem:$0x3FBB] =	sst s2  }
0x8f: {  	_ = 	snop  }
0x90: {  	s2 =	sld [smem:$0x3FD0];
	_ =	sdelay $0x2  }
0x91: {  	s15 =	simm.s32 $0xA;
	s4 =	simm.s32 $0x10  }
0x92: {  	[smem:s4], [sflag:s15] =	dma.local [hbm:s2], $0x1  }
0x93: {  	_ =	swait.eq [sflag:s15], $0x1  }
0x94: {  	[sflag:s15] =	ssyncset.done $0x0  }
0x95: {  	[sflag:s15] =	ssyncadd.s32 $0xFFFFFFFF  }
0x96: {  	s16 =	sld [smem:$0x11];
	(tm) =	ssettm $0x1  }
0x97: {  	s17 =	sld [smem:$0x3FFB];
	_ =	sdelay $0x3  }
0x98: {  	_ =	strace s17  }
0x99: {  	s3 =	sld [smem:$0x3FFC];
	_ =	sdelay $0x3  }
0x9a: {  	_ =	strace s3  }
0x9b: {  	s3 =	sld [smem:$0x3FFD];
	_ =	sdelay $0x3  }
0x9c: {  	_ =	strace s3  }
0x9d: {  	_ =	strace $0x8FFFFFFF  }
0x9e: {  	s18 =	sld [smem:$0x3FDB];
	_ =	sdelay $0x1  }
0x9f: {  	s19 =	simm.s32 $_scs_section_size  }
0xa0: {  	s5 =	simm.s32 $_size__tile_overlayer_lowered;
	s6 =	simm.s32 $_tile_overlayer_lowered  }
0xa1: {  	s22 =	simm.s32 $0x1BFF;
	s21 =	sshll.u32 s6, $0x1;
	s3 =	sadd.s32 s19, s18  }
0xa2: {  	s7 =	simm.s32 $0x0;
	s20 =	sshll.u32 s5, $0x1;
	s5 =	sadd.s32 s21, s3  }
0xa3: {  	[timem:s7], [sflag:s22] =	dma.local [hbm:s5], s20  }
0xa4: {  	_ =	swait.ge [sflag:s22], s20  }
0xa5: {  	s4 =	ssub.s32 $0x0, s20;
	[sflag:s22] =	ssyncset.done $0x0  }
0xa6: {  	[sflag:s22] =	ssyncadd.s32 s4;
	_ =	sdelay $0x1  }
0xa7: {  	s23 =	simm.s32 $0x1B8B  }
0xa8: {  	_ =	swait.ge [sflag:s23], $0x1  }
0xa9: {  	[sflag:s23] =	ssyncset.done $0x0  }
0xaa: {  	s25 =	simm.s32 $0x1B8E;
	s24 =	sld [smem:$0x3FFE];
	[sflag:s23] =	ssyncadd.s32 $0xFFFFFFFF  }
0xab: {  	s26 =	simm.s32 $execute0_lowered;
	[smem:$0x3FD2] =	sst s25  }
0xac: {  	s5 =	sshll.u32 s26, $0x1;
	_ =	strace $0x80000049;
	[dreg:$0x1] =	wrdreg $0xFFFFFFFF  }
0xad: {  	s28 =	simm.s32 $_size_execute0_lowered;
	s3 =	sadd.s32 s3, s5;
	[dreg:$0x0] =	wrdreg $0x0  }
0xae: {  	s5 =	sshll.u32 s28, $0x1;
	[dreg:$0x2] =	wrdreg s3  }
0xaf: {  	[dreg:$0x3] =	wrdreg s5  }
0xb0: {  	[dreg:$0x4] =	wrdreg $0xC0  }
0xb1: {  	_ =	task [dreg:s7], $0x5FFFF  }
0xb2: {  	[dreg:$0x1] =	wrdreg $0xFFFFFFFF  }
0xb3: {  	[dreg:$0x0] =	wrdreg $0x60  }
0xb4: {  	[dreg:$0x2] =	wrdreg s24  }
0xb5: {  	[dreg:$0x3] =	wrdreg s16  }
0xb6: {  	[dreg:$0x4] =	wrdreg $0x8A200  }
0xb7: {  	[dreg:$0x5] =	wrdreg $0x9  }
0xb8: {  	_ =	task.clear_ibuf [dreg:s7], $0x6FFFF;
	_ =	strace $0x90000049  }
0xb9: {  	s29 =	simm.s32 $0x9;
	_ =	strace $0x8000004B  }
0xba: {  	_ =	swait.ge [sflag:s29], $0x1  }
0xbb: {  	[sflag:s29] =	ssyncadd.s32 $0xFFFFFFFF  }
0xbc: {  	_ =	strace $0x9000004B  }
0xbd: {  	_ =	sfence  }
0xbe: {  	s30 =	sld [smem:$0x0];
	_ =	sdelay $0x2  }
0xbf: {  	s31 =	sshll.u32 s1, $0xD;
	s1 =	sshrl.u32 s1, $0x2  }
0xc0: {  	s3 =	sand.u32 $0x4000, s31;
	s1 =	sadd.s32 s1, s30  }
0xc1: {  	s0 =	sor.u32 s3, s0;
	s1 =	sshll.u32 s1, $0x11  }
0xc2: {  	s0 =	sor.u32 s1, s0  }
0xc3: {  	s0 =	sadd.s32 $0x8F2B, s0  }
0xc4: {  	[sflag:s0] =	ssyncadd.remote.s32 $0x1  }
0xc5: {  	_ =	sfence.sel $0xFFFF  }
0xc6: {  	[dreg:$0x0] =	wrdreg $0xFFFFFFFF;
	(pc) =	sbr.abs _section_cstart, $3  }
0xc7: {  	[dreg:$0x1] =	wrdreg $0xFFFFFFFF  }
0xc8: {  	_ =	task.clear_ibuf [dreg:s7], $0x2FFFF;
	_ =	strace $0x9FFFFFFF  }
0xc9: {  	(tm) =	ssettm $0x7FFFFFFF  }
tec
execute0_lowered:
.L_overlay_start_1:
0x0: {  	(tag) =	ssettag $0x1  }
0x1: {  	s0 =	rddreg [dreg:$0x0];
	s1 =	srdreg.scid  }
0x2: {  	s11 =	stileid.u32;
	s2 =	rddreg [dreg:$0x1]  }
0x3: {  	s3 =	rddreg [dreg:$0x2];
	s12 =	simm.s32 $0x2710;
	s13 =	simm.s32 $0x50  }
0x4: {  	s14 =	simm.s32 $0x4E20;
	s15 =	simm.s32 $0x6220;
	s16 =	simm.s32 $0x1  }
0x5: {  	s18 =	simm.s32 $0x7620;
	s19 =	simm.s32 $0x2;
	s21 =	simm.s32 $0x4  }
0x6: {  	s22 =	simm.s32 $0xF0;
	s23 =	simm.s32 $0x3;
	s28 =	simm.s32 $0x140  }
0x7: {  	s29 =	simm.s32 $0x6;
	s30 =	simm.s32 $0x4D80;
	s31 =	simm.s32 $0x4DD0  }
0x8: {  	s1 =	sand.u32 $0x1, s1;
	s4 =	sshll.u32 s11, $0x1;
	s6 =	smul.u32 $0xA000, s11  }
0x9: {  	s26 =	sshll.u32 s11, $0x6;
	s11 =	simm.s32 $0x7;
	s5 =	sor.u32 s1, s4  }
0xa: {  	s4 =	simm.s32 $0x0;
	s7 =	smul.u32 $0x14000, s1;
	s1 =	ssub.s32 $0x2, s1  }
0xb: {  	s5 =	smul.u32 $0x4E2, s5;
	[smem:$0x7FF] =	sst s4;
	s17 =	sshrl.u32 s6, $0x3  }
0xc: {  	s25 =	sshrl.u32 s1, $0x1;
	s10 =	sadd.s32 s6, s3;
	s6 =	sor.u32 $0x1C07, s26  }
0xd: {  	s26 =	simm.s32 $0x5;
	_ =	strace $0x8000004A;
	s9 =	sadd.s32 s17, s0  }
0xe: {  	s1 =	ssub.s32 s1, s25;
	s10 =	sshrl.u32 s10, $0x3;
	s25 =	simm.s32 $0x27B0  }
0xf: {  	s8 =	sadd.s32 s5, s0;
	s0 =	sadd.s32 s7, s0;
	s5 =	sadd.s32 $0x15600, s9  }
0x10: {  	s9 =	smax.u32 s1, $0x1;
	s1 =	simm.s32 $0x0;
	s0 =	sadd.s32 $0x29600, s0  }
0x11: {  	s7 =	sadd.s32 $0xB600, s8;
	s8 =	sadd.s32 $0x1800, s8;
	s24 =	sadd.s32 s17, s0  }
.LBB2_1:
0x12: {  	[spmem:s10], [sflag:s6] =	dma.local [hbm:s5], $0x1400  }
0x13: {  	_ =	swait.ge [sflag:s11], $0x1400  }
0x14: {  	[sflag:s11] =	ssyncset.done $0x0  }
0x15: {  	[sflag:s11] =	ssyncadd.s32 $0xFFFFEC00  }
0x16: {  	[tilespmem:s4], [sflag:$0x7] =	stream.linear.gather [hbm4b:s7+s4], $0x2710, $0x38;
	[tilespmem:$0x12A20] =	vst v63  }
0x17: {  	_ =	swait.ge [sflag:s11], $0x2710  }
0x18: {  	[sflag:s11] =	ssyncset.done $0x0  }
0x19: {  	[sflag:s11] =	ssyncadd.s32 $0xFFFFD8F0  }
0x1a: {  	[tilespmem:s12], [sflag:$0x7] =	stream.linear.gather [hbm4b:s8+s4], $0x2710, $0x38;
	[tilespmem:$0x12A20] =	vst v63  }
0x1b: {  	_ =	swait.ge [sflag:s11], $0x2710  }
0x1c: {  	[sflag:s11] =	ssyncset.done $0x0  }
0x1d: {  	[sflag:s11] =	ssyncadd.s32 $0xFFFFD8F0  }
0x1e: {  	[bflag:$0x0] =	sbarrier.arrive $0xFFFF  }
0x1f: {  	[tilespmem:s14], [sflag:$0x1] =	stream.indirect.gather [hbm4b:s2+s13], $0x40, s4, s13, $0xb8;
	[tilespmem:$0x12A20] =	vst v63  }
0x20: {  	_ = 	snop  }
0x21: {  	[tilespmem:s15], [sflag:$0x2] =	stream.indirect.gather [hbm4b:s2+s13], $0x40, s13, s13, $0xb8;
	[tilespmem:$0x12A20] =	vst v63  }
0x22: {  	_ =	swait.ge [sflag:s16], $0x1400  }
0x23: {  	[sflag:s16] =	ssyncset.done $0x0  }
0x24: {  	[sflag:s16] =	ssyncadd.s32 $0xFFFFEC00  }
0x25: {  	[spmem:s3] =	stream.indirect.scatter.add.f32 [tilespmem:s14], [sflag:$0x4], $0x40, s12, s13, $0xb8;
	[tilespmem:$0x12A20] =	vst v63  }
0x26: {  	s0 =	simm.s32 $0xA0  }
0x27: {  	[tilespmem:s18], [sflag:$0x3] =	stream.indirect.gather [hbm4b:s2+s13], $0x40, s0, s13, $0xb8;
	[tilespmem:$0x12A20] =	vst v63  }
0x28: {  	_ =	swait.ge [sflag:s19], $0x1400  }
0x29: {  	[sflag:s19] =	ssyncset.done $0x0  }
0x2a: {  	s17 =	simm.s32 $0x2760;
	[sflag:s19] =	ssyncadd.s32 $0xFFFFEC00  }
0x2b: {  	[spmem:s3] =	stream.indirect.scatter.add.f32 [tilespmem:s15], [sflag:$0x5], $0x40, s17, s13, $0xb8;
	[tilespmem:$0x12A20] =	vst v63  }
0x2c: {  	_ =	swait.ge [sflag:s21], $0x1400  }
0x2d: {  	[sflag:s21] =	ssyncset.done $0x0  }
0x2e: {  	[sflag:s21] =	ssyncadd.s32 $0xFFFFEC00  }
0x2f: {  	[tilespmem:s14], [sflag:$0x1] =	stream.indirect.gather [hbm4b:s2+s13], $0x40, s22, s13, $0xb8;
	[tilespmem:$0x12A20] =	vst v63  }
0x30: {  	_ =	swait.ge [sflag:s23], $0x1400  }
0x31: {  	[sflag:s23] =	ssyncset.done $0x0  }
0x32: {  	[sflag:s23] =	ssyncadd.s32 $0xFFFFEC00  }
0x33: {  	[spmem:s3] =	stream.indirect.scatter.add.f32 [tilespmem:s18], [sflag:$0x6], $0x40, s25, s13, $0xb8;
	[tilespmem:$0x12A20] =	vst v63  }
0x34: {  	_ =	swait.ge [sflag:s26], $0x1400  }
0x35: {  	[sflag:s26] =	ssyncset.done $0x0  }
0x36: {  	[sflag:s26] =	ssyncadd.s32 $0xFFFFEC00  }
0x37: {  	[tilespmem:s15], [sflag:$0x2] =	stream.indirect.gather [hbm4b:s2+s13], $0x40, s28, s13, $0xb8;
	[tilespmem:$0x12A20] =	vst v63  }
0x38: {  	_ =	swait.ge [sflag:s16], $0x1400  }
0x39: {  	[sflag:s16] =	ssyncset.done $0x0  }
0x3a: {  	s20 =	simm.s32 $0x2800;
	[sflag:s16] =	ssyncadd.s32 $0xFFFFEC00  }
0x3b: {  	[spmem:s3] =	stream.indirect.scatter.add.f32 [tilespmem:s14], [sflag:$0x4], $0x40, s20, s13, $0xb8;
	[tilespmem:$0x12A20] =	vst v63  }
0x3c: {  	_ =	swait.ge [sflag:s29], $0x1400  }
0x3d: {  	[sflag:s29] =	ssyncset.done $0x0  }
0x3e: {  	s17 =	simm.s32 $0x190;
	[sflag:s29] =	ssyncadd.s32 $0xFFFFEC00  }
0x3f: {  	[tilespmem:s18], [sflag:$0x3] =	stream.indirect.gather [hbm4b:s2+s13], $0x40, s17, s13, $0xb8;
	[tilespmem:$0x12A20] =	vst v63  }
0x40: {  	_ =	swait.ge [sflag:s19], $0x1400  }
0x41: {  	[sflag:s19] =	ssyncset.done $0x0  }
0x42: {  	s20 =	simm.s32 $0x2850;
	[sflag:s19] =	ssyncadd.s32 $0xFFFFEC00  }
0x43: {  	[spmem:s3] =	stream.indirect.scatter.add.f32 [tilespmem:s15], [sflag:$0x5], $0x40, s20, s13, $0xb8;
	[tilespmem:$0x12A20] =	vst v63  }
0x44: {  	_ =	swait.ge [sflag:s21], $0x1400  }
0x45: {  	[sflag:s21] =	ssyncset.done $0x0  }
0x46: {  	s17 =	simm.s32 $0x1E0;
	[sflag:s21] =	ssyncadd.s32 $0xFFFFEC00  }
0x47: {  	[tilespmem:s14], [sflag:$0x1] =	stream.indirect.gather [hbm4b:s2+s13], $0x40, s17, s13, $0xb8;
	[tilespmem:$0x12A20] =	vst v63  }
0x48: {  	_ =	swait.ge [sflag:s23], $0x1400  }
0x49: {  	[sflag:s23] =	ssyncset.done $0x0  }
0x4a: {  	s20 =	simm.s32 $0x28A0;
	[sflag:s23] =	ssyncadd.s32 $0xFFFFEC00  }
0x4b: {  	[spmem:s3] =	stream.indirect.scatter.add.f32 [tilespmem:s18], [sflag:$0x6], $0x40, s20, s13, $0xb8;
	[tilespmem:$0x12A20] =	vst v63  }
0x4c: {  	_ =	swait.ge [sflag:s26], $0x1400  }
0x4d: {  	[sflag:s26] =	ssyncset.done $0x0  }
0x4e: {  	s0 =	simm.s32 $0x3C0;
	s17 =	simm.s32 $0x230;
	[sflag:s26] =	ssyncadd.s32 $0xFFFFEC00  }
.LBB2_2:
0x4f: {  	[tilespmem:s15], [sflag:$0x2] =	stream.indirect.gather [hbm4b:s2+s13], $0x40, s17, s13, $0xb8;
	[tilespmem:$0x12A20] =	vst v63  }
0x50: {  	s17 =	smov.u32 s0  }
0x51: {  	p0 =	sne.s32 s0, $0x9240;
	s0 =	sadd.s32 $0x3C0, s0;
	_ =	swait.ge [sflag:s16], $0x1400  }
0x52: {  	s17 =	sshra.s32 s17, $0x2;
	[sflag:s16] =	ssyncset.done $0x0  }
0x53: {  	s20 =	sadd.s32 $0x2800, s17;
	[sflag:s16] =	ssyncadd.s32 $0xFFFFEC00  }
0x54: {  	[spmem:s3] =	stream.indirect.scatter.add.f32 [tilespmem:s14], [sflag:$0x4], $0x40, s20, s13, $0xb8;
	[tilespmem:$0x12A20] =	vst v63  }
0x55: {  	_ =	swait.ge [sflag:s29], $0x1400  }
0x56: {  	[sflag:s29] =	ssyncset.done $0x0  }
0x57: {  	s20 =	sadd.s32 $0x190, s17;
	[sflag:s29] =	ssyncadd.s32 $0xFFFFEC00  }
0x58: {  	[tilespmem:s18], [sflag:$0x3] =	stream.indirect.gather [hbm4b:s2+s13], $0x40, s20, s13, $0xb8;
	[tilespmem:$0x12A20] =	vst v63  }
0x59: {  	_ =	swait.ge [sflag:s19], $0x1400  }
0x5a: {  	[sflag:s19] =	ssyncset.done $0x0  }
0x5b: {  	s20 =	sadd.s32 $0x2850, s17;
	[sflag:s19] =	ssyncadd.s32 $0xFFFFEC00  }
0x5c: {  	[spmem:s3] =	stream.indirect.scatter.add.f32 [tilespmem:s15], [sflag:$0x5], $0x40, s20, s13, $0xb8;
	[tilespmem:$0x12A20] =	vst v63  }
0x5d: {  	_ =	swait.ge [sflag:s21], $0x1400  }
0x5e: {  	[sflag:s21] =	ssyncset.done $0x0  }
0x5f: {  	s20 =	sadd.s32 $0x1E0, s17;
	[sflag:s21] =	ssyncadd.s32 $0xFFFFEC00  }
0x60: {  	[tilespmem:s14], [sflag:$0x1] =	stream.indirect.gather [hbm4b:s2+s13], $0x40, s20, s13, $0xb8;
	[tilespmem:$0x12A20] =	vst v63  }
0x61: {  	_ =	swait.ge [sflag:s23], $0x1400  }
0x62: {  	[sflag:s23] =	ssyncset.done $0x0  }
.Ltmp0:
0x63: {  	s20 =	sadd.s32 $0x28A0, s17;
	[sflag:s23] =	ssyncadd.s32 $0xFFFFEC00;
	(pc) =	sbr.rel @p0 .LBB2_2-.Ltmp0, $4  }
0x64: {  	[spmem:s3] =	stream.indirect.scatter.add.f32 [tilespmem:s18], [sflag:$0x6], $0x40, s20, s13, $0xb8;
	[tilespmem:$0x12A20] =	vst v63  }
0x65: {  	_ =	swait.ge [sflag:s26], $0x1400  }
0x66: {  	[sflag:s26] =	ssyncset.done $0x0  }
0x67: {  	s17 =	sadd.s32 $0x230, s17;
	[sflag:s26] =	ssyncadd.s32 $0xFFFFEC00  }
0x68: {  	[tilespmem:s15], [sflag:$0x2] =	stream.indirect.gather [hbm4b:s2+s13], $0x40, s17, s13, $0xb8;
	[tilespmem:$0x12A20] =	vst v63  }
0x69: {  	_ =	swait.ge [sflag:s16], $0x1400  }
0x6a: {  	[sflag:s16] =	ssyncset.done $0x0  }
0x6b: {  	[sflag:s16] =	ssyncadd.s32 $0xFFFFEC00  }
0x6c: {  	[spmem:s3] =	stream.indirect.scatter.add.f32 [tilespmem:s14], [sflag:$0x4], $0x40, s30, s13, $0xb8;
	[tilespmem:$0x12A20] =	vst v63  }
0x6d: {  	_ =	swait.ge [sflag:s19], $0x1400  }
0x6e: {  	[sflag:s19] =	ssyncset.done $0x0  }
0x6f: {  	[sflag:s19] =	ssyncadd.s32 $0xFFFFEC00  }
0x70: {  	[spmem:s3] =	stream.indirect.scatter.add.f32 [tilespmem:s15], [sflag:$0x5], $0x40, s31, s13, $0xb8;
	[tilespmem:$0x12A20] =	vst v63  }
0x71: {  	_ =	swait.ge [sflag:s29], $0x1400  }
0x72: {  	[sflag:s29] =	ssyncset.done $0x0  }
0x73: {  	[sflag:s29] =	ssyncadd.s32 $0xFFFFEC00  }
0x74: {  	_ =	swait.ge [sflag:s21], $0x1400  }
0x75: {  	[sflag:s21] =	ssyncset.done $0x0  }
0x76: {  	[sflag:s21] =	ssyncadd.s32 $0xFFFFEC00  }
0x77: {  	_ =	swait.ge [sflag:s26], $0x1400  }
0x78: {  	s1 =	sadd.s32 $0x1, s1;
	[sflag:s26] =	ssyncset.done $0x0  }
0x79: {  	p0 =	sne.s32 s1, s9;
	[sflag:s26] =	ssyncadd.s32 $0xFFFFEC00  }
.Ltmp1:
0x7a: {  	[bflag:$0x0] =	sbarrier.arrive $0xFFFF;
	(pc) =	sbr.rel @p0 .LBB2_1-.Ltmp1, $4  }
0x7b: {  	[hbm:s24], [sflag:s6] =	dma.local [spmem:s10], $0x1400  }
0x7c: {  	_ =	swait.ge [sflag:s11], $0x1400  }
0x7d: {  	[sflag:s11] =	ssyncset.done $0x0  }
0x7e: {  	[sflag:s11] =	ssyncadd.s32 $0xFFFFEC00  }
0x7f: {  	_ =	sfence.sel $0x180000  }
0x80: {  	[bflag:$0x0] =	sbarrier.arrive $0xFFFF  }
0x81: {  	_ =	strace $0x9000004A  }
0x82: {  	s0 =	stileid.u32;
	[bflag:$0x2] =	sbarrier.arrive $0xFFFF  }
0x83: {  	p0 =	sne.s32 s0, $0x0;
	s0 =	rddreg [dreg:$0x3]  }
0x84: {  	s0 =	sadd.s32 @!p0 $0x100000, s0  }
0x85: {  	[sflag:s0] =	ssyncadd.tile.s32 @!p0 $0x1;
	_ =	shalt  }
.Lfunc_end2:
_tile_overlayer_lowered:
.L_overlay_start_2:
0x86: {  	(tag) =	ssettag $0x2  }
0x87: {  	s0 =	rddreg [dreg:$0x0];
	s2 =	stileid.u32  }
0x88: {  	s1 =	rddreg [dreg:$0x1];
	p0 =	sne.s32 s2, $0x0  }
0x89: {  	s3 =	rddreg [dreg:$0x2];
	[bflag:$0x3] =	sbarrier.arrive $0xFFFF;
	s2 =	simm.s32 @!p0 $0x1C07  }
0x8a: {  	[timem:s3], [sflag:s2] =	dma.local @!p0 [hbm:s0], s1  }
0x8b: {  	s0 =	simm.s32 @!p0 $0x7  }
0x8c: {  	_ =	swait.ge @!p0 [sflag:s0], s1  }
0x8d: {  	s1 =	ssub.s32 @!p0 $0x0, s1;
	[sflag:s0] =	ssyncset.done @!p0 $0x0  }
0x8e: {  	[sflag:s0] =	ssyncadd.s32 @!p0 s1  }
0x8f: {  	[bflag:$0x3] =	sbarrier.arrive $0xFFFF  }
0x90: {  	_ =	shalt  }

// kernel: kernel.15.cloned.1.call-start
scs
__scs_entry_jumppad:
0x0: {  	(pc) =	sbr.rel $0x88, $3  }
0x1: {  	(tag) =	ssettag $0x0;
	lr =	simm.s32 $0x1  }
0x2: {  	[smem:$0x3F94] =	sst lr;
	_ =	strace $0xD0000000  }
0x3: {  	_ = 	snop  }
0x4: {  	_ = 	snop  }
0x5: {  	_ = 	snop  }
0x6: {  	_ = 	snop  }
0x7: {  	_ = 	snop  }
__scs_overlays_trampoline_lowered:
0x8: {  	[smem:$0x3FA3] =	sst s0  }
0x9: {  	[smem:$0x3FA4] =	sst s1  }
0xa: {  	[smem:$0x3FA5] =	sst s2  }
0xb: {  	[smem:$0x3FA6] =	sst s3  }
0xc: {  	[smem:$0x3FA7] =	sst s4  }
0xd: {  	[smem:$0x3FA8] =	sst s5  }
0xe: {  	[smem:$0x3FA9] =	sst s6  }
0xf: {  	[smem:$0x3FAA] =	sst s7  }
0x10: {  	[smem:$0x3FAB] =	sst s8  }
0x11: {  	[smem:$0x3FAC] =	sst s9;
	s0 =	simm.s32 @!p0 $0x0  }
0x12: {  	s1 =	sld [smem:$0x3F92];
	s0 =	simm.s32 @p0 $0x1  }
0x13: {  	[smem:$0x3FAD] =	sst s0;
	s0 =	simm.s32 @!p1 $0x0  }
0x14: {  	s2 =	sld [smem:$0x3F91];
	s0 =	simm.s32 @p1 $0x1  }
0x15: {  	[smem:$0x3FAE] =	sst s0;
	s0 =	simm.s32 @!p2 $0x0  }
0x16: {  	s3 =	sld [smem:$0x3FDB];
	s0 =	simm.s32 @p2 $0x1  }
0x17: {  	s4 =	simm.s32 $0x1BF5;
	[smem:$0x3FB0] =	sst s0  }
0x18: {  	s0 =	sld [smem:$0x3F93];
	_ =	swait.ge [sflag:s4], $0x0  }
0x19: {  	s7 =	sld [smem:$0x3F94]  }
0x1a: {  	s8 =	sadd.s32 $0xFFFFE003, lr  }
0x1b: {  	s9 =	sadd.s32 $0xFFFFFEF7, lr;
	s5 =	simm.s32 $0xFFFFFFFF;
	p2 =	slt.u32 s8, $0xFFFFF086  }
0x1c: {  	p1 =	slt.u32 s9, $0xF7A;
	s5 =	simm.s32 @!p2 $0x0  }
0x1d: {  	s5 =	simm.s32 @p1 $0x1;
	p0 =	seq.s32 s7, s2  }
0x1e: {  	s7 =	smul.u32 @!p0 $0xF7A, s2;
	p2 =	seq.s32 @!p0 s5, $0x0  }
0x1f: {  	s9 =	smul.u32 $0xF7A, s1;
	s8 =	simm.s32 @!p0 $0x1BF5;
	p2 =	por !p2, p0  }
0x20: {  	[sflag:s8] =	ssyncset.s32 @!p0 $0xFFFFF086;
	s6 =	sadd.s32 @!p0 s3, s7;
	s7 =	simm.s32 @!p0 $0x108  }
0x21: {  	s3 =	sadd.s32 s3, s9;
	s6 =	sadd.s32 @!p0 $0x88, s6;
	s7 =	simm.s32 @p2 $0x1082  }
0x22: {  	[simem:s7], [sflag:s8] =	dma.local @!p0 [hbm:s6], $0xF7A  }
0x23: {  	s9 =	sor.u32 $0xD0000000, s2;
	s6 =	simm.s32 $0x108;
	_ =	swait.ge @!p0 [sflag:s8], $0x0  }
0x24: {  	s3 =	sadd.s32 $0x88, s3;
	s6 =	simm.s32 @!p1 $0x1082;
	[sflag:s4] =	ssyncset.s32 $0xFFFFF086  }
0x25: {  	[simem:s6], [sflag:s4] =	dma.local [hbm:s3], $0xF7A  }
0x26: {  	[smem:$0x3F94] =	sst s1;
	(tag) =	ssettag s2;
	_ =	strace s9  }
0x27: {  	s1 =	sld [smem:$0x3FA4]  }
0x28: {  	s2 =	sld [smem:$0x3FA5]  }
0x29: {  	s4 =	sld [smem:$0x3FA7]  }
0x2a: {  	p0 =	seq.s32 s5, $0x0;
	s5 =	sld [smem:$0x3FA8]  }
0x2b: {  	s6 =	sld [smem:$0x3FA9]  }
0x2c: {  	s7 =	sld [smem:$0x3FAA]  }
0x2d: {  	s3 =	simm.s32 $0x108;
	s8 =	sld [smem:$0x3FAB]  }
0x2e: {  	s3 =	simm.s32 @!p0 $0x1082;
	s9 =	sld [smem:$0x3FAC]  }
0x2f: {  	lr =	sadd.s32 s0, s3;
	s0 =	sld [smem:$0x3FA3]  }
0x30: {  	s3 =	sld [smem:$0x3FA6]  }
0x31: {  	[smem:$0x3FAF] =	sst s10  }
0x32: {  	s10 =	sld [smem:$0x3FAD];
	_ =	sdelay $0x3  }
0x33: {  	p0 =	seq.s32 s10, $0x1;
	s10 =	sld [smem:$0x3FAF];
	_ =	sdelay $0x3  }
0x34: {  	[smem:$0x3FAF] =	sst s10  }
0x35: {  	s10 =	sld [smem:$0x3FAE];
	_ =	sdelay $0x3  }
0x36: {  	p1 =	seq.s32 s10, $0x1;
	s10 =	sld [smem:$0x3FAF];
	_ =	sdelay $0x3  }
0x37: {  	[smem:$0x3FAF] =	sst s10  }
0x38: {  	s10 =	sld [smem:$0x3FB0]  }
0x39: {  	_ = 	snop;
	(pc) =	sbr.ind lr, $3  }
0x3a: {  	_ = 	snop  }
0x3b: {  	_ = 	snop  }
0x3c: {  	p2 =	seq.s32 s10, $0x1;
	s10 =	sld [smem:$0x3FAF]  }
0x3d: {  	_ =	shalt  }
0x3e: {  	_ =	shalt  }
0x3f: {  	_ =	shalt  }
0x40: {  	_ =	shalt  }
0x41: {  	_ =	shalt  }
0x42: {  	_ =	shalt  }
0x43: {  	_ =	shalt  }
0x44: {  	_ =	shalt  }
0x45: {  	_ =	shalt  }
0x46: {  	_ =	shalt  }
0x47: {  	_ =	shalt  }
0x48: {  	_ =	shalt  }
0x49: {  	_ =	shalt  }
0x4a: {  	_ =	shalt  }
0x4b: {  	_ =	shalt  }
0x4c: {  	_ =	shalt  }
0x4d: {  	_ =	shalt  }
0x4e: {  	_ =	shalt  }
0x4f: {  	_ =	shalt  }
0x50: {  	_ =	shalt  }
0x51: {  	_ =	shalt  }
0x52: {  	_ =	shalt  }
0x53: {  	_ =	shalt  }
0x54: {  	_ =	shalt  }
0x55: {  	_ =	shalt  }
0x56: {  	_ =	shalt  }
0x57: {  	_ =	shalt  }
0x58: {  	_ =	shalt  }
0x59: {  	_ =	shalt  }
0x5a: {  	_ =	shalt  }
0x5b: {  	_ =	shalt  }
0x5c: {  	_ =	shalt  }
0x5d: {  	_ =	shalt  }
0x5e: {  	_ =	shalt  }
0x5f: {  	_ =	shalt  }
0x60: {  	_ =	shalt  }
0x61: {  	_ =	shalt  }
0x62: {  	_ =	shalt  }
0x63: {  	_ =	shalt  }
0x64: {  	_ =	shalt  }
0x65: {  	_ =	shalt  }
0x66: {  	_ =	shalt  }
0x67: {  	_ =	shalt  }
0x68: {  	_ =	shalt  }
0x69: {  	_ =	shalt  }
0x6a: {  	_ =	shalt  }
0x6b: {  	_ =	shalt  }
0x6c: {  	_ =	shalt  }
0x6d: {  	_ =	shalt  }
0x6e: {  	_ =	shalt  }
0x6f: {  	_ =	shalt  }
0x70: {  	_ =	shalt  }
0x71: {  	_ =	shalt  }
0x72: {  	_ =	shalt  }
0x73: {  	_ =	shalt  }
0x74: {  	_ =	shalt  }
0x75: {  	_ =	shalt  }
0x76: {  	_ =	shalt  }
0x77: {  	_ =	shalt  }
0x78: {  	_ =	shalt  }
0x79: {  	_ =	shalt  }
0x7a: {  	_ =	shalt  }
0x7b: {  	_ =	shalt  }
0x7c: {  	_ =	shalt  }
0x7d: {  	_ =	shalt  }
0x7e: {  	_ =	shalt  }
0x7f: {  	_ =	shalt  }
0x80: {  	_ =	shalt  }
0x81: {  	_ =	shalt  }
0x82: {  	_ =	shalt  }
0x83: {  	_ =	shalt  }
0x84: {  	_ =	shalt  }
0x85: {  	_ =	shalt  }
0x86: {  	_ =	shalt  }
0x87: {  	_ =	shalt  }
.Lfunc_end0:
.L_simem_size_0:
called_computation.2_lowered:
.L_overlay_start_0:
0x88: {  	s2 =	sld [smem:$0x3FD9]  }
0x89: {  	s3 =	sld [smem:$0x3FFE];
	_ =	sdelay $0x1  }
0x8a: {  	s1 =	srdreg.scid  }
0x8b: {  	s0 =	sand.u32 $0x1, s1  }
0x8c: {  	s17 =	sshll.u32 s0, $0xA;
	s2 =	sadd.s32 s3, s2  }
0x8d: {  	s2 =	sadd.s32 s2, s17  }
0x8e: {  	[smem:$0x3FBB] =	sst s2  }
0x8f: {  	_ = 	snop  }
0x90: {  	s2 =	sld [smem:$0x3FC0];
	(tm) =	ssettm $0x1  }
0x91: {  	s18 =	sld [smem:$0x3FFB];
	_ =	sdelay $0x3  }
0x92: {  	_ =	strace s18  }
0x93: {  	s3 =	sld [smem:$0x3FFC];
	_ =	sdelay $0x3  }
0x94: {  	_ =	strace s3  }
0x95: {  	s3 =	sld [smem:$0x3FFD];
	_ =	sdelay $0x3  }
0x96: {  	_ =	strace s3  }
0x97: {  	_ =	strace $0x8FFFFFFF  }
0x98: {  	s19 =	sld [smem:$0x3FDB];
	_ =	sdelay $0x1  }
0x99: {  	s4 =	simm.s32 $_scs_section_size  }
0x9a: {  	s5 =	simm.s32 $_size__tile_overlayer_lowered;
	s6 =	simm.s32 $_tile_overlayer_lowered  }
0x9b: {  	s22 =	simm.s32 $0x1BFF;
	s21 =	sshll.u32 s6, $0x1;
	s3 =	sadd.s32 s4, s19  }
0x9c: {  	s7 =	simm.s32 $0x0;
	s20 =	sshll.u32 s5, $0x1;
	s5 =	sadd.s32 s21, s3  }
0x9d: {  	[timem:s7], [sflag:s22] =	dma.local [hbm:s5], s20  }
0x9e: {  	_ =	swait.ge [sflag:s22], s20  }
0x9f: {  	s4 =	ssub.s32 $0x0, s20;
	[sflag:s22] =	ssyncset.done $0x0  }
0xa0: {  	[sflag:s22] =	ssyncadd.s32 s4;
	_ =	sdelay $0x1  }
0xa1: {  	s23 =	simm.s32 $0x1B8B  }
0xa2: {  	_ =	swait.ge [sflag:s23], $0x1  }
0xa3: {  	[sflag:s23] =	ssyncset.done $0x0  }
0xa4: {  	s25 =	simm.s32 $0x1B8E;
	s24 =	sld [smem:$0x3FFE];
	[sflag:s23] =	ssyncadd.s32 $0xFFFFFFFF  }
0xa5: {  	s26 =	simm.s32 $execute0_lowered;
	[smem:$0x3FD2] =	sst s25  }
0xa6: {  	s5 =	sshll.u32 s26, $0x1;
	_ =	strace $0x8000004C;
	[dreg:$0x1] =	wrdreg $0xFFFFFFFF  }
0xa7: {  	s28 =	simm.s32 $_size_execute0_lowered;
	s3 =	sadd.s32 s3, s5;
	[dreg:$0x0] =	wrdreg $0x0  }
0xa8: {  	s5 =	sshll.u32 s28, $0x1;
	[dreg:$0x2] =	wrdreg s3  }
0xa9: {  	[dreg:$0x3] =	wrdreg s5  }
0xaa: {  	[dreg:$0x4] =	wrdreg $0xC0  }
0xab: {  	_ =	task [dreg:s7], $0x5FFFF  }
0xac: {  	[dreg:$0x1] =	wrdreg $0xFFFFFFFF  }
0xad: {  	[dreg:$0x0] =	wrdreg $0x60  }
0xae: {  	[dreg:$0x2] =	wrdreg s24  }
0xaf: {  	[dreg:$0x3] =	wrdreg s2  }
0xb0: {  	[dreg:$0x4] =	wrdreg $0x9  }
0xb1: {  	_ =	task.clear_ibuf [dreg:s7], $0x5FFFF;
	_ =	strace $0x9000004C  }
0xb2: {  	s29 =	simm.s32 $0x9;
	_ =	strace $0x8000004E  }
0xb3: {  	_ =	swait.ge [sflag:s29], $0x1  }
0xb4: {  	[sflag:s29] =	ssyncadd.s32 $0xFFFFFFFF  }
0xb5: {  	_ =	strace $0x9000004E  }
0xb6: {  	_ =	sfence  }
0xb7: {  	s30 =	sld [smem:$0x0];
	_ =	sdelay $0x2  }
0xb8: {  	s31 =	sshll.u32 s1, $0xD;
	s1 =	sshrl.u32 s1, $0x2  }
0xb9: {  	s3 =	sand.u32 $0x4000, s31;
	s1 =	sadd.s32 s1, s30  }
0xba: {  	s0 =	sor.u32 s3, s0;
	s1 =	sshll.u32 s1, $0x11  }
0xbb: {  	s0 =	sor.u32 s1, s0  }
0xbc: {  	s0 =	sadd.s32 $0x8F2B, s0  }
0xbd: {  	[sflag:s0] =	ssyncadd.remote.s32 $0x1  }
0xbe: {  	_ =	sfence.sel $0xFFFF  }
0xbf: {  	[dreg:$0x0] =	wrdreg $0xFFFFFFFF;
	(pc) =	sbr.abs _section_cstart, $3  }
0xc0: {  	[dreg:$0x1] =	wrdreg $0xFFFFFFFF  }
0xc1: {  	_ =	task.clear_ibuf [dreg:s7], $0x2FFFF;
	_ =	strace $0x9FFFFFFF  }
0xc2: {  	(tm) =	ssettm $0x7FFFFFFF  }
0xc3: {  	_ =	shalt  }
tec
execute0_lowered:
.L_overlay_start_1:
0x0: {  	(tag) =	ssettag $0x1  }
0x1: {  	s0 =	rddreg [dreg:$0x0]  }
0x2: {  	s1 =	srdreg.scid;
	s2 =	stileid.u32;
	s3 =	simm.s32 $0x0  }
0x3: {  	s13 =	simm.s32 $0x7;
	s16 =	simm.s32 $0x50;
	s17 =	simm.s32 $0x4E20  }
0x4: {  	s18 =	simm.s32 $0x7620;
	s19 =	simm.s32 $0x6220;
	s21 =	simm.s32 $0x8A20  }
0x5: {  	s22 =	simm.s32 $0x1;
	s23 =	simm.s32 $0x3;
	s24 =	simm.s32 $0x9E20  }
0x6: {  	s28 =	simm.s32 $0xA320;
	s29 =	simm.s32 $0x5;
	s30 =	simm.s32 $0x6  }
0x7: {  	s31 =	simm.s32 $0x0;
	s1 =	sand.u32 $0x1, s1;
	s2 =	sshll.u32 s2, $0x1  }
0x8: {  	[smem:$0x7FF] =	sst s3;
	s5 =	sadd.s32 $0x1800, s0;
	s2 =	sor.u32 s1, s2  }
0x9: {  	s6 =	sadd.s32 $0x15200, s0;
	s1 =	ssub.s32 $0x2, s1;
	s4 =	smul.u32 $0x4E2, s2  }
0xa: {  	s7 =	sadd.s32 $0x65200, s0;
	s2 =	smul.u32 $0x27100, s2;
	s8 =	sshrl.u32 s1, $0x1  }
0xb: {  	_ =	strace $0x8000004D;
	s25 =	ssub.s32 s1, s8;
	s9 =	sadd.s32 s4, s0  }
0xc: {  	s26 =	sshrl.u32 s2, $0x3;
	s10 =	sadd.s32 $0xA, s4;
	s12 =	smax.u32 s25, $0x1  }
0xd: {  	s25 =	simm.s32 $0x2;
	s8 =	sadd.s32 $0x5B400, s9;
	s1 =	sadd.s32 s7, s26  }
0xe: {  	s9 =	sadd.s32 $0x51600, s9;
	s26 =	simm.s32 $0x4;
	s11 =	sadd.s32 $0x4D80, s1  }
.LBB2_1:
0xf: {  	[tilespmem:s3], [sflag:$0x7] =	stream.linear.gather [hbm4b:s8+s3], $0x2710, $0x38;
	[tilespmem:$0xA860] =	vst v63  }
0x10: {  	_ =	swait.ge [sflag:s13], $0x2710  }
0x11: {  	[sflag:s13] =	ssyncset.done $0x0  }
0x12: {  	s1 =	simm.s32 $0x2710;
	[sflag:s13] =	ssyncadd.s32 $0xFFFFD8F0  }
0x13: {  	[tilespmem:s1], [sflag:$0x7] =	stream.linear.gather [hbm4b:s9+s3], $0x2710, $0x38;
	[tilespmem:$0xA860] =	vst v63  }
0x14: {  	_ =	swait.ge [sflag:s13], $0x2710  }
0x15: {  	[sflag:s13] =	ssyncset.done $0x0  }
0x16: {  	[sflag:s13] =	ssyncadd.s32 $0xFFFFD8F0  }
0x17: {  	s2 =	simm.s32 $0xA820;
	s0 =	rddreg [dreg:$0x1]  }
0x18: {  	[tilespmem:s2], [sflag:$0x7] =	stream.linear.gather [hbm4b:s0+s3], $0x40, $0x38;
	[tilespmem:$0xA860] =	vst v63  }
0x19: {  	_ =	swait.ge [sflag:s13], $0x40  }
0x1a: {  	[sflag:s13] =	ssyncset.done $0x0  }
0x1b: {  	[sflag:s13] =	ssyncadd.s32 $0xFFFFFFC0  }
0x1c: {  	v0 =	vld [tilespmem:$0xA820]  }
0x1d: {  	v1 =	vld [tilespmem:$0xA830]  }
0x1e: {  	v2 =	vld [tilespmem:$0xA840]  }
0x1f: {  	v3 =	vld [tilespmem:$0xA850];
	[tilespmem:s17], [sflag:$0x1] =	stream.indirect.gather [hbm4b:s5+s16], $0x40, s3, s16, $0xb8  }
0x20: {  	_ = 	snop  }
0x21: {  	[tilespmem:s18], [sflag:$0x3] =	stream.indirect.gather [hbm4b:s6+s16], $0x40, s1, s16, $0xb8;
	[tilespmem:$0xA860] =	vst v63  }
0x22: {  	_ = 	snop  }
0x23: {  	[tilespmem:s19], [sflag:$0x2] =	stream.indirect.gather [hbm4b:s5+s16], $0x40, s16, s16, $0xb8;
	[tilespmem:$0xA860] =	vst v63  }
0x24: {  	s20 =	simm.s32 $0x2760;
	s1 =	simm.s32 $0x0  }
0x25: {  	[tilespmem:s21], [sflag:$0x4] =	stream.indirect.gather [hbm4b:s6+s16], $0x40, s20, s16, $0xb8;
	[tilespmem:$0xA860] =	vst v63  }
.LBB2_2:
0x26: {  	p0 =	seq.s32 s1, $0x0  }
0x27: {  	s0 =	simm.s32 @!p0 $0x5  }
0x28: {  	_ =	swait.ge @!p0 [sflag:s0], $0x500  }
0x29: {  	[sflag:s0] =	ssyncset.done @!p0 $0x0  }
0x2a: {  	[sflag:s0] =	ssyncadd.s32 @!p0 $0xFFFFFB00  }
0x2b: {  	_ =	swait.ge [sflag:s22], $0x1400  }
0x2c: {  	[sflag:s22] =	ssyncset.done $0x0  }
0x2d: {  	[sflag:s22] =	ssyncadd.s32 $0xFFFFEC00  }
0x2e: {  	_ =	swait.ge [sflag:s23], $0x1400  }
0x2f: {  	[sflag:s23] =	ssyncset.done $0x0  }
0x30: {  	s2 =	simm.s32 $0x9EA0;
	s0 =	simm.s32 $0x0;
	[sflag:s23] =	ssyncadd.s32 $0xFFFFEC00  }
.LBB2_3:
0x31: {  	s15 =	sshra.s32 s0, $0x2  }
0x32: {  	v4 =	vld [tilespmem:s15+$0x4E20]  }
0x33: {  	v5 =	vld [tilespmem:s15+$0x7620]  }
0x34: {  	v6 =	vld [tilespmem:s15+$0x4E30]  }
0x35: {  	v7 =	vld [tilespmem:s15+$0x7630]  }
0x36: {  	v8 =	vld [tilespmem:s15+$0x4E40]  }
0x37: {  	v11 =	vld [tilespmem:s15+$0x7640]  }
0x38: {  	v14 =	vld [tilespmem:s15+$0x4E50]  }
0x39: {  	v16 =	vld [tilespmem:s15+$0x7650]  }
0x3a: {  	v17 =	vld [tilespmem:s15+$0x4E60]  }
0x3b: {  	v18 =	vld [tilespmem:s15+$0x7660]  }
0x3c: {  	v19 =	vld [tilespmem:s15+$0x4E70]  }
0x3d: {  	v20 =	vld [tilespmem:s15+$0x7670]  }
0x3e: {  	v21 =	vld [tilespmem:s15+$0x4E80]  }
0x3f: {  	v22 =	vld [tilespmem:s15+$0x7680]  }
0x40: {  	v23 =	vld [tilespmem:s15+$0x4E90]  }
0x41: {  	v24 =	vld [tilespmem:s15+$0x7690]  }
0x42: {  	v25 =	vld [tilespmem:s15+$0x4EA0]  }
0x43: {  	v26 =	vld [tilespmem:s15+$0x76A0]  }
0x44: {  	v27 =	vld [tilespmem:s15+$0x4EB0]  }
0x45: {  	v28 =	vld [tilespmem:s15+$0x76B0]  }
0x46: {  	v29 =	vld [tilespmem:s15+$0x4EC0]  }
0x47: {  	v30 =	vld [tilespmem:s15+$0x76C0]  }
0x48: {  	v31 =	vld [tilespmem:s15+$0x4ED0]  }
0x49: {  	v32 =	vld [tilespmem:s15+$0x76D0]  }
0x4a: {  	v33 =	vld [tilespmem:s15+$0x4EE0]  }
0x4b: {  	v34 =	vld [tilespmem:s15+$0x76E0]  }
0x4c: {  	v35 =	vld [tilespmem:s15+$0x4EF0]  }
0x4d: {  	v36 =	vld [tilespmem:s15+$0x76F0]  }
0x4e: {  	v37 =	vld [tilespmem:s15+$0x4F00]  }
0x4f: {  	v38 =	vld [tilespmem:s15+$0x7700]  }
0x50: {  	v39 =	vld [tilespmem:s15+$0x4F10]  }
0x51: {  	v40 =	vld [tilespmem:s15+$0x7710]  }
0x52: {  	v41 =	vld [tilespmem:s15+$0x4F20]  }
0x53: {  	v42 =	vld [tilespmem:s15+$0x7720]  }
0x54: {  	v43 =	vld [tilespmem:s15+$0x4F30]  }
0x55: {  	v44 =	vld [tilespmem:s15+$0x7730]  }
0x56: {  	v45 =	vld [tilespmem:s15+$0x4F40]  }
0x57: {  	v46 =	vld [tilespmem:s15+$0x7740]  }
0x58: {  	v47 =	vld [tilespmem:s15+$0x4F50]  }
0x59: {  	v48 =	vld [tilespmem:s15+$0x7750]  }
0x5a: {  	v49 =	vld [tilespmem:s15+$0x4F60]  }
0x5b: {  	v50 =	vld [tilespmem:s15+$0x7760]  }
0x5c: {  	v51 =	vld [tilespmem:s15+$0x4F70]  }
0x5d: {  	v52 =	vld [tilespmem:s15+$0x7770]  }
0x5e: {  	v53 =	vld [tilespmem:s15+$0x4F80]  }
0x5f: {  	v54 =	vld [tilespmem:s15+$0x7780]  }
0x60: {  	v9 =	vld [tilespmem:s15+$0x4F90]  }
0x61: {  	v12 =	vld [tilespmem:s15+$0x7790]  }
0x62: {  	v55 =	vld [tilespmem:s15+$0x4FA0]  }
0x63: {  	v56 =	vld [tilespmem:s15+$0x77A0]  }
0x64: {  	v57 =	vld [tilespmem:s15+$0x4FB0]  }
0x65: {  	v58 =	vld [tilespmem:s15+$0x77B0]  }
0x66: {  	v13 =	vld [tilespmem:s15+$0x4FC0]  }
0x67: {  	v15 =	vld [tilespmem:s15+$0x77C0]  }
0x68: {  	v10 =	vld [tilespmem:s15+$0x4FD0];
	v4 =	vadd.f32 v5, v4  }
0x69: {  	v5 =	vadd.f32 v7, v6;
	v60 =	vadd.f32 v11, v8;
	v11 =	vld [tilespmem:s15+$0x77D0]  }
0x6a: {  	v61 =	vadd.f32 v18, v17;
	v17 =	vld [tilespmem:s15+$0x4FE0];
	v63 =	vadd.f32 v20, v19  }
0x6b: {  	v18 =	vld [tilespmem:s15+$0x77E0];
	v14 =	vadd.f32 v16, v14;
	v59 =	vadd.f32 v22, v21  }
0x6c: {  	v19 =	vld [tilespmem:s15+$0x4FF0];
	v28 =	vadd.f32 v28, v27;
	v38 =	vadd.f32 v38, v37  }
0x6d: {  	v16 =	vld [tilespmem:s15+$0x77F0];
	v48 =	vadd.f32 v48, v47;
	v54 =	vadd.f32 v54, v53  }
0x6e: {  	v20 =	vld [tilespmem:s15+$0x5000];
	v9 =	vadd.f32 v12, v9;
	v13 =	vadd.f32 v15, v13;
	v4 =	vmax.f32 v4, $0.0e+00  }
0x6f: {  	v21 =	vld [tilespmem:s15+$0x7800];
	v5 =	vmax.f32 v5, $0.0e+00;
	v62 =	vmax.f32 v61, $0.0e+00;
	v8 =	vmax.f32 v14, $0.0e+00  }
0x70: {  	v27 =	vld [tilespmem:s15+$0x7840];
	v7 =	vmax.f32 v59, $0.0e+00;
	v9 =	vmax.f32 v9, $0.0e+00;
	v4 =	vmul.f32 v4, v0  }
0x71: {  	v37 =	vld [tilespmem:s15+$0x5070];
	v13 =	vmax.f32 v13, $0.0e+00;
	v5 =	vmul.f32 v5, v1;
	v6 =	vmul.f32 v62, v0  }
0x72: {  	v47 =	vld [tilespmem:s15+$0x78B0];
	v8 =	vmul.f32 v8, v3;
	v61 =	vmul.f32 v7, v2;
	v62 =	vadd.f32 v24, v23  }
0x73: {  	v15 =	vld [tilespmem:s15+$0x78D0];
	v9 =	vmul.f32 v9, v3;
	v4 =	vadd.f32 $0.0e+00, v4;
	v6 =	vadd.f32 $0.0e+00, v6  }
0x74: {  	v14 =	vld [tilespmem:s15+$0x5010];
	v59 =	vmax.f32 v62, $0.0e+00;
	v62 =	vadd.f32 v34, v33;
	v34 =	vadd.f32 v36, v35  }
0x75: {  	v23 =	vld [tilespmem:s15+$0x7810];
	v13 =	vmul.f32 v13, v2;
	v36 =	vadd.f32 v32, v31;
	v17 =	vadd.f32 v18, v17  }
0x76: {  	v24 =	vld [tilespmem:s15+$0x5020];
	v16 =	vadd.f32 v16, v19;
	v4 =	vadd.f32 v5, v4;
	v5 =	vmax.f32 v60, $0.0e+00  }
0x77: {  	v31 =	vld [tilespmem:s15+$0x5050];
	v10 =	vadd.f32 v11, v10;
	v60 =	vadd.f32 v26, v25;
	v5 =	vmul.f32 v5, v2  }
0x78: {  	v32 =	vld [tilespmem:s15+$0x7860];
	v33 =	vmax.f32 v62, $0.0e+00;
	v22 =	vmax.f32 v34, $0.0e+00;
	v17 =	vmax.f32 v17, $0.0e+00  }
0x79: {  	v18 =	vld [tilespmem:s15+$0x50E0];
	v10 =	vmax.f32 v10, $0.0e+00;
	v4 =	vadd.f32 v5, v4;
	v5 =	vmax.f32 v63, $0.0e+00  }
0x7a: {  	v19 =	vld [tilespmem:s15+$0x50F0];
	v22 =	vmul.f32 v22, v1;
	v63 =	vmax.f32 v60, $0.0e+00;
	v5 =	vmul.f32 v5, v1  }
0x7b: {  	v25 =	vld [tilespmem:s15+$0x7820];
	v14 =	vadd.f32 v23, v14;
	v60 =	vmul.f32 v63, v0;
	v63 =	vadd.f32 v30, v29  }
0x7c: {  	v26 =	vld [tilespmem:s15+$0x5030];
	v10 =	vmul.f32 v10, v3;
	v4 =	vadd.f32 v8, v4;
	v5 =	vadd.f32 v5, v6  }
0x7d: {  	v34 =	vld [tilespmem:s15+$0x5060];
	v6 =	vmul.f32 v59, v3;
	v7 =	vadd.f32 $0.0e+00, v60;
	v60 =	vadd.f32 v42, v41  }
0x7e: {  	v23 =	vld [tilespmem:s15+$0x5120];
	v35 =	vmax.f32 v63, $0.0e+00;
	v63 =	vadd.f32 v44, v43;
	v41 =	vadd.f32 v40, v39  }
0x7f: {  	v29 =	vld [tilespmem:s15+$0x5040];
	v59 =	vmax.f32 v36, $0.0e+00;
	v44 =	vadd.f32 v46, v45;
	v45 =	vadd.f32 v50, v49  }
0x80: {  	v39 =	vld [tilespmem:s15+$0x7880];
	v50 =	vadd.f32 v52, v51;
	v51 =	vmax.f32 v48, $0.0e+00;
	v52 =	vadd.f32 v56, v55  }
0x81: {  	v56 =	vadd.f32 v58, v57;
	v48 =	vld [tilespmem:s15+$0x50C0];
	v57 =	vmax.f32 v54, $0.0e+00;
	v5 =	vadd.f32 v61, v5  }
0x82: {  	v61 =	vmax.f32 v28, $0.0e+00;
	v28 =	vld [tilespmem:s15+$0x7830];
	v30 =	vmax.f32 v60, $0.0e+00;
	v43 =	vmax.f32 v63, $0.0e+00  }
0x83: {  	v36 =	vmax.f32 v44, $0.0e+00;
	v49 =	vmax.f32 v45, $0.0e+00;
	v40 =	vmax.f32 v50, $0.0e+00;
	v45 =	vld [tilespmem:s15+$0x50B0]  }
0x84: {  	v55 =	vmax.f32 v52, $0.0e+00;
	v58 =	vmax.f32 v56, $0.0e+00;
	v44 =	vld [tilespmem:s15+$0x50D0];
	v60 =	vmax.f32 v16, $0.0e+00  }
0x85: {  	v8 =	vmul.f32 v61, v1;
	v61 =	vmax.f32 v38, $0.0e+00;
	v42 =	vmul.f32 v30, v0;
	v38 =	vld [tilespmem:s15+$0x5080]  }
0x86: {  	v46 =	vmul.f32 v36, v2;
	v36 =	vld [tilespmem:s15+$0x78A0];
	v40 =	vmul.f32 v40, v1;
	v27 =	vadd.f32 v27, v29  }
0x87: {  	v29 =	vld [tilespmem:s15+$0x5140];
	v5 =	vadd.f32 v6, v5;
	v6 =	vmul.f32 v33, v0;
	v62 =	vmul.f32 v61, v2  }
0x88: {  	v33 =	vld [tilespmem:s15+$0x7850];
	v61 =	vadd.f32 v21, v20;
	v7 =	vadd.f32 v8, v7;
	v8 =	vmul.f32 v35, v2  }
0x89: {  	v12 =	vmul.f32 v58, v1;
	v20 =	vld [tilespmem:s15+$0x5100];
	v35 =	vmul.f32 v43, v1;
	v52 =	vmax.f32 v27, $0.0e+00  }
0x8a: {  	v21 =	vld [tilespmem:s15+$0x7900];
	v6 =	vadd.f32 $0.0e+00, v6;
	v16 =	vmax.f32 v61, $0.0e+00;
	v7 =	vadd.f32 v8, v7  }
0x8b: {  	v43 =	vld [tilespmem:s15+$0x50A0];
	v8 =	vmul.f32 v59, v3;
	v28 =	vadd.f32 v28, v26;
	v15 =	vadd.f32 v15, v44  }
0x8c: {  	v27 =	vld [tilespmem:s15+$0x7940];
	v59 =	vmul.f32 v17, v0;
	v22 =	vadd.f32 v22, v6;
	v54 =	vadd.f32 v39, v38  }
0x8d: {  	v30 =	vld [tilespmem:s15+$0x7870];
	v63 =	vmul.f32 v16, v2;
	v6 =	vadd.f32 v8, v7;
	v8 =	vadd.f32 $0.0e+00, v42  }
0x8e: {  	v17 =	vld [tilespmem:s15+$0x78F0];
	v7 =	vmax.f32 v41, $0.0e+00;
	v11 =	vadd.f32 $0.0e+00, v59;
	v53 =	vadd.f32 v33, v31  }
0x8f: {  	v16 =	vld [tilespmem:s15+$0x7910];
	v15 =	vmax.f32 v15, $0.0e+00;
	v20 =	vadd.f32 v21, v20;
	v22 =	vadd.f32 v62, v22  }
0x90: {  	v41 =	vld [tilespmem:s15+$0x5090];
	v7 =	vmul.f32 v7, v3;
	v62 =	vadd.f32 v25, v24;
	v56 =	vadd.f32 v36, v43  }
0x91: {  	v42 =	vld [tilespmem:s15+$0x7890];
	v58 =	vmax.f32 v54, $0.0e+00;
	v15 =	vmul.f32 v15, v3;
	v27 =	vadd.f32 v27, v29  }
0x92: {  	v38 =	vld [tilespmem:s15+$0x7970];
	v8 =	vadd.f32 v35, v8;
	v35 =	vmul.f32 v51, v3;
	v51 =	vadd.f32 v30, v37  }
0x93: {  	v24 =	vld [tilespmem:s15+$0x5110];
	v54 =	vmax.f32 v20, $0.0e+00;
	v7 =	vadd.f32 v7, v22;
	v22 =	vmul.f32 v49, v0  }
0x94: {  	v39 =	vld [tilespmem:s15+$0x5180];
	v25 =	vmax.f32 v62, $0.0e+00;
	v49 =	vadd.f32 v32, v34;
	v30 =	vmax.f32 v56, $0.0e+00  }
0x95: {  	v37 =	vld [tilespmem:s15+$0x5170];
	v17 =	vadd.f32 v17, v19;
	v8 =	vadd.f32 v46, v8;
	v30 =	vmul.f32 v30, v0  }
0x96: {  	v59 =	vld [tilespmem:s15+$0x7960];
	v22 =	vadd.f32 $0.0e+00, v22;
	v50 =	vmax.f32 v49, $0.0e+00;
	v61 =	vadd.f32 v42, v41  }
0x97: {  	v56 =	vld [tilespmem:s15+$0x79D0];
	v17 =	vmax.f32 v17, $0.0e+00;
	v8 =	vadd.f32 v35, v8;
	v35 =	vmul.f32 v55, v0  }
0x98: {  	v16 =	vadd.f32 v16, v24;
	v24 =	vld [tilespmem:s15+$0x51D0];
	v22 =	vadd.f32 v40, v22;
	v40 =	vmul.f32 v57, v2  }
0x99: {  	v55 =	vmax.f32 v53, $0.0e+00;
	v30 =	vadd.f32 $0.0e+00, v30;
	v57 =	vld [tilespmem:s15+$0x5160];
	v35 =	vadd.f32 $0.0e+00, v35  }
0x9a: {  	v46 =	vld [tilespmem:s15+$0x78C0];
	v17 =	vmul.f32 v17, v1;
	v38 =	vadd.f32 v38, v37;
	v22 =	vadd.f32 v40, v22  }
0x9b: {  	v16 =	vmax.f32 v16, $0.0e+00;
	v40 =	vmax.f32 v14, $0.0e+00;
	v14 =	vld [tilespmem:s15+$0x7920];
	v12 =	vadd.f32 v12, v35  }
0x9c: {  	v16 =	vmul.f32 v16, v3;
	v35 =	vld [tilespmem:s15+$0x78E0];
	v9 =	vadd.f32 v9, v22;
	v22 =	vmax.f32 v28, $0.0e+00  }
0x9d: {  	v49 =	vld [tilespmem:s15+$0x79A0];
	v56 =	vadd.f32 v56, v24;
	v12 =	vadd.f32 v13, v12;
	v13 =	vmul.f32 v60, v1  }
0x9e: {  	v22 =	vmul.f32 v22, v1;
	v60 =	vadd.f32 v47, v45;
	v45 =	vld [tilespmem:s15+$0x7980];
	v57 =	vadd.f32 v59, v57  }
0x9f: {  	v47 =	vld [tilespmem:s15+$0x51A0];
	v59 =	vmax.f32 v27, $0.0e+00;
	v11 =	vadd.f32 v13, v11;
	v10 =	vadd.f32 v10, v12  }
0xa0: {  	v26 =	vld [tilespmem:s15+$0x5130];
	v12 =	vmul.f32 v25, v0;
	v13 =	vmul.f32 v40, v3;
	v25 =	vmax.f32 v51, $0.0e+00  }
0xa1: {  	v31 =	vld [tilespmem:s15+$0x5150];
	v62 =	vmax.f32 v60, $0.0e+00;
	v14 =	vadd.f32 v14, v23;
	v18 =	vadd.f32 v35, v18  }
0xa2: {  	v28 =	vld [tilespmem:s15+$0x7930];
	v25 =	vmul.f32 v25, v1;
	v11 =	vadd.f32 v63, v11;
	v12 =	vadd.f32 $0.0e+00, v12  }
0xa3: {  	v33 =	vld [tilespmem:s15+$0x7950];
	v63 =	vadd.f32 v46, v48;
	v14 =	vmax.f32 v14, $0.0e+00;
	v18 =	vmax.f32 v18, $0.0e+00  }
0xa4: {  	v43 =	vld [tilespmem:s15+$0x5200];
	v14 =	vmul.f32 v14, v0;
	v19 =	vadd.f32 v49, v47;
	v44 =	vadd.f32 v45, v39  }
0xa5: {  	v53 =	vld [tilespmem:s15+$0x51C0];
	v11 =	vadd.f32 v13, v11;
	v12 =	vadd.f32 v22, v12;
	v13 =	vmul.f32 v50, v0  }
0xa6: {  	v51 =	vld [tilespmem:s15+$0x79B0];
	v22 =	vmul.f32 v52, v2;
	v36 =	vmax.f32 v63, $0.0e+00;
	v18 =	vmul.f32 v18, v0  }
0xa7: {  	v45 =	vld [tilespmem:s15+$0x7A00];
	v52 =	vadd.f32 v28, v26;
	v46 =	vmul.f32 v36, v2;
	v19 =	vmax.f32 v19, $0.0e+00  }
0xa8: {  	v50 =	vld [tilespmem:s15+$0x51B0];
	v13 =	vadd.f32 $0.0e+00, v13;
	v12 =	vadd.f32 v22, v12;
	v22 =	vmul.f32 v55, v3  }
0xa9: {  	v35 =	vld [tilespmem:s15+$0x5190];
	v14 =	vadd.f32 $0.0e+00, v14;
	v18 =	vadd.f32 $0.0e+00, v18;
	v19 =	vmul.f32 v19, v0  }
0xaa: {  	v36 =	vld [tilespmem:s15+$0x7990];
	v13 =	vadd.f32 v25, v13;
	v25 =	vmul.f32 v58, v2;
	v12 =	vadd.f32 v22, v12  }
0xab: {  	v55 =	vld [tilespmem:s15+$0x79C0];
	v22 =	vmax.f32 v61, $0.0e+00;
	v17 =	vadd.f32 v17, v18;
	v18 =	vmul.f32 v54, v2  }
0xac: {  	v41 =	vld [tilespmem:s15+$0x79F0];
	v61 =	vadd.f32 v33, v31;
	v54 =	vadd.f32 v45, v43;
	v22 =	vmul.f32 v22, v3  }
0xad: {  	v60 =	vld [tilespmem:s15+$0x79E0];
	v21 =	vadd.f32 v51, v50;
	v13 =	vadd.f32 v25, v13;
	v25 =	vmul.f32 v62, v1  }
0xae: {  	v58 =	vld [tilespmem:s15+$0x51E0];
	v17 =	vadd.f32 v18, v17;
	v18 =	vmax.f32 v57, $0.0e+00;
	v42 =	vmax.f32 v61, $0.0e+00  }
0xaf: {  	v47 =	vld [tilespmem:s15+$0x7A10];
	v50 =	vadd.f32 v36, v35;
	v57 =	vmax.f32 v54, $0.0e+00;
	v25 =	vadd.f32 v25, v30  }
0xb0: {  	v62 =	vld [tilespmem:s15+$0x51F0];
	v63 =	vmul.f32 v18, v0;
	v18 =	vmax.f32 v38, $0.0e+00;
	v51 =	vadd.f32 v55, v53  }
0xb1: {  	v13 =	vadd.f32 v22, v13;
	v22 =	vmax.f32 v52, $0.0e+00;
	v48 =	vadd.f32 v46, v25;
	v46 =	vld [tilespmem:s15+$0x5210];
	[tilespmem:s2+$0xFFFFFF80] =	vst v4  }
0xb2: {  	v16 =	vadd.f32 v16, v17;
	v18 =	vmul.f32 v18, v1;
	v30 =	vmax.f32 v44, $0.0e+00;
	[tilespmem:s2+$0xFFFFFF90] =	vst v5  }
0xb3: {  	v22 =	vmul.f32 v22, v1;
	v17 =	vadd.f32 $0.0e+00, v63;
	v49 =	vadd.f32 v60, v58;
	[tilespmem:s2+$0xFFFFFFA0] =	vst v6  }
0xb4: {  	v4 =	vmul.f32 v30, v2;
	v5 =	vadd.f32 $0.0e+00, v19;
	[tilespmem:s2+$0xFFFFFFB0] =	vst v7;
	v6 =	vmax.f32 v50, $0.0e+00  }
0xb5: {  	v7 =	vmax.f32 v51, $0.0e+00;
	[tilespmem:s2+$0xFFFFFFE0] =	vst v10;
	v10 =	vmax.f32 v56, $0.0e+00;
	v14 =	vadd.f32 v22, v14  }
0xb6: {  	v22 =	vmul.f32 v59, v2;
	v17 =	vadd.f32 v18, v17;
	v52 =	vadd.f32 v41, v62  }
0xb7: {  	v53 =	vmax.f32 v49, $0.0e+00;
	v6 =	vmul.f32 v6, v3;
	v7 =	vmul.f32 v7, v2  }
0xb8: {  	[tilespmem:s2+$0xFFFFFFC0] =	vst v8;
	v15 =	vadd.f32 v15, v48;
	v48 =	vmax.f32 v21, $0.0e+00;
	v8 =	vmul.f32 v53, v0  }
0xb9: {  	[tilespmem:s2+$0xFFFFFFD0] =	vst v9;
	v59 =	vmul.f32 v57, v2;
	v18 =	vmul.f32 v48, v1;
	v55 =	vmax.f32 v52, $0.0e+00  }
0xba: {  	[tilespmem:s2+$0xFFFFFFF0] =	vst v11;
	v14 =	vadd.f32 v22, v14;
	v8 =	vadd.f32 $0.0e+00, v8;
	v9 =	vmul.f32 v55, v1  }
0xbb: {  	[tilespmem:s2+$0x0] =	vst v12;
	v22 =	vmul.f32 v42, v3;
	v5 =	vadd.f32 v18, v5;
	v58 =	vadd.f32 v47, v46  }
0xbc: {  	[tilespmem:s2+$0x10] =	vst v13;
	v60 =	vmul.f32 v10, v3;
	v4 =	vadd.f32 v4, v17;
	v8 =	vadd.f32 v9, v8  }
0xbd: {  	p1 =	sne.s32 s0, $0x4000;
	[tilespmem:s2+$0x30] =	vst v16;
	v14 =	vadd.f32 v22, v14;
	v5 =	vadd.f32 v7, v5;
	v61 =	vmax.f32 v58, $0.0e+00  }
.Ltmp0:
0xbe: {  	[tilespmem:s2+$0x20] =	vst v15;
	v4 =	vadd.f32 v6, v4;
	v62 =	vadd.f32 v59, v8;
	v63 =	vmul.f32 v61, v3;
	(pc) =	sbr.rel @p1 .LBB2_3-.Ltmp0, $4  }
0xbf: {  	[tilespmem:s2+$0x40] =	vst v14;
	v5 =	vadd.f32 v60, v5  }
0xc0: {  	[tilespmem:s2+$0x50] =	vst v4;
	v6 =	vadd.f32 v63, v62  }
0xc1: {  	[tilespmem:s2+$0x60] =	vst v5  }
0xc2: {  	s0 =	sadd.s32 $0x1000, s0;
	[tilespmem:s2+$0x70] =	vst v6;
	s2 =	sadd.s32 $0x100, s2  }
0xc3: {  	s2 =	smul.u32 $0x14, s1;
	_ =	sdelay $0x1  }
0xc4: {  	s0 =	sadd.s32 s4, s2  }
0xc5: {  	s0 =	sshll.u32 s0, $0x4  }
0xc6: {  	s14 =	sadd.s32 s7, s0;
	s0 =	smul.u32 $0xA0, s1  }
0xc7: {  	[hbm4b:s14+s3] =	stream.linear.scatter [tilespmem:s24], [sflag:$0x5], $0x500, $0x38;
	[tilespmem:$0xA860] =	vst v63  }
0xc8: {  	s15 =	sadd.s32 $0xA0, s0  }
0xc9: {  	[tilespmem:s17], [sflag:$0x1] =	stream.indirect.gather [hbm4b:s5+s16], $0x40, s15, s16, $0xb8;
	[tilespmem:$0xA860] =	vst v63  }
0xca: {  	s14 =	simm.s32 @!p0 $0x6;
	s20 =	sadd.s32 $0x27B0, s0  }
0xcb: {  	[tilespmem:s18], [sflag:$0x3] =	stream.indirect.gather [hbm4b:s6+s16], $0x40, s20, s16, $0xb8;
	[tilespmem:$0xA860] =	vst v63  }
0xcc: {  	_ =	swait.ge @!p0 [sflag:s14], $0x500  }
0xcd: {  	[sflag:s14] =	ssyncset.done @!p0 $0x0  }
0xce: {  	[sflag:s14] =	ssyncadd.s32 @!p0 $0xFFFFFB00  }
0xcf: {  	_ =	swait.ge [sflag:s25], $0x1400  }
0xd0: {  	[sflag:s25] =	ssyncset.done $0x0  }
0xd1: {  	[sflag:s25] =	ssyncadd.s32 $0xFFFFEC00  }
0xd2: {  	_ =	swait.ge [sflag:s26], $0x1400  }
0xd3: {  	[sflag:s26] =	ssyncset.done $0x0  }
0xd4: {  	s15 =	simm.s32 $0x0;
	s20 =	simm.s32 $0xA3A0;
	[sflag:s26] =	ssyncadd.s32 $0xFFFFEC00  }
.LBB2_5:
0xd5: {  	s14 =	sshra.s32 s15, $0x2  }
0xd6: {  	v4 =	vld [tilespmem:s14+$0x6220]  }
0xd7: {  	v5 =	vld [tilespmem:s14+$0x8A20]  }
0xd8: {  	v6 =	vld [tilespmem:s14+$0x6230]  }
0xd9: {  	v7 =	vld [tilespmem:s14+$0x8A30]  }
0xda: {  	v8 =	vld [tilespmem:s14+$0x6240]  }
0xdb: {  	v11 =	vld [tilespmem:s14+$0x8A40]  }
0xdc: {  	v14 =	vld [tilespmem:s14+$0x6250]  }
0xdd: {  	v16 =	vld [tilespmem:s14+$0x8A50]  }
0xde: {  	v17 =	vld [tilespmem:s14+$0x6260]  }
0xdf: {  	v18 =	vld [tilespmem:s14+$0x8A60]  }
0xe0: {  	v19 =	vld [tilespmem:s14+$0x6270]  }
0xe1: {  	v20 =	vld [tilespmem:s14+$0x8A70]  }
0xe2: {  	v21 =	vld [tilespmem:s14+$0x6280]  }
0xe3: {  	v22 =	vld [tilespmem:s14+$0x8A80]  }
0xe4: {  	v23 =	vld [tilespmem:s14+$0x6290]  }
0xe5: {  	v24 =	vld [tilespmem:s14+$0x8A90]  }
0xe6: {  	v25 =	vld [tilespmem:s14+$0x62A0]  }
0xe7: {  	v26 =	vld [tilespmem:s14+$0x8AA0]  }
0xe8: {  	v27 =	vld [tilespmem:s14+$0x62B0]  }
0xe9: {  	v28 =	vld [tilespmem:s14+$0x8AB0]  }
0xea: {  	v29 =	vld [tilespmem:s14+$0x62C0]  }
0xeb: {  	v30 =	vld [tilespmem:s14+$0x8AC0]  }
0xec: {  	v31 =	vld [tilespmem:s14+$0x62D0]  }
0xed: {  	v32 =	vld [tilespmem:s14+$0x8AD0]  }
0xee: {  	v33 =	vld [tilespmem:s14+$0x62E0]  }
0xef: {  	v34 =	vld [tilespmem:s14+$0x8AE0]  }
0xf0: {  	v35 =	vld [tilespmem:s14+$0x62F0]  }
0xf1: {  	v36 =	vld [tilespmem:s14+$0x8AF0]  }
0xf2: {  	v37 =	vld [tilespmem:s14+$0x6300]  }
0xf3: {  	v38 =	vld [tilespmem:s14+$0x8B00]  }
0xf4: {  	v39 =	vld [tilespmem:s14+$0x6310]  }
0xf5: {  	v40 =	vld [tilespmem:s14+$0x8B10]  }
0xf6: {  	v41 =	vld [tilespmem:s14+$0x6320]  }
0xf7: {  	v42 =	vld [tilespmem:s14+$0x8B20]  }
0xf8: {  	v43 =	vld [tilespmem:s14+$0x6330]  }
0xf9: {  	v44 =	vld [tilespmem:s14+$0x8B30]  }
0xfa: {  	v45 =	vld [tilespmem:s14+$0x6340]  }
0xfb: {  	v46 =	vld [tilespmem:s14+$0x8B40]  }
0xfc: {  	v47 =	vld [tilespmem:s14+$0x6350]  }
0xfd: {  	v48 =	vld [tilespmem:s14+$0x8B50]  }
0xfe: {  	v49 =	vld [tilespmem:s14+$0x6360]  }
0xff: {  	v50 =	vld [tilespmem:s14+$0x8B60]  }
0x100: {  	v51 =	vld [tilespmem:s14+$0x6370]  }
0x101: {  	v52 =	vld [tilespmem:s14+$0x8B70]  }
0x102: {  	v53 =	vld [tilespmem:s14+$0x6380]  }
0x103: {  	v54 =	vld [tilespmem:s14+$0x8B80]  }
0x104: {  	v9 =	vld [tilespmem:s14+$0x6390]  }
0x105: {  	v12 =	vld [tilespmem:s14+$0x8B90]  }
0x106: {  	v55 =	vld [tilespmem:s14+$0x63A0]  }
0x107: {  	v56 =	vld [tilespmem:s14+$0x8BA0]  }
0x108: {  	v57 =	vld [tilespmem:s14+$0x63B0]  }
0x109: {  	v58 =	vld [tilespmem:s14+$0x8BB0]  }
0x10a: {  	v13 =	vld [tilespmem:s14+$0x63C0]  }
0x10b: {  	v15 =	vld [tilespmem:s14+$0x8BC0]  }
0x10c: {  	v10 =	vld [tilespmem:s14+$0x63D0];
	v4 =	vadd.f32 v5, v4  }
0x10d: {  	v5 =	vadd.f32 v7, v6;
	v60 =	vadd.f32 v11, v8;
	v11 =	vld [tilespmem:s14+$0x8BD0]  }
0x10e: {  	v61 =	vadd.f32 v18, v17;
	v17 =	vld [tilespmem:s14+$0x63E0];
	v63 =	vadd.f32 v20, v19  }
0x10f: {  	v18 =	vld [tilespmem:s14+$0x8BE0];
	v14 =	vadd.f32 v16, v14;
	v59 =	vadd.f32 v22, v21  }
0x110: {  	v19 =	vld [tilespmem:s14+$0x63F0];
	v28 =	vadd.f32 v28, v27;
	v38 =	vadd.f32 v38, v37  }
0x111: {  	v16 =	vld [tilespmem:s14+$0x8BF0];
	v48 =	vadd.f32 v48, v47;
	v54 =	vadd.f32 v54, v53  }
0x112: {  	v20 =	vld [tilespmem:s14+$0x6400];
	v9 =	vadd.f32 v12, v9;
	v13 =	vadd.f32 v15, v13;
	v4 =	vmax.f32 v4, $0.0e+00  }
0x113: {  	v21 =	vld [tilespmem:s14+$0x8C00];
	v5 =	vmax.f32 v5, $0.0e+00;
	v62 =	vmax.f32 v61, $0.0e+00;
	v8 =	vmax.f32 v14, $0.0e+00  }
0x114: {  	v27 =	vld [tilespmem:s14+$0x8C40];
	v7 =	vmax.f32 v59, $0.0e+00;
	v9 =	vmax.f32 v9, $0.0e+00;
	v4 =	vmul.f32 v4, v0  }
0x115: {  	v37 =	vld [tilespmem:s14+$0x6470];
	v13 =	vmax.f32 v13, $0.0e+00;
	v5 =	vmul.f32 v5, v1;
	v6 =	vmul.f32 v62, v0  }
0x116: {  	v47 =	vld [tilespmem:s14+$0x8CB0];
	v8 =	vmul.f32 v8, v3;
	v61 =	vmul.f32 v7, v2;
	v62 =	vadd.f32 v24, v23  }
0x117: {  	v15 =	vld [tilespmem:s14+$0x8CD0];
	v9 =	vmul.f32 v9, v3;
	v4 =	vadd.f32 $0.0e+00, v4;
	v6 =	vadd.f32 $0.0e+00, v6  }
0x118: {  	v14 =	vld [tilespmem:s14+$0x6410];
	v59 =	vmax.f32 v62, $0.0e+00;
	v62 =	vadd.f32 v34, v33;
	v34 =	vadd.f32 v36, v35  }
0x119: {  	v23 =	vld [tilespmem:s14+$0x8C10];
	v13 =	vmul.f32 v13, v2;
	v36 =	vadd.f32 v32, v31;
	v17 =	vadd.f32 v18, v17  }
0x11a: {  	v24 =	vld [tilespmem:s14+$0x6420];
	v16 =	vadd.f32 v16, v19;
	v4 =	vadd.f32 v5, v4;
	v5 =	vmax.f32 v60, $0.0e+00  }
0x11b: {  	v31 =	vld [tilespmem:s14+$0x6450];
	v10 =	vadd.f32 v11, v10;
	v60 =	vadd.f32 v26, v25;
	v5 =	vmul.f32 v5, v2  }
0x11c: {  	v32 =	vld [tilespmem:s14+$0x8C60];
	v33 =	vmax.f32 v62, $0.0e+00;
	v22 =	vmax.f32 v34, $0.0e+00;
	v17 =	vmax.f32 v17, $0.0e+00  }
0x11d: {  	v18 =	vld [tilespmem:s14+$0x64E0];
	v10 =	vmax.f32 v10, $0.0e+00;
	v4 =	vadd.f32 v5, v4;
	v5 =	vmax.f32 v63, $0.0e+00  }
0x11e: {  	v19 =	vld [tilespmem:s14+$0x64F0];
	v22 =	vmul.f32 v22, v1;
	v63 =	vmax.f32 v60, $0.0e+00;
	v5 =	vmul.f32 v5, v1  }
0x11f: {  	v25 =	vld [tilespmem:s14+$0x8C20];
	v14 =	vadd.f32 v23, v14;
	v60 =	vmul.f32 v63, v0;
	v63 =	vadd.f32 v30, v29  }
0x120: {  	v26 =	vld [tilespmem:s14+$0x6430];
	v10 =	vmul.f32 v10, v3;
	v4 =	vadd.f32 v8, v4;
	v5 =	vadd.f32 v5, v6  }
0x121: {  	v34 =	vld [tilespmem:s14+$0x6460];
	v6 =	vmul.f32 v59, v3;
	v7 =	vadd.f32 $0.0e+00, v60;
	v60 =	vadd.f32 v42, v41  }
0x122: {  	v23 =	vld [tilespmem:s14+$0x6520];
	v35 =	vmax.f32 v63, $0.0e+00;
	v63 =	vadd.f32 v44, v43;
	v41 =	vadd.f32 v40, v39  }
0x123: {  	v29 =	vld [tilespmem:s14+$0x6440];
	v59 =	vmax.f32 v36, $0.0e+00;
	v44 =	vadd.f32 v46, v45;
	v45 =	vadd.f32 v50, v49  }
0x124: {  	v39 =	vld [tilespmem:s14+$0x8C80];
	v50 =	vadd.f32 v52, v51;
	v51 =	vmax.f32 v48, $0.0e+00;
	v52 =	vadd.f32 v56, v55  }
0x125: {  	v56 =	vadd.f32 v58, v57;
	v48 =	vld [tilespmem:s14+$0x64C0];
	v57 =	vmax.f32 v54, $0.0e+00;
	v5 =	vadd.f32 v61, v5  }
0x126: {  	v61 =	vmax.f32 v28, $0.0e+00;
	v28 =	vld [tilespmem:s14+$0x8C30];
	v30 =	vmax.f32 v60, $0.0e+00;
	v43 =	vmax.f32 v63, $0.0e+00  }
0x127: {  	v36 =	vmax.f32 v44, $0.0e+00;
	v49 =	vmax.f32 v45, $0.0e+00;
	v40 =	vmax.f32 v50, $0.0e+00;
	v45 =	vld [tilespmem:s14+$0x64B0]  }
0x128: {  	v55 =	vmax.f32 v52, $0.0e+00;
	v58 =	vmax.f32 v56, $0.0e+00;
	v44 =	vld [tilespmem:s14+$0x64D0];
	v60 =	vmax.f32 v16, $0.0e+00  }
0x129: {  	v8 =	vmul.f32 v61, v1;
	v61 =	vmax.f32 v38, $0.0e+00;
	v42 =	vmul.f32 v30, v0;
	v38 =	vld [tilespmem:s14+$0x6480]  }
0x12a: {  	v46 =	vmul.f32 v36, v2;
	v36 =	vld [tilespmem:s14+$0x8CA0];
	v40 =	vmul.f32 v40, v1;
	v27 =	vadd.f32 v27, v29  }
0x12b: {  	v29 =	vld [tilespmem:s14+$0x6540];
	v5 =	vadd.f32 v6, v5;
	v6 =	vmul.f32 v33, v0;
	v62 =	vmul.f32 v61, v2  }
0x12c: {  	v33 =	vld [tilespmem:s14+$0x8C50];
	v61 =	vadd.f32 v21, v20;
	v7 =	vadd.f32 v8, v7;
	v8 =	vmul.f32 v35, v2  }
0x12d: {  	v12 =	vmul.f32 v58, v1;
	v20 =	vld [tilespmem:s14+$0x6500];
	v35 =	vmul.f32 v43, v1;
	v52 =	vmax.f32 v27, $0.0e+00  }
0x12e: {  	v21 =	vld [tilespmem:s14+$0x8D00];
	v6 =	vadd.f32 $0.0e+00, v6;
	v16 =	vmax.f32 v61, $0.0e+00;
	v7 =	vadd.f32 v8, v7  }
0x12f: {  	v43 =	vld [tilespmem:s14+$0x64A0];
	v8 =	vmul.f32 v59, v3;
	v28 =	vadd.f32 v28, v26;
	v15 =	vadd.f32 v15, v44  }
0x130: {  	v27 =	vld [tilespmem:s14+$0x8D40];
	v59 =	vmul.f32 v17, v0;
	v22 =	vadd.f32 v22, v6;
	v54 =	vadd.f32 v39, v38  }
0x131: {  	v30 =	vld [tilespmem:s14+$0x8C70];
	v63 =	vmul.f32 v16, v2;
	v6 =	vadd.f32 v8, v7;
	v8 =	vadd.f32 $0.0e+00, v42  }
0x132: {  	v17 =	vld [tilespmem:s14+$0x8CF0];
	v7 =	vmax.f32 v41, $0.0e+00;
	v11 =	vadd.f32 $0.0e+00, v59;
	v53 =	vadd.f32 v33, v31  }
0x133: {  	v16 =	vld [tilespmem:s14+$0x8D10];
	v15 =	vmax.f32 v15, $0.0e+00;
	v20 =	vadd.f32 v21, v20;
	v22 =	vadd.f32 v62, v22  }
0x134: {  	v41 =	vld [tilespmem:s14+$0x6490];
	v7 =	vmul.f32 v7, v3;
	v62 =	vadd.f32 v25, v24;
	v56 =	vadd.f32 v36, v43  }
0x135: {  	v42 =	vld [tilespmem:s14+$0x8C90];
	v58 =	vmax.f32 v54, $0.0e+00;
	v15 =	vmul.f32 v15, v3;
	v27 =	vadd.f32 v27, v29  }
0x136: {  	v38 =	vld [tilespmem:s14+$0x8D70];
	v8 =	vadd.f32 v35, v8;
	v35 =	vmul.f32 v51, v3;
	v51 =	vadd.f32 v30, v37  }
0x137: {  	v24 =	vld [tilespmem:s14+$0x6510];
	v54 =	vmax.f32 v20, $0.0e+00;
	v7 =	vadd.f32 v7, v22;
	v22 =	vmul.f32 v49, v0  }
0x138: {  	v39 =	vld [tilespmem:s14+$0x6580];
	v25 =	vmax.f32 v62, $0.0e+00;
	v49 =	vadd.f32 v32, v34;
	v30 =	vmax.f32 v56, $0.0e+00  }
0x139: {  	v37 =	vld [tilespmem:s14+$0x6570];
	v17 =	vadd.f32 v17, v19;
	v8 =	vadd.f32 v46, v8;
	v30 =	vmul.f32 v30, v0  }
0x13a: {  	v59 =	vld [tilespmem:s14+$0x8D60];
	v22 =	vadd.f32 $0.0e+00, v22;
	v50 =	vmax.f32 v49, $0.0e+00;
	v61 =	vadd.f32 v42, v41  }
0x13b: {  	v56 =	vld [tilespmem:s14+$0x8DD0];
	v17 =	vmax.f32 v17, $0.0e+00;
	v8 =	vadd.f32 v35, v8;
	v35 =	vmul.f32 v55, v0  }
0x13c: {  	v16 =	vadd.f32 v16, v24;
	v24 =	vld [tilespmem:s14+$0x65D0];
	v22 =	vadd.f32 v40, v22;
	v40 =	vmul.f32 v57, v2  }
0x13d: {  	v55 =	vmax.f32 v53, $0.0e+00;
	v30 =	vadd.f32 $0.0e+00, v30;
	v57 =	vld [tilespmem:s14+$0x6560];
	v35 =	vadd.f32 $0.0e+00, v35  }
0x13e: {  	v46 =	vld [tilespmem:s14+$0x8CC0];
	v17 =	vmul.f32 v17, v1;
	v38 =	vadd.f32 v38, v37;
	v22 =	vadd.f32 v40, v22  }
0x13f: {  	v16 =	vmax.f32 v16, $0.0e+00;
	v40 =	vmax.f32 v14, $0.0e+00;
	v14 =	vld [tilespmem:s14+$0x8D20];
	v12 =	vadd.f32 v12, v35  }
0x140: {  	v16 =	vmul.f32 v16, v3;
	v35 =	vld [tilespmem:s14+$0x8CE0];
	v9 =	vadd.f32 v9, v22;
	v22 =	vmax.f32 v28, $0.0e+00  }
0x141: {  	v49 =	vld [tilespmem:s14+$0x8DA0];
	v56 =	vadd.f32 v56, v24;
	v12 =	vadd.f32 v13, v12;
	v13 =	vmul.f32 v60, v1  }
0x142: {  	v22 =	vmul.f32 v22, v1;
	v60 =	vadd.f32 v47, v45;
	v45 =	vld [tilespmem:s14+$0x8D80];
	v57 =	vadd.f32 v59, v57  }
0x143: {  	v47 =	vld [tilespmem:s14+$0x65A0];
	v59 =	vmax.f32 v27, $0.0e+00;
	v11 =	vadd.f32 v13, v11;
	v10 =	vadd.f32 v10, v12  }
0x144: {  	v26 =	vld [tilespmem:s14+$0x6530];
	v12 =	vmul.f32 v25, v0;
	v13 =	vmul.f32 v40, v3;
	v25 =	vmax.f32 v51, $0.0e+00  }
0x145: {  	v31 =	vld [tilespmem:s14+$0x6550];
	v62 =	vmax.f32 v60, $0.0e+00;
	v14 =	vadd.f32 v14, v23;
	v18 =	vadd.f32 v35, v18  }
0x146: {  	v28 =	vld [tilespmem:s14+$0x8D30];
	v25 =	vmul.f32 v25, v1;
	v11 =	vadd.f32 v63, v11;
	v12 =	vadd.f32 $0.0e+00, v12  }
0x147: {  	v33 =	vld [tilespmem:s14+$0x8D50];
	v63 =	vadd.f32 v46, v48;
	v14 =	vmax.f32 v14, $0.0e+00;
	v18 =	vmax.f32 v18, $0.0e+00  }
0x148: {  	v43 =	vld [tilespmem:s14+$0x6600];
	v14 =	vmul.f32 v14, v0;
	v19 =	vadd.f32 v49, v47;
	v44 =	vadd.f32 v45, v39  }
0x149: {  	v53 =	vld [tilespmem:s14+$0x65C0];
	v11 =	vadd.f32 v13, v11;
	v12 =	vadd.f32 v22, v12;
	v13 =	vmul.f32 v50, v0  }
0x14a: {  	v51 =	vld [tilespmem:s14+$0x8DB0];
	v22 =	vmul.f32 v52, v2;
	v36 =	vmax.f32 v63, $0.0e+00;
	v18 =	vmul.f32 v18, v0  }
0x14b: {  	v45 =	vld [tilespmem:s14+$0x8E00];
	v52 =	vadd.f32 v28, v26;
	v46 =	vmul.f32 v36, v2;
	v19 =	vmax.f32 v19, $0.0e+00  }
0x14c: {  	v50 =	vld [tilespmem:s14+$0x65B0];
	v13 =	vadd.f32 $0.0e+00, v13;
	v12 =	vadd.f32 v22, v12;
	v22 =	vmul.f32 v55, v3  }
0x14d: {  	v35 =	vld [tilespmem:s14+$0x6590];
	v14 =	vadd.f32 $0.0e+00, v14;
	v18 =	vadd.f32 $0.0e+00, v18;
	v19 =	vmul.f32 v19, v0  }
0x14e: {  	v36 =	vld [tilespmem:s14+$0x8D90];
	v13 =	vadd.f32 v25, v13;
	v25 =	vmul.f32 v58, v2;
	v12 =	vadd.f32 v22, v12  }
0x14f: {  	v55 =	vld [tilespmem:s14+$0x8DC0];
	v22 =	vmax.f32 v61, $0.0e+00;
	v17 =	vadd.f32 v17, v18;
	v18 =	vmul.f32 v54, v2  }
0x150: {  	v41 =	vld [tilespmem:s14+$0x8DF0];
	v61 =	vadd.f32 v33, v31;
	v54 =	vadd.f32 v45, v43;
	v22 =	vmul.f32 v22, v3  }
0x151: {  	v60 =	vld [tilespmem:s14+$0x8DE0];
	v21 =	vadd.f32 v51, v50;
	v13 =	vadd.f32 v25, v13;
	v25 =	vmul.f32 v62, v1  }
0x152: {  	v58 =	vld [tilespmem:s14+$0x65E0];
	v17 =	vadd.f32 v18, v17;
	v18 =	vmax.f32 v57, $0.0e+00;
	v42 =	vmax.f32 v61, $0.0e+00  }
0x153: {  	v47 =	vld [tilespmem:s14+$0x8E10];
	v50 =	vadd.f32 v36, v35;
	v57 =	vmax.f32 v54, $0.0e+00;
	v25 =	vadd.f32 v25, v30  }
0x154: {  	v62 =	vld [tilespmem:s14+$0x65F0];
	v63 =	vmul.f32 v18, v0;
	v18 =	vmax.f32 v38, $0.0e+00;
	v51 =	vadd.f32 v55, v53  }
0x155: {  	v13 =	vadd.f32 v22, v13;
	v22 =	vmax.f32 v52, $0.0e+00;
	v48 =	vadd.f32 v46, v25;
	v46 =	vld [tilespmem:s14+$0x6610];
	[tilespmem:s20+$0xFFFFFF80] =	vst v4  }
0x156: {  	v16 =	vadd.f32 v16, v17;
	v18 =	vmul.f32 v18, v1;
	v30 =	vmax.f32 v44, $0.0e+00;
	[tilespmem:s20+$0xFFFFFF90] =	vst v5  }
0x157: {  	v22 =	vmul.f32 v22, v1;
	v17 =	vadd.f32 $0.0e+00, v63;
	v49 =	vadd.f32 v60, v58;
	[tilespmem:s20+$0xFFFFFFA0] =	vst v6  }
0x158: {  	v4 =	vmul.f32 v30, v2;
	v5 =	vadd.f32 $0.0e+00, v19;
	[tilespmem:s20+$0xFFFFFFB0] =	vst v7;
	v6 =	vmax.f32 v50, $0.0e+00  }
0x159: {  	v7 =	vmax.f32 v51, $0.0e+00;
	[tilespmem:s20+$0xFFFFFFE0] =	vst v10;
	v10 =	vmax.f32 v56, $0.0e+00;
	v14 =	vadd.f32 v22, v14  }
0x15a: {  	v22 =	vmul.f32 v59, v2;
	v17 =	vadd.f32 v18, v17;
	v52 =	vadd.f32 v41, v62  }
0x15b: {  	v53 =	vmax.f32 v49, $0.0e+00;
	v6 =	vmul.f32 v6, v3;
	v7 =	vmul.f32 v7, v2  }
0x15c: {  	[tilespmem:s20+$0xFFFFFFC0] =	vst v8;
	v15 =	vadd.f32 v15, v48;
	v48 =	vmax.f32 v21, $0.0e+00;
	v8 =	vmul.f32 v53, v0  }
0x15d: {  	[tilespmem:s20+$0xFFFFFFD0] =	vst v9;
	v59 =	vmul.f32 v57, v2;
	v18 =	vmul.f32 v48, v1;
	v55 =	vmax.f32 v52, $0.0e+00  }
0x15e: {  	[tilespmem:s20+$0xFFFFFFF0] =	vst v11;
	v14 =	vadd.f32 v22, v14;
	v8 =	vadd.f32 $0.0e+00, v8;
	v9 =	vmul.f32 v55, v1  }
0x15f: {  	[tilespmem:s20+$0x0] =	vst v12;
	v22 =	vmul.f32 v42, v3;
	v5 =	vadd.f32 v18, v5;
	v58 =	vadd.f32 v47, v46  }
0x160: {  	[tilespmem:s20+$0x10] =	vst v13;
	v60 =	vmul.f32 v10, v3;
	v4 =	vadd.f32 v4, v17;
	v8 =	vadd.f32 v9, v8  }
0x161: {  	p0 =	sne.s32 s15, $0x4000;
	[tilespmem:s20+$0x30] =	vst v16;
	v14 =	vadd.f32 v22, v14;
	v5 =	vadd.f32 v7, v5;
	v61 =	vmax.f32 v58, $0.0e+00  }
.Ltmp1:
0x162: {  	[tilespmem:s20+$0x20] =	vst v15;
	v4 =	vadd.f32 v6, v4;
	v62 =	vadd.f32 v59, v8;
	v63 =	vmul.f32 v61, v3;
	(pc) =	sbr.rel @p0 .LBB2_5-.Ltmp1, $4  }
0x163: {  	[tilespmem:s20+$0x40] =	vst v14;
	v5 =	vadd.f32 v60, v5  }
0x164: {  	[tilespmem:s20+$0x50] =	vst v4;
	v6 =	vadd.f32 v63, v62  }
0x165: {  	[tilespmem:s20+$0x60] =	vst v5  }
0x166: {  	s15 =	sadd.s32 $0x1000, s15;
	[tilespmem:s20+$0x70] =	vst v6;
	s20 =	sadd.s32 $0x100, s20  }
0x167: {  	p0 =	seq.s32 s1, $0x3D  }
.Ltmp2:
0x168: {  	s2 =	sadd.s32 s2, s10;
	(pc) =	sbr.rel @p0 .LBB2_8-.Ltmp2, $4  }
0x169: {  	s2 =	sshll.u32 s2, $0x4  }
0x16a: {  	s2 =	sand.u32 $0x1FFFFFE0, s2  }
0x16b: {  	s2 =	sadd.s32 s7, s2  }
0x16c: {  	[hbm4b:s2+s3] =	stream.linear.scatter [tilespmem:s28], [sflag:$0x6], $0x500, $0x38;
	[tilespmem:$0xA860] =	vst v63  }
.Ltmp3:
0x16d: {  	(pc) =	sbr.rel .LBB2_2-.Ltmp3, $4  }
0x16e: {  	s2 =	sadd.s32 $0xF0, s0  }
0x16f: {  	[tilespmem:s19], [sflag:$0x2] =	stream.indirect.gather [hbm4b:s5+s16], $0x40, s2, s16, $0xb8;
	[tilespmem:$0xA860] =	vst v63  }
0x170: {  	s20 =	sadd.s32 $0x2800, s0;
	s1 =	sadd.s32 $0x1, s1  }
0x171: {  	[tilespmem:s21], [sflag:$0x4] =	stream.indirect.gather [hbm4b:s6+s16], $0x40, s20, s16, $0xb8;
	[tilespmem:$0xA860] =	vst v63  }
.LBB2_8:
0x172: {  	_ =	swait.ge [sflag:s29], $0x500  }
0x173: {  	[sflag:s29] =	ssyncset.done $0x0  }
0x174: {  	[sflag:s29] =	ssyncadd.s32 $0xFFFFFB00  }
0x175: {  	_ =	swait.ge [sflag:s22], $0x1400  }
0x176: {  	[sflag:s22] =	ssyncset.done $0x0  }
0x177: {  	[sflag:s22] =	ssyncadd.s32 $0xFFFFEC00  }
0x178: {  	_ =	swait.ge [sflag:s23], $0x1400  }
0x179: {  	[sflag:s23] =	ssyncset.done $0x0  }
0x17a: {  	s0 =	simm.s32 $0x0;
	s1 =	simm.s32 $0x9EA0;
	[sflag:s23] =	ssyncadd.s32 $0xFFFFEC00  }
.LBB2_9:
0x17b: {  	s2 =	sshra.s32 s0, $0x2  }
0x17c: {  	v4 =	vld [tilespmem:s2+$0x4E20]  }
0x17d: {  	v5 =	vld [tilespmem:s2+$0x7620]  }
0x17e: {  	v6 =	vld [tilespmem:s2+$0x4E30]  }
0x17f: {  	v7 =	vld [tilespmem:s2+$0x7630]  }
0x180: {  	v8 =	vld [tilespmem:s2+$0x4E40]  }
0x181: {  	v11 =	vld [tilespmem:s2+$0x7640]  }
0x182: {  	v14 =	vld [tilespmem:s2+$0x4E50]  }
0x183: {  	v16 =	vld [tilespmem:s2+$0x7650]  }
0x184: {  	v17 =	vld [tilespmem:s2+$0x4E60]  }
0x185: {  	v18 =	vld [tilespmem:s2+$0x7660]  }
0x186: {  	v19 =	vld [tilespmem:s2+$0x4E70]  }
0x187: {  	v20 =	vld [tilespmem:s2+$0x7670]  }
0x188: {  	v21 =	vld [tilespmem:s2+$0x4E80]  }
0x189: {  	v22 =	vld [tilespmem:s2+$0x7680]  }
0x18a: {  	v23 =	vld [tilespmem:s2+$0x4E90]  }
0x18b: {  	v24 =	vld [tilespmem:s2+$0x7690]  }
0x18c: {  	v25 =	vld [tilespmem:s2+$0x4EA0]  }
0x18d: {  	v26 =	vld [tilespmem:s2+$0x76A0]  }
0x18e: {  	v27 =	vld [tilespmem:s2+$0x4EB0]  }
0x18f: {  	v28 =	vld [tilespmem:s2+$0x76B0]  }
0x190: {  	v29 =	vld [tilespmem:s2+$0x4EC0]  }
0x191: {  	v30 =	vld [tilespmem:s2+$0x76C0]  }
0x192: {  	v31 =	vld [tilespmem:s2+$0x4ED0]  }
0x193: {  	v32 =	vld [tilespmem:s2+$0x76D0]  }
0x194: {  	v33 =	vld [tilespmem:s2+$0x4EE0]  }
0x195: {  	v34 =	vld [tilespmem:s2+$0x76E0]  }
0x196: {  	v35 =	vld [tilespmem:s2+$0x4EF0]  }
0x197: {  	v36 =	vld [tilespmem:s2+$0x76F0]  }
0x198: {  	v37 =	vld [tilespmem:s2+$0x4F00]  }
0x199: {  	v38 =	vld [tilespmem:s2+$0x7700]  }
0x19a: {  	v39 =	vld [tilespmem:s2+$0x4F10]  }
0x19b: {  	v40 =	vld [tilespmem:s2+$0x7710]  }
0x19c: {  	v41 =	vld [tilespmem:s2+$0x4F20]  }
0x19d: {  	v42 =	vld [tilespmem:s2+$0x7720]  }
0x19e: {  	v43 =	vld [tilespmem:s2+$0x4F30]  }
0x19f: {  	v44 =	vld [tilespmem:s2+$0x7730]  }
0x1a0: {  	v45 =	vld [tilespmem:s2+$0x4F40]  }
0x1a1: {  	v46 =	vld [tilespmem:s2+$0x7740]  }
0x1a2: {  	v47 =	vld [tilespmem:s2+$0x4F50]  }
0x1a3: {  	v48 =	vld [tilespmem:s2+$0x7750]  }
0x1a4: {  	v49 =	vld [tilespmem:s2+$0x4F60]  }
0x1a5: {  	v50 =	vld [tilespmem:s2+$0x7760]  }
0x1a6: {  	v51 =	vld [tilespmem:s2+$0x4F70]  }
0x1a7: {  	v52 =	vld [tilespmem:s2+$0x7770]  }
0x1a8: {  	v53 =	vld [tilespmem:s2+$0x4F80]  }
0x1a9: {  	v54 =	vld [tilespmem:s2+$0x7780]  }
0x1aa: {  	v9 =	vld [tilespmem:s2+$0x4F90]  }
0x1ab: {  	v12 =	vld [tilespmem:s2+$0x7790]  }
0x1ac: {  	v55 =	vld [tilespmem:s2+$0x4FA0]  }
0x1ad: {  	v56 =	vld [tilespmem:s2+$0x77A0]  }
0x1ae: {  	v57 =	vld [tilespmem:s2+$0x4FB0]  }
0x1af: {  	v58 =	vld [tilespmem:s2+$0x77B0]  }
0x1b0: {  	v13 =	vld [tilespmem:s2+$0x4FC0]  }
0x1b1: {  	v15 =	vld [tilespmem:s2+$0x77C0]  }
0x1b2: {  	v10 =	vld [tilespmem:s2+$0x4FD0];
	v4 =	vadd.f32 v5, v4  }
0x1b3: {  	v5 =	vadd.f32 v7, v6;
	v60 =	vadd.f32 v11, v8;
	v11 =	vld [tilespmem:s2+$0x77D0]  }
0x1b4: {  	v61 =	vadd.f32 v18, v17;
	v17 =	vld [tilespmem:s2+$0x4FE0];
	v63 =	vadd.f32 v20, v19  }
0x1b5: {  	v18 =	vld [tilespmem:s2+$0x77E0];
	v14 =	vadd.f32 v16, v14;
	v59 =	vadd.f32 v22, v21  }
0x1b6: {  	v19 =	vld [tilespmem:s2+$0x4FF0];
	v28 =	vadd.f32 v28, v27;
	v38 =	vadd.f32 v38, v37  }
0x1b7: {  	v16 =	vld [tilespmem:s2+$0x77F0];
	v48 =	vadd.f32 v48, v47;
	v54 =	vadd.f32 v54, v53  }
0x1b8: {  	v20 =	vld [tilespmem:s2+$0x5000];
	v9 =	vadd.f32 v12, v9;
	v13 =	vadd.f32 v15, v13;
	v4 =	vmax.f32 v4, $0.0e+00  }
0x1b9: {  	v21 =	vld [tilespmem:s2+$0x7800];
	v5 =	vmax.f32 v5, $0.0e+00;
	v62 =	vmax.f32 v61, $0.0e+00;
	v8 =	vmax.f32 v14, $0.0e+00  }
0x1ba: {  	v27 =	vld [tilespmem:s2+$0x7840];
	v7 =	vmax.f32 v59, $0.0e+00;
	v9 =	vmax.f32 v9, $0.0e+00;
	v4 =	vmul.f32 v4, v0  }
0x1bb: {  	v37 =	vld [tilespmem:s2+$0x5070];
	v13 =	vmax.f32 v13, $0.0e+00;
	v5 =	vmul.f32 v5, v1;
	v6 =	vmul.f32 v62, v0  }
0x1bc: {  	v47 =	vld [tilespmem:s2+$0x78B0];
	v8 =	vmul.f32 v8, v3;
	v61 =	vmul.f32 v7, v2;
	v62 =	vadd.f32 v24, v23  }
0x1bd: {  	v15 =	vld [tilespmem:s2+$0x78D0];
	v9 =	vmul.f32 v9, v3;
	v4 =	vadd.f32 $0.0e+00, v4;
	v6 =	vadd.f32 $0.0e+00, v6  }
0x1be: {  	v14 =	vld [tilespmem:s2+$0x5010];
	v59 =	vmax.f32 v62, $0.0e+00;
	v62 =	vadd.f32 v34, v33;
	v34 =	vadd.f32 v36, v35  }
0x1bf: {  	v23 =	vld [tilespmem:s2+$0x7810];
	v13 =	vmul.f32 v13, v2;
	v36 =	vadd.f32 v32, v31;
	v17 =	vadd.f32 v18, v17  }
0x1c0: {  	v24 =	vld [tilespmem:s2+$0x5020];
	v16 =	vadd.f32 v16, v19;
	v4 =	vadd.f32 v5, v4;
	v5 =	vmax.f32 v60, $0.0e+00  }
0x1c1: {  	v31 =	vld [tilespmem:s2+$0x5050];
	v10 =	vadd.f32 v11, v10;
	v60 =	vadd.f32 v26, v25;
	v5 =	vmul.f32 v5, v2  }
0x1c2: {  	v32 =	vld [tilespmem:s2+$0x7860];
	v33 =	vmax.f32 v62, $0.0e+00;
	v22 =	vmax.f32 v34, $0.0e+00;
	v17 =	vmax.f32 v17, $0.0e+00  }
0x1c3: {  	v18 =	vld [tilespmem:s2+$0x50E0];
	v10 =	vmax.f32 v10, $0.0e+00;
	v4 =	vadd.f32 v5, v4;
	v5 =	vmax.f32 v63, $0.0e+00  }
0x1c4: {  	v19 =	vld [tilespmem:s2+$0x50F0];
	v22 =	vmul.f32 v22, v1;
	v63 =	vmax.f32 v60, $0.0e+00;
	v5 =	vmul.f32 v5, v1  }
0x1c5: {  	v25 =	vld [tilespmem:s2+$0x7820];
	v14 =	vadd.f32 v23, v14;
	v60 =	vmul.f32 v63, v0;
	v63 =	vadd.f32 v30, v29  }
0x1c6: {  	v26 =	vld [tilespmem:s2+$0x5030];
	v10 =	vmul.f32 v10, v3;
	v4 =	vadd.f32 v8, v4;
	v5 =	vadd.f32 v5, v6  }
0x1c7: {  	v34 =	vld [tilespmem:s2+$0x5060];
	v6 =	vmul.f32 v59, v3;
	v7 =	vadd.f32 $0.0e+00, v60;
	v60 =	vadd.f32 v42, v41  }
0x1c8: {  	v23 =	vld [tilespmem:s2+$0x5120];
	v35 =	vmax.f32 v63, $0.0e+00;
	v63 =	vadd.f32 v44, v43;
	v41 =	vadd.f32 v40, v39  }
0x1c9: {  	v29 =	vld [tilespmem:s2+$0x5040];
	v59 =	vmax.f32 v36, $0.0e+00;
	v44 =	vadd.f32 v46, v45;
	v45 =	vadd.f32 v50, v49  }
0x1ca: {  	v39 =	vld [tilespmem:s2+$0x7880];
	v50 =	vadd.f32 v52, v51;
	v51 =	vmax.f32 v48, $0.0e+00;
	v52 =	vadd.f32 v56, v55  }
0x1cb: {  	v56 =	vadd.f32 v58, v57;
	v48 =	vld [tilespmem:s2+$0x50C0];
	v57 =	vmax.f32 v54, $0.0e+00;
	v5 =	vadd.f32 v61, v5  }
0x1cc: {  	v61 =	vmax.f32 v28, $0.0e+00;
	v28 =	vld [tilespmem:s2+$0x7830];
	v30 =	vmax.f32 v60, $0.0e+00;
	v43 =	vmax.f32 v63, $0.0e+00  }
0x1cd: {  	v36 =	vmax.f32 v44, $0.0e+00;
	v49 =	vmax.f32 v45, $0.0e+00;
	v40 =	vmax.f32 v50, $0.0e+00;
	v45 =	vld [tilespmem:s2+$0x50B0]  }
0x1ce: {  	v55 =	vmax.f32 v52, $0.0e+00;
	v58 =	vmax.f32 v56, $0.0e+00;
	v44 =	vld [tilespmem:s2+$0x50D0];
	v60 =	vmax.f32 v16, $0.0e+00  }
0x1cf: {  	v8 =	vmul.f32 v61, v1;
	v61 =	vmax.f32 v38, $0.0e+00;
	v42 =	vmul.f32 v30, v0;
	v38 =	vld [tilespmem:s2+$0x5080]  }
0x1d0: {  	v46 =	vmul.f32 v36, v2;
	v36 =	vld [tilespmem:s2+$0x78A0];
	v40 =	vmul.f32 v40, v1;
	v27 =	vadd.f32 v27, v29  }
0x1d1: {  	v29 =	vld [tilespmem:s2+$0x5140];
	v5 =	vadd.f32 v6, v5;
	v6 =	vmul.f32 v33, v0;
	v62 =	vmul.f32 v61, v2  }
0x1d2: {  	v33 =	vld [tilespmem:s2+$0x7850];
	v61 =	vadd.f32 v21, v20;
	v7 =	vadd.f32 v8, v7;
	v8 =	vmul.f32 v35, v2  }
0x1d3: {  	v12 =	vmul.f32 v58, v1;
	v20 =	vld [tilespmem:s2+$0x5100];
	v35 =	vmul.f32 v43, v1;
	v52 =	vmax.f32 v27, $0.0e+00  }
0x1d4: {  	v21 =	vld [tilespmem:s2+$0x7900];
	v6 =	vadd.f32 $0.0e+00, v6;
	v16 =	vmax.f32 v61, $0.0e+00;
	v7 =	vadd.f32 v8, v7  }
0x1d5: {  	v43 =	vld [tilespmem:s2+$0x50A0];
	v8 =	vmul.f32 v59, v3;
	v28 =	vadd.f32 v28, v26;
	v15 =	vadd.f32 v15, v44  }
0x1d6: {  	v27 =	vld [tilespmem:s2+$0x7940];
	v59 =	vmul.f32 v17, v0;
	v22 =	vadd.f32 v22, v6;
	v54 =	vadd.f32 v39, v38  }
0x1d7: {  	v30 =	vld [tilespmem:s2+$0x7870];
	v63 =	vmul.f32 v16, v2;
	v6 =	vadd.f32 v8, v7;
	v8 =	vadd.f32 $0.0e+00, v42  }
0x1d8: {  	v17 =	vld [tilespmem:s2+$0x78F0];
	v7 =	vmax.f32 v41, $0.0e+00;
	v11 =	vadd.f32 $0.0e+00, v59;
	v53 =	vadd.f32 v33, v31  }
0x1d9: {  	v16 =	vld [tilespmem:s2+$0x7910];
	v15 =	vmax.f32 v15, $0.0e+00;
	v20 =	vadd.f32 v21, v20;
	v22 =	vadd.f32 v62, v22  }
0x1da: {  	v41 =	vld [tilespmem:s2+$0x5090];
	v7 =	vmul.f32 v7, v3;
	v62 =	vadd.f32 v25, v24;
	v56 =	vadd.f32 v36, v43  }
0x1db: {  	v42 =	vld [tilespmem:s2+$0x7890];
	v58 =	vmax.f32 v54, $0.0e+00;
	v15 =	vmul.f32 v15, v3;
	v27 =	vadd.f32 v27, v29  }
0x1dc: {  	v38 =	vld [tilespmem:s2+$0x7970];
	v8 =	vadd.f32 v35, v8;
	v35 =	vmul.f32 v51, v3;
	v51 =	vadd.f32 v30, v37  }
0x1dd: {  	v24 =	vld [tilespmem:s2+$0x5110];
	v54 =	vmax.f32 v20, $0.0e+00;
	v7 =	vadd.f32 v7, v22;
	v22 =	vmul.f32 v49, v0  }
0x1de: {  	v39 =	vld [tilespmem:s2+$0x5180];
	v25 =	vmax.f32 v62, $0.0e+00;
	v49 =	vadd.f32 v32, v34;
	v30 =	vmax.f32 v56, $0.0e+00  }
0x1df: {  	v37 =	vld [tilespmem:s2+$0x5170];
	v17 =	vadd.f32 v17, v19;
	v8 =	vadd.f32 v46, v8;
	v30 =	vmul.f32 v30, v0  }
0x1e0: {  	v59 =	vld [tilespmem:s2+$0x7960];
	v22 =	vadd.f32 $0.0e+00, v22;
	v50 =	vmax.f32 v49, $0.0e+00;
	v61 =	vadd.f32 v42, v41  }
0x1e1: {  	v56 =	vld [tilespmem:s2+$0x79D0];
	v17 =	vmax.f32 v17, $0.0e+00;
	v8 =	vadd.f32 v35, v8;
	v35 =	vmul.f32 v55, v0  }
0x1e2: {  	v16 =	vadd.f32 v16, v24;
	v24 =	vld [tilespmem:s2+$0x51D0];
	v22 =	vadd.f32 v40, v22;
	v40 =	vmul.f32 v57, v2  }
0x1e3: {  	v55 =	vmax.f32 v53, $0.0e+00;
	v30 =	vadd.f32 $0.0e+00, v30;
	v57 =	vld [tilespmem:s2+$0x5160];
	v35 =	vadd.f32 $0.0e+00, v35  }
0x1e4: {  	v46 =	vld [tilespmem:s2+$0x78C0];
	v17 =	vmul.f32 v17, v1;
	v38 =	vadd.f32 v38, v37;
	v22 =	vadd.f32 v40, v22  }
0x1e5: {  	v16 =	vmax.f32 v16, $0.0e+00;
	v40 =	vmax.f32 v14, $0.0e+00;
	v14 =	vld [tilespmem:s2+$0x7920];
	v12 =	vadd.f32 v12, v35  }
0x1e6: {  	v16 =	vmul.f32 v16, v3;
	v35 =	vld [tilespmem:s2+$0x78E0];
	v9 =	vadd.f32 v9, v22;
	v22 =	vmax.f32 v28, $0.0e+00  }
0x1e7: {  	v49 =	vld [tilespmem:s2+$0x79A0];
	v56 =	vadd.f32 v56, v24;
	v12 =	vadd.f32 v13, v12;
	v13 =	vmul.f32 v60, v1  }
0x1e8: {  	v22 =	vmul.f32 v22, v1;
	v60 =	vadd.f32 v47, v45;
	v45 =	vld [tilespmem:s2+$0x7980];
	v57 =	vadd.f32 v59, v57  }
0x1e9: {  	v47 =	vld [tilespmem:s2+$0x51A0];
	v59 =	vmax.f32 v27, $0.0e+00;
	v11 =	vadd.f32 v13, v11;
	v10 =	vadd.f32 v10, v12  }
0x1ea: {  	v26 =	vld [tilespmem:s2+$0x5130];
	v12 =	vmul.f32 v25, v0;
	v13 =	vmul.f32 v40, v3;
	v25 =	vmax.f32 v51, $0.0e+00  }
0x1eb: {  	v31 =	vld [tilespmem:s2+$0x5150];
	v62 =	vmax.f32 v60, $0.0e+00;
	v14 =	vadd.f32 v14, v23;
	v18 =	vadd.f32 v35, v18  }
0x1ec: {  	v28 =	vld [tilespmem:s2+$0x7930];
	v25 =	vmul.f32 v25, v1;
	v11 =	vadd.f32 v63, v11;
	v12 =	vadd.f32 $0.0e+00, v12  }
0x1ed: {  	v33 =	vld [tilespmem:s2+$0x7950];
	v63 =	vadd.f32 v46, v48;
	v14 =	vmax.f32 v14, $0.0e+00;
	v18 =	vmax.f32 v18, $0.0e+00  }
0x1ee: {  	v43 =	vld [tilespmem:s2+$0x5200];
	v14 =	vmul.f32 v14, v0;
	v19 =	vadd.f32 v49, v47;
	v44 =	vadd.f32 v45, v39  }
0x1ef: {  	v53 =	vld [tilespmem:s2+$0x51C0];
	v11 =	vadd.f32 v13, v11;
	v12 =	vadd.f32 v22, v12;
	v13 =	vmul.f32 v50, v0  }
0x1f0: {  	v51 =	vld [tilespmem:s2+$0x79B0];
	v22 =	vmul.f32 v52, v2;
	v36 =	vmax.f32 v63, $0.0e+00;
	v18 =	vmul.f32 v18, v0  }
0x1f1: {  	v45 =	vld [tilespmem:s2+$0x7A00];
	v52 =	vadd.f32 v28, v26;
	v46 =	vmul.f32 v36, v2;
	v19 =	vmax.f32 v19, $0.0e+00  }
0x1f2: {  	v50 =	vld [tilespmem:s2+$0x51B0];
	v13 =	vadd.f32 $0.0e+00, v13;
	v12 =	vadd.f32 v22, v12;
	v22 =	vmul.f32 v55, v3  }
0x1f3: {  	v35 =	vld [tilespmem:s2+$0x5190];
	v14 =	vadd.f32 $0.0e+00, v14;
	v18 =	vadd.f32 $0.0e+00, v18;
	v19 =	vmul.f32 v19, v0  }
0x1f4: {  	v36 =	vld [tilespmem:s2+$0x7990];
	v13 =	vadd.f32 v25, v13;
	v25 =	vmul.f32 v58, v2;
	v12 =	vadd.f32 v22, v12  }
0x1f5: {  	v55 =	vld [tilespmem:s2+$0x79C0];
	v22 =	vmax.f32 v61, $0.0e+00;
	v17 =	vadd.f32 v17, v18;
	v18 =	vmul.f32 v54, v2  }
0x1f6: {  	v41 =	vld [tilespmem:s2+$0x79F0];
	v61 =	vadd.f32 v33, v31;
	v54 =	vadd.f32 v45, v43;
	v22 =	vmul.f32 v22, v3  }
0x1f7: {  	v60 =	vld [tilespmem:s2+$0x79E0];
	v21 =	vadd.f32 v51, v50;
	v13 =	vadd.f32 v25, v13;
	v25 =	vmul.f32 v62, v1  }
0x1f8: {  	v58 =	vld [tilespmem:s2+$0x51E0];
	v17 =	vadd.f32 v18, v17;
	v18 =	vmax.f32 v57, $0.0e+00;
	v42 =	vmax.f32 v61, $0.0e+00  }
0x1f9: {  	v47 =	vld [tilespmem:s2+$0x7A10];
	v50 =	vadd.f32 v36, v35;
	v57 =	vmax.f32 v54, $0.0e+00;
	v25 =	vadd.f32 v25, v30  }
0x1fa: {  	v62 =	vld [tilespmem:s2+$0x51F0];
	v63 =	vmul.f32 v18, v0;
	v18 =	vmax.f32 v38, $0.0e+00;
	v51 =	vadd.f32 v55, v53  }
0x1fb: {  	v13 =	vadd.f32 v22, v13;
	v22 =	vmax.f32 v52, $0.0e+00;
	v48 =	vadd.f32 v46, v25;
	v46 =	vld [tilespmem:s2+$0x5210];
	[tilespmem:s1+$0xFFFFFF80] =	vst v4  }
0x1fc: {  	v16 =	vadd.f32 v16, v17;
	v18 =	vmul.f32 v18, v1;
	v30 =	vmax.f32 v44, $0.0e+00;
	[tilespmem:s1+$0xFFFFFF90] =	vst v5  }
0x1fd: {  	v22 =	vmul.f32 v22, v1;
	v17 =	vadd.f32 $0.0e+00, v63;
	v49 =	vadd.f32 v60, v58;
	[tilespmem:s1+$0xFFFFFFA0] =	vst v6  }
0x1fe: {  	v4 =	vmul.f32 v30, v2;
	v5 =	vadd.f32 $0.0e+00, v19;
	[tilespmem:s1+$0xFFFFFFB0] =	vst v7;
	v6 =	vmax.f32 v50, $0.0e+00  }
0x1ff: {  	v7 =	vmax.f32 v51, $0.0e+00;
	[tilespmem:s1+$0xFFFFFFE0] =	vst v10;
	v10 =	vmax.f32 v56, $0.0e+00;
	v14 =	vadd.f32 v22, v14  }
0x200: {  	v22 =	vmul.f32 v59, v2;
	v17 =	vadd.f32 v18, v17;
	v52 =	vadd.f32 v41, v62  }
0x201: {  	v53 =	vmax.f32 v49, $0.0e+00;
	v6 =	vmul.f32 v6, v3;
	v7 =	vmul.f32 v7, v2  }
0x202: {  	[tilespmem:s1+$0xFFFFFFC0] =	vst v8;
	v15 =	vadd.f32 v15, v48;
	v48 =	vmax.f32 v21, $0.0e+00;
	v8 =	vmul.f32 v53, v0  }
0x203: {  	[tilespmem:s1+$0xFFFFFFD0] =	vst v9;
	v59 =	vmul.f32 v57, v2;
	v18 =	vmul.f32 v48, v1;
	v55 =	vmax.f32 v52, $0.0e+00  }
0x204: {  	[tilespmem:s1+$0xFFFFFFF0] =	vst v11;
	v14 =	vadd.f32 v22, v14;
	v8 =	vadd.f32 $0.0e+00, v8;
	v9 =	vmul.f32 v55, v1  }
0x205: {  	[tilespmem:s1+$0x0] =	vst v12;
	v22 =	vmul.f32 v42, v3;
	v5 =	vadd.f32 v18, v5;
	v58 =	vadd.f32 v47, v46  }
0x206: {  	[tilespmem:s1+$0x10] =	vst v13;
	v60 =	vmul.f32 v10, v3;
	v4 =	vadd.f32 v4, v17;
	v8 =	vadd.f32 v9, v8  }
0x207: {  	p0 =	sne.s32 s0, $0x4000;
	[tilespmem:s1+$0x30] =	vst v16;
	v14 =	vadd.f32 v22, v14;
	v5 =	vadd.f32 v7, v5;
	v61 =	vmax.f32 v58, $0.0e+00  }
.Ltmp4:
0x208: {  	[tilespmem:s1+$0x20] =	vst v15;
	v4 =	vadd.f32 v6, v4;
	v62 =	vadd.f32 v59, v8;
	v63 =	vmul.f32 v61, v3;
	(pc) =	sbr.rel @p0 .LBB2_9-.Ltmp4, $4  }
0x209: {  	[tilespmem:s1+$0x40] =	vst v14;
	v5 =	vadd.f32 v60, v5  }
0x20a: {  	[tilespmem:s1+$0x50] =	vst v4;
	v6 =	vadd.f32 v63, v62  }
0x20b: {  	[tilespmem:s1+$0x60] =	vst v5  }
0x20c: {  	s0 =	sadd.s32 $0x1000, s0;
	[tilespmem:s1+$0x70] =	vst v6;
	s1 =	sadd.s32 $0x100, s1  }
0x20d: {  	[hbm4b:s11+s3] =	stream.linear.scatter [tilespmem:s24], [sflag:$0x5], $0x500, $0x38;
	[tilespmem:$0xA860] =	vst v63  }
0x20e: {  	s31 =	sadd.s32 $0x1, s31  }
0x20f: {  	_ =	swait.ge [sflag:s30], $0x500;
	p0 =	sne.s32 s31, s12  }
.Ltmp5:
0x210: {  	[sflag:s30] =	ssyncset.done $0x0;
	(pc) =	sbr.rel @p0 .LBB2_1-.Ltmp5, $4  }
0x211: {  	[sflag:s30] =	ssyncadd.s32 $0xFFFFFB00  }
0x212: {  	_ =	swait.ge [sflag:s29], $0x500  }
0x213: {  	[sflag:s29] =	ssyncset.done $0x0  }
0x214: {  	[sflag:s29] =	ssyncadd.s32 $0xFFFFFB00  }
0x215: {  	_ =	sfence.sel $0x180000  }
0x216: {  	[bflag:$0x0] =	sbarrier.arrive $0xFFFF  }
0x217: {  	_ =	strace $0x9000004D  }
0x218: {  	s0 =	stileid.u32;
	[bflag:$0x2] =	sbarrier.arrive $0xFFFF  }
0x219: {  	p0 =	sne.s32 s0, $0x0;
	s0 =	rddreg [dreg:$0x2]  }
0x21a: {  	s0 =	sadd.s32 @!p0 $0x100000, s0  }
0x21b: {  	[sflag:s0] =	ssyncadd.tile.s32 @!p0 $0x1;
	_ =	shalt  }
.Lfunc_end2:
_tile_overlayer_lowered:
.L_overlay_start_2:
0x21c: {  	(tag) =	ssettag $0x2  }
0x21d: {  	s0 =	rddreg [dreg:$0x0];
	s2 =	stileid.u32  }
0x21e: {  	s1 =	rddreg [dreg:$0x1];
	p0 =	sne.s32 s2, $0x0  }
0x21f: {  	s3 =	rddreg [dreg:$0x2];
	[bflag:$0x3] =	sbarrier.arrive $0xFFFF;
	s2 =	simm.s32 @!p0 $0x1C07  }
0x220: {  	[timem:s3], [sflag:s2] =	dma.local @!p0 [hbm:s0], s1  }
0x221: {  	s0 =	simm.s32 @!p0 $0x7  }
0x222: {  	_ =	swait.ge @!p0 [sflag:s0], s1  }
0x223: {  	s1 =	ssub.s32 @!p0 $0x0, s1;
	[sflag:s0] =	ssyncset.done @!p0 $0x0  }
0x224: {  	[sflag:s0] =	ssyncadd.s32 @!p0 s1  }
0x225: {  	[bflag:$0x3] =	sbarrier.arrive $0xFFFF  }
0x226: {  	_ =	shalt  }

// kernel: kernel.9.cloned.1.call-start
scs
__scs_entry_jumppad:
0x0: {  	(pc) =	sbr.rel $0x88, $3  }
0x1: {  	(tag) =	ssettag $0x0;
	lr =	simm.s32 $0x1  }
0x2: {  	[smem:$0x3F94] =	sst lr;
	_ =	strace $0xD0000000  }
0x3: {  	_ = 	snop  }
0x4: {  	_ = 	snop  }
0x5: {  	_ = 	snop  }
0x6: {  	_ = 	snop  }
0x7: {  	_ = 	snop  }
__scs_overlays_trampoline_lowered:
0x8: {  	[smem:$0x3FA3] =	sst s0  }
0x9: {  	[smem:$0x3FA4] =	sst s1  }
0xa: {  	[smem:$0x3FA5] =	sst s2  }
0xb: {  	[smem:$0x3FA6] =	sst s3  }
0xc: {  	[smem:$0x3FA7] =	sst s4  }
0xd: {  	[smem:$0x3FA8] =	sst s5  }
0xe: {  	[smem:$0x3FA9] =	sst s6  }
0xf: {  	[smem:$0x3FAA] =	sst s7  }
0x10: {  	[smem:$0x3FAB] =	sst s8  }
0x11: {  	[smem:$0x3FAC] =	sst s9;
	s0 =	simm.s32 @!p0 $0x0  }
0x12: {  	s1 =	sld [smem:$0x3F92];
	s0 =	simm.s32 @p0 $0x1  }
0x13: {  	[smem:$0x3FAD] =	sst s0;
	s0 =	simm.s32 @!p1 $0x0  }
0x14: {  	s2 =	sld [smem:$0x3F91];
	s0 =	simm.s32 @p1 $0x1  }
0x15: {  	[smem:$0x3FAE] =	sst s0;
	s0 =	simm.s32 @!p2 $0x0  }
0x16: {  	s3 =	sld [smem:$0x3FDB];
	s0 =	simm.s32 @p2 $0x1  }
0x17: {  	s4 =	simm.s32 $0x1BF5;
	[smem:$0x3FB0] =	sst s0  }
0x18: {  	s0 =	sld [smem:$0x3F93];
	_ =	swait.ge [sflag:s4], $0x0  }
0x19: {  	s7 =	sld [smem:$0x3F94]  }
0x1a: {  	s8 =	sadd.s32 $0xFFFFE003, lr  }
0x1b: {  	s9 =	sadd.s32 $0xFFFFFEF7, lr;
	s5 =	simm.s32 $0xFFFFFFFF;
	p2 =	slt.u32 s8, $0xFFFFF086  }
0x1c: {  	p1 =	slt.u32 s9, $0xF7A;
	s5 =	simm.s32 @!p2 $0x0  }
0x1d: {  	s5 =	simm.s32 @p1 $0x1;
	p0 =	seq.s32 s7, s2  }
0x1e: {  	s7 =	smul.u32 @!p0 $0xF7A, s2;
	p2 =	seq.s32 @!p0 s5, $0x0  }
0x1f: {  	s9 =	smul.u32 $0xF7A, s1;
	s8 =	simm.s32 @!p0 $0x1BF5;
	p2 =	por !p2, p0  }
0x20: {  	[sflag:s8] =	ssyncset.s32 @!p0 $0xFFFFF086;
	s6 =	sadd.s32 @!p0 s3, s7;
	s7 =	simm.s32 @!p0 $0x108  }
0x21: {  	s3 =	sadd.s32 s3, s9;
	s6 =	sadd.s32 @!p0 $0x88, s6;
	s7 =	simm.s32 @p2 $0x1082  }
0x22: {  	[simem:s7], [sflag:s8] =	dma.local @!p0 [hbm:s6], $0xF7A  }
0x23: {  	s9 =	sor.u32 $0xD0000000, s2;
	s6 =	simm.s32 $0x108;
	_ =	swait.ge @!p0 [sflag:s8], $0x0  }
0x24: {  	s3 =	sadd.s32 $0x88, s3;
	s6 =	simm.s32 @!p1 $0x1082;
	[sflag:s4] =	ssyncset.s32 $0xFFFFF086  }
0x25: {  	[simem:s6], [sflag:s4] =	dma.local [hbm:s3], $0xF7A  }
0x26: {  	[smem:$0x3F94] =	sst s1;
	(tag) =	ssettag s2;
	_ =	strace s9  }
0x27: {  	s1 =	sld [smem:$0x3FA4]  }
0x28: {  	s2 =	sld [smem:$0x3FA5]  }
0x29: {  	s4 =	sld [smem:$0x3FA7]  }
0x2a: {  	p0 =	seq.s32 s5, $0x0;
	s5 =	sld [smem:$0x3FA8]  }
0x2b: {  	s6 =	sld [smem:$0x3FA9]  }
0x2c: {  	s7 =	sld [smem:$0x3FAA]  }
0x2d: {  	s3 =	simm.s32 $0x108;
	s8 =	sld [smem:$0x3FAB]  }
0x2e: {  	s3 =	simm.s32 @!p0 $0x1082;
	s9 =	sld [smem:$0x3FAC]  }
0x2f: {  	lr =	sadd.s32 s0, s3;
	s0 =	sld [smem:$0x3FA3]  }
0x30: {  	s3 =	sld [smem:$0x3FA6]  }
0x31: {  	[smem:$0x3FAF] =	sst s10  }
0x32: {  	s10 =	sld [smem:$0x3FAD];
	_ =	sdelay $0x3  }
0x33: {  	p0 =	seq.s32 s10, $0x1;
	s10 =	sld [smem:$0x3FAF];
	_ =	sdelay $0x3  }
0x34: {  	[smem:$0x3FAF] =	sst s10  }
0x35: {  	s10 =	sld [smem:$0x3FAE];
	_ =	sdelay $0x3  }
0x36: {  	p1 =	seq.s32 s10, $0x1;
	s10 =	sld [smem:$0x3FAF];
	_ =	sdelay $0x3  }
0x37: {  	[smem:$0x3FAF] =	sst s10  }
0x38: {  	s10 =	sld [smem:$0x3FB0]  }
0x39: {  	_ = 	snop;
	(pc) =	sbr.ind lr, $3  }
0x3a: {  	_ = 	snop  }
0x3b: {  	_ = 	snop  }
0x3c: {  	p2 =	seq.s32 s10, $0x1;
	s10 =	sld [smem:$0x3FAF]  }
0x3d: {  	_ =	shalt  }
0x3e: {  	_ =	shalt  }
0x3f: {  	_ =	shalt  }
0x40: {  	_ =	shalt  }
0x41: {  	_ =	shalt  }
0x42: {  	_ =	shalt  }
0x43: {  	_ =	shalt  }
0x44: {  	_ =	shalt  }
0x45: {  	_ =	shalt  }
0x46: {  	_ =	shalt  }
0x47: {  	_ =	shalt  }
0x48: {  	_ =	shalt  }
0x49: {  	_ =	shalt  }
0x4a: {  	_ =	shalt  }
0x4b: {  	_ =	shalt  }
0x4c: {  	_ =	shalt  }
0x4d: {  	_ =	shalt  }
0x4e: {  	_ =	shalt  }
0x4f: {  	_ =	shalt  }
0x50: {  	_ =	shalt  }
0x51: {  	_ =	shalt  }
0x52: {  	_ =	shalt  }
0x53: {  	_ =	shalt  }
0x54: {  	_ =	shalt  }
0x55: {  	_ =	shalt  }
0x56: {  	_ =	shalt  }
0x57: {  	_ =	shalt  }
0x58: {  	_ =	shalt  }
0x59: {  	_ =	shalt  }
0x5a: {  	_ =	shalt  }
0x5b: {  	_ =	shalt  }
0x5c: {  	_ =	shalt  }
0x5d: {  	_ =	shalt  }
0x5e: {  	_ =	shalt  }
0x5f: {  	_ =	shalt  }
0x60: {  	_ =	shalt  }
0x61: {  	_ =	shalt  }
0x62: {  	_ =	shalt  }
0x63: {  	_ =	shalt  }
0x64: {  	_ =	shalt  }
0x65: {  	_ =	shalt  }
0x66: {  	_ =	shalt  }
0x67: {  	_ =	shalt  }
0x68: {  	_ =	shalt  }
0x69: {  	_ =	shalt  }
0x6a: {  	_ =	shalt  }
0x6b: {  	_ =	shalt  }
0x6c: {  	_ =	shalt  }
0x6d: {  	_ =	shalt  }
0x6e: {  	_ =	shalt  }
0x6f: {  	_ =	shalt  }
0x70: {  	_ =	shalt  }
0x71: {  	_ =	shalt  }
0x72: {  	_ =	shalt  }
0x73: {  	_ =	shalt  }
0x74: {  	_ =	shalt  }
0x75: {  	_ =	shalt  }
0x76: {  	_ =	shalt  }
0x77: {  	_ =	shalt  }
0x78: {  	_ =	shalt  }
0x79: {  	_ =	shalt  }
0x7a: {  	_ =	shalt  }
0x7b: {  	_ =	shalt  }
0x7c: {  	_ =	shalt  }
0x7d: {  	_ =	shalt  }
0x7e: {  	_ =	shalt  }
0x7f: {  	_ =	shalt  }
0x80: {  	_ =	shalt  }
0x81: {  	_ =	shalt  }
0x82: {  	_ =	shalt  }
0x83: {  	_ =	shalt  }
0x84: {  	_ =	shalt  }
0x85: {  	_ =	shalt  }
0x86: {  	_ =	shalt  }
0x87: {  	_ =	shalt  }
.Lfunc_end0:
.L_simem_size_0:
called_computation_lowered:
.L_overlay_start_0:
0x88: {  	s2 =	sld [smem:$0x3FD9]  }
0x89: {  	s3 =	sld [smem:$0x3FFE];
	_ =	sdelay $0x1  }
0x8a: {  	s1 =	srdreg.scid  }
0x8b: {  	s0 =	sand.u32 $0x1, s1  }
0x8c: {  	s14 =	sshll.u32 s0, $0xA;
	s2 =	sadd.s32 s3, s2  }
0x8d: {  	s2 =	sadd.s32 s2, s14  }
0x8e: {  	[smem:$0x3FBB] =	sst s2  }
0x8f: {  	_ = 	snop  }
0x90: {  	s2 =	sld [smem:$0x3FD0];
	_ =	sdelay $0x2  }
0x91: {  	s15 =	simm.s32 $0xA;
	s4 =	simm.s32 $0x10  }
0x92: {  	[smem:s4], [sflag:s15] =	dma.local [hbm:s2], $0x1  }
0x93: {  	_ =	swait.eq [sflag:s15], $0x1  }
0x94: {  	[sflag:s15] =	ssyncset.done $0x0  }
0x95: {  	s16 =	sld [smem:$0x10];
	[sflag:s15] =	ssyncadd.s32 $0xFFFFFFFF  }
0x96: {  	s17 =	sld [smem:$0x11];
	(tm) =	ssettm $0x1  }
0x97: {  	s18 =	sld [smem:$0x3FFB];
	_ =	sdelay $0x3  }
0x98: {  	_ =	strace s18  }
0x99: {  	s4 =	sld [smem:$0x3FFC];
	_ =	sdelay $0x3  }
0x9a: {  	_ =	strace s4  }
0x9b: {  	s4 =	sld [smem:$0x3FFD];
	_ =	sdelay $0x3  }
0x9c: {  	_ =	strace s4  }
0x9d: {  	_ =	strace $0x8FFFFFFF  }
0x9e: {  	s19 =	sld [smem:$0x3FDB];
	_ =	sdelay $0x1  }
0x9f: {  	s5 =	simm.s32 $_scs_section_size  }
0xa0: {  	s6 =	simm.s32 $_size__tile_overlayer_lowered;
	s7 =	simm.s32 $_tile_overlayer_lowered  }
0xa1: {  	s22 =	simm.s32 $0x1BFF;
	s21 =	sshll.u32 s7, $0x1;
	s4 =	sadd.s32 s5, s19  }
0xa2: {  	s8 =	simm.s32 $0x0;
	s20 =	sshll.u32 s6, $0x1;
	s6 =	sadd.s32 s21, s4  }
0xa3: {  	[timem:s8], [sflag:s22] =	dma.local [hbm:s6], s20  }
0xa4: {  	_ =	swait.ge [sflag:s22], s20  }
0xa5: {  	s5 =	ssub.s32 $0x0, s20;
	[sflag:s22] =	ssyncset.done $0x0  }
0xa6: {  	[sflag:s22] =	ssyncadd.s32 s5;
	_ =	sdelay $0x1  }
0xa7: {  	s23 =	simm.s32 $0x1B8B  }
0xa8: {  	_ =	swait.ge [sflag:s23], $0x1  }
0xa9: {  	[sflag:s23] =	ssyncset.done $0x0  }
0xaa: {  	s25 =	simm.s32 $0x1B8E;
	s24 =	sld [smem:$0x3FFE];
	[sflag:s23] =	ssyncadd.s32 $0xFFFFFFFF  }
0xab: {  	s26 =	simm.s32 $execute0_lowered;
	[smem:$0x3FD2] =	sst s25  }
0xac: {  	s6 =	sshll.u32 s26, $0x1;
	_ =	strace $0x80000046;
	[dreg:$0x1] =	wrdreg $0xFFFFFFFF  }
0xad: {  	s28 =	simm.s32 $_size_execute0_lowered;
	s4 =	sadd.s32 s4, s6;
	[dreg:$0x0] =	wrdreg $0x0  }
0xae: {  	s6 =	sshll.u32 s28, $0x1;
	[dreg:$0x2] =	wrdreg s4  }
0xaf: {  	[dreg:$0x3] =	wrdreg s6  }
0xb0: {  	[dreg:$0x4] =	wrdreg $0xC0  }
0xb1: {  	_ =	task [dreg:s8], $0x5FFFF  }
0xb2: {  	[dreg:$0x1] =	wrdreg $0xFFFFFFFF  }
0xb3: {  	[dreg:$0x0] =	wrdreg $0x60  }
0xb4: {  	[dreg:$0x2] =	wrdreg s24  }
0xb5: {  	[dreg:$0x3] =	wrdreg s17  }
0xb6: {  	[dreg:$0x4] =	wrdreg s16  }
0xb7: {  	[dreg:$0x5] =	wrdreg $0x8F200  }
0xb8: {  	[dreg:$0x6] =	wrdreg $0x12F200  }
0xb9: {  	[dreg:$0x7] =	wrdreg $0x9  }
0xba: {  	_ =	task.clear_ibuf [dreg:s8], $0x8FFFF;
	_ =	strace $0x90000046  }
0xbb: {  	s29 =	simm.s32 $0x9;
	_ =	strace $0x80000048  }
0xbc: {  	_ =	swait.ge [sflag:s29], $0x1  }
0xbd: {  	[sflag:s29] =	ssyncadd.s32 $0xFFFFFFFF  }
0xbe: {  	_ =	strace $0x90000048  }
0xbf: {  	_ =	sfence  }
0xc0: {  	s30 =	sld [smem:$0x0];
	_ =	sdelay $0x2  }
0xc1: {  	s31 =	sshll.u32 s1, $0xD;
	s1 =	sshrl.u32 s1, $0x2  }
0xc2: {  	s3 =	sand.u32 $0x4000, s31;
	s1 =	sadd.s32 s1, s30  }
0xc3: {  	s0 =	sor.u32 s3, s0;
	s1 =	sshll.u32 s1, $0x11  }
0xc4: {  	s0 =	sor.u32 s1, s0  }
0xc5: {  	s0 =	sadd.s32 $0x8F2B, s0  }
0xc6: {  	[sflag:s0] =	ssyncadd.remote.s32 $0x1  }
0xc7: {  	_ =	sfence.sel $0xFFFF  }
0xc8: {  	[dreg:$0x0] =	wrdreg $0xFFFFFFFF;
	(pc) =	sbr.abs _section_cstart, $3  }
0xc9: {  	[dreg:$0x1] =	wrdreg $0xFFFFFFFF  }
0xca: {  	_ =	task.clear_ibuf [dreg:s8], $0x2FFFF;
	_ =	strace $0x9FFFFFFF  }
0xcb: {  	(tm) =	ssettm $0x7FFFFFFF  }
tec
execute0_lowered:
.L_overlay_start_1:
0x0: {  	(tag) =	ssettag $0x1  }
0x1: {  	s0 =	rddreg [dreg:$0x0]  }
0x2: {  	s1 =	rddreg [dreg:$0x1]  }
0x3: {  	s2 =	rddreg [dreg:$0x2]  }
0x4: {  	s3 =	rddreg [dreg:$0x3]  }
0x5: {  	s4 =	rddreg [dreg:$0x4]  }
0x6: {  	s5 =	srdreg.scid;
	s15 =	stileid.u32  }
0x7: {  	s16 =	simm.s32 $0x8A20;
	s17 =	simm.s32 $0x2710;
	s18 =	simm.s32 $0x50  }
0x8: {  	s29 =	simm.s32 $0x4;
	s31 =	simm.s32 $0x3;
	s30 =	simm.s32 $0x7  }
0x9: {  	s6 =	sand.u32 $0x1, s5;
	s7 =	sshll.u32 s15, $0x1;
	s8 =	smul.u32 $0xA000, s15  }
0xa: {  	s5 =	simm.s32 $0x0;
	s12 =	sadd.s32 $0x15400, s0;
	s14 =	smul.u32 $0x2800, s15  }
0xb: {  	s22 =	sshll.u32 s15, $0x6;
	s7 =	sor.u32 s6, s7;
	s11 =	smul.u32 $0x14000, s6  }
0xc: {  	[smem:$0x7FF] =	sst s5;
	s19 =	smul.u32 $0x5000, s6;
	s6 =	ssub.s32 $0x2, s6  }
0xd: {  	s7 =	smul.u32 $0x4E2, s7;
	_ =	strace $0x80000047;
	s9 =	sshrl.u32 s8, $0x3  }
0xe: {  	[dreg:$0x6] =	wrdreg s12;
	s13 =	sshrl.u32 s6, $0x1;
	s20 =	sadd.s32 s8, s3  }
0xf: {  	s23 =	sshrl.u32 s14, $0x3;
	s8 =	sor.u32 $0x1C0A, s22;
	s24 =	sadd.s32 s14, s4  }
0x10: {  	s14 =	simm.s32 $0xA;
	s10 =	sadd.s32 s9, s0;
	s11 =	sadd.s32 s11, s0  }
0x11: {  	s6 =	ssub.s32 s6, s13;
	s2 =	sadd.s32 s2, s23;
	s13 =	sshrl.u32 s20, $0x3  }
0x12: {  	s15 =	sshrl.u32 s24, $0x3;
	s20 =	simm.s32 $0x6220;
	s7 =	sadd.s32 s7, s0  }
0x13: {  	s0 =	sadd.s32 s19, s0;
	s21 =	sadd.s32 $0x15600, s10;
	[dreg:$0x8] =	wrdreg s2  }
0x14: {  	s28 =	sadd.s32 $0x29600, s11;
	s6 =	smax.u32 s6, $0x1;
	s19 =	simm.s32 $0x4E20  }
0x15: {  	s10 =	simm.s32 $0x4DD0;
	s11 =	simm.s32 $0x0;
	[dreg:$0x7] =	wrdreg s21  }
0x16: {  	s25 =	sadd.s32 $0xB600, s7;
	s26 =	sadd.s32 $0x1800, s7;
	[dreg:$0xb] =	wrdreg s6  }
0x17: {  	s0 =	sadd.s32 $0x51600, s0;
	s21 =	simm.s32 $0x1;
	[dreg:$0x9] =	wrdreg s25  }
0x18: {  	s2 =	sadd.s32 s9, s28;
	s6 =	simm.s32 $0x8;
	[dreg:$0xa] =	wrdreg s26  }
0x19: {  	s7 =	simm.s32 $0x9;
	s9 =	simm.s32 $0x4D80;
	[dreg:$0xc] =	wrdreg s2  }
0x1a: {  	s24 =	sadd.s32 s23, s0;
	s25 =	simm.s32 $0x7620;
	s26 =	simm.s32 $0x2  }
0x1b: {  	s0 =	simm.s32 $0x27B0;
	s2 =	simm.s32 $0x5;
	s23 =	simm.s32 $0x6  }
.LBB2_1:
0x1c: {  	s12 =	rddreg [dreg:$0x7]  }
0x1d: {  	[spmem:s13], [sflag:s8] =	dma.local [hbm:s12], $0x1400  }
0x1e: {  	_ =	swait.ge [sflag:s14], $0x1400  }
0x1f: {  	[sflag:s14] =	ssyncset.done $0x0  }
0x20: {  	s28 =	rddreg [dreg:$0x8];
	[sflag:s14] =	ssyncadd.s32 $0xFFFFEC00  }
0x21: {  	[spmem:s15], [sflag:s8] =	dma.local [hbm:s28], $0x500  }
0x22: {  	_ =	swait.ge [sflag:s14], $0x500  }
0x23: {  	[sflag:s14] =	ssyncset.done $0x0  }
0x24: {  	s22 =	rddreg [dreg:$0x6];
	[sflag:s14] =	ssyncadd.s32 $0xFFFFFB00  }
0x25: {  	[tilespmem:s16], [sflag:$0xA] =	stream.linear.gather [hbm4b:s22+s5], $0x500, $0x38;
	[tilespmem:$0x15720] =	vst v63  }
0x26: {  	_ =	swait.ge [sflag:s14], $0x500  }
0x27: {  	[sflag:s14] =	ssyncset.done $0x0  }
0x28: {  	s28 =	rddreg [dreg:$0x9];
	[sflag:s14] =	ssyncadd.s32 $0xFFFFFB00  }
0x29: {  	[tilespmem:s5], [sflag:$0xA] =	stream.linear.gather [hbm4b:s28+s5], $0x2710, $0x38;
	[tilespmem:$0x15720] =	vst v63  }
0x2a: {  	_ =	swait.ge [sflag:s14], $0x2710  }
0x2b: {  	[sflag:s14] =	ssyncset.done $0x0  }
0x2c: {  	s22 =	rddreg [dreg:$0xa];
	[sflag:s14] =	ssyncadd.s32 $0xFFFFD8F0  }
0x2d: {  	[tilespmem:s17], [sflag:$0xA] =	stream.linear.gather [hbm4b:s22+s5], $0x2710, $0x38;
	[tilespmem:$0x15720] =	vst v63  }
0x2e: {  	_ =	swait.ge [sflag:s14], $0x2710  }
0x2f: {  	[sflag:s14] =	ssyncset.done $0x0  }
0x30: {  	[sflag:s14] =	ssyncadd.s32 $0xFFFFD8F0  }
0x31: {  	[bflag:$0x0] =	sbarrier.arrive $0xFFFF  }
0x32: {  	[tilespmem:s19], [sflag:$0x1] =	stream.indirect.gather [hbm4b:s1+s18], $0x40, s5, s18, $0xb8;
	[tilespmem:$0x15720] =	vst v63  }
0x33: {  	_ = 	snop  }
0x34: {  	[tilespmem:s20], [sflag:$0x2] =	stream.indirect.gather [hbm4b:s1+s18], $0x40, s18, s18, $0xb8;
	[tilespmem:$0x15720] =	vst v63  }
0x35: {  	_ =	swait.ge [sflag:s21], $0x1400  }
0x36: {  	[sflag:s21] =	ssyncset.done $0x0  }
0x37: {  	[sflag:s21] =	ssyncadd.s32 $0xFFFFEC00  }
0x38: {  	[spmem:s3] =	stream.indirect.scatter.add.f32 [tilespmem:s19], [sflag:$0x4], $0x40, s17, s18, $0xb8;
	[tilespmem:$0x15720] =	vst v63  }
0x39: {  	_ = 	snop  }
0x3a: {  	[spmem:s4] =	stream.indirect.scatter.add.f32 [tilespmem:s16], [sflag:$0x7], $0x10, s17, s18, $0xb8;
	[tilespmem:$0x15720] =	vst v63  }
0x3b: {  	s28 =	simm.s32 $0xA0  }
0x3c: {  	[tilespmem:s25], [sflag:$0x3] =	stream.indirect.gather [hbm4b:s1+s18], $0x40, s28, s18, $0xb8;
	[tilespmem:$0x15720] =	vst v63  }
0x3d: {  	_ =	swait.ge [sflag:s26], $0x1400  }
0x3e: {  	[sflag:s26] =	ssyncset.done $0x0  }
0x3f: {  	s22 =	simm.s32 $0x2760;
	[sflag:s26] =	ssyncadd.s32 $0xFFFFEC00  }
0x40: {  	[spmem:s3] =	stream.indirect.scatter.add.f32 [tilespmem:s20], [sflag:$0x5], $0x40, s22, s18, $0xb8;
	[tilespmem:$0x15720] =	vst v63  }
0x41: {  	_ = 	snop  }
0x42: {  	[spmem:s4] =	stream.indirect.scatter.add.f32 [tilespmem:s16], [sflag:$0x8], $0x10, s22, s18, $0xb8;
	[tilespmem:$0x15720] =	vst v63  }
0x43: {  	_ =	swait.ge [sflag:s29], $0x1400  }
0x44: {  	[sflag:s29] =	ssyncset.done $0x0  }
0x45: {  	s28 =	simm.s32 $0xF0;
	[sflag:s29] =	ssyncadd.s32 $0xFFFFEC00  }
0x46: {  	[tilespmem:s19], [sflag:$0x1] =	stream.indirect.gather [hbm4b:s1+s18], $0x40, s28, s18, $0xb8;
	[tilespmem:$0x15720] =	vst v63  }
0x47: {  	_ =	swait.ge [sflag:s31], $0x1400  }
0x48: {  	[sflag:s31] =	ssyncset.done $0x0  }
0x49: {  	[sflag:s31] =	ssyncadd.s32 $0xFFFFEC00  }
0x4a: {  	[spmem:s3] =	stream.indirect.scatter.add.f32 [tilespmem:s25], [sflag:$0x6], $0x40, s0, s18, $0xb8;
	[tilespmem:$0x15720] =	vst v63  }
0x4b: {  	_ = 	snop  }
0x4c: {  	[spmem:s4] =	stream.indirect.scatter.add.f32 [tilespmem:s16], [sflag:$0x9], $0x10, s0, s18, $0xb8;
	[tilespmem:$0x15720] =	vst v63  }
0x4d: {  	_ =	swait.ge [sflag:s2], $0x1400  }
0x4e: {  	[sflag:s2] =	ssyncset.done $0x0  }
0x4f: {  	s22 =	simm.s32 $0x140;
	[sflag:s2] =	ssyncadd.s32 $0xFFFFEC00  }
0x50: {  	[tilespmem:s20], [sflag:$0x2] =	stream.indirect.gather [hbm4b:s1+s18], $0x40, s22, s18, $0xb8;
	[tilespmem:$0x15720] =	vst v63  }
0x51: {  	_ =	swait.ge [sflag:s21], $0x1400  }
0x52: {  	[sflag:s21] =	ssyncset.done $0x0  }
0x53: {  	[sflag:s21] =	ssyncadd.s32 $0xFFFFEC00  }
0x54: {  	_ =	swait.ge [sflag:s30], $0x500  }
0x55: {  	[sflag:s30] =	ssyncset.done $0x0  }
0x56: {  	s28 =	simm.s32 $0x2800;
	[sflag:s30] =	ssyncadd.s32 $0xFFFFFB00  }
0x57: {  	[spmem:s3] =	stream.indirect.scatter.add.f32 [tilespmem:s19], [sflag:$0x4], $0x40, s28, s18, $0xb8;
	[tilespmem:$0x15720] =	vst v63  }
0x58: {  	_ = 	snop  }
0x59: {  	[spmem:s4] =	stream.indirect.scatter.add.f32 [tilespmem:s16], [sflag:$0x7], $0x10, s28, s18, $0xb8;
	[tilespmem:$0x15720] =	vst v63  }
0x5a: {  	_ =	swait.ge [sflag:s23], $0x1400  }
0x5b: {  	[sflag:s23] =	ssyncset.done $0x0  }
0x5c: {  	s22 =	simm.s32 $0x190;
	[sflag:s23] =	ssyncadd.s32 $0xFFFFEC00  }
0x5d: {  	[tilespmem:s25], [sflag:$0x3] =	stream.indirect.gather [hbm4b:s1+s18], $0x40, s22, s18, $0xb8;
	[tilespmem:$0x15720] =	vst v63  }
0x5e: {  	_ =	swait.ge [sflag:s26], $0x1400  }
0x5f: {  	[sflag:s26] =	ssyncset.done $0x0  }
0x60: {  	[sflag:s26] =	ssyncadd.s32 $0xFFFFEC00  }
0x61: {  	_ =	swait.ge [sflag:s6], $0x500  }
0x62: {  	[sflag:s6] =	ssyncset.done $0x0  }
0x63: {  	s28 =	simm.s32 $0x2850;
	[sflag:s6] =	ssyncadd.s32 $0xFFFFFB00  }
0x64: {  	[spmem:s3] =	stream.indirect.scatter.add.f32 [tilespmem:s20], [sflag:$0x5], $0x40, s28, s18, $0xb8;
	[tilespmem:$0x15720] =	vst v63  }
0x65: {  	_ = 	snop  }
0x66: {  	[spmem:s4] =	stream.indirect.scatter.add.f32 [tilespmem:s16], [sflag:$0x8], $0x10, s28, s18, $0xb8;
	[tilespmem:$0x15720] =	vst v63  }
0x67: {  	_ =	swait.ge [sflag:s29], $0x1400  }
0x68: {  	[sflag:s29] =	ssyncset.done $0x0  }
0x69: {  	s22 =	simm.s32 $0x1E0;
	[sflag:s29] =	ssyncadd.s32 $0xFFFFEC00  }
0x6a: {  	[tilespmem:s19], [sflag:$0x1] =	stream.indirect.gather [hbm4b:s1+s18], $0x40, s22, s18, $0xb8;
	[tilespmem:$0x15720] =	vst v63  }
0x6b: {  	_ =	swait.ge [sflag:s31], $0x1400  }
0x6c: {  	[sflag:s31] =	ssyncset.done $0x0  }
0x6d: {  	[sflag:s31] =	ssyncadd.s32 $0xFFFFEC00  }
0x6e: {  	_ =	swait.ge [sflag:s7], $0x500  }
0x6f: {  	[sflag:s7] =	ssyncset.done $0x0  }
0x70: {  	s28 =	simm.s32 $0x28A0;
	[sflag:s7] =	ssyncadd.s32 $0xFFFFFB00  }
0x71: {  	[spmem:s3] =	stream.indirect.scatter.add.f32 [tilespmem:s25], [sflag:$0x6], $0x40, s28, s18, $0xb8;
	[tilespmem:$0x15720] =	vst v63  }
0x72: {  	_ = 	snop  }
0x73: {  	[spmem:s4] =	stream.indirect.scatter.add.f32 [tilespmem:s16], [sflag:$0x9], $0x10, s28, s18, $0xb8;
	[tilespmem:$0x15720] =	vst v63  }
0x74: {  	_ =	swait.ge [sflag:s2], $0x1400  }
0x75: {  	[sflag:s2] =	ssyncset.done $0x0  }
0x76: {  	s12 =	simm.s32 $0x3C0;
	s22 =	simm.s32 $0x230;
	[sflag:s2] =	ssyncadd.s32 $0xFFFFEC00  }
.LBB2_2:
0x77: {  	[tilespmem:s20], [sflag:$0x2] =	stream.indirect.gather [hbm4b:s1+s18], $0x40, s22, s18, $0xb8;
	[tilespmem:$0x15720] =	vst v63  }
0x78: {  	s22 =	smov.u32 s12  }
0x79: {  	p0 =	sne.s32 s12, $0x9240;
	s12 =	sadd.s32 $0x3C0, s12;
	_ =	swait.ge [sflag:s21], $0x1400  }
0x7a: {  	[sflag:s21] =	ssyncset.done $0x0  }
0x7b: {  	[sflag:s21] =	ssyncadd.s32 $0xFFFFEC00  }
0x7c: {  	_ =	swait.ge [sflag:s30], $0x500  }
0x7d: {  	s22 =	sshra.s32 s22, $0x2;
	[sflag:s30] =	ssyncset.done $0x0  }
0x7e: {  	s28 =	sadd.s32 $0x2800, s22;
	[sflag:s30] =	ssyncadd.s32 $0xFFFFFB00  }
0x7f: {  	[spmem:s3] =	stream.indirect.scatter.add.f32 [tilespmem:s19], [sflag:$0x4], $0x40, s28, s18, $0xb8;
	[tilespmem:$0x15720] =	vst v63  }
0x80: {  	_ = 	snop  }
0x81: {  	[spmem:s4] =	stream.indirect.scatter.add.f32 [tilespmem:s16], [sflag:$0x7], $0x10, s28, s18, $0xb8;
	[tilespmem:$0x15720] =	vst v63  }
0x82: {  	_ =	swait.ge [sflag:s23], $0x1400  }
0x83: {  	[sflag:s23] =	ssyncset.done $0x0  }
0x84: {  	s28 =	sadd.s32 $0x190, s22;
	[sflag:s23] =	ssyncadd.s32 $0xFFFFEC00  }
0x85: {  	[tilespmem:s25], [sflag:$0x3] =	stream.indirect.gather [hbm4b:s1+s18], $0x40, s28, s18, $0xb8;
	[tilespmem:$0x15720] =	vst v63  }
0x86: {  	_ =	swait.ge [sflag:s26], $0x1400  }
0x87: {  	[sflag:s26] =	ssyncset.done $0x0  }
0x88: {  	[sflag:s26] =	ssyncadd.s32 $0xFFFFEC00  }
0x89: {  	_ =	swait.ge [sflag:s6], $0x500  }
0x8a: {  	[sflag:s6] =	ssyncset.done $0x0  }
0x8b: {  	s28 =	sadd.s32 $0x2850, s22;
	[sflag:s6] =	ssyncadd.s32 $0xFFFFFB00  }
0x8c: {  	[spmem:s3] =	stream.indirect.scatter.add.f32 [tilespmem:s20], [sflag:$0x5], $0x40, s28, s18, $0xb8;
	[tilespmem:$0x15720] =	vst v63  }
0x8d: {  	_ = 	snop  }
0x8e: {  	[spmem:s4] =	stream.indirect.scatter.add.f32 [tilespmem:s16], [sflag:$0x8], $0x10, s28, s18, $0xb8;
	[tilespmem:$0x15720] =	vst v63  }
0x8f: {  	_ =	swait.ge [sflag:s29], $0x1400  }
0x90: {  	[sflag:s29] =	ssyncset.done $0x0  }
0x91: {  	s28 =	sadd.s32 $0x1E0, s22;
	[sflag:s29] =	ssyncadd.s32 $0xFFFFEC00  }
0x92: {  	[tilespmem:s19], [sflag:$0x1] =	stream.indirect.gather [hbm4b:s1+s18], $0x40, s28, s18, $0xb8;
	[tilespmem:$0x15720] =	vst v63  }
0x93: {  	_ =	swait.ge [sflag:s31], $0x1400  }
0x94: {  	[sflag:s31] =	ssyncset.done $0x0  }
0x95: {  	[sflag:s31] =	ssyncadd.s32 $0xFFFFEC00  }
0x96: {  	_ =	swait.ge [sflag:s7], $0x500  }
0x97: {  	[sflag:s7] =	ssyncset.done $0x0  }
0x98: {  	s28 =	sadd.s32 $0x28A0, s22;
	[sflag:s7] =	ssyncadd.s32 $0xFFFFFB00  }
0x99: {  	[spmem:s3] =	stream.indirect.scatter.add.f32 [tilespmem:s25], [sflag:$0x6], $0x40, s28, s18, $0xb8;
	[tilespmem:$0x15720] =	vst v63  }
.Ltmp0:
0x9a: {  	(pc) =	sbr.rel @p0 .LBB2_2-.Ltmp0, $4  }
0x9b: {  	[spmem:s4] =	stream.indirect.scatter.add.f32 [tilespmem:s16], [sflag:$0x9], $0x10, s28, s18, $0xb8;
	[tilespmem:$0x15720] =	vst v63  }
0x9c: {  	_ =	swait.ge [sflag:s2], $0x1400  }
0x9d: {  	[sflag:s2] =	ssyncset.done $0x0  }
0x9e: {  	s22 =	sadd.s32 $0x230, s22;
	[sflag:s2] =	ssyncadd.s32 $0xFFFFEC00  }
0x9f: {  	[tilespmem:s20], [sflag:$0x2] =	stream.indirect.gather [hbm4b:s1+s18], $0x40, s22, s18, $0xb8;
	[tilespmem:$0x15720] =	vst v63  }
0xa0: {  	_ =	swait.ge [sflag:s21], $0x1400  }
0xa1: {  	[sflag:s21] =	ssyncset.done $0x0  }
0xa2: {  	[sflag:s21] =	ssyncadd.s32 $0xFFFFEC00  }
0xa3: {  	_ =	swait.ge [sflag:s30], $0x500  }
0xa4: {  	[sflag:s30] =	ssyncset.done $0x0  }
0xa5: {  	[sflag:s30] =	ssyncadd.s32 $0xFFFFFB00  }
0xa6: {  	[spmem:s3] =	stream.indirect.scatter.add.f32 [tilespmem:s19], [sflag:$0x4], $0x40, s9, s18, $0xb8;
	[tilespmem:$0x15720] =	vst v63  }
0xa7: {  	_ = 	snop  }
0xa8: {  	[spmem:s4] =	stream.indirect.scatter.add.f32 [tilespmem:s16], [sflag:$0x7], $0x10, s9, s18, $0xb8;
	[tilespmem:$0x15720] =	vst v63  }
0xa9: {  	_ =	swait.ge [sflag:s26], $0x1400  }
0xaa: {  	[sflag:s26] =	ssyncset.done $0x0  }
0xab: {  	[sflag:s26] =	ssyncadd.s32 $0xFFFFEC00  }
0xac: {  	_ =	swait.ge [sflag:s6], $0x500  }
0xad: {  	[sflag:s6] =	ssyncset.done $0x0  }
0xae: {  	[sflag:s6] =	ssyncadd.s32 $0xFFFFFB00  }
0xaf: {  	[spmem:s3] =	stream.indirect.scatter.add.f32 [tilespmem:s20], [sflag:$0x5], $0x40, s10, s18, $0xb8;
	[tilespmem:$0x15720] =	vst v63  }
0xb0: {  	_ = 	snop  }
0xb1: {  	[spmem:s4] =	stream.indirect.scatter.add.f32 [tilespmem:s16], [sflag:$0x8], $0x10, s10, s18, $0xb8;
	[tilespmem:$0x15720] =	vst v63  }
0xb2: {  	_ =	swait.ge [sflag:s23], $0x1400  }
0xb3: {  	[sflag:s23] =	ssyncset.done $0x0  }
0xb4: {  	[sflag:s23] =	ssyncadd.s32 $0xFFFFEC00  }
0xb5: {  	_ =	swait.ge [sflag:s7], $0x500  }
0xb6: {  	[sflag:s7] =	ssyncset.done $0x0  }
0xb7: {  	[sflag:s7] =	ssyncadd.s32 $0xFFFFFB00  }
0xb8: {  	_ =	swait.ge [sflag:s29], $0x1400  }
0xb9: {  	[sflag:s29] =	ssyncset.done $0x0  }
0xba: {  	[sflag:s29] =	ssyncadd.s32 $0xFFFFEC00  }
0xbb: {  	_ =	swait.ge [sflag:s30], $0x500  }
0xbc: {  	[sflag:s30] =	ssyncset.done $0x0  }
0xbd: {  	[sflag:s30] =	ssyncadd.s32 $0xFFFFFB00  }
0xbe: {  	_ =	swait.ge [sflag:s2], $0x1400  }
0xbf: {  	[sflag:s2] =	ssyncset.done $0x0  }
0xc0: {  	[sflag:s2] =	ssyncadd.s32 $0xFFFFEC00  }
0xc1: {  	_ =	swait.ge [sflag:s6], $0x500  }
0xc2: {  	[sflag:s6] =	ssyncset.done $0x0  }
0xc3: {  	[sflag:s6] =	ssyncadd.s32 $0xFFFFFB00  }
0xc4: {  	[bflag:$0x0] =	sbarrier.arrive $0xFFFF  }
0xc5: {  	s12 =	rddreg [dreg:$0xc]  }
0xc6: {  	[hbm:s12], [sflag:s8] =	dma.local [spmem:s13], $0x1400  }
0xc7: {  	_ =	swait.ge [sflag:s14], $0x1400  }
0xc8: {  	[sflag:s14] =	ssyncset.done $0x0  }
0xc9: {  	[sflag:s14] =	ssyncadd.s32 $0xFFFFEC00  }
0xca: {  	[hbm:s24], [sflag:s8] =	dma.local [spmem:s15], $0x500  }
0xcb: {  	_ =	swait.ge [sflag:s14], $0x500  }
0xcc: {  	s11 =	sadd.s32 $0x1, s11;
	s28 =	rddreg [dreg:$0xb]  }
0xcd: {  	p0 =	sne.s32 s11, s28  }
.Ltmp1:
0xce: {  	_ = 	snop;
	(pc) =	sbr.rel @p0 .LBB2_1-.Ltmp1, $3  }
0xcf: {  	_ =	sdelay $0x1  }
0xd0: {  	[sflag:s14] =	ssyncset.done $0x0  }
0xd1: {  	[sflag:s14] =	ssyncadd.s32 $0xFFFFFB00  }
0xd2: {  	_ =	sfence.sel $0x180000  }
0xd3: {  	[bflag:$0x0] =	sbarrier.arrive $0xFFFF  }
0xd4: {  	_ =	strace $0x90000047  }
0xd5: {  	s0 =	stileid.u32;
	[bflag:$0x2] =	sbarrier.arrive $0xFFFF  }
0xd6: {  	p0 =	sne.s32 s0, $0x0;
	s0 =	rddreg [dreg:$0x5]  }
0xd7: {  	s0 =	sadd.s32 @!p0 $0x100000, s0  }
0xd8: {  	[sflag:s0] =	ssyncadd.tile.s32 @!p0 $0x1;
	_ =	shalt  }
.Lfunc_end2:
_tile_overlayer_lowered:
.L_overlay_start_2:
0xd9: {  	(tag) =	ssettag $0x2  }
0xda: {  	s0 =	rddreg [dreg:$0x0];
	s2 =	stileid.u32  }
0xdb: {  	s1 =	rddreg [dreg:$0x1];
	p0 =	sne.s32 s2, $0x0  }
0xdc: {  	s3 =	rddreg [dreg:$0x2];
	[bflag:$0x3] =	sbarrier.arrive $0xFFFF;
	s2 =	simm.s32 @!p0 $0x1C0A  }
0xdd: {  	[timem:s3], [sflag:s2] =	dma.local @!p0 [hbm:s0], s1  }
0xde: {  	s0 =	simm.s32 @!p0 $0xA  }
0xdf: {  	_ =	swait.ge @!p0 [sflag:s0], s1  }
0xe0: {  	s1 =	ssub.s32 @!p0 $0x0, s1;
	[sflag:s0] =	ssyncset.done @!p0 $0x0  }
0xe1: {  	[sflag:s0] =	ssyncadd.s32 @!p0 s1  }
0xe2: {  	[bflag:$0x3] =	sbarrier.arrive $0xFFFF  }
0xe3: {  	_ =	shalt  }

</sc_bundles>
